<compile_context>
chip_gen: v7x
topology: tpu7x:2x2x1
jax: 0.10.2.dev20260603
libtpu: 0.0.44.dev20260713+nightly
codegen_flags: <defaults>
</compile_context>

<pallas_src>
import jax
import jax.numpy as jnp
from jax import lax
from jax.experimental import pallas as pl
from jax.experimental.pallas import tpu as pltpu
from jax.experimental.pallas import tpu_sc as plsc

VOCAB = 1000000
N_ZONAS = 52
B = 4096
L = 200
TOKENS = B * L
NUM_WORKERS = 32
PER_WORKER = TOKENS // NUM_WORKERS
CHUNK = 512
CHUNKS = PER_WORKER // CHUNK
GATHER_SPLIT = CHUNK // 128


def _sc_kernel(table_hbm, ids_hbm, out_hbm, ids_v, idx_v, rows_a, rows_b,
               cols_v, out_v, sem_a, sem_b, osem):
    wid = lax.axis_index("s") * 2 + lax.axis_index("c")
    iota16 = lax.iota(jnp.int32, 16)
    worker_base = wid * CHUNKS

    def fire(c, buf, rows, sem):
        base = (worker_base + jnp.minimum(c, CHUNKS - 1)) * CHUNK
        pltpu.sync_copy(ids_hbm.at[pl.ds(base, CHUNK)], ids_v.at[buf])
        for j in range(GATHER_SPLIT):
            for k in range(8):
                s = ids_v[buf, pl.ds(j * 128 + k * 16, 16)] >> 2
                idx_v[buf, j, pl.ds(k * 16, 16)] = s
        for j in range(GATHER_SPLIT):
            pltpu.async_copy(
                table_hbm.at[idx_v.at[buf, j]],
                rows.at[pl.ds(j * 128, 128)],
                sem,
            )

    def drain(buf, rows, sem):
        for j in range(GATHER_SPLIT):
            pltpu.make_async_copy(
                table_hbm.at[idx_v.at[buf, j]],
                rows.at[pl.ds(j * 128, 128)],
                sem,
            ).wait()

    def process(c, buf, rows):
        def pack_body(i, carry):
            for k in range(4):
                r = i * 4 + k
                lo = plsc.bitcast(rows[r, pl.ds(0, 64)], jnp.int32)
                hi = plsc.bitcast(rows[r, pl.ds(64, 64)], jnp.int32)
                cols_v[r, pl.ds(0, 16)] = lo
                cols_v[r, pl.ds(16, 16)] = hi
            return carry

        lax.fori_loop(0, CHUNK // 4, pack_body, 0)

        def group_body(g, carry):
            rid = g * 16 + iota16
            ids_vec = ids_v[buf, pl.ds(g * 16, 16)]
            word0 = (ids_vec & 3) << 3
            out_base = rid * N_ZONAS
            for w in range(7):
                val = plsc.load_gather(cols_v, [rid, word0 + w])
                for n in range(8 if w < 6 else 4):
                    nib = (val >> (4 * n)) & 15
                    f = nib.astype(jnp.float32) * (1.0 / 15.0)
                    plsc.store_scatter(out_v.at[buf], [out_base + (8 * w + n)], f)
            return carry

        lax.fori_loop(0, CHUNK // 16, group_body, 0)
        base = (worker_base + c) * CHUNK
        pltpu.async_copy(
            out_v.at[buf],
            out_hbm.at[pl.ds(base * N_ZONAS, CHUNK * N_ZONAS)],
            osem,
        )

    def out_drain(c, buf):
        base = (worker_base + c) * CHUNK
        pltpu.make_async_copy(
            out_v.at[buf],
            out_hbm.at[pl.ds(base * N_ZONAS, CHUNK * N_ZONAS)],
            osem,
        ).wait()

    fire(0, 0, rows_a, sem_a)

    def pair_body(p, carry):
        c = p * 2
        fire(c + 1, 1, rows_b, sem_b)
        drain(0, rows_a, sem_a)

        @pl.when(p > 0)
        def _():
            out_drain(c - 2, 0)

        process(c, 0, rows_a)
        fire(c + 2, 0, rows_a, sem_a)
        drain(1, rows_b, sem_b)

        @pl.when(p > 0)
        def _():
            out_drain(c - 1, 1)

        process(c + 1, 1, rows_b)
        return carry

    lax.fori_loop(0, CHUNKS // 2, pair_body, 0)
    drain(0, rows_a, sem_a)
    out_drain(CHUNKS - 2, 0)
    out_drain(CHUNKS - 1, 1)


@jax.jit
def kernel(token_ids, tabla_cuant):
    flat_ids = token_ids.reshape(-1)
    packed = jnp.pad(tabla_cuant, ((0, 0), (0, 6))).reshape(VOCAB // 4, 128)
    mesh = plsc.VectorSubcoreMesh(core_axis_name="c", subcore_axis_name="s")
    out = pl.kernel(
        _sc_kernel,
        out_type=jax.ShapeDtypeStruct((TOKENS * N_ZONAS,), jnp.float32),
        mesh=mesh,
        scratch_types=[
            pltpu.VMEM((2, CHUNK), jnp.int32),
            pltpu.VMEM((2, GATHER_SPLIT, 128), jnp.int32),
            pltpu.VMEM((CHUNK, 128), jnp.uint8),
            pltpu.VMEM((CHUNK, 128), jnp.uint8),
            pltpu.VMEM((CHUNK, 32), jnp.int32),
            pltpu.VMEM((2, CHUNK * N_ZONAS), jnp.float32),
            pltpu.SemaphoreType.DMA,
            pltpu.SemaphoreType.DMA,
            pltpu.SemaphoreType.DMA,
        ],
        compiler_params=pltpu.CompilerParams(
            needs_layout_passes=False, use_tc_tiling_on_sc=False
        ),
    )(packed, flat_ids)
    return out.reshape(B, L, N_ZONAS)

# --- scband reference (transcript-rebuilt; emitter-appended) ---
"""Pipeline reference for scband-llaves-v2-19885698581063 (READ-ONLY COPY).

The authoritative reference and input builder live on the scoring server;
editing this copy changes nothing except your own understanding.
"""

import jax, jax.numpy as jnp
import numpy as np

VOCAB = 1000000
N_ZONAS = 52
N_BYTES = (N_ZONAS + 1) // 2  # 26
B = 4096
L = 200


def setup_inputs(seed: int = 0) -> dict:
    key = jax.random.key(seed)
    k1, k2 = jax.random.split(key)
    token_ids = jax.random.randint(k1, (B, L), 0, VOCAB, dtype=jnp.int32)
    # Quantized INT4-packed lookup table buffer (uint8, two nibbles per byte)
    tabla_cuant = jax.random.randint(k2, (VOCAB, N_BYTES), 0, 256, dtype=jnp.int32).astype(jnp.uint8)
    return {"token_ids": token_ids, "tabla_cuant": tabla_cuant}


def reference(token_ids, tabla_cuant):
    # Gather packed rows: [B, L, n_bytes]
    packed = jnp.take(tabla_cuant, token_ids, axis=0)
    # Unpack low/high nibbles and dequantize to [0, 1]
    lo = (packed & 15).astype(jnp.float32) / 15.0
    hi = ((packed >> 4) & 15).astype(jnp.float32) / 15.0
    acts = jnp.stack([lo, hi], axis=-1)
    B_, L_ = token_ids.shape
    acts = acts.reshape(B_, L_, -1)[:, :, :N_ZONAS]
    return acts

if __name__ == "__main__":
    import jax
    _d = setup_inputs()
    print(jax.jit(kernel)(*tuple(_d.values())))

</pallas_src>

<mosaic_0001>
#map = affine_map<(d0, d1) -> (0, 0)>
#map1 = affine_map<(d0, d1) -> (0)>
module attributes {stable_mosaic.version = 14 : i64} {
  func.func @_sc_kernel(%arg0: i32, %arg1: i32, %arg2: memref<250000x128xi8, #tpu.memory_space<hbm>>, %arg3: memref<819200xi32, #tpu.memory_space<hbm>>, %arg4: memref<42598400xf32, #tpu.memory_space<hbm>>, %arg5: memref<2x512xi32, #tpu.memory_space<vmem>>, %arg6: memref<2x4x128xi32, #tpu.memory_space<vmem>>, %arg7: memref<512x128xi8, #tpu.memory_space<vmem>>, %arg8: memref<512x128xi8, #tpu.memory_space<vmem>>, %arg9: memref<512x32xi32, #tpu.memory_space<vmem>>, %arg10: memref<2x26624xf32, #tpu.memory_space<vmem>>, %arg11: memref<!tpu.dma_semaphore, #tpu.memory_space<semaphore_mem>>, %arg12: memref<!tpu.dma_semaphore, #tpu.memory_space<semaphore_mem>>, %arg13: memref<!tpu.dma_semaphore, #tpu.memory_space<semaphore_mem>>) attributes {dimension_semantics = [#tpu.dimension_semantics<core_parallel>, #tpu.dimension_semantics<subcore_parallel>], iteration_bounds = array<i64: 2, 16>, scalar_prefetch = 0 : i64, scratch_operands = 9 : i64, tpu.core_type = #tpu.core_type<sc_vector_subcore>, window_params = [{transform_indices = #map}, {transform_indices = #map1}, {transform_indices = #map1}]} {
    %mul3A = arith.constant 2 : i32
    %mul3A_0 = arith.muli %arg1, %mul3A : i32
    %add3A = arith.addi %mul3A_0, %arg0 : i32
    %iota3A = tpu.iota {dimensions = array<i32: 0>} : vector<16xi32>
    %mul3A_1 = arith.constant 50 : i32
    %mul3A_2 = arith.muli %add3A, %mul3A_1 : i32
    %min3A = arith.constant 0 : i32
    %min3A_3 = arith.constant 49 : i32
    %min3A_4 = arith.minsi %min3A, %min3A_3 : i32
    %add3A_5 = arith.addi %mul3A_2, %min3A_4 : i32
    %mul3A_6 = arith.constant 512 : i32
    %mul3A_7 = arith.muli %add3A_5, %mul3A_6 : i32
    %run_scoped3A = arith.constant 0 : i32
    "tpu.region"() ({
      %run_scoped3A_542 = tpu.sem_alloc : memref<!tpu.dma_semaphore, #tpu.memory_space<semaphore_mem>>
      %dma_start3A_543 = arith.constant 0 : i32
      %dma_start3A_544 = tpu.memref_slice %arg5[%run_scoped3A, %dma_start3A_543] : memref<2x512xi32, #tpu.memory_space<vmem>> -> memref<1x512xi32, #tpu.memory_space<vmem>>
      %dma_start3A_545 = tpu.memref_squeeze %dma_start3A_544 : memref<1x512xi32, #tpu.memory_space<vmem>> -> memref<512xi32, #tpu.memory_space<vmem>>
      %dma_start3A_546 = tpu.memref_slice %arg3[%mul3A_7] : memref<819200xi32, #tpu.memory_space<hbm>> -> memref<512xi32, #tpu.memory_space<hbm>>
      %dma_start3A_547 = arith.constant 0 : i32
      %dma_start3A_548 = tpu.memref_slice %arg5[%run_scoped3A, %dma_start3A_547] : memref<2x512xi32, #tpu.memory_space<vmem>> -> memref<1x512xi32, #tpu.memory_space<vmem>>
      %dma_start3A_549 = tpu.memref_squeeze %dma_start3A_548 : memref<1x512xi32, #tpu.memory_space<vmem>> -> memref<512xi32, #tpu.memory_space<vmem>>
      %dma_start3A_550 = tpu.memref_slice %arg3[%mul3A_7] : memref<819200xi32, #tpu.memory_space<hbm>> -> memref<512xi32, #tpu.memory_space<hbm>>
      tpu.enqueue_dma source(%dma_start3A_550 : memref<512xi32, #tpu.memory_space<hbm>>) target(%dma_start3A_549 : memref<512xi32, #tpu.memory_space<vmem>>) target_semaphore(%run_scoped3A_542 : memref<!tpu.dma_semaphore, #tpu.memory_space<semaphore_mem>>)
      %dma_wait3A_551 = arith.constant 0 : i32
      %dma_wait3A_552 = tpu.memref_slice %arg5[%run_scoped3A, %dma_wait3A_551] : memref<2x512xi32, #tpu.memory_space<vmem>> -> memref<1x512xi32, #tpu.memory_space<vmem>>
      %dma_wait3A_553 = tpu.memref_squeeze %dma_wait3A_552 : memref<1x512xi32, #tpu.memory_space<vmem>> -> memref<512xi32, #tpu.memory_space<vmem>>
      %dma_wait3A_554 = tpu.memref_slice %arg3[%mul3A_7] : memref<819200xi32, #tpu.memory_space<hbm>> -> memref<512xi32, #tpu.memory_space<hbm>>
      %dma_wait3A_555 = arith.constant 0 : i32
      %dma_wait3A_556 = tpu.memref_slice %arg5[%run_scoped3A, %dma_wait3A_555] : memref<2x512xi32, #tpu.memory_space<vmem>> -> memref<1x512xi32, #tpu.memory_space<vmem>>
      %dma_wait3A_557 = tpu.memref_squeeze %dma_wait3A_556 : memref<1x512xi32, #tpu.memory_space<vmem>> -> memref<512xi32, #tpu.memory_space<vmem>>
      %dma_wait3A_558 = tpu.memref_slice %arg3[%mul3A_7] : memref<819200xi32, #tpu.memory_space<hbm>> -> memref<512xi32, #tpu.memory_space<hbm>>
      tpu.wait_dma2 semaphore(%run_scoped3A_542 : memref<!tpu.dma_semaphore, #tpu.memory_space<semaphore_mem>>) src(%dma_wait3A_558 : memref<512xi32, #tpu.memory_space<hbm>>) dst(%dma_wait3A_557 : memref<512xi32, #tpu.memory_space<vmem>>)
      tpu.yield
    }) : () -> ()
    %get3A = arith.constant 0 : i32
    %get3A_8 = arith.index_cast %get3A : i32 to index
    %get3A_9 = arith.constant 0 : index
    %get3A_10 = tpu.vector_load %arg5[%get3A_8, %get3A_9] {strides = array<i32>} : memref<2x512xi32, #tpu.memory_space<vmem>>, vector<16xi32>,
    %shift_right_arithmetic3A = arith.constant 2 : i32
    %shift_right_arithmetic3A_11 = vector.broadcast %shift_right_arithmetic3A : i32 to vector<16xi32>
    %shift_right_arithmetic3A_12 = arith.shrsi %get3A_10, %shift_right_arithmetic3A_11 : vector<16xi32>
    %swap3A = arith.constant 0 : i32
    %swap3A_13 = arith.constant 0 : i32
    %swap3A_14 = arith.index_cast %swap3A : i32 to index
    %swap3A_15 = arith.index_cast %swap3A_13 : i32 to index
    %swap3A_16 = arith.constant 0 : index
    %swap3A_17 = tpu.vector_load %arg6[%swap3A_14, %swap3A_15, %swap3A_16] {strides = array<i32>} : memref<2x4x128xi32, #tpu.memory_space<vmem>>, vector<16xi32>,
    tpu.vector_store %arg6[%swap3A_14, %swap3A_15, %swap3A_16], %shift_right_arithmetic3A_12 {strides = array<i32>} : memref<2x4x128xi32, #tpu.memory_space<vmem>>, vector<16xi32>,
    %get3A_18 = arith.constant 0 : i32
    %get3A_19 = arith.index_cast %get3A_18 : i32 to index
    %get3A_20 = arith.constant 16 : index
    %get3A_21 = tpu.vector_load %arg5[%get3A_19, %get3A_20] {strides = array<i32>} : memref<2x512xi32, #tpu.memory_space<vmem>>, vector<16xi32>,
    %shift_right_arithmetic3A_22 = arith.constant 2 : i32
    %shift_right_arithmetic3A_23 = vector.broadcast %shift_right_arithmetic3A_22 : i32 to vector<16xi32>
    %shift_right_arithmetic3A_24 = arith.shrsi %get3A_21, %shift_right_arithmetic3A_23 : vector<16xi32>
    %swap3A_25 = arith.constant 0 : i32
    %swap3A_26 = arith.constant 0 : i32
    %swap3A_27 = arith.index_cast %swap3A_25 : i32 to index
    %swap3A_28 = arith.index_cast %swap3A_26 : i32 to index
    %swap3A_29 = arith.constant 16 : index
    %swap3A_30 = tpu.vector_load %arg6[%swap3A_27, %swap3A_28, %swap3A_29] {strides = array<i32>} : memref<2x4x128xi32, #tpu.memory_space<vmem>>, vector<16xi32>,
    tpu.vector_store %arg6[%swap3A_27, %swap3A_28, %swap3A_29], %shift_right_arithmetic3A_24 {strides = array<i32>} : memref<2x4x128xi32, #tpu.memory_space<vmem>>, vector<16xi32>,
    %get3A_31 = arith.constant 0 : i32
    %get3A_32 = arith.index_cast %get3A_31 : i32 to index
    %get3A_33 = arith.constant 32 : index
    %get3A_34 = tpu.vector_load %arg5[%get3A_32, %get3A_33] {strides = array<i32>} : memref<2x512xi32, #tpu.memory_space<vmem>>, vector<16xi32>,
    %shift_right_arithmetic3A_35 = arith.constant 2 : i32
    %shift_right_arithmetic3A_36 = vector.broadcast %shift_right_arithmetic3A_35 : i32 to vector<16xi32>
    %shift_right_arithmetic3A_37 = arith.shrsi %get3A_34, %shift_right_arithmetic3A_36 : vector<16xi32>
    %swap3A_38 = arith.constant 0 : i32
    %swap3A_39 = arith.constant 0 : i32
    %swap3A_40 = arith.index_cast %swap3A_38 : i32 to index
    %swap3A_41 = arith.index_cast %swap3A_39 : i32 to index
    %swap3A_42 = arith.constant 32 : index
    %swap3A_43 = tpu.vector_load %arg6[%swap3A_40, %swap3A_41, %swap3A_42] {strides = array<i32>} : memref<2x4x128xi32, #tpu.memory_space<vmem>>, vector<16xi32>,
    tpu.vector_store %arg6[%swap3A_40, %swap3A_41, %swap3A_42], %shift_right_arithmetic3A_37 {strides = array<i32>} : memref<2x4x128xi32, #tpu.memory_space<vmem>>, vector<16xi32>,
    %get3A_44 = arith.constant 0 : i32
    %get3A_45 = arith.index_cast %get3A_44 : i32 to index
    %get3A_46 = arith.constant 48 : index
    %get3A_47 = tpu.vector_load %arg5[%get3A_45, %get3A_46] {strides = array<i32>} : memref<2x512xi32, #tpu.memory_space<vmem>>, vector<16xi32>,
    %shift_right_arithmetic3A_48 = arith.constant 2 : i32
    %shift_right_arithmetic3A_49 = vector.broadcast %shift_right_arithmetic3A_48 : i32 to vector<16xi32>
    %shift_right_arithmetic3A_50 = arith.shrsi %get3A_47, %shift_right_arithmetic3A_49 : vector<16xi32>
    %swap3A_51 = arith.constant 0 : i32
    %swap3A_52 = arith.constant 0 : i32
    %swap3A_53 = arith.index_cast %swap3A_51 : i32 to index
    %swap3A_54 = arith.index_cast %swap3A_52 : i32 to index
    %swap3A_55 = arith.constant 48 : index
    %swap3A_56 = tpu.vector_load %arg6[%swap3A_53, %swap3A_54, %swap3A_55] {strides = array<i32>} : memref<2x4x128xi32, #tpu.memory_space<vmem>>, vector<16xi32>,
    tpu.vector_store %arg6[%swap3A_53, %swap3A_54, %swap3A_55], %shift_right_arithmetic3A_50 {strides = array<i32>} : memref<2x4x128xi32, #tpu.memory_space<vmem>>, vector<16xi32>,
    %get3A_57 = arith.constant 0 : i32
    %get3A_58 = arith.index_cast %get3A_57 : i32 to index
    %get3A_59 = arith.constant 64 : index
    %get3A_60 = tpu.vector_load %arg5[%get3A_58, %get3A_59] {strides = array<i32>} : memref<2x512xi32, #tpu.memory_space<vmem>>, vector<16xi32>,
    %shift_right_arithmetic3A_61 = arith.constant 2 : i32
    %shift_right_arithmetic3A_62 = vector.broadcast %shift_right_arithmetic3A_61 : i32 to vector<16xi32>
    %shift_right_arithmetic3A_63 = arith.shrsi %get3A_60, %shift_right_arithmetic3A_62 : vector<16xi32>
    %swap3A_64 = arith.constant 0 : i32
    %swap3A_65 = arith.constant 0 : i32
    %swap3A_66 = arith.index_cast %swap3A_64 : i32 to index
    %swap3A_67 = arith.index_cast %swap3A_65 : i32 to index
    %swap3A_68 = arith.constant 64 : index
    %swap3A_69 = tpu.vector_load %arg6[%swap3A_66, %swap3A_67, %swap3A_68] {strides = array<i32>} : memref<2x4x128xi32, #tpu.memory_space<vmem>>, vector<16xi32>,
    tpu.vector_store %arg6[%swap3A_66, %swap3A_67, %swap3A_68], %shift_right_arithmetic3A_63 {strides = array<i32>} : memref<2x4x128xi32, #tpu.memory_space<vmem>>, vector<16xi32>,
    %get3A_70 = arith.constant 0 : i32
    %get3A_71 = arith.index_cast %get3A_70 : i32 to index
    %get3A_72 = arith.constant 80 : index
    %get3A_73 = tpu.vector_load %arg5[%get3A_71, %get3A_72] {strides = array<i32>} : memref<2x512xi32, #tpu.memory_space<vmem>>, vector<16xi32>,
    %shift_right_arithmetic3A_74 = arith.constant 2 : i32
    %shift_right_arithmetic3A_75 = vector.broadcast %shift_right_arithmetic3A_74 : i32 to vector<16xi32>
    %shift_right_arithmetic3A_76 = arith.shrsi %get3A_73, %shift_right_arithmetic3A_75 : vector<16xi32>
    %swap3A_77 = arith.constant 0 : i32
    %swap3A_78 = arith.constant 0 : i32
    %swap3A_79 = arith.index_cast %swap3A_77 : i32 to index
    %swap3A_80 = arith.index_cast %swap3A_78 : i32 to index
    %swap3A_81 = arith.constant 80 : index
    %swap3A_82 = tpu.vector_load %arg6[%swap3A_79, %swap3A_80, %swap3A_81] {strides = array<i32>} : memref<2x4x128xi32, #tpu.memory_space<vmem>>, vector<16xi32>,
    tpu.vector_store %arg6[%swap3A_79, %swap3A_80, %swap3A_81], %shift_right_arithmetic3A_76 {strides = array<i32>} : memref<2x4x128xi32, #tpu.memory_space<vmem>>, vector<16xi32>,
    %get3A_83 = arith.constant 0 : i32
    %get3A_84 = arith.index_cast %get3A_83 : i32 to index
    %get3A_85 = arith.constant 96 : index
    %get3A_86 = tpu.vector_load %arg5[%get3A_84, %get3A_85] {strides = array<i32>} : memref<2x512xi32, #tpu.memory_space<vmem>>, vector<16xi32>,
    %shift_right_arithmetic3A_87 = arith.constant 2 : i32
    %shift_right_arithmetic3A_88 = vector.broadcast %shift_right_arithmetic3A_87 : i32 to vector<16xi32>
    %shift_right_arithmetic3A_89 = arith.shrsi %get3A_86, %shift_right_arithmetic3A_88 : vector<16xi32>
    %swap3A_90 = arith.constant 0 : i32
    %swap3A_91 = arith.constant 0 : i32
    %swap3A_92 = arith.index_cast %swap3A_90 : i32 to index
    %swap3A_93 = arith.index_cast %swap3A_91 : i32 to index
    %swap3A_94 = arith.constant 96 : index
    %swap3A_95 = tpu.vector_load %arg6[%swap3A_92, %swap3A_93, %swap3A_94] {strides = array<i32>} : memref<2x4x128xi32, #tpu.memory_space<vmem>>, vector<16xi32>,
    tpu.vector_store %arg6[%swap3A_92, %swap3A_93, %swap3A_94], %shift_right_arithmetic3A_89 {strides = array<i32>} : memref<2x4x128xi32, #tpu.memory_space<vmem>>, vector<16xi32>,
    %get3A_96 = arith.constant 0 : i32
    %get3A_97 = arith.index_cast %get3A_96 : i32 to index
    %get3A_98 = arith.constant 112 : index
    %get3A_99 = tpu.vector_load %arg5[%get3A_97, %get3A_98] {strides = array<i32>} : memref<2x512xi32, #tpu.memory_space<vmem>>, vector<16xi32>,
    %shift_right_arithmetic3A_100 = arith.constant 2 : i32
    %shift_right_arithmetic3A_101 = vector.broadcast %shift_right_arithmetic3A_100 : i32 to vector<16xi32>
    %shift_right_arithmetic3A_102 = arith.shrsi %get3A_99, %shift_right_arithmetic3A_101 : vector<16xi32>
    %swap3A_103 = arith.constant 0 : i32
    %swap3A_104 = arith.constant 0 : i32
    %swap3A_105 = arith.index_cast %swap3A_103 : i32 to index
    %swap3A_106 = arith.index_cast %swap3A_104 : i32 to index
    %swap3A_107 = arith.constant 112 : index
    %swap3A_108 = tpu.vector_load %arg6[%swap3A_105, %swap3A_106, %swap3A_107] {strides = array<i32>} : memref<2x4x128xi32, #tpu.memory_space<vmem>>, vector<16xi32>,
    tpu.vector_store %arg6[%swap3A_105, %swap3A_106, %swap3A_107], %shift_right_arithmetic3A_102 {strides = array<i32>} : memref<2x4x128xi32, #tpu.memory_space<vmem>>, vector<16xi32>,
    %get3A_109 = arith.constant 0 : i32
    %get3A_110 = arith.index_cast %get3A_109 : i32 to index
    %get3A_111 = arith.constant 128 : index
    %get3A_112 = tpu.vector_load %arg5[%get3A_110, %get3A_111] {strides = array<i32>} : memref<2x512xi32, #tpu.memory_space<vmem>>, vector<16xi32>,
    %shift_right_arithmetic3A_113 = arith.constant 2 : i32
    %shift_right_arithmetic3A_114 = vector.broadcast %shift_right_arithmetic3A_113 : i32 to vector<16xi32>
    %shift_right_arithmetic3A_115 = arith.shrsi %get3A_112, %shift_right_arithmetic3A_114 : vector<16xi32>
    %swap3A_116 = arith.constant 0 : i32
    %swap3A_117 = arith.constant 1 : i32
    %swap3A_118 = arith.index_cast %swap3A_116 : i32 to index
    %swap3A_119 = arith.index_cast %swap3A_117 : i32 to index
    %swap3A_120 = arith.constant 0 : index
    %swap3A_121 = tpu.vector_load %arg6[%swap3A_118, %swap3A_119, %swap3A_120] {strides = array<i32>} : memref<2x4x128xi32, #tpu.memory_space<vmem>>, vector<16xi32>,
    tpu.vector_store %arg6[%swap3A_118, %swap3A_119, %swap3A_120], %shift_right_arithmetic3A_115 {strides = array<i32>} : memref<2x4x128xi32, #tpu.memory_space<vmem>>, vector<16xi32>,
    %get3A_122 = arith.constant 0 : i32
    %get3A_123 = arith.index_cast %get3A_122 : i32 to index
    %get3A_124 = arith.constant 144 : index
    %get3A_125 = tpu.vector_load %arg5[%get3A_123, %get3A_124] {strides = array<i32>} : memref<2x512xi32, #tpu.memory_space<vmem>>, vector<16xi32>,
    %shift_right_arithmetic3A_126 = arith.constant 2 : i32
    %shift_right_arithmetic3A_127 = vector.broadcast %shift_right_arithmetic3A_126 : i32 to vector<16xi32>
    %shift_right_arithmetic3A_128 = arith.shrsi %get3A_125, %shift_right_arithmetic3A_127 : vector<16xi32>
    %swap3A_129 = arith.constant 0 : i32
    %swap3A_130 = arith.constant 1 : i32
    %swap3A_131 = arith.index_cast %swap3A_129 : i32 to index
    %swap3A_132 = arith.index_cast %swap3A_130 : i32 to index
    %swap3A_133 = arith.constant 16 : index
    %swap3A_134 = tpu.vector_load %arg6[%swap3A_131, %swap3A_132, %swap3A_133] {strides = array<i32>} : memref<2x4x128xi32, #tpu.memory_space<vmem>>, vector<16xi32>,
    tpu.vector_store %arg6[%swap3A_131, %swap3A_132, %swap3A_133], %shift_right_arithmetic3A_128 {strides = array<i32>} : memref<2x4x128xi32, #tpu.memory_space<vmem>>, vector<16xi32>,
    %get3A_135 = arith.constant 0 : i32
    %get3A_136 = arith.index_cast %get3A_135 : i32 to index
    %get3A_137 = arith.constant 160 : index
    %get3A_138 = tpu.vector_load %arg5[%get3A_136, %get3A_137] {strides = array<i32>} : memref<2x512xi32, #tpu.memory_space<vmem>>, vector<16xi32>,
    %shift_right_arithmetic3A_139 = arith.constant 2 : i32
    %shift_right_arithmetic3A_140 = vector.broadcast %shift_right_arithmetic3A_139 : i32 to vector<16xi32>
    %shift_right_arithmetic3A_141 = arith.shrsi %get3A_138, %shift_right_arithmetic3A_140 : vector<16xi32>
    %swap3A_142 = arith.constant 0 : i32
    %swap3A_143 = arith.constant 1 : i32
    %swap3A_144 = arith.index_cast %swap3A_142 : i32 to index
    %swap3A_145 = arith.index_cast %swap3A_143 : i32 to index
    %swap3A_146 = arith.constant 32 : index
    %swap3A_147 = tpu.vector_load %arg6[%swap3A_144, %swap3A_145, %swap3A_146] {strides = array<i32>} : memref<2x4x128xi32, #tpu.memory_space<vmem>>, vector<16xi32>,
    tpu.vector_store %arg6[%swap3A_144, %swap3A_145, %swap3A_146], %shift_right_arithmetic3A_141 {strides = array<i32>} : memref<2x4x128xi32, #tpu.memory_space<vmem>>, vector<16xi32>,
    %get3A_148 = arith.constant 0 : i32
    %get3A_149 = arith.index_cast %get3A_148 : i32 to index
    %get3A_150 = arith.constant 176 : index
    %get3A_151 = tpu.vector_load %arg5[%get3A_149, %get3A_150] {strides = array<i32>} : memref<2x512xi32, #tpu.memory_space<vmem>>, vector<16xi32>,
    %shift_right_arithmetic3A_152 = arith.constant 2 : i32
    %shift_right_arithmetic3A_153 = vector.broadcast %shift_right_arithmetic3A_152 : i32 to vector<16xi32>
    %shift_right_arithmetic3A_154 = arith.shrsi %get3A_151, %shift_right_arithmetic3A_153 : vector<16xi32>
    %swap3A_155 = arith.constant 0 : i32
    %swap3A_156 = arith.constant 1 : i32
    %swap3A_157 = arith.index_cast %swap3A_155 : i32 to index
    %swap3A_158 = arith.index_cast %swap3A_156 : i32 to index
    %swap3A_159 = arith.constant 48 : index
    %swap3A_160 = tpu.vector_load %arg6[%swap3A_157, %swap3A_158, %swap3A_159] {strides = array<i32>} : memref<2x4x128xi32, #tpu.memory_space<vmem>>, vector<16xi32>,
    tpu.vector_store %arg6[%swap3A_157, %swap3A_158, %swap3A_159], %shift_right_arithmetic3A_154 {strides = array<i32>} : memref<2x4x128xi32, #tpu.memory_space<vmem>>, vector<16xi32>,
    %get3A_161 = arith.constant 0 : i32
    %get3A_162 = arith.index_cast %get3A_161 : i32 to index
    %get3A_163 = arith.constant 192 : index
    %get3A_164 = tpu.vector_load %arg5[%get3A_162, %get3A_163] {strides = array<i32>} : memref<2x512xi32, #tpu.memory_space<vmem>>, vector<16xi32>,
    %shift_right_arithmetic3A_165 = arith.constant 2 : i32
    %shift_right_arithmetic3A_166 = vector.broadcast %shift_right_arithmetic3A_165 : i32 to vector<16xi32>
    %shift_right_arithmetic3A_167 = arith.shrsi %get3A_164, %shift_right_arithmetic3A_166 : vector<16xi32>
    %swap3A_168 = arith.constant 0 : i32
    %swap3A_169 = arith.constant 1 : i32
    %swap3A_170 = arith.index_cast %swap3A_168 : i32 to index
    %swap3A_171 = arith.index_cast %swap3A_169 : i32 to index
    %swap3A_172 = arith.constant 64 : index
    %swap3A_173 = tpu.vector_load %arg6[%swap3A_170, %swap3A_171, %swap3A_172] {strides = array<i32>} : memref<2x4x128xi32, #tpu.memory_space<vmem>>, vector<16xi32>,
    tpu.vector_store %arg6[%swap3A_170, %swap3A_171, %swap3A_172], %shift_right_arithmetic3A_167 {strides = array<i32>} : memref<2x4x128xi32, #tpu.memory_space<vmem>>, vector<16xi32>,
    %get3A_174 = arith.constant 0 : i32
    %get3A_175 = arith.index_cast %get3A_174 : i32 to index
    %get3A_176 = arith.constant 208 : index
    %get3A_177 = tpu.vector_load %arg5[%get3A_175, %get3A_176] {strides = array<i32>} : memref<2x512xi32, #tpu.memory_space<vmem>>, vector<16xi32>,
    %shift_right_arithmetic3A_178 = arith.constant 2 : i32
    %shift_right_arithmetic3A_179 = vector.broadcast %shift_right_arithmetic3A_178 : i32 to vector<16xi32>
    %shift_right_arithmetic3A_180 = arith.shrsi %get3A_177, %shift_right_arithmetic3A_179 : vector<16xi32>
    %swap3A_181 = arith.constant 0 : i32
    %swap3A_182 = arith.constant 1 : i32
    %swap3A_183 = arith.index_cast %swap3A_181 : i32 to index
    %swap3A_184 = arith.index_cast %swap3A_182 : i32 to index
    %swap3A_185 = arith.constant 80 : index
    %swap3A_186 = tpu.vector_load %arg6[%swap3A_183, %swap3A_184, %swap3A_185] {strides = array<i32>} : memref<2x4x128xi32, #tpu.memory_space<vmem>>, vector<16xi32>,
    tpu.vector_store %arg6[%swap3A_183, %swap3A_184, %swap3A_185], %shift_right_arithmetic3A_180 {strides = array<i32>} : memref<2x4x128xi32, #tpu.memory_space<vmem>>, vector<16xi32>,
    %get3A_187 = arith.constant 0 : i32
    %get3A_188 = arith.index_cast %get3A_187 : i32 to index
    %get3A_189 = arith.constant 224 : index
    %get3A_190 = tpu.vector_load %arg5[%get3A_188, %get3A_189] {strides = array<i32>} : memref<2x512xi32, #tpu.memory_space<vmem>>, vector<16xi32>,
    %shift_right_arithmetic3A_191 = arith.constant 2 : i32
    %shift_right_arithmetic3A_192 = vector.broadcast %shift_right_arithmetic3A_191 : i32 to vector<16xi32>
    %shift_right_arithmetic3A_193 = arith.shrsi %get3A_190, %shift_right_arithmetic3A_192 : vector<16xi32>
    %swap3A_194 = arith.constant 0 : i32
    %swap3A_195 = arith.constant 1 : i32
    %swap3A_196 = arith.index_cast %swap3A_194 : i32 to index
    %swap3A_197 = arith.index_cast %swap3A_195 : i32 to index
    %swap3A_198 = arith.constant 96 : index
    %swap3A_199 = tpu.vector_load %arg6[%swap3A_196, %swap3A_197, %swap3A_198] {strides = array<i32>} : memref<2x4x128xi32, #tpu.memory_space<vmem>>, vector<16xi32>,
    tpu.vector_store %arg6[%swap3A_196, %swap3A_197, %swap3A_198], %shift_right_arithmetic3A_193 {strides = array<i32>} : memref<2x4x128xi32, #tpu.memory_space<vmem>>, vector<16xi32>,
    %get3A_200 = arith.constant 0 : i32
    %get3A_201 = arith.index_cast %get3A_200 : i32 to index
    %get3A_202 = arith.constant 240 : index
    %get3A_203 = tpu.vector_load %arg5[%get3A_201, %get3A_202] {strides = array<i32>} : memref<2x512xi32, #tpu.memory_space<vmem>>, vector<16xi32>,
    %shift_right_arithmetic3A_204 = arith.constant 2 : i32
    %shift_right_arithmetic3A_205 = vector.broadcast %shift_right_arithmetic3A_204 : i32 to vector<16xi32>
    %shift_right_arithmetic3A_206 = arith.shrsi %get3A_203, %shift_right_arithmetic3A_205 : vector<16xi32>
    %swap3A_207 = arith.constant 0 : i32
    %swap3A_208 = arith.constant 1 : i32
    %swap3A_209 = arith.index_cast %swap3A_207 : i32 to index
    %swap3A_210 = arith.index_cast %swap3A_208 : i32 to index
    %swap3A_211 = arith.constant 112 : index
    %swap3A_212 = tpu.vector_load %arg6[%swap3A_209, %swap3A_210, %swap3A_211] {strides = array<i32>} : memref<2x4x128xi32, #tpu.memory_space<vmem>>, vector<16xi32>,
    tpu.vector_store %arg6[%swap3A_209, %swap3A_210, %swap3A_211], %shift_right_arithmetic3A_206 {strides = array<i32>} : memref<2x4x128xi32, #tpu.memory_space<vmem>>, vector<16xi32>,
    %get3A_213 = arith.constant 0 : i32
    %get3A_214 = arith.index_cast %get3A_213 : i32 to index
    %get3A_215 = arith.constant 256 : index
    %get3A_216 = tpu.vector_load %arg5[%get3A_214, %get3A_215] {strides = array<i32>} : memref<2x512xi32, #tpu.memory_space<vmem>>, vector<16xi32>,
    %shift_right_arithmetic3A_217 = arith.constant 2 : i32
    %shift_right_arithmetic3A_218 = vector.broadcast %shift_right_arithmetic3A_217 : i32 to vector<16xi32>
    %shift_right_arithmetic3A_219 = arith.shrsi %get3A_216, %shift_right_arithmetic3A_218 : vector<16xi32>
    %swap3A_220 = arith.constant 0 : i32
    %swap3A_221 = arith.constant 2 : i32
    %swap3A_222 = arith.index_cast %swap3A_220 : i32 to index
    %swap3A_223 = arith.index_cast %swap3A_221 : i32 to index
    %swap3A_224 = arith.constant 0 : index
    %swap3A_225 = tpu.vector_load %arg6[%swap3A_222, %swap3A_223, %swap3A_224] {strides = array<i32>} : memref<2x4x128xi32, #tpu.memory_space<vmem>>, vector<16xi32>,
    tpu.vector_store %arg6[%swap3A_222, %swap3A_223, %swap3A_224], %shift_right_arithmetic3A_219 {strides = array<i32>} : memref<2x4x128xi32, #tpu.memory_space<vmem>>, vector<16xi32>,
    %get3A_226 = arith.constant 0 : i32
    %get3A_227 = arith.index_cast %get3A_226 : i32 to index
    %get3A_228 = arith.constant 272 : index
    %get3A_229 = tpu.vector_load %arg5[%get3A_227, %get3A_228] {strides = array<i32>} : memref<2x512xi32, #tpu.memory_space<vmem>>, vector<16xi32>,
    %shift_right_arithmetic3A_230 = arith.constant 2 : i32
    %shift_right_arithmetic3A_231 = vector.broadcast %shift_right_arithmetic3A_230 : i32 to vector<16xi32>
    %shift_right_arithmetic3A_232 = arith.shrsi %get3A_229, %shift_right_arithmetic3A_231 : vector<16xi32>
    %swap3A_233 = arith.constant 0 : i32
    %swap3A_234 = arith.constant 2 : i32
    %swap3A_235 = arith.index_cast %swap3A_233 : i32 to index
    %swap3A_236 = arith.index_cast %swap3A_234 : i32 to index
    %swap3A_237 = arith.constant 16 : index
    %swap3A_238 = tpu.vector_load %arg6[%swap3A_235, %swap3A_236, %swap3A_237] {strides = array<i32>} : memref<2x4x128xi32, #tpu.memory_space<vmem>>, vector<16xi32>,
    tpu.vector_store %arg6[%swap3A_235, %swap3A_236, %swap3A_237], %shift_right_arithmetic3A_232 {strides = array<i32>} : memref<2x4x128xi32, #tpu.memory_space<vmem>>, vector<16xi32>,
    %get3A_239 = arith.constant 0 : i32
    %get3A_240 = arith.index_cast %get3A_239 : i32 to index
    %get3A_241 = arith.constant 288 : index
    %get3A_242 = tpu.vector_load %arg5[%get3A_240, %get3A_241] {strides = array<i32>} : memref<2x512xi32, #tpu.memory_space<vmem>>, vector<16xi32>,
    %shift_right_arithmetic3A_243 = arith.constant 2 : i32
    %shift_right_arithmetic3A_244 = vector.broadcast %shift_right_arithmetic3A_243 : i32 to vector<16xi32>
    %shift_right_arithmetic3A_245 = arith.shrsi %get3A_242, %shift_right_arithmetic3A_244 : vector<16xi32>
    %swap3A_246 = arith.constant 0 : i32
    %swap3A_247 = arith.constant 2 : i32
    %swap3A_248 = arith.index_cast %swap3A_246 : i32 to index
    %swap3A_249 = arith.index_cast %swap3A_247 : i32 to index
    %swap3A_250 = arith.constant 32 : index
    %swap3A_251 = tpu.vector_load %arg6[%swap3A_248, %swap3A_249, %swap3A_250] {strides = array<i32>} : memref<2x4x128xi32, #tpu.memory_space<vmem>>, vector<16xi32>,
    tpu.vector_store %arg6[%swap3A_248, %swap3A_249, %swap3A_250], %shift_right_arithmetic3A_245 {strides = array<i32>} : memref<2x4x128xi32, #tpu.memory_space<vmem>>, vector<16xi32>,
    %get3A_252 = arith.constant 0 : i32
    %get3A_253 = arith.index_cast %get3A_252 : i32 to index
    %get3A_254 = arith.constant 304 : index
    %get3A_255 = tpu.vector_load %arg5[%get3A_253, %get3A_254] {strides = array<i32>} : memref<2x512xi32, #tpu.memory_space<vmem>>, vector<16xi32>,
    %shift_right_arithmetic3A_256 = arith.constant 2 : i32
    %shift_right_arithmetic3A_257 = vector.broadcast %shift_right_arithmetic3A_256 : i32 to vector<16xi32>
    %shift_right_arithmetic3A_258 = arith.shrsi %get3A_255, %shift_right_arithmetic3A_257 : vector<16xi32>
    %swap3A_259 = arith.constant 0 : i32
    %swap3A_260 = arith.constant 2 : i32
    %swap3A_261 = arith.index_cast %swap3A_259 : i32 to index
    %swap3A_262 = arith.index_cast %swap3A_260 : i32 to index
    %swap3A_263 = arith.constant 48 : index
    %swap3A_264 = tpu.vector_load %arg6[%swap3A_261, %swap3A_262, %swap3A_263] {strides = array<i32>} : memref<2x4x128xi32, #tpu.memory_space<vmem>>, vector<16xi32>,
    tpu.vector_store %arg6[%swap3A_261, %swap3A_262, %swap3A_263], %shift_right_arithmetic3A_258 {strides = array<i32>} : memref<2x4x128xi32, #tpu.memory_space<vmem>>, vector<16xi32>,
    %get3A_265 = arith.constant 0 : i32
    %get3A_266 = arith.index_cast %get3A_265 : i32 to index
    %get3A_267 = arith.constant 320 : index
    %get3A_268 = tpu.vector_load %arg5[%get3A_266, %get3A_267] {strides = array<i32>} : memref<2x512xi32, #tpu.memory_space<vmem>>, vector<16xi32>,
    %shift_right_arithmetic3A_269 = arith.constant 2 : i32
    %shift_right_arithmetic3A_270 = vector.broadcast %shift_right_arithmetic3A_269 : i32 to vector<16xi32>
    %shift_right_arithmetic3A_271 = arith.shrsi %get3A_268, %shift_right_arithmetic3A_270 : vector<16xi32>
    %swap3A_272 = arith.constant 0 : i32
    %swap3A_273 = arith.constant 2 : i32
    %swap3A_274 = arith.index_cast %swap3A_272 : i32 to index
    %swap3A_275 = arith.index_cast %swap3A_273 : i32 to index
    %swap3A_276 = arith.constant 64 : index
    %swap3A_277 = tpu.vector_load %arg6[%swap3A_274, %swap3A_275, %swap3A_276] {strides = array<i32>} : memref<2x4x128xi32, #tpu.memory_space<vmem>>, vector<16xi32>,
    tpu.vector_store %arg6[%swap3A_274, %swap3A_275, %swap3A_276], %shift_right_arithmetic3A_271 {strides = array<i32>} : memref<2x4x128xi32, #tpu.memory_space<vmem>>, vector<16xi32>,
    %get3A_278 = arith.constant 0 : i32
    %get3A_279 = arith.index_cast %get3A_278 : i32 to index
    %get3A_280 = arith.constant 336 : index
    %get3A_281 = tpu.vector_load %arg5[%get3A_279, %get3A_280] {strides = array<i32>} : memref<2x512xi32, #tpu.memory_space<vmem>>, vector<16xi32>,
    %shift_right_arithmetic3A_282 = arith.constant 2 : i32
    %shift_right_arithmetic3A_283 = vector.broadcast %shift_right_arithmetic3A_282 : i32 to vector<16xi32>
    %shift_right_arithmetic3A_284 = arith.shrsi %get3A_281, %shift_right_arithmetic3A_283 : vector<16xi32>
    %swap3A_285 = arith.constant 0 : i32
    %swap3A_286 = arith.constant 2 : i32
    %swap3A_287 = arith.index_cast %swap3A_285 : i32 to index
    %swap3A_288 = arith.index_cast %swap3A_286 : i32 to index
    %swap3A_289 = arith.constant 80 : index
    %swap3A_290 = tpu.vector_load %arg6[%swap3A_287, %swap3A_288, %swap3A_289] {strides = array<i32>} : memref<2x4x128xi32, #tpu.memory_space<vmem>>, vector<16xi32>,
    tpu.vector_store %arg6[%swap3A_287, %swap3A_288, %swap3A_289], %shift_right_arithmetic3A_284 {strides = array<i32>} : memref<2x4x128xi32, #tpu.memory_space<vmem>>, vector<16xi32>,
    %get3A_291 = arith.constant 0 : i32
    %get3A_292 = arith.index_cast %get3A_291 : i32 to index
    %get3A_293 = arith.constant 352 : index
    %get3A_294 = tpu.vector_load %arg5[%get3A_292, %get3A_293] {strides = array<i32>} : memref<2x512xi32, #tpu.memory_space<vmem>>, vector<16xi32>,
    %shift_right_arithmetic3A_295 = arith.constant 2 : i32
    %shift_right_arithmetic3A_296 = vector.broadcast %shift_right_arithmetic3A_295 : i32 to vector<16xi32>
    %shift_right_arithmetic3A_297 = arith.shrsi %get3A_294, %shift_right_arithmetic3A_296 : vector<16xi32>
    %swap3A_298 = arith.constant 0 : i32
    %swap3A_299 = arith.constant 2 : i32
    %swap3A_300 = arith.index_cast %swap3A_298 : i32 to index
    %swap3A_301 = arith.index_cast %swap3A_299 : i32 to index
    %swap3A_302 = arith.constant 96 : index
    %swap3A_303 = tpu.vector_load %arg6[%swap3A_300, %swap3A_301, %swap3A_302] {strides = array<i32>} : memref<2x4x128xi32, #tpu.memory_space<vmem>>, vector<16xi32>,
    tpu.vector_store %arg6[%swap3A_300, %swap3A_301, %swap3A_302], %shift_right_arithmetic3A_297 {strides = array<i32>} : memref<2x4x128xi32, #tpu.memory_space<vmem>>, vector<16xi32>,
    %get3A_304 = arith.constant 0 : i32
    %get3A_305 = arith.index_cast %get3A_304 : i32 to index
    %get3A_306 = arith.constant 368 : index
    %get3A_307 = tpu.vector_load %arg5[%get3A_305, %get3A_306] {strides = array<i32>} : memref<2x512xi32, #tpu.memory_space<vmem>>, vector<16xi32>,
    %shift_right_arithmetic3A_308 = arith.constant 2 : i32
    %shift_right_arithmetic3A_309 = vector.broadcast %shift_right_arithmetic3A_308 : i32 to vector<16xi32>
    %shift_right_arithmetic3A_310 = arith.shrsi %get3A_307, %shift_right_arithmetic3A_309 : vector<16xi32>
    %swap3A_311 = arith.constant 0 : i32
    %swap3A_312 = arith.constant 2 : i32
    %swap3A_313 = arith.index_cast %swap3A_311 : i32 to index
    %swap3A_314 = arith.index_cast %swap3A_312 : i32 to index
    %swap3A_315 = arith.constant 112 : index
    %swap3A_316 = tpu.vector_load %arg6[%swap3A_313, %swap3A_314, %swap3A_315] {strides = array<i32>} : memref<2x4x128xi32, #tpu.memory_space<vmem>>, vector<16xi32>,
    tpu.vector_store %arg6[%swap3A_313, %swap3A_314, %swap3A_315], %shift_right_arithmetic3A_310 {strides = array<i32>} : memref<2x4x128xi32, #tpu.memory_space<vmem>>, vector<16xi32>,
    %get3A_317 = arith.constant 0 : i32
    %get3A_318 = arith.index_cast %get3A_317 : i32 to index
    %get3A_319 = arith.constant 384 : index
    %get3A_320 = tpu.vector_load %arg5[%get3A_318, %get3A_319] {strides = array<i32>} : memref<2x512xi32, #tpu.memory_space<vmem>>, vector<16xi32>,
    %shift_right_arithmetic3A_321 = arith.constant 2 : i32
    %shift_right_arithmetic3A_322 = vector.broadcast %shift_right_arithmetic3A_321 : i32 to vector<16xi32>
    %shift_right_arithmetic3A_323 = arith.shrsi %get3A_320, %shift_right_arithmetic3A_322 : vector<16xi32>
    %swap3A_324 = arith.constant 0 : i32
    %swap3A_325 = arith.constant 3 : i32
    %swap3A_326 = arith.index_cast %swap3A_324 : i32 to index
    %swap3A_327 = arith.index_cast %swap3A_325 : i32 to index
    %swap3A_328 = arith.constant 0 : index
    %swap3A_329 = tpu.vector_load %arg6[%swap3A_326, %swap3A_327, %swap3A_328] {strides = array<i32>} : memref<2x4x128xi32, #tpu.memory_space<vmem>>, vector<16xi32>,
    tpu.vector_store %arg6[%swap3A_326, %swap3A_327, %swap3A_328], %shift_right_arithmetic3A_323 {strides = array<i32>} : memref<2x4x128xi32, #tpu.memory_space<vmem>>, vector<16xi32>,
    %get3A_330 = arith.constant 0 : i32
    %get3A_331 = arith.index_cast %get3A_330 : i32 to index
    %get3A_332 = arith.constant 400 : index
    %get3A_333 = tpu.vector_load %arg5[%get3A_331, %get3A_332] {strides = array<i32>} : memref<2x512xi32, #tpu.memory_space<vmem>>, vector<16xi32>,
    %shift_right_arithmetic3A_334 = arith.constant 2 : i32
    %shift_right_arithmetic3A_335 = vector.broadcast %shift_right_arithmetic3A_334 : i32 to vector<16xi32>
    %shift_right_arithmetic3A_336 = arith.shrsi %get3A_333, %shift_right_arithmetic3A_335 : vector<16xi32>
    %swap3A_337 = arith.constant 0 : i32
    %swap3A_338 = arith.constant 3 : i32
    %swap3A_339 = arith.index_cast %swap3A_337 : i32 to index
    %swap3A_340 = arith.index_cast %swap3A_338 : i32 to index
    %swap3A_341 = arith.constant 16 : index
    %swap3A_342 = tpu.vector_load %arg6[%swap3A_339, %swap3A_340, %swap3A_341] {strides = array<i32>} : memref<2x4x128xi32, #tpu.memory_space<vmem>>, vector<16xi32>,
    tpu.vector_store %arg6[%swap3A_339, %swap3A_340, %swap3A_341], %shift_right_arithmetic3A_336 {strides = array<i32>} : memref<2x4x128xi32, #tpu.memory_space<vmem>>, vector<16xi32>,
    %get3A_343 = arith.constant 0 : i32
    %get3A_344 = arith.index_cast %get3A_343 : i32 to index
    %get3A_345 = arith.constant 416 : index
    %get3A_346 = tpu.vector_load %arg5[%get3A_344, %get3A_345] {strides = array<i32>} : memref<2x512xi32, #tpu.memory_space<vmem>>, vector<16xi32>,
    %shift_right_arithmetic3A_347 = arith.constant 2 : i32
    %shift_right_arithmetic3A_348 = vector.broadcast %shift_right_arithmetic3A_347 : i32 to vector<16xi32>
    %shift_right_arithmetic3A_349 = arith.shrsi %get3A_346, %shift_right_arithmetic3A_348 : vector<16xi32>
    %swap3A_350 = arith.constant 0 : i32
    %swap3A_351 = arith.constant 3 : i32
    %swap3A_352 = arith.index_cast %swap3A_350 : i32 to index
    %swap3A_353 = arith.index_cast %swap3A_351 : i32 to index
    %swap3A_354 = arith.constant 32 : index
    %swap3A_355 = tpu.vector_load %arg6[%swap3A_352, %swap3A_353, %swap3A_354] {strides = array<i32>} : memref<2x4x128xi32, #tpu.memory_space<vmem>>, vector<16xi32>,
    tpu.vector_store %arg6[%swap3A_352, %swap3A_353, %swap3A_354], %shift_right_arithmetic3A_349 {strides = array<i32>} : memref<2x4x128xi32, #tpu.memory_space<vmem>>, vector<16xi32>,
    %get3A_356 = arith.constant 0 : i32
    %get3A_357 = arith.index_cast %get3A_356 : i32 to index
    %get3A_358 = arith.constant 432 : index
    %get3A_359 = tpu.vector_load %arg5[%get3A_357, %get3A_358] {strides = array<i32>} : memref<2x512xi32, #tpu.memory_space<vmem>>, vector<16xi32>,
    %shift_right_arithmetic3A_360 = arith.constant 2 : i32
    %shift_right_arithmetic3A_361 = vector.broadcast %shift_right_arithmetic3A_360 : i32 to vector<16xi32>
    %shift_right_arithmetic3A_362 = arith.shrsi %get3A_359, %shift_right_arithmetic3A_361 : vector<16xi32>
    %swap3A_363 = arith.constant 0 : i32
    %swap3A_364 = arith.constant 3 : i32
    %swap3A_365 = arith.index_cast %swap3A_363 : i32 to index
    %swap3A_366 = arith.index_cast %swap3A_364 : i32 to index
    %swap3A_367 = arith.constant 48 : index
    %swap3A_368 = tpu.vector_load %arg6[%swap3A_365, %swap3A_366, %swap3A_367] {strides = array<i32>} : memref<2x4x128xi32, #tpu.memory_space<vmem>>, vector<16xi32>,
    tpu.vector_store %arg6[%swap3A_365, %swap3A_366, %swap3A_367], %shift_right_arithmetic3A_362 {strides = array<i32>} : memref<2x4x128xi32, #tpu.memory_space<vmem>>, vector<16xi32>,
    %get3A_369 = arith.constant 0 : i32
    %get3A_370 = arith.index_cast %get3A_369 : i32 to index
    %get3A_371 = arith.constant 448 : index
    %get3A_372 = tpu.vector_load %arg5[%get3A_370, %get3A_371] {strides = array<i32>} : memref<2x512xi32, #tpu.memory_space<vmem>>, vector<16xi32>,
    %shift_right_arithmetic3A_373 = arith.constant 2 : i32
    %shift_right_arithmetic3A_374 = vector.broadcast %shift_right_arithmetic3A_373 : i32 to vector<16xi32>
    %shift_right_arithmetic3A_375 = arith.shrsi %get3A_372, %shift_right_arithmetic3A_374 : vector<16xi32>
    %swap3A_376 = arith.constant 0 : i32
    %swap3A_377 = arith.constant 3 : i32
    %swap3A_378 = arith.index_cast %swap3A_376 : i32 to index
    %swap3A_379 = arith.index_cast %swap3A_377 : i32 to index
    %swap3A_380 = arith.constant 64 : index
    %swap3A_381 = tpu.vector_load %arg6[%swap3A_378, %swap3A_379, %swap3A_380] {strides = array<i32>} : memref<2x4x128xi32, #tpu.memory_space<vmem>>, vector<16xi32>,
    tpu.vector_store %arg6[%swap3A_378, %swap3A_379, %swap3A_380], %shift_right_arithmetic3A_375 {strides = array<i32>} : memref<2x4x128xi32, #tpu.memory_space<vmem>>, vector<16xi32>,
    %get3A_382 = arith.constant 0 : i32
    %get3A_383 = arith.index_cast %get3A_382 : i32 to index
    %get3A_384 = arith.constant 464 : index
    %get3A_385 = tpu.vector_load %arg5[%get3A_383, %get3A_384] {strides = array<i32>} : memref<2x512xi32, #tpu.memory_space<vmem>>, vector<16xi32>,
    %shift_right_arithmetic3A_386 = arith.constant 2 : i32
    %shift_right_arithmetic3A_387 = vector.broadcast %shift_right_arithmetic3A_386 : i32 to vector<16xi32>
    %shift_right_arithmetic3A_388 = arith.shrsi %get3A_385, %shift_right_arithmetic3A_387 : vector<16xi32>
    %swap3A_389 = arith.constant 0 : i32
    %swap3A_390 = arith.constant 3 : i32
    %swap3A_391 = arith.index_cast %swap3A_389 : i32 to index
    %swap3A_392 = arith.index_cast %swap3A_390 : i32 to index
    %swap3A_393 = arith.constant 80 : index
    %swap3A_394 = tpu.vector_load %arg6[%swap3A_391, %swap3A_392, %swap3A_393] {strides = array<i32>} : memref<2x4x128xi32, #tpu.memory_space<vmem>>, vector<16xi32>,
    tpu.vector_store %arg6[%swap3A_391, %swap3A_392, %swap3A_393], %shift_right_arithmetic3A_388 {strides = array<i32>} : memref<2x4x128xi32, #tpu.memory_space<vmem>>, vector<16xi32>,
    %get3A_395 = arith.constant 0 : i32
    %get3A_396 = arith.index_cast %get3A_395 : i32 to index
    %get3A_397 = arith.constant 480 : index
    %get3A_398 = tpu.vector_load %arg5[%get3A_396, %get3A_397] {strides = array<i32>} : memref<2x512xi32, #tpu.memory_space<vmem>>, vector<16xi32>,
    %shift_right_arithmetic3A_399 = arith.constant 2 : i32
    %shift_right_arithmetic3A_400 = vector.broadcast %shift_right_arithmetic3A_399 : i32 to vector<16xi32>
    %shift_right_arithmetic3A_401 = arith.shrsi %get3A_398, %shift_right_arithmetic3A_400 : vector<16xi32>
    %swap3A_402 = arith.constant 0 : i32
    %swap3A_403 = arith.constant 3 : i32
    %swap3A_404 = arith.index_cast %swap3A_402 : i32 to index
    %swap3A_405 = arith.index_cast %swap3A_403 : i32 to index
    %swap3A_406 = arith.constant 96 : index
    %swap3A_407 = tpu.vector_load %arg6[%swap3A_404, %swap3A_405, %swap3A_406] {strides = array<i32>} : memref<2x4x128xi32, #tpu.memory_space<vmem>>, vector<16xi32>,
    tpu.vector_store %arg6[%swap3A_404, %swap3A_405, %swap3A_406], %shift_right_arithmetic3A_401 {strides = array<i32>} : memref<2x4x128xi32, #tpu.memory_space<vmem>>, vector<16xi32>,
    %get3A_408 = arith.constant 0 : i32
    %get3A_409 = arith.index_cast %get3A_408 : i32 to index
    %get3A_410 = arith.constant 496 : index
    %get3A_411 = tpu.vector_load %arg5[%get3A_409, %get3A_410] {strides = array<i32>} : memref<2x512xi32, #tpu.memory_space<vmem>>, vector<16xi32>,
    %shift_right_arithmetic3A_412 = arith.constant 2 : i32
    %shift_right_arithmetic3A_413 = vector.broadcast %shift_right_arithmetic3A_412 : i32 to vector<16xi32>
    %shift_right_arithmetic3A_414 = arith.shrsi %get3A_411, %shift_right_arithmetic3A_413 : vector<16xi32>
    %swap3A_415 = arith.constant 0 : i32
    %swap3A_416 = arith.constant 3 : i32
    %swap3A_417 = arith.index_cast %swap3A_415 : i32 to index
    %swap3A_418 = arith.index_cast %swap3A_416 : i32 to index
    %swap3A_419 = arith.constant 112 : index
    %swap3A_420 = tpu.vector_load %arg6[%swap3A_417, %swap3A_418, %swap3A_419] {strides = array<i32>} : memref<2x4x128xi32, #tpu.memory_space<vmem>>, vector<16xi32>,
    tpu.vector_store %arg6[%swap3A_417, %swap3A_418, %swap3A_419], %shift_right_arithmetic3A_414 {strides = array<i32>} : memref<2x4x128xi32, #tpu.memory_space<vmem>>, vector<16xi32>,
    %dma_start3A = arith.constant 0 : i32
    %dma_start3A_421 = arith.constant 0 : i32
    %dma_start3A_422 = arith.constant 0 : i32
    %dma_start3A_423 = arith.constant 0 : i32
    %dma_start3A_424 = tpu.memref_slice %arg7[%dma_start3A_422, %dma_start3A_423] : memref<512x128xi8, #tpu.memory_space<vmem>> -> memref<128x128xi8, #tpu.memory_space<vmem>>
    %dma_start3A_425 = arith.constant 0 : i32
    %dma_start3A_426 = tpu.memref_slice %arg6[%dma_start3A, %dma_start3A_421, %dma_start3A_425] : memref<2x4x128xi32, #tpu.memory_space<vmem>> -> memref<1x1x128xi32, #tpu.memory_space<vmem>>
    %dma_start3A_427 = tpu.memref_squeeze %dma_start3A_426 : memref<1x1x128xi32, #tpu.memory_space<vmem>> -> memref<128xi32, #tpu.memory_space<vmem>>
    %dma_start3A_428 = arith.constant 0 : i32
    %dma_start3A_429 = arith.constant 0 : i32
    %dma_start3A_430 = tpu.memref_slice %arg2[%dma_start3A_428, %dma_start3A_429] : memref<250000x128xi8, #tpu.memory_space<hbm>> -> memref<250000x128xi8, #tpu.memory_space<hbm>>
    tpu.enqueue_indirect_dma source(%dma_start3A_430 : memref<250000x128xi8, #tpu.memory_space<hbm>>) target(%dma_start3A_424 : memref<128x128xi8, #tpu.memory_space<vmem>>) offsets(%dma_start3A_427 : memref<128xi32, #tpu.memory_space<vmem>>) semaphore(%arg11 : memref<!tpu.dma_semaphore, #tpu.memory_space<semaphore_mem>>)
    %dma_start3A_431 = arith.constant 0 : i32
    %dma_start3A_432 = arith.constant 1 : i32
    %dma_start3A_433 = arith.constant 128 : i32
    %dma_start3A_434 = arith.constant 0 : i32
    %dma_start3A_435 = tpu.memref_slice %arg7[%dma_start3A_433, %dma_start3A_434] : memref<512x128xi8, #tpu.memory_space<vmem>> -> memref<128x128xi8, #tpu.memory_space<vmem>>
    %dma_start3A_436 = arith.constant 0 : i32
    %dma_start3A_437 = tpu.memref_slice %arg6[%dma_start3A_431, %dma_start3A_432, %dma_start3A_436] : memref<2x4x128xi32, #tpu.memory_space<vmem>> -> memref<1x1x128xi32, #tpu.memory_space<vmem>>
    %dma_start3A_438 = tpu.memref_squeeze %dma_start3A_437 : memref<1x1x128xi32, #tpu.memory_space<vmem>> -> memref<128xi32, #tpu.memory_space<vmem>>
    %dma_start3A_439 = arith.constant 0 : i32
    %dma_start3A_440 = arith.constant 0 : i32
    %dma_start3A_441 = tpu.memref_slice %arg2[%dma_start3A_439, %dma_start3A_440] : memref<250000x128xi8, #tpu.memory_space<hbm>> -> memref<250000x128xi8, #tpu.memory_space<hbm>>
    tpu.enqueue_indirect_dma source(%dma_start3A_441 : memref<250000x128xi8, #tpu.memory_space<hbm>>) target(%dma_start3A_435 : memref<128x128xi8, #tpu.memory_space<vmem>>) offsets(%dma_start3A_438 : memref<128xi32, #tpu.memory_space<vmem>>) semaphore(%arg11 : memref<!tpu.dma_semaphore, #tpu.memory_space<semaphore_mem>>)
    %dma_start3A_442 = arith.constant 0 : i32
    %dma_start3A_443 = arith.constant 2 : i32
    %dma_start3A_444 = arith.constant 256 : i32
    %dma_start3A_445 = arith.constant 0 : i32
    %dma_start3A_446 = tpu.memref_slice %arg7[%dma_start3A_444, %dma_start3A_445] : memref<512x128xi8, #tpu.memory_space<vmem>> -> memref<128x128xi8, #tpu.memory_space<vmem>>
    %dma_start3A_447 = arith.constant 0 : i32
    %dma_start3A_448 = tpu.memref_slice %arg6[%dma_start3A_442, %dma_start3A_443, %dma_start3A_447] : memref<2x4x128xi32, #tpu.memory_space<vmem>> -> memref<1x1x128xi32, #tpu.memory_space<vmem>>
    %dma_start3A_449 = tpu.memref_squeeze %dma_start3A_448 : memref<1x1x128xi32, #tpu.memory_space<vmem>> -> memref<128xi32, #tpu.memory_space<vmem>>
    %dma_start3A_450 = arith.constant 0 : i32
    %dma_start3A_451 = arith.constant 0 : i32
    %dma_start3A_452 = tpu.memref_slice %arg2[%dma_start3A_450, %dma_start3A_451] : memref<250000x128xi8, #tpu.memory_space<hbm>> -> memref<250000x128xi8, #tpu.memory_space<hbm>>
    tpu.enqueue_indirect_dma source(%dma_start3A_452 : memref<250000x128xi8, #tpu.memory_space<hbm>>) target(%dma_start3A_446 : memref<128x128xi8, #tpu.memory_space<vmem>>) offsets(%dma_start3A_449 : memref<128xi32, #tpu.memory_space<vmem>>) semaphore(%arg11 : memref<!tpu.dma_semaphore, #tpu.memory_space<semaphore_mem>>)
    %dma_start3A_453 = arith.constant 0 : i32
    %dma_start3A_454 = arith.constant 3 : i32
    %dma_start3A_455 = arith.constant 384 : i32
    %dma_start3A_456 = arith.constant 0 : i32
    %dma_start3A_457 = tpu.memref_slice %arg7[%dma_start3A_455, %dma_start3A_456] : memref<512x128xi8, #tpu.memory_space<vmem>> -> memref<128x128xi8, #tpu.memory_space<vmem>>
    %dma_start3A_458 = arith.constant 0 : i32
    %dma_start3A_459 = tpu.memref_slice %arg6[%dma_start3A_453, %dma_start3A_454, %dma_start3A_458] : memref<2x4x128xi32, #tpu.memory_space<vmem>> -> memref<1x1x128xi32, #tpu.memory_space<vmem>>
    %dma_start3A_460 = tpu.memref_squeeze %dma_start3A_459 : memref<1x1x128xi32, #tpu.memory_space<vmem>> -> memref<128xi32, #tpu.memory_space<vmem>>
    %dma_start3A_461 = arith.constant 0 : i32
    %dma_start3A_462 = arith.constant 0 : i32
    %dma_start3A_463 = tpu.memref_slice %arg2[%dma_start3A_461, %dma_start3A_462] : memref<250000x128xi8, #tpu.memory_space<hbm>> -> memref<250000x128xi8, #tpu.memory_space<hbm>>
    tpu.enqueue_indirect_dma source(%dma_start3A_463 : memref<250000x128xi8, #tpu.memory_space<hbm>>) target(%dma_start3A_457 : memref<128x128xi8, #tpu.memory_space<vmem>>) offsets(%dma_start3A_460 : memref<128xi32, #tpu.memory_space<vmem>>) semaphore(%arg11 : memref<!tpu.dma_semaphore, #tpu.memory_space<semaphore_mem>>)
    %scan3A = arith.constant 0 : i32
    %scan3A_464 = arith.constant 0 : i32
    %scan3A_465 = arith.constant 25 : i32
    %scan3A_466 = arith.addi %scan3A_464, %scan3A_465 : i32
    %scan3A_467 = arith.constant 1 : i32
    scf.for %scan3A_542 = %scan3A_464 to %scan3A_466 step %scan3A_467  : i32 {
      %mul3A_543 = arith.constant 2 : i32
      %mul3A_544 = arith.muli %scan3A_542, %mul3A_543 : i32
      %add3A_545 = arith.constant 1 : i32
      %add3A_546 = arith.addi %mul3A_544, %add3A_545 : i32
      %min3A_547 = arith.constant 49 : i32
      %min3A_548 = arith.minsi %add3A_546, %min3A_547 : i32
      %add3A_549 = arith.addi %mul3A_2, %min3A_548 : i32
      %mul3A_550 = arith.constant 512 : i32
      %mul3A_551 = arith.muli %add3A_549, %mul3A_550 : i32
      %run_scoped3A_552 = arith.constant 1 : i32
      "tpu.region"() ({
        %run_scoped3A_1630 = tpu.sem_alloc : memref<!tpu.dma_semaphore, #tpu.memory_space<semaphore_mem>>
        %dma_start3A_1631 = arith.constant 0 : i32
        %dma_start3A_1632 = tpu.memref_slice %arg5[%run_scoped3A_552, %dma_start3A_1631] : memref<2x512xi32, #tpu.memory_space<vmem>> -> memref<1x512xi32, #tpu.memory_space<vmem>>
        %dma_start3A_1633 = tpu.memref_squeeze %dma_start3A_1632 : memref<1x512xi32, #tpu.memory_space<vmem>> -> memref<512xi32, #tpu.memory_space<vmem>>
        %dma_start3A_1634 = tpu.memref_slice %arg3[%mul3A_551] : memref<819200xi32, #tpu.memory_space<hbm>> -> memref<512xi32, #tpu.memory_space<hbm>>
        %dma_start3A_1635 = arith.constant 0 : i32
        %dma_start3A_1636 = tpu.memref_slice %arg5[%run_scoped3A_552, %dma_start3A_1635] : memref<2x512xi32, #tpu.memory_space<vmem>> -> memref<1x512xi32, #tpu.memory_space<vmem>>
        %dma_start3A_1637 = tpu.memref_squeeze %dma_start3A_1636 : memref<1x512xi32, #tpu.memory_space<vmem>> -> memref<512xi32, #tpu.memory_space<vmem>>
        %dma_start3A_1638 = tpu.memref_slice %arg3[%mul3A_551] : memref<819200xi32, #tpu.memory_space<hbm>> -> memref<512xi32, #tpu.memory_space<hbm>>
        tpu.enqueue_dma source(%dma_start3A_1638 : memref<512xi32, #tpu.memory_space<hbm>>) target(%dma_start3A_1637 : memref<512xi32, #tpu.memory_space<vmem>>) target_semaphore(%run_scoped3A_1630 : memref<!tpu.dma_semaphore, #tpu.memory_space<semaphore_mem>>)
        %dma_wait3A_1639 = arith.constant 0 : i32
        %dma_wait3A_1640 = tpu.memref_slice %arg5[%run_scoped3A_552, %dma_wait3A_1639] : memref<2x512xi32, #tpu.memory_space<vmem>> -> memref<1x512xi32, #tpu.memory_space<vmem>>
        %dma_wait3A_1641 = tpu.memref_squeeze %dma_wait3A_1640 : memref<1x512xi32, #tpu.memory_space<vmem>> -> memref<512xi32, #tpu.memory_space<vmem>>
        %dma_wait3A_1642 = tpu.memref_slice %arg3[%mul3A_551] : memref<819200xi32, #tpu.memory_space<hbm>> -> memref<512xi32, #tpu.memory_space<hbm>>
        %dma_wait3A_1643 = arith.constant 0 : i32
        %dma_wait3A_1644 = tpu.memref_slice %arg5[%run_scoped3A_552, %dma_wait3A_1643] : memref<2x512xi32, #tpu.memory_space<vmem>> -> memref<1x512xi32, #tpu.memory_space<vmem>>
        %dma_wait3A_1645 = tpu.memref_squeeze %dma_wait3A_1644 : memref<1x512xi32, #tpu.memory_space<vmem>> -> memref<512xi32, #tpu.memory_space<vmem>>
        %dma_wait3A_1646 = tpu.memref_slice %arg3[%mul3A_551] : memref<819200xi32, #tpu.memory_space<hbm>> -> memref<512xi32, #tpu.memory_space<hbm>>
        tpu.wait_dma2 semaphore(%run_scoped3A_1630 : memref<!tpu.dma_semaphore, #tpu.memory_space<semaphore_mem>>) src(%dma_wait3A_1646 : memref<512xi32, #tpu.memory_space<hbm>>) dst(%dma_wait3A_1645 : memref<512xi32, #tpu.memory_space<vmem>>)
        tpu.yield
      }) : () -> ()
      %get3A_553 = arith.constant 1 : i32
      %get3A_554 = arith.index_cast %get3A_553 : i32 to index
      %get3A_555 = arith.constant 0 : index
      %get3A_556 = tpu.vector_load %arg5[%get3A_554, %get3A_555] {strides = array<i32>} : memref<2x512xi32, #tpu.memory_space<vmem>>, vector<16xi32>,
      %shift_right_arithmetic3A_557 = arith.constant 2 : i32
      %shift_right_arithmetic3A_558 = vector.broadcast %shift_right_arithmetic3A_557 : i32 to vector<16xi32>
      %shift_right_arithmetic3A_559 = arith.shrsi %get3A_556, %shift_right_arithmetic3A_558 : vector<16xi32>
      %swap3A_560 = arith.constant 1 : i32
      %swap3A_561 = arith.constant 0 : i32
      %swap3A_562 = arith.index_cast %swap3A_560 : i32 to index
      %swap3A_563 = arith.index_cast %swap3A_561 : i32 to index
      %swap3A_564 = arith.constant 0 : index
      %swap3A_565 = tpu.vector_load %arg6[%swap3A_562, %swap3A_563, %swap3A_564] {strides = array<i32>} : memref<2x4x128xi32, #tpu.memory_space<vmem>>, vector<16xi32>,
      tpu.vector_store %arg6[%swap3A_562, %swap3A_563, %swap3A_564], %shift_right_arithmetic3A_559 {strides = array<i32>} : memref<2x4x128xi32, #tpu.memory_space<vmem>>, vector<16xi32>,
      %get3A_566 = arith.constant 1 : i32
      %get3A_567 = arith.index_cast %get3A_566 : i32 to index
      %get3A_568 = arith.constant 16 : index
      %get3A_569 = tpu.vector_load %arg5[%get3A_567, %get3A_568] {strides = array<i32>} : memref<2x512xi32, #tpu.memory_space<vmem>>, vector<16xi32>,
      %shift_right_arithmetic3A_570 = arith.constant 2 : i32
      %shift_right_arithmetic3A_571 = vector.broadcast %shift_right_arithmetic3A_570 : i32 to vector<16xi32>
      %shift_right_arithmetic3A_572 = arith.shrsi %get3A_569, %shift_right_arithmetic3A_571 : vector<16xi32>
      %swap3A_573 = arith.constant 1 : i32
      %swap3A_574 = arith.constant 0 : i32
      %swap3A_575 = arith.index_cast %swap3A_573 : i32 to index
      %swap3A_576 = arith.index_cast %swap3A_574 : i32 to index
      %swap3A_577 = arith.constant 16 : index
      %swap3A_578 = tpu.vector_load %arg6[%swap3A_575, %swap3A_576, %swap3A_577] {strides = array<i32>} : memref<2x4x128xi32, #tpu.memory_space<vmem>>, vector<16xi32>,
      tpu.vector_store %arg6[%swap3A_575, %swap3A_576, %swap3A_577], %shift_right_arithmetic3A_572 {strides = array<i32>} : memref<2x4x128xi32, #tpu.memory_space<vmem>>, vector<16xi32>,
      %get3A_579 = arith.constant 1 : i32
      %get3A_580 = arith.index_cast %get3A_579 : i32 to index
      %get3A_581 = arith.constant 32 : index
      %get3A_582 = tpu.vector_load %arg5[%get3A_580, %get3A_581] {strides = array<i32>} : memref<2x512xi32, #tpu.memory_space<vmem>>, vector<16xi32>,
      %shift_right_arithmetic3A_583 = arith.constant 2 : i32
      %shift_right_arithmetic3A_584 = vector.broadcast %shift_right_arithmetic3A_583 : i32 to vector<16xi32>
      %shift_right_arithmetic3A_585 = arith.shrsi %get3A_582, %shift_right_arithmetic3A_584 : vector<16xi32>
      %swap3A_586 = arith.constant 1 : i32
      %swap3A_587 = arith.constant 0 : i32
      %swap3A_588 = arith.index_cast %swap3A_586 : i32 to index
      %swap3A_589 = arith.index_cast %swap3A_587 : i32 to index
      %swap3A_590 = arith.constant 32 : index
      %swap3A_591 = tpu.vector_load %arg6[%swap3A_588, %swap3A_589, %swap3A_590] {strides = array<i32>} : memref<2x4x128xi32, #tpu.memory_space<vmem>>, vector<16xi32>,
      tpu.vector_store %arg6[%swap3A_588, %swap3A_589, %swap3A_590], %shift_right_arithmetic3A_585 {strides = array<i32>} : memref<2x4x128xi32, #tpu.memory_space<vmem>>, vector<16xi32>,
      %get3A_592 = arith.constant 1 : i32
      %get3A_593 = arith.index_cast %get3A_592 : i32 to index
      %get3A_594 = arith.constant 48 : index
      %get3A_595 = tpu.vector_load %arg5[%get3A_593, %get3A_594] {strides = array<i32>} : memref<2x512xi32, #tpu.memory_space<vmem>>, vector<16xi32>,
      %shift_right_arithmetic3A_596 = arith.constant 2 : i32
      %shift_right_arithmetic3A_597 = vector.broadcast %shift_right_arithmetic3A_596 : i32 to vector<16xi32>
      %shift_right_arithmetic3A_598 = arith.shrsi %get3A_595, %shift_right_arithmetic3A_597 : vector<16xi32>
      %swap3A_599 = arith.constant 1 : i32
      %swap3A_600 = arith.constant 0 : i32
      %swap3A_601 = arith.index_cast %swap3A_599 : i32 to index
      %swap3A_602 = arith.index_cast %swap3A_600 : i32 to index
      %swap3A_603 = arith.constant 48 : index
      %swap3A_604 = tpu.vector_load %arg6[%swap3A_601, %swap3A_602, %swap3A_603] {strides = array<i32>} : memref<2x4x128xi32, #tpu.memory_space<vmem>>, vector<16xi32>,
      tpu.vector_store %arg6[%swap3A_601, %swap3A_602, %swap3A_603], %shift_right_arithmetic3A_598 {strides = array<i32>} : memref<2x4x128xi32, #tpu.memory_space<vmem>>, vector<16xi32>,
      %get3A_605 = arith.constant 1 : i32
      %get3A_606 = arith.index_cast %get3A_605 : i32 to index
      %get3A_607 = arith.constant 64 : index
      %get3A_608 = tpu.vector_load %arg5[%get3A_606, %get3A_607] {strides = array<i32>} : memref<2x512xi32, #tpu.memory_space<vmem>>, vector<16xi32>,
      %shift_right_arithmetic3A_609 = arith.constant 2 : i32
      %shift_right_arithmetic3A_610 = vector.broadcast %shift_right_arithmetic3A_609 : i32 to vector<16xi32>
      %shift_right_arithmetic3A_611 = arith.shrsi %get3A_608, %shift_right_arithmetic3A_610 : vector<16xi32>
      %swap3A_612 = arith.constant 1 : i32
      %swap3A_613 = arith.constant 0 : i32
      %swap3A_614 = arith.index_cast %swap3A_612 : i32 to index
      %swap3A_615 = arith.index_cast %swap3A_613 : i32 to index
      %swap3A_616 = arith.constant 64 : index
      %swap3A_617 = tpu.vector_load %arg6[%swap3A_614, %swap3A_615, %swap3A_616] {strides = array<i32>} : memref<2x4x128xi32, #tpu.memory_space<vmem>>, vector<16xi32>,
      tpu.vector_store %arg6[%swap3A_614, %swap3A_615, %swap3A_616], %shift_right_arithmetic3A_611 {strides = array<i32>} : memref<2x4x128xi32, #tpu.memory_space<vmem>>, vector<16xi32>,
      %get3A_618 = arith.constant 1 : i32
      %get3A_619 = arith.index_cast %get3A_618 : i32 to index
      %get3A_620 = arith.constant 80 : index
      %get3A_621 = tpu.vector_load %arg5[%get3A_619, %get3A_620] {strides = array<i32>} : memref<2x512xi32, #tpu.memory_space<vmem>>, vector<16xi32>,
      %shift_right_arithmetic3A_622 = arith.constant 2 : i32
      %shift_right_arithmetic3A_623 = vector.broadcast %shift_right_arithmetic3A_622 : i32 to vector<16xi32>
      %shift_right_arithmetic3A_624 = arith.shrsi %get3A_621, %shift_right_arithmetic3A_623 : vector<16xi32>
      %swap3A_625 = arith.constant 1 : i32
      %swap3A_626 = arith.constant 0 : i32
      %swap3A_627 = arith.index_cast %swap3A_625 : i32 to index
      %swap3A_628 = arith.index_cast %swap3A_626 : i32 to index
      %swap3A_629 = arith.constant 80 : index
      %swap3A_630 = tpu.vector_load %arg6[%swap3A_627, %swap3A_628, %swap3A_629] {strides = array<i32>} : memref<2x4x128xi32, #tpu.memory_space<vmem>>, vector<16xi32>,
      tpu.vector_store %arg6[%swap3A_627, %swap3A_628, %swap3A_629], %shift_right_arithmetic3A_624 {strides = array<i32>} : memref<2x4x128xi32, #tpu.memory_space<vmem>>, vector<16xi32>,
      %get3A_631 = arith.constant 1 : i32
      %get3A_632 = arith.index_cast %get3A_631 : i32 to index
      %get3A_633 = arith.constant 96 : index
      %get3A_634 = tpu.vector_load %arg5[%get3A_632, %get3A_633] {strides = array<i32>} : memref<2x512xi32, #tpu.memory_space<vmem>>, vector<16xi32>,
      %shift_right_arithmetic3A_635 = arith.constant 2 : i32
      %shift_right_arithmetic3A_636 = vector.broadcast %shift_right_arithmetic3A_635 : i32 to vector<16xi32>
      %shift_right_arithmetic3A_637 = arith.shrsi %get3A_634, %shift_right_arithmetic3A_636 : vector<16xi32>
      %swap3A_638 = arith.constant 1 : i32
      %swap3A_639 = arith.constant 0 : i32
      %swap3A_640 = arith.index_cast %swap3A_638 : i32 to index
      %swap3A_641 = arith.index_cast %swap3A_639 : i32 to index
      %swap3A_642 = arith.constant 96 : index
      %swap3A_643 = tpu.vector_load %arg6[%swap3A_640, %swap3A_641, %swap3A_642] {strides = array<i32>} : memref<2x4x128xi32, #tpu.memory_space<vmem>>, vector<16xi32>,
      tpu.vector_store %arg6[%swap3A_640, %swap3A_641, %swap3A_642], %shift_right_arithmetic3A_637 {strides = array<i32>} : memref<2x4x128xi32, #tpu.memory_space<vmem>>, vector<16xi32>,
      %get3A_644 = arith.constant 1 : i32
      %get3A_645 = arith.index_cast %get3A_644 : i32 to index
      %get3A_646 = arith.constant 112 : index
      %get3A_647 = tpu.vector_load %arg5[%get3A_645, %get3A_646] {strides = array<i32>} : memref<2x512xi32, #tpu.memory_space<vmem>>, vector<16xi32>,
      %shift_right_arithmetic3A_648 = arith.constant 2 : i32
      %shift_right_arithmetic3A_649 = vector.broadcast %shift_right_arithmetic3A_648 : i32 to vector<16xi32>
      %shift_right_arithmetic3A_650 = arith.shrsi %get3A_647, %shift_right_arithmetic3A_649 : vector<16xi32>
      %swap3A_651 = arith.constant 1 : i32
      %swap3A_652 = arith.constant 0 : i32
      %swap3A_653 = arith.index_cast %swap3A_651 : i32 to index
      %swap3A_654 = arith.index_cast %swap3A_652 : i32 to index
      %swap3A_655 = arith.constant 112 : index
      %swap3A_656 = tpu.vector_load %arg6[%swap3A_653, %swap3A_654, %swap3A_655] {strides = array<i32>} : memref<2x4x128xi32, #tpu.memory_space<vmem>>, vector<16xi32>,
      tpu.vector_store %arg6[%swap3A_653, %swap3A_654, %swap3A_655], %shift_right_arithmetic3A_650 {strides = array<i32>} : memref<2x4x128xi32, #tpu.memory_space<vmem>>, vector<16xi32>,
      %get3A_657 = arith.constant 1 : i32
      %get3A_658 = arith.index_cast %get3A_657 : i32 to index
      %get3A_659 = arith.constant 128 : index
      %get3A_660 = tpu.vector_load %arg5[%get3A_658, %get3A_659] {strides = array<i32>} : memref<2x512xi32, #tpu.memory_space<vmem>>, vector<16xi32>,
      %shift_right_arithmetic3A_661 = arith.constant 2 : i32
      %shift_right_arithmetic3A_662 = vector.broadcast %shift_right_arithmetic3A_661 : i32 to vector<16xi32>
      %shift_right_arithmetic3A_663 = arith.shrsi %get3A_660, %shift_right_arithmetic3A_662 : vector<16xi32>
      %swap3A_664 = arith.constant 1 : i32
      %swap3A_665 = arith.constant 1 : i32
      %swap3A_666 = arith.index_cast %swap3A_664 : i32 to index
      %swap3A_667 = arith.index_cast %swap3A_665 : i32 to index
      %swap3A_668 = arith.constant 0 : index
      %swap3A_669 = tpu.vector_load %arg6[%swap3A_666, %swap3A_667, %swap3A_668] {strides = array<i32>} : memref<2x4x128xi32, #tpu.memory_space<vmem>>, vector<16xi32>,
      tpu.vector_store %arg6[%swap3A_666, %swap3A_667, %swap3A_668], %shift_right_arithmetic3A_663 {strides = array<i32>} : memref<2x4x128xi32, #tpu.memory_space<vmem>>, vector<16xi32>,
      %get3A_670 = arith.constant 1 : i32
      %get3A_671 = arith.index_cast %get3A_670 : i32 to index
      %get3A_672 = arith.constant 144 : index
      %get3A_673 = tpu.vector_load %arg5[%get3A_671, %get3A_672] {strides = array<i32>} : memref<2x512xi32, #tpu.memory_space<vmem>>, vector<16xi32>,
      %shift_right_arithmetic3A_674 = arith.constant 2 : i32
      %shift_right_arithmetic3A_675 = vector.broadcast %shift_right_arithmetic3A_674 : i32 to vector<16xi32>
      %shift_right_arithmetic3A_676 = arith.shrsi %get3A_673, %shift_right_arithmetic3A_675 : vector<16xi32>
      %swap3A_677 = arith.constant 1 : i32
      %swap3A_678 = arith.constant 1 : i32
      %swap3A_679 = arith.index_cast %swap3A_677 : i32 to index
      %swap3A_680 = arith.index_cast %swap3A_678 : i32 to index
      %swap3A_681 = arith.constant 16 : index
      %swap3A_682 = tpu.vector_load %arg6[%swap3A_679, %swap3A_680, %swap3A_681] {strides = array<i32>} : memref<2x4x128xi32, #tpu.memory_space<vmem>>, vector<16xi32>,
      tpu.vector_store %arg6[%swap3A_679, %swap3A_680, %swap3A_681], %shift_right_arithmetic3A_676 {strides = array<i32>} : memref<2x4x128xi32, #tpu.memory_space<vmem>>, vector<16xi32>,
      %get3A_683 = arith.constant 1 : i32
      %get3A_684 = arith.index_cast %get3A_683 : i32 to index
      %get3A_685 = arith.constant 160 : index
      %get3A_686 = tpu.vector_load %arg5[%get3A_684, %get3A_685] {strides = array<i32>} : memref<2x512xi32, #tpu.memory_space<vmem>>, vector<16xi32>,
      %shift_right_arithmetic3A_687 = arith.constant 2 : i32
      %shift_right_arithmetic3A_688 = vector.broadcast %shift_right_arithmetic3A_687 : i32 to vector<16xi32>
      %shift_right_arithmetic3A_689 = arith.shrsi %get3A_686, %shift_right_arithmetic3A_688 : vector<16xi32>
      %swap3A_690 = arith.constant 1 : i32
      %swap3A_691 = arith.constant 1 : i32
      %swap3A_692 = arith.index_cast %swap3A_690 : i32 to index
      %swap3A_693 = arith.index_cast %swap3A_691 : i32 to index
      %swap3A_694 = arith.constant 32 : index
      %swap3A_695 = tpu.vector_load %arg6[%swap3A_692, %swap3A_693, %swap3A_694] {strides = array<i32>} : memref<2x4x128xi32, #tpu.memory_space<vmem>>, vector<16xi32>,
      tpu.vector_store %arg6[%swap3A_692, %swap3A_693, %swap3A_694], %shift_right_arithmetic3A_689 {strides = array<i32>} : memref<2x4x128xi32, #tpu.memory_space<vmem>>, vector<16xi32>,
      %get3A_696 = arith.constant 1 : i32
      %get3A_697 = arith.index_cast %get3A_696 : i32 to index
      %get3A_698 = arith.constant 176 : index
      %get3A_699 = tpu.vector_load %arg5[%get3A_697, %get3A_698] {strides = array<i32>} : memref<2x512xi32, #tpu.memory_space<vmem>>, vector<16xi32>,
      %shift_right_arithmetic3A_700 = arith.constant 2 : i32
      %shift_right_arithmetic3A_701 = vector.broadcast %shift_right_arithmetic3A_700 : i32 to vector<16xi32>
      %shift_right_arithmetic3A_702 = arith.shrsi %get3A_699, %shift_right_arithmetic3A_701 : vector<16xi32>
      %swap3A_703 = arith.constant 1 : i32
      %swap3A_704 = arith.constant 1 : i32
      %swap3A_705 = arith.index_cast %swap3A_703 : i32 to index
      %swap3A_706 = arith.index_cast %swap3A_704 : i32 to index
      %swap3A_707 = arith.constant 48 : index
      %swap3A_708 = tpu.vector_load %arg6[%swap3A_705, %swap3A_706, %swap3A_707] {strides = array<i32>} : memref<2x4x128xi32, #tpu.memory_space<vmem>>, vector<16xi32>,
      tpu.vector_store %arg6[%swap3A_705, %swap3A_706, %swap3A_707], %shift_right_arithmetic3A_702 {strides = array<i32>} : memref<2x4x128xi32, #tpu.memory_space<vmem>>, vector<16xi32>,
      %get3A_709 = arith.constant 1 : i32
      %get3A_710 = arith.index_cast %get3A_709 : i32 to index
      %get3A_711 = arith.constant 192 : index
      %get3A_712 = tpu.vector_load %arg5[%get3A_710, %get3A_711] {strides = array<i32>} : memref<2x512xi32, #tpu.memory_space<vmem>>, vector<16xi32>,
      %shift_right_arithmetic3A_713 = arith.constant 2 : i32
      %shift_right_arithmetic3A_714 = vector.broadcast %shift_right_arithmetic3A_713 : i32 to vector<16xi32>
      %shift_right_arithmetic3A_715 = arith.shrsi %get3A_712, %shift_right_arithmetic3A_714 : vector<16xi32>
      %swap3A_716 = arith.constant 1 : i32
      %swap3A_717 = arith.constant 1 : i32
      %swap3A_718 = arith.index_cast %swap3A_716 : i32 to index
      %swap3A_719 = arith.index_cast %swap3A_717 : i32 to index
      %swap3A_720 = arith.constant 64 : index
      %swap3A_721 = tpu.vector_load %arg6[%swap3A_718, %swap3A_719, %swap3A_720] {strides = array<i32>} : memref<2x4x128xi32, #tpu.memory_space<vmem>>, vector<16xi32>,
      tpu.vector_store %arg6[%swap3A_718, %swap3A_719, %swap3A_720], %shift_right_arithmetic3A_715 {strides = array<i32>} : memref<2x4x128xi32, #tpu.memory_space<vmem>>, vector<16xi32>,
      %get3A_722 = arith.constant 1 : i32
      %get3A_723 = arith.index_cast %get3A_722 : i32 to index
      %get3A_724 = arith.constant 208 : index
      %get3A_725 = tpu.vector_load %arg5[%get3A_723, %get3A_724] {strides = array<i32>} : memref<2x512xi32, #tpu.memory_space<vmem>>, vector<16xi32>,
      %shift_right_arithmetic3A_726 = arith.constant 2 : i32
      %shift_right_arithmetic3A_727 = vector.broadcast %shift_right_arithmetic3A_726 : i32 to vector<16xi32>
      %shift_right_arithmetic3A_728 = arith.shrsi %get3A_725, %shift_right_arithmetic3A_727 : vector<16xi32>
      %swap3A_729 = arith.constant 1 : i32
      %swap3A_730 = arith.constant 1 : i32
      %swap3A_731 = arith.index_cast %swap3A_729 : i32 to index
      %swap3A_732 = arith.index_cast %swap3A_730 : i32 to index
      %swap3A_733 = arith.constant 80 : index
      %swap3A_734 = tpu.vector_load %arg6[%swap3A_731, %swap3A_732, %swap3A_733] {strides = array<i32>} : memref<2x4x128xi32, #tpu.memory_space<vmem>>, vector<16xi32>,
      tpu.vector_store %arg6[%swap3A_731, %swap3A_732, %swap3A_733], %shift_right_arithmetic3A_728 {strides = array<i32>} : memref<2x4x128xi32, #tpu.memory_space<vmem>>, vector<16xi32>,
      %get3A_735 = arith.constant 1 : i32
      %get3A_736 = arith.index_cast %get3A_735 : i32 to index
      %get3A_737 = arith.constant 224 : index
      %get3A_738 = tpu.vector_load %arg5[%get3A_736, %get3A_737] {strides = array<i32>} : memref<2x512xi32, #tpu.memory_space<vmem>>, vector<16xi32>,
      %shift_right_arithmetic3A_739 = arith.constant 2 : i32
      %shift_right_arithmetic3A_740 = vector.broadcast %shift_right_arithmetic3A_739 : i32 to vector<16xi32>
      %shift_right_arithmetic3A_741 = arith.shrsi %get3A_738, %shift_right_arithmetic3A_740 : vector<16xi32>
      %swap3A_742 = arith.constant 1 : i32
      %swap3A_743 = arith.constant 1 : i32
      %swap3A_744 = arith.index_cast %swap3A_742 : i32 to index
      %swap3A_745 = arith.index_cast %swap3A_743 : i32 to index
      %swap3A_746 = arith.constant 96 : index
      %swap3A_747 = tpu.vector_load %arg6[%swap3A_744, %swap3A_745, %swap3A_746] {strides = array<i32>} : memref<2x4x128xi32, #tpu.memory_space<vmem>>, vector<16xi32>,
      tpu.vector_store %arg6[%swap3A_744, %swap3A_745, %swap3A_746], %shift_right_arithmetic3A_741 {strides = array<i32>} : memref<2x4x128xi32, #tpu.memory_space<vmem>>, vector<16xi32>,
      %get3A_748 = arith.constant 1 : i32
      %get3A_749 = arith.index_cast %get3A_748 : i32 to index
      %get3A_750 = arith.constant 240 : index
      %get3A_751 = tpu.vector_load %arg5[%get3A_749, %get3A_750] {strides = array<i32>} : memref<2x512xi32, #tpu.memory_space<vmem>>, vector<16xi32>,
      %shift_right_arithmetic3A_752 = arith.constant 2 : i32
      %shift_right_arithmetic3A_753 = vector.broadcast %shift_right_arithmetic3A_752 : i32 to vector<16xi32>
      %shift_right_arithmetic3A_754 = arith.shrsi %get3A_751, %shift_right_arithmetic3A_753 : vector<16xi32>
      %swap3A_755 = arith.constant 1 : i32
      %swap3A_756 = arith.constant 1 : i32
      %swap3A_757 = arith.index_cast %swap3A_755 : i32 to index
      %swap3A_758 = arith.index_cast %swap3A_756 : i32 to index
      %swap3A_759 = arith.constant 112 : index
      %swap3A_760 = tpu.vector_load %arg6[%swap3A_757, %swap3A_758, %swap3A_759] {strides = array<i32>} : memref<2x4x128xi32, #tpu.memory_space<vmem>>, vector<16xi32>,
      tpu.vector_store %arg6[%swap3A_757, %swap3A_758, %swap3A_759], %shift_right_arithmetic3A_754 {strides = array<i32>} : memref<2x4x128xi32, #tpu.memory_space<vmem>>, vector<16xi32>,
      %get3A_761 = arith.constant 1 : i32
      %get3A_762 = arith.index_cast %get3A_761 : i32 to index
      %get3A_763 = arith.constant 256 : index
      %get3A_764 = tpu.vector_load %arg5[%get3A_762, %get3A_763] {strides = array<i32>} : memref<2x512xi32, #tpu.memory_space<vmem>>, vector<16xi32>,
      %shift_right_arithmetic3A_765 = arith.constant 2 : i32
      %shift_right_arithmetic3A_766 = vector.broadcast %shift_right_arithmetic3A_765 : i32 to vector<16xi32>
      %shift_right_arithmetic3A_767 = arith.shrsi %get3A_764, %shift_right_arithmetic3A_766 : vector<16xi32>
      %swap3A_768 = arith.constant 1 : i32
      %swap3A_769 = arith.constant 2 : i32
      %swap3A_770 = arith.index_cast %swap3A_768 : i32 to index
      %swap3A_771 = arith.index_cast %swap3A_769 : i32 to index
      %swap3A_772 = arith.constant 0 : index
      %swap3A_773 = tpu.vector_load %arg6[%swap3A_770, %swap3A_771, %swap3A_772] {strides = array<i32>} : memref<2x4x128xi32, #tpu.memory_space<vmem>>, vector<16xi32>,
      tpu.vector_store %arg6[%swap3A_770, %swap3A_771, %swap3A_772], %shift_right_arithmetic3A_767 {strides = array<i32>} : memref<2x4x128xi32, #tpu.memory_space<vmem>>, vector<16xi32>,
      %get3A_774 = arith.constant 1 : i32
      %get3A_775 = arith.index_cast %get3A_774 : i32 to index
      %get3A_776 = arith.constant 272 : index
      %get3A_777 = tpu.vector_load %arg5[%get3A_775, %get3A_776] {strides = array<i32>} : memref<2x512xi32, #tpu.memory_space<vmem>>, vector<16xi32>,
      %shift_right_arithmetic3A_778 = arith.constant 2 : i32
      %shift_right_arithmetic3A_779 = vector.broadcast %shift_right_arithmetic3A_778 : i32 to vector<16xi32>
      %shift_right_arithmetic3A_780 = arith.shrsi %get3A_777, %shift_right_arithmetic3A_779 : vector<16xi32>
      %swap3A_781 = arith.constant 1 : i32
      %swap3A_782 = arith.constant 2 : i32
      %swap3A_783 = arith.index_cast %swap3A_781 : i32 to index
      %swap3A_784 = arith.index_cast %swap3A_782 : i32 to index
      %swap3A_785 = arith.constant 16 : index
      %swap3A_786 = tpu.vector_load %arg6[%swap3A_783, %swap3A_784, %swap3A_785] {strides = array<i32>} : memref<2x4x128xi32, #tpu.memory_space<vmem>>, vector<16xi32>,
      tpu.vector_store %arg6[%swap3A_783, %swap3A_784, %swap3A_785], %shift_right_arithmetic3A_780 {strides = array<i32>} : memref<2x4x128xi32, #tpu.memory_space<vmem>>, vector<16xi32>,
      %get3A_787 = arith.constant 1 : i32
      %get3A_788 = arith.index_cast %get3A_787 : i32 to index
      %get3A_789 = arith.constant 288 : index
      %get3A_790 = tpu.vector_load %arg5[%get3A_788, %get3A_789] {strides = array<i32>} : memref<2x512xi32, #tpu.memory_space<vmem>>, vector<16xi32>,
      %shift_right_arithmetic3A_791 = arith.constant 2 : i32
      %shift_right_arithmetic3A_792 = vector.broadcast %shift_right_arithmetic3A_791 : i32 to vector<16xi32>
      %shift_right_arithmetic3A_793 = arith.shrsi %get3A_790, %shift_right_arithmetic3A_792 : vector<16xi32>
      %swap3A_794 = arith.constant 1 : i32
      %swap3A_795 = arith.constant 2 : i32
      %swap3A_796 = arith.index_cast %swap3A_794 : i32 to index
      %swap3A_797 = arith.index_cast %swap3A_795 : i32 to index
      %swap3A_798 = arith.constant 32 : index
      %swap3A_799 = tpu.vector_load %arg6[%swap3A_796, %swap3A_797, %swap3A_798] {strides = array<i32>} : memref<2x4x128xi32, #tpu.memory_space<vmem>>, vector<16xi32>,
      tpu.vector_store %arg6[%swap3A_796, %swap3A_797, %swap3A_798], %shift_right_arithmetic3A_793 {strides = array<i32>} : memref<2x4x128xi32, #tpu.memory_space<vmem>>, vector<16xi32>,
      %get3A_800 = arith.constant 1 : i32
      %get3A_801 = arith.index_cast %get3A_800 : i32 to index
      %get3A_802 = arith.constant 304 : index
      %get3A_803 = tpu.vector_load %arg5[%get3A_801, %get3A_802] {strides = array<i32>} : memref<2x512xi32, #tpu.memory_space<vmem>>, vector<16xi32>,
      %shift_right_arithmetic3A_804 = arith.constant 2 : i32
      %shift_right_arithmetic3A_805 = vector.broadcast %shift_right_arithmetic3A_804 : i32 to vector<16xi32>
      %shift_right_arithmetic3A_806 = arith.shrsi %get3A_803, %shift_right_arithmetic3A_805 : vector<16xi32>
      %swap3A_807 = arith.constant 1 : i32
      %swap3A_808 = arith.constant 2 : i32
      %swap3A_809 = arith.index_cast %swap3A_807 : i32 to index
      %swap3A_810 = arith.index_cast %swap3A_808 : i32 to index
      %swap3A_811 = arith.constant 48 : index
      %swap3A_812 = tpu.vector_load %arg6[%swap3A_809, %swap3A_810, %swap3A_811] {strides = array<i32>} : memref<2x4x128xi32, #tpu.memory_space<vmem>>, vector<16xi32>,
      tpu.vector_store %arg6[%swap3A_809, %swap3A_810, %swap3A_811], %shift_right_arithmetic3A_806 {strides = array<i32>} : memref<2x4x128xi32, #tpu.memory_space<vmem>>, vector<16xi32>,
      %get3A_813 = arith.constant 1 : i32
      %get3A_814 = arith.index_cast %get3A_813 : i32 to index
      %get3A_815 = arith.constant 320 : index
      %get3A_816 = tpu.vector_load %arg5[%get3A_814, %get3A_815] {strides = array<i32>} : memref<2x512xi32, #tpu.memory_space<vmem>>, vector<16xi32>,
      %shift_right_arithmetic3A_817 = arith.constant 2 : i32
      %shift_right_arithmetic3A_818 = vector.broadcast %shift_right_arithmetic3A_817 : i32 to vector<16xi32>
      %shift_right_arithmetic3A_819 = arith.shrsi %get3A_816, %shift_right_arithmetic3A_818 : vector<16xi32>
      %swap3A_820 = arith.constant 1 : i32
      %swap3A_821 = arith.constant 2 : i32
      %swap3A_822 = arith.index_cast %swap3A_820 : i32 to index
      %swap3A_823 = arith.index_cast %swap3A_821 : i32 to index
      %swap3A_824 = arith.constant 64 : index
      %swap3A_825 = tpu.vector_load %arg6[%swap3A_822, %swap3A_823, %swap3A_824] {strides = array<i32>} : memref<2x4x128xi32, #tpu.memory_space<vmem>>, vector<16xi32>,
      tpu.vector_store %arg6[%swap3A_822, %swap3A_823, %swap3A_824], %shift_right_arithmetic3A_819 {strides = array<i32>} : memref<2x4x128xi32, #tpu.memory_space<vmem>>, vector<16xi32>,
      %get3A_826 = arith.constant 1 : i32
      %get3A_827 = arith.index_cast %get3A_826 : i32 to index
      %get3A_828 = arith.constant 336 : index
      %get3A_829 = tpu.vector_load %arg5[%get3A_827, %get3A_828] {strides = array<i32>} : memref<2x512xi32, #tpu.memory_space<vmem>>, vector<16xi32>,
      %shift_right_arithmetic3A_830 = arith.constant 2 : i32
      %shift_right_arithmetic3A_831 = vector.broadcast %shift_right_arithmetic3A_830 : i32 to vector<16xi32>
      %shift_right_arithmetic3A_832 = arith.shrsi %get3A_829, %shift_right_arithmetic3A_831 : vector<16xi32>
      %swap3A_833 = arith.constant 1 : i32
      %swap3A_834 = arith.constant 2 : i32
      %swap3A_835 = arith.index_cast %swap3A_833 : i32 to index
      %swap3A_836 = arith.index_cast %swap3A_834 : i32 to index
      %swap3A_837 = arith.constant 80 : index
      %swap3A_838 = tpu.vector_load %arg6[%swap3A_835, %swap3A_836, %swap3A_837] {strides = array<i32>} : memref<2x4x128xi32, #tpu.memory_space<vmem>>, vector<16xi32>,
      tpu.vector_store %arg6[%swap3A_835, %swap3A_836, %swap3A_837], %shift_right_arithmetic3A_832 {strides = array<i32>} : memref<2x4x128xi32, #tpu.memory_space<vmem>>, vector<16xi32>,
      %get3A_839 = arith.constant 1 : i32
      %get3A_840 = arith.index_cast %get3A_839 : i32 to index
      %get3A_841 = arith.constant 352 : index
      %get3A_842 = tpu.vector_load %arg5[%get3A_840, %get3A_841] {strides = array<i32>} : memref<2x512xi32, #tpu.memory_space<vmem>>, vector<16xi32>,
      %shift_right_arithmetic3A_843 = arith.constant 2 : i32
      %shift_right_arithmetic3A_844 = vector.broadcast %shift_right_arithmetic3A_843 : i32 to vector<16xi32>
      %shift_right_arithmetic3A_845 = arith.shrsi %get3A_842, %shift_right_arithmetic3A_844 : vector<16xi32>
      %swap3A_846 = arith.constant 1 : i32
      %swap3A_847 = arith.constant 2 : i32
      %swap3A_848 = arith.index_cast %swap3A_846 : i32 to index
      %swap3A_849 = arith.index_cast %swap3A_847 : i32 to index
      %swap3A_850 = arith.constant 96 : index
      %swap3A_851 = tpu.vector_load %arg6[%swap3A_848, %swap3A_849, %swap3A_850] {strides = array<i32>} : memref<2x4x128xi32, #tpu.memory_space<vmem>>, vector<16xi32>,
      tpu.vector_store %arg6[%swap3A_848, %swap3A_849, %swap3A_850], %shift_right_arithmetic3A_845 {strides = array<i32>} : memref<2x4x128xi32, #tpu.memory_space<vmem>>, vector<16xi32>,
      %get3A_852 = arith.constant 1 : i32
      %get3A_853 = arith.index_cast %get3A_852 : i32 to index
      %get3A_854 = arith.constant 368 : index
      %get3A_855 = tpu.vector_load %arg5[%get3A_853, %get3A_854] {strides = array<i32>} : memref<2x512xi32, #tpu.memory_space<vmem>>, vector<16xi32>,
      %shift_right_arithmetic3A_856 = arith.constant 2 : i32
      %shift_right_arithmetic3A_857 = vector.broadcast %shift_right_arithmetic3A_856 : i32 to vector<16xi32>
      %shift_right_arithmetic3A_858 = arith.shrsi %get3A_855, %shift_right_arithmetic3A_857 : vector<16xi32>
      %swap3A_859 = arith.constant 1 : i32
      %swap3A_860 = arith.constant 2 : i32
      %swap3A_861 = arith.index_cast %swap3A_859 : i32 to index
      %swap3A_862 = arith.index_cast %swap3A_860 : i32 to index
      %swap3A_863 = arith.constant 112 : index
      %swap3A_864 = tpu.vector_load %arg6[%swap3A_861, %swap3A_862, %swap3A_863] {strides = array<i32>} : memref<2x4x128xi32, #tpu.memory_space<vmem>>, vector<16xi32>,
      tpu.vector_store %arg6[%swap3A_861, %swap3A_862, %swap3A_863], %shift_right_arithmetic3A_858 {strides = array<i32>} : memref<2x4x128xi32, #tpu.memory_space<vmem>>, vector<16xi32>,
      %get3A_865 = arith.constant 1 : i32
      %get3A_866 = arith.index_cast %get3A_865 : i32 to index
      %get3A_867 = arith.constant 384 : index
      %get3A_868 = tpu.vector_load %arg5[%get3A_866, %get3A_867] {strides = array<i32>} : memref<2x512xi32, #tpu.memory_space<vmem>>, vector<16xi32>,
      %shift_right_arithmetic3A_869 = arith.constant 2 : i32
      %shift_right_arithmetic3A_870 = vector.broadcast %shift_right_arithmetic3A_869 : i32 to vector<16xi32>
      %shift_right_arithmetic3A_871 = arith.shrsi %get3A_868, %shift_right_arithmetic3A_870 : vector<16xi32>
      %swap3A_872 = arith.constant 1 : i32
      %swap3A_873 = arith.constant 3 : i32
      %swap3A_874 = arith.index_cast %swap3A_872 : i32 to index
      %swap3A_875 = arith.index_cast %swap3A_873 : i32 to index
      %swap3A_876 = arith.constant 0 : index
      %swap3A_877 = tpu.vector_load %arg6[%swap3A_874, %swap3A_875, %swap3A_876] {strides = array<i32>} : memref<2x4x128xi32, #tpu.memory_space<vmem>>, vector<16xi32>,
      tpu.vector_store %arg6[%swap3A_874, %swap3A_875, %swap3A_876], %shift_right_arithmetic3A_871 {strides = array<i32>} : memref<2x4x128xi32, #tpu.memory_space<vmem>>, vector<16xi32>,
      %get3A_878 = arith.constant 1 : i32
      %get3A_879 = arith.index_cast %get3A_878 : i32 to index
      %get3A_880 = arith.constant 400 : index
      %get3A_881 = tpu.vector_load %arg5[%get3A_879, %get3A_880] {strides = array<i32>} : memref<2x512xi32, #tpu.memory_space<vmem>>, vector<16xi32>,
      %shift_right_arithmetic3A_882 = arith.constant 2 : i32
      %shift_right_arithmetic3A_883 = vector.broadcast %shift_right_arithmetic3A_882 : i32 to vector<16xi32>
      %shift_right_arithmetic3A_884 = arith.shrsi %get3A_881, %shift_right_arithmetic3A_883 : vector<16xi32>
      %swap3A_885 = arith.constant 1 : i32
      %swap3A_886 = arith.constant 3 : i32
      %swap3A_887 = arith.index_cast %swap3A_885 : i32 to index
      %swap3A_888 = arith.index_cast %swap3A_886 : i32 to index
      %swap3A_889 = arith.constant 16 : index
      %swap3A_890 = tpu.vector_load %arg6[%swap3A_887, %swap3A_888, %swap3A_889] {strides = array<i32>} : memref<2x4x128xi32, #tpu.memory_space<vmem>>, vector<16xi32>,
      tpu.vector_store %arg6[%swap3A_887, %swap3A_888, %swap3A_889], %shift_right_arithmetic3A_884 {strides = array<i32>} : memref<2x4x128xi32, #tpu.memory_space<vmem>>, vector<16xi32>,
      %get3A_891 = arith.constant 1 : i32
      %get3A_892 = arith.index_cast %get3A_891 : i32 to index
      %get3A_893 = arith.constant 416 : index
      %get3A_894 = tpu.vector_load %arg5[%get3A_892, %get3A_893] {strides = array<i32>} : memref<2x512xi32, #tpu.memory_space<vmem>>, vector<16xi32>,
      %shift_right_arithmetic3A_895 = arith.constant 2 : i32
      %shift_right_arithmetic3A_896 = vector.broadcast %shift_right_arithmetic3A_895 : i32 to vector<16xi32>
      %shift_right_arithmetic3A_897 = arith.shrsi %get3A_894, %shift_right_arithmetic3A_896 : vector<16xi32>
      %swap3A_898 = arith.constant 1 : i32
      %swap3A_899 = arith.constant 3 : i32
      %swap3A_900 = arith.index_cast %swap3A_898 : i32 to index
      %swap3A_901 = arith.index_cast %swap3A_899 : i32 to index
      %swap3A_902 = arith.constant 32 : index
      %swap3A_903 = tpu.vector_load %arg6[%swap3A_900, %swap3A_901, %swap3A_902] {strides = array<i32>} : memref<2x4x128xi32, #tpu.memory_space<vmem>>, vector<16xi32>,
      tpu.vector_store %arg6[%swap3A_900, %swap3A_901, %swap3A_902], %shift_right_arithmetic3A_897 {strides = array<i32>} : memref<2x4x128xi32, #tpu.memory_space<vmem>>, vector<16xi32>,
      %get3A_904 = arith.constant 1 : i32
      %get3A_905 = arith.index_cast %get3A_904 : i32 to index
      %get3A_906 = arith.constant 432 : index
      %get3A_907 = tpu.vector_load %arg5[%get3A_905, %get3A_906] {strides = array<i32>} : memref<2x512xi32, #tpu.memory_space<vmem>>, vector<16xi32>,
      %shift_right_arithmetic3A_908 = arith.constant 2 : i32
      %shift_right_arithmetic3A_909 = vector.broadcast %shift_right_arithmetic3A_908 : i32 to vector<16xi32>
      %shift_right_arithmetic3A_910 = arith.shrsi %get3A_907, %shift_right_arithmetic3A_909 : vector<16xi32>
      %swap3A_911 = arith.constant 1 : i32
      %swap3A_912 = arith.constant 3 : i32
      %swap3A_913 = arith.index_cast %swap3A_911 : i32 to index
      %swap3A_914 = arith.index_cast %swap3A_912 : i32 to index
      %swap3A_915 = arith.constant 48 : index
      %swap3A_916 = tpu.vector_load %arg6[%swap3A_913, %swap3A_914, %swap3A_915] {strides = array<i32>} : memref<2x4x128xi32, #tpu.memory_space<vmem>>, vector<16xi32>,
      tpu.vector_store %arg6[%swap3A_913, %swap3A_914, %swap3A_915], %shift_right_arithmetic3A_910 {strides = array<i32>} : memref<2x4x128xi32, #tpu.memory_space<vmem>>, vector<16xi32>,
      %get3A_917 = arith.constant 1 : i32
      %get3A_918 = arith.index_cast %get3A_917 : i32 to index
      %get3A_919 = arith.constant 448 : index
      %get3A_920 = tpu.vector_load %arg5[%get3A_918, %get3A_919] {strides = array<i32>} : memref<2x512xi32, #tpu.memory_space<vmem>>, vector<16xi32>,
      %shift_right_arithmetic3A_921 = arith.constant 2 : i32
      %shift_right_arithmetic3A_922 = vector.broadcast %shift_right_arithmetic3A_921 : i32 to vector<16xi32>
      %shift_right_arithmetic3A_923 = arith.shrsi %get3A_920, %shift_right_arithmetic3A_922 : vector<16xi32>
      %swap3A_924 = arith.constant 1 : i32
      %swap3A_925 = arith.constant 3 : i32
      %swap3A_926 = arith.index_cast %swap3A_924 : i32 to index
      %swap3A_927 = arith.index_cast %swap3A_925 : i32 to index
      %swap3A_928 = arith.constant 64 : index
      %swap3A_929 = tpu.vector_load %arg6[%swap3A_926, %swap3A_927, %swap3A_928] {strides = array<i32>} : memref<2x4x128xi32, #tpu.memory_space<vmem>>, vector<16xi32>,
      tpu.vector_store %arg6[%swap3A_926, %swap3A_927, %swap3A_928], %shift_right_arithmetic3A_923 {strides = array<i32>} : memref<2x4x128xi32, #tpu.memory_space<vmem>>, vector<16xi32>,
      %get3A_930 = arith.constant 1 : i32
      %get3A_931 = arith.index_cast %get3A_930 : i32 to index
      %get3A_932 = arith.constant 464 : index
      %get3A_933 = tpu.vector_load %arg5[%get3A_931, %get3A_932] {strides = array<i32>} : memref<2x512xi32, #tpu.memory_space<vmem>>, vector<16xi32>,
      %shift_right_arithmetic3A_934 = arith.constant 2 : i32
      %shift_right_arithmetic3A_935 = vector.broadcast %shift_right_arithmetic3A_934 : i32 to vector<16xi32>
      %shift_right_arithmetic3A_936 = arith.shrsi %get3A_933, %shift_right_arithmetic3A_935 : vector<16xi32>
      %swap3A_937 = arith.constant 1 : i32
      %swap3A_938 = arith.constant 3 : i32
      %swap3A_939 = arith.index_cast %swap3A_937 : i32 to index
      %swap3A_940 = arith.index_cast %swap3A_938 : i32 to index
      %swap3A_941 = arith.constant 80 : index
      %swap3A_942 = tpu.vector_load %arg6[%swap3A_939, %swap3A_940, %swap3A_941] {strides = array<i32>} : memref<2x4x128xi32, #tpu.memory_space<vmem>>, vector<16xi32>,
      tpu.vector_store %arg6[%swap3A_939, %swap3A_940, %swap3A_941], %shift_right_arithmetic3A_936 {strides = array<i32>} : memref<2x4x128xi32, #tpu.memory_space<vmem>>, vector<16xi32>,
      %get3A_943 = arith.constant 1 : i32
      %get3A_944 = arith.index_cast %get3A_943 : i32 to index
      %get3A_945 = arith.constant 480 : index
      %get3A_946 = tpu.vector_load %arg5[%get3A_944, %get3A_945] {strides = array<i32>} : memref<2x512xi32, #tpu.memory_space<vmem>>, vector<16xi32>,
      %shift_right_arithmetic3A_947 = arith.constant 2 : i32
      %shift_right_arithmetic3A_948 = vector.broadcast %shift_right_arithmetic3A_947 : i32 to vector<16xi32>
      %shift_right_arithmetic3A_949 = arith.shrsi %get3A_946, %shift_right_arithmetic3A_948 : vector<16xi32>
      %swap3A_950 = arith.constant 1 : i32
      %swap3A_951 = arith.constant 3 : i32
      %swap3A_952 = arith.index_cast %swap3A_950 : i32 to index
      %swap3A_953 = arith.index_cast %swap3A_951 : i32 to index
      %swap3A_954 = arith.constant 96 : index
      %swap3A_955 = tpu.vector_load %arg6[%swap3A_952, %swap3A_953, %swap3A_954] {strides = array<i32>} : memref<2x4x128xi32, #tpu.memory_space<vmem>>, vector<16xi32>,
      tpu.vector_store %arg6[%swap3A_952, %swap3A_953, %swap3A_954], %shift_right_arithmetic3A_949 {strides = array<i32>} : memref<2x4x128xi32, #tpu.memory_space<vmem>>, vector<16xi32>,
      %get3A_956 = arith.constant 1 : i32
      %get3A_957 = arith.index_cast %get3A_956 : i32 to index
      %get3A_958 = arith.constant 496 : index
      %get3A_959 = tpu.vector_load %arg5[%get3A_957, %get3A_958] {strides = array<i32>} : memref<2x512xi32, #tpu.memory_space<vmem>>, vector<16xi32>,
      %shift_right_arithmetic3A_960 = arith.constant 2 : i32
      %shift_right_arithmetic3A_961 = vector.broadcast %shift_right_arithmetic3A_960 : i32 to vector<16xi32>
      %shift_right_arithmetic3A_962 = arith.shrsi %get3A_959, %shift_right_arithmetic3A_961 : vector<16xi32>
      %swap3A_963 = arith.constant 1 : i32
      %swap3A_964 = arith.constant 3 : i32
      %swap3A_965 = arith.index_cast %swap3A_963 : i32 to index
      %swap3A_966 = arith.index_cast %swap3A_964 : i32 to index
      %swap3A_967 = arith.constant 112 : index
      %swap3A_968 = tpu.vector_load %arg6[%swap3A_965, %swap3A_966, %swap3A_967] {strides = array<i32>} : memref<2x4x128xi32, #tpu.memory_space<vmem>>, vector<16xi32>,
      tpu.vector_store %arg6[%swap3A_965, %swap3A_966, %swap3A_967], %shift_right_arithmetic3A_962 {strides = array<i32>} : memref<2x4x128xi32, #tpu.memory_space<vmem>>, vector<16xi32>,
      %dma_start3A_969 = arith.constant 1 : i32
      %dma_start3A_970 = arith.constant 0 : i32
      %dma_start3A_971 = arith.constant 0 : i32
      %dma_start3A_972 = arith.constant 0 : i32
      %dma_start3A_973 = tpu.memref_slice %arg8[%dma_start3A_971, %dma_start3A_972] : memref<512x128xi8, #tpu.memory_space<vmem>> -> memref<128x128xi8, #tpu.memory_space<vmem>>
      %dma_start3A_974 = arith.constant 0 : i32
      %dma_start3A_975 = tpu.memref_slice %arg6[%dma_start3A_969, %dma_start3A_970, %dma_start3A_974] : memref<2x4x128xi32, #tpu.memory_space<vmem>> -> memref<1x1x128xi32, #tpu.memory_space<vmem>>
      %dma_start3A_976 = tpu.memref_squeeze %dma_start3A_975 : memref<1x1x128xi32, #tpu.memory_space<vmem>> -> memref<128xi32, #tpu.memory_space<vmem>>
      %dma_start3A_977 = arith.constant 0 : i32
      %dma_start3A_978 = arith.constant 0 : i32
      %dma_start3A_979 = tpu.memref_slice %arg2[%dma_start3A_977, %dma_start3A_978] : memref<250000x128xi8, #tpu.memory_space<hbm>> -> memref<250000x128xi8, #tpu.memory_space<hbm>>
      tpu.enqueue_indirect_dma source(%dma_start3A_979 : memref<250000x128xi8, #tpu.memory_space<hbm>>) target(%dma_start3A_973 : memref<128x128xi8, #tpu.memory_space<vmem>>) offsets(%dma_start3A_976 : memref<128xi32, #tpu.memory_space<vmem>>) semaphore(%arg12 : memref<!tpu.dma_semaphore, #tpu.memory_space<semaphore_mem>>)
      %dma_start3A_980 = arith.constant 1 : i32
      %dma_start3A_981 = arith.constant 1 : i32
      %dma_start3A_982 = arith.constant 128 : i32
      %dma_start3A_983 = arith.constant 0 : i32
      %dma_start3A_984 = tpu.memref_slice %arg8[%dma_start3A_982, %dma_start3A_983] : memref<512x128xi8, #tpu.memory_space<vmem>> -> memref<128x128xi8, #tpu.memory_space<vmem>>
      %dma_start3A_985 = arith.constant 0 : i32
      %dma_start3A_986 = tpu.memref_slice %arg6[%dma_start3A_980, %dma_start3A_981, %dma_start3A_985] : memref<2x4x128xi32, #tpu.memory_space<vmem>> -> memref<1x1x128xi32, #tpu.memory_space<vmem>>
      %dma_start3A_987 = tpu.memref_squeeze %dma_start3A_986 : memref<1x1x128xi32, #tpu.memory_space<vmem>> -> memref<128xi32, #tpu.memory_space<vmem>>
      %dma_start3A_988 = arith.constant 0 : i32
      %dma_start3A_989 = arith.constant 0 : i32
      %dma_start3A_990 = tpu.memref_slice %arg2[%dma_start3A_988, %dma_start3A_989] : memref<250000x128xi8, #tpu.memory_space<hbm>> -> memref<250000x128xi8, #tpu.memory_space<hbm>>
      tpu.enqueue_indirect_dma source(%dma_start3A_990 : memref<250000x128xi8, #tpu.memory_space<hbm>>) target(%dma_start3A_984 : memref<128x128xi8, #tpu.memory_space<vmem>>) offsets(%dma_start3A_987 : memref<128xi32, #tpu.memory_space<vmem>>) semaphore(%arg12 : memref<!tpu.dma_semaphore, #tpu.memory_space<semaphore_mem>>)
      %dma_start3A_991 = arith.constant 1 : i32
      %dma_start3A_992 = arith.constant 2 : i32
      %dma_start3A_993 = arith.constant 256 : i32
      %dma_start3A_994 = arith.constant 0 : i32
      %dma_start3A_995 = tpu.memref_slice %arg8[%dma_start3A_993, %dma_start3A_994] : memref<512x128xi8, #tpu.memory_space<vmem>> -> memref<128x128xi8, #tpu.memory_space<vmem>>
      %dma_start3A_996 = arith.constant 0 : i32
      %dma_start3A_997 = tpu.memref_slice %arg6[%dma_start3A_991, %dma_start3A_992, %dma_start3A_996] : memref<2x4x128xi32, #tpu.memory_space<vmem>> -> memref<1x1x128xi32, #tpu.memory_space<vmem>>
      %dma_start3A_998 = tpu.memref_squeeze %dma_start3A_997 : memref<1x1x128xi32, #tpu.memory_space<vmem>> -> memref<128xi32, #tpu.memory_space<vmem>>
      %dma_start3A_999 = arith.constant 0 : i32
      %dma_start3A_1000 = arith.constant 0 : i32
      %dma_start3A_1001 = tpu.memref_slice %arg2[%dma_start3A_999, %dma_start3A_1000] : memref<250000x128xi8, #tpu.memory_space<hbm>> -> memref<250000x128xi8, #tpu.memory_space<hbm>>
      tpu.enqueue_indirect_dma source(%dma_start3A_1001 : memref<250000x128xi8, #tpu.memory_space<hbm>>) target(%dma_start3A_995 : memref<128x128xi8, #tpu.memory_space<vmem>>) offsets(%dma_start3A_998 : memref<128xi32, #tpu.memory_space<vmem>>) semaphore(%arg12 : memref<!tpu.dma_semaphore, #tpu.memory_space<semaphore_mem>>)
      %dma_start3A_1002 = arith.constant 1 : i32
      %dma_start3A_1003 = arith.constant 3 : i32
      %dma_start3A_1004 = arith.constant 384 : i32
      %dma_start3A_1005 = arith.constant 0 : i32
      %dma_start3A_1006 = tpu.memref_slice %arg8[%dma_start3A_1004, %dma_start3A_1005] : memref<512x128xi8, #tpu.memory_space<vmem>> -> memref<128x128xi8, #tpu.memory_space<vmem>>
      %dma_start3A_1007 = arith.constant 0 : i32
      %dma_start3A_1008 = tpu.memref_slice %arg6[%dma_start3A_1002, %dma_start3A_1003, %dma_start3A_1007] : memref<2x4x128xi32, #tpu.memory_space<vmem>> -> memref<1x1x128xi32, #tpu.memory_space<vmem>>
      %dma_start3A_1009 = tpu.memref_squeeze %dma_start3A_1008 : memref<1x1x128xi32, #tpu.memory_space<vmem>> -> memref<128xi32, #tpu.memory_space<vmem>>
      %dma_start3A_1010 = arith.constant 0 : i32
      %dma_start3A_1011 = arith.constant 0 : i32
      %dma_start3A_1012 = tpu.memref_slice %arg2[%dma_start3A_1010, %dma_start3A_1011] : memref<250000x128xi8, #tpu.memory_space<hbm>> -> memref<250000x128xi8, #tpu.memory_space<hbm>>
      tpu.enqueue_indirect_dma source(%dma_start3A_1012 : memref<250000x128xi8, #tpu.memory_space<hbm>>) target(%dma_start3A_1006 : memref<128x128xi8, #tpu.memory_space<vmem>>) offsets(%dma_start3A_1009 : memref<128xi32, #tpu.memory_space<vmem>>) semaphore(%arg12 : memref<!tpu.dma_semaphore, #tpu.memory_space<semaphore_mem>>)
      %dma_wait3A_1013 = arith.constant 0 : i32
      %dma_wait3A_1014 = arith.constant 0 : i32
      %dma_wait3A_1015 = arith.constant 0 : i32
      %dma_wait3A_1016 = arith.constant 0 : i32
      %dma_wait3A_1017 = tpu.memref_slice %arg7[%dma_wait3A_1015, %dma_wait3A_1016] : memref<512x128xi8, #tpu.memory_space<vmem>> -> memref<128x128xi8, #tpu.memory_space<vmem>>
      %dma_wait3A_1018 = arith.constant 0 : i32
      %dma_wait3A_1019 = tpu.memref_slice %arg6[%dma_wait3A_1013, %dma_wait3A_1014, %dma_wait3A_1018] : memref<2x4x128xi32, #tpu.memory_space<vmem>> -> memref<1x1x128xi32, #tpu.memory_space<vmem>>
      %dma_wait3A_1020 = tpu.memref_squeeze %dma_wait3A_1019 : memref<1x1x128xi32, #tpu.memory_space<vmem>> -> memref<128xi32, #tpu.memory_space<vmem>>
      %dma_wait3A_1021 = arith.constant 0 : i32
      %dma_wait3A_1022 = arith.constant 0 : i32
      %dma_wait3A_1023 = tpu.memref_slice %arg2[%dma_wait3A_1021, %dma_wait3A_1022] : memref<250000x128xi8, #tpu.memory_space<hbm>> -> memref<250000x128xi8, #tpu.memory_space<hbm>>
      tpu.wait_indirect_dma semaphore(%arg11 : memref<!tpu.dma_semaphore, #tpu.memory_space<semaphore_mem>>) src(%dma_wait3A_1023 : memref<250000x128xi8, #tpu.memory_space<hbm>>) dst(%dma_wait3A_1017 : memref<128x128xi8, #tpu.memory_space<vmem>>)
      %dma_wait3A_1024 = arith.constant 0 : i32
      %dma_wait3A_1025 = arith.constant 1 : i32
      %dma_wait3A_1026 = arith.constant 128 : i32
      %dma_wait3A_1027 = arith.constant 0 : i32
      %dma_wait3A_1028 = tpu.memref_slice %arg7[%dma_wait3A_1026, %dma_wait3A_1027] : memref<512x128xi8, #tpu.memory_space<vmem>> -> memref<128x128xi8, #tpu.memory_space<vmem>>
      %dma_wait3A_1029 = arith.constant 0 : i32
      %dma_wait3A_1030 = tpu.memref_slice %arg6[%dma_wait3A_1024, %dma_wait3A_1025, %dma_wait3A_1029] : memref<2x4x128xi32, #tpu.memory_space<vmem>> -> memref<1x1x128xi32, #tpu.memory_space<vmem>>
      %dma_wait3A_1031 = tpu.memref_squeeze %dma_wait3A_1030 : memref<1x1x128xi32, #tpu.memory_space<vmem>> -> memref<128xi32, #tpu.memory_space<vmem>>
      %dma_wait3A_1032 = arith.constant 0 : i32
      %dma_wait3A_1033 = arith.constant 0 : i32
      %dma_wait3A_1034 = tpu.memref_slice %arg2[%dma_wait3A_1032, %dma_wait3A_1033] : memref<250000x128xi8, #tpu.memory_space<hbm>> -> memref<250000x128xi8, #tpu.memory_space<hbm>>
      tpu.wait_indirect_dma semaphore(%arg11 : memref<!tpu.dma_semaphore, #tpu.memory_space<semaphore_mem>>) src(%dma_wait3A_1034 : memref<250000x128xi8, #tpu.memory_space<hbm>>) dst(%dma_wait3A_1028 : memref<128x128xi8, #tpu.memory_space<vmem>>)
      %dma_wait3A_1035 = arith.constant 0 : i32
      %dma_wait3A_1036 = arith.constant 2 : i32
      %dma_wait3A_1037 = arith.constant 256 : i32
      %dma_wait3A_1038 = arith.constant 0 : i32
      %dma_wait3A_1039 = tpu.memref_slice %arg7[%dma_wait3A_1037, %dma_wait3A_1038] : memref<512x128xi8, #tpu.memory_space<vmem>> -> memref<128x128xi8, #tpu.memory_space<vmem>>
      %dma_wait3A_1040 = arith.constant 0 : i32
      %dma_wait3A_1041 = tpu.memref_slice %arg6[%dma_wait3A_1035, %dma_wait3A_1036, %dma_wait3A_1040] : memref<2x4x128xi32, #tpu.memory_space<vmem>> -> memref<1x1x128xi32, #tpu.memory_space<vmem>>
      %dma_wait3A_1042 = tpu.memref_squeeze %dma_wait3A_1041 : memref<1x1x128xi32, #tpu.memory_space<vmem>> -> memref<128xi32, #tpu.memory_space<vmem>>
      %dma_wait3A_1043 = arith.constant 0 : i32
      %dma_wait3A_1044 = arith.constant 0 : i32
      %dma_wait3A_1045 = tpu.memref_slice %arg2[%dma_wait3A_1043, %dma_wait3A_1044] : memref<250000x128xi8, #tpu.memory_space<hbm>> -> memref<250000x128xi8, #tpu.memory_space<hbm>>
      tpu.wait_indirect_dma semaphore(%arg11 : memref<!tpu.dma_semaphore, #tpu.memory_space<semaphore_mem>>) src(%dma_wait3A_1045 : memref<250000x128xi8, #tpu.memory_space<hbm>>) dst(%dma_wait3A_1039 : memref<128x128xi8, #tpu.memory_space<vmem>>)
      %dma_wait3A_1046 = arith.constant 0 : i32
      %dma_wait3A_1047 = arith.constant 3 : i32
      %dma_wait3A_1048 = arith.constant 384 : i32
      %dma_wait3A_1049 = arith.constant 0 : i32
      %dma_wait3A_1050 = tpu.memref_slice %arg7[%dma_wait3A_1048, %dma_wait3A_1049] : memref<512x128xi8, #tpu.memory_space<vmem>> -> memref<128x128xi8, #tpu.memory_space<vmem>>
      %dma_wait3A_1051 = arith.constant 0 : i32
      %dma_wait3A_1052 = tpu.memref_slice %arg6[%dma_wait3A_1046, %dma_wait3A_1047, %dma_wait3A_1051] : memref<2x4x128xi32, #tpu.memory_space<vmem>> -> memref<1x1x128xi32, #tpu.memory_space<vmem>>
      %dma_wait3A_1053 = tpu.memref_squeeze %dma_wait3A_1052 : memref<1x1x128xi32, #tpu.memory_space<vmem>> -> memref<128xi32, #tpu.memory_space<vmem>>
      %dma_wait3A_1054 = arith.constant 0 : i32
      %dma_wait3A_1055 = arith.constant 0 : i32
      %dma_wait3A_1056 = tpu.memref_slice %arg2[%dma_wait3A_1054, %dma_wait3A_1055] : memref<250000x128xi8, #tpu.memory_space<hbm>> -> memref<250000x128xi8, #tpu.memory_space<hbm>>
      tpu.wait_indirect_dma semaphore(%arg11 : memref<!tpu.dma_semaphore, #tpu.memory_space<semaphore_mem>>) src(%dma_wait3A_1056 : memref<250000x128xi8, #tpu.memory_space<hbm>>) dst(%dma_wait3A_1050 : memref<128x128xi8, #tpu.memory_space<vmem>>)
      %gt3A = arith.constant 0 : i32
      %gt3A_1057 = arith.cmpi sgt, %scan3A_542, %gt3A : i32
      %convert_element_type3A = arith.extui %gt3A_1057 : i1 to i32
      %cond3A = arith.constant 0 : i32
      %cond3A_1058 = arith.cmpi ne, %convert_element_type3A, %cond3A : i32
      scf.if %cond3A_1058 {
        %sub3A = arith.constant 2 : i32
        %sub3A_1630 = arith.subi %mul3A_544, %sub3A : i32
        %add3A_1631 = arith.addi %mul3A_2, %sub3A_1630 : i32
        %mul3A_1632 = arith.constant 512 : i32
        %mul3A_1633 = arith.muli %add3A_1631, %mul3A_1632 : i32
        %mul3A_1634 = arith.constant 52 : i32
        %mul3A_1635 = arith.muli %mul3A_1633, %mul3A_1634 : i32
        %dma_wait3A_1636 = arith.constant 0 : i32
        %dma_wait3A_1637 = arith.constant 0 : i32
        %dma_wait3A_1638 = tpu.memref_slice %arg10[%dma_wait3A_1636, %dma_wait3A_1637] : memref<2x26624xf32, #tpu.memory_space<vmem>> -> memref<1x26624xf32, #tpu.memory_space<vmem>>
        %dma_wait3A_1639 = tpu.memref_squeeze %dma_wait3A_1638 : memref<1x26624xf32, #tpu.memory_space<vmem>> -> memref<26624xf32, #tpu.memory_space<vmem>>
        %dma_wait3A_1640 = tpu.memref_slice %arg4[%mul3A_1635] : memref<42598400xf32, #tpu.memory_space<hbm>> -> memref<26624xf32, #tpu.memory_space<hbm>>
        %dma_wait3A_1641 = tpu.memref_slice %arg4[%mul3A_1635] : memref<42598400xf32, #tpu.memory_space<hbm>> -> memref<26624xf32, #tpu.memory_space<hbm>>
        %dma_wait3A_1642 = arith.constant 0 : i32
        %dma_wait3A_1643 = tpu.memref_slice %arg10[%dma_wait3A_1636, %dma_wait3A_1642] : memref<2x26624xf32, #tpu.memory_space<vmem>> -> memref<1x26624xf32, #tpu.memory_space<vmem>>
        %dma_wait3A_1644 = tpu.memref_squeeze %dma_wait3A_1643 : memref<1x26624xf32, #tpu.memory_space<vmem>> -> memref<26624xf32, #tpu.memory_space<vmem>>
        tpu.wait_dma2 semaphore(%arg13 : memref<!tpu.dma_semaphore, #tpu.memory_space<semaphore_mem>>) src(%dma_wait3A_1644 : memref<26624xf32, #tpu.memory_space<vmem>>) dst(%dma_wait3A_1641 : memref<26624xf32, #tpu.memory_space<hbm>>)
      } else {
      }
      %scan3A_1059 = arith.constant 0 : i32
      %scan3A_1060 = arith.constant 0 : i32
      %scan3A_1061 = arith.constant 128 : i32
      %scan3A_1062 = arith.addi %scan3A_1060, %scan3A_1061 : i32
      %scan3A_1063 = arith.constant 1 : i32
      scf.for %scan3A_1630 = %scan3A_1060 to %scan3A_1062 step %scan3A_1063  : i32 {
        %mul3A_1631 = arith.constant 4 : i32
        %mul3A_1632 = arith.muli %scan3A_1630, %mul3A_1631 : i32
        %add3A_1633 = arith.constant 0 : i32
        %add3A_1634 = arith.addi %mul3A_1632, %add3A_1633 : i32
        %get3A_1635 = arith.index_cast %add3A_1634 : i32 to index
        %get3A_1636 = arith.constant 0 : index
        %get3A_1637 = tpu.vector_load %arg7[%get3A_1635, %get3A_1636] {strides = array<i32>} : memref<512x128xi8, #tpu.memory_space<vmem>>, vector<64xi8>,
        %bitcast3A = vector.bitcast %get3A_1637 : vector<64xi8> to vector<16xi32>
        %get3A_1638 = arith.index_cast %add3A_1634 : i32 to index
        %get3A_1639 = arith.constant 64 : index
        %get3A_1640 = tpu.vector_load %arg7[%get3A_1638, %get3A_1639] {strides = array<i32>} : memref<512x128xi8, #tpu.memory_space<vmem>>, vector<64xi8>,
        %bitcast3A_1641 = vector.bitcast %get3A_1640 : vector<64xi8> to vector<16xi32>
        %swap3A_1642 = arith.index_cast %add3A_1634 : i32 to index
        %swap3A_1643 = arith.constant 0 : index
        %swap3A_1644 = tpu.vector_load %arg9[%swap3A_1642, %swap3A_1643] {strides = array<i32>} : memref<512x32xi32, #tpu.memory_space<vmem>>, vector<16xi32>,
        tpu.vector_store %arg9[%swap3A_1642, %swap3A_1643], %bitcast3A {strides = array<i32>} : memref<512x32xi32, #tpu.memory_space<vmem>>, vector<16xi32>,
        %swap3A_1645 = arith.index_cast %add3A_1634 : i32 to index
        %swap3A_1646 = arith.constant 16 : index
        %swap3A_1647 = tpu.vector_load %arg9[%swap3A_1645, %swap3A_1646] {strides = array<i32>} : memref<512x32xi32, #tpu.memory_space<vmem>>, vector<16xi32>,
        tpu.vector_store %arg9[%swap3A_1645, %swap3A_1646], %bitcast3A_1641 {strides = array<i32>} : memref<512x32xi32, #tpu.memory_space<vmem>>, vector<16xi32>,
        %mul3A_1648 = arith.constant 4 : i32
        %mul3A_1649 = arith.muli %scan3A_1630, %mul3A_1648 : i32
        %add3A_1650 = arith.constant 1 : i32
        %add3A_1651 = arith.addi %mul3A_1649, %add3A_1650 : i32
        %get3A_1652 = arith.index_cast %add3A_1651 : i32 to index
        %get3A_1653 = arith.constant 0 : index
        %get3A_1654 = tpu.vector_load %arg7[%get3A_1652, %get3A_1653] {strides = array<i32>} : memref<512x128xi8, #tpu.memory_space<vmem>>, vector<64xi8>,
        %bitcast3A_1655 = vector.bitcast %get3A_1654 : vector<64xi8> to vector<16xi32>
        %get3A_1656 = arith.index_cast %add3A_1651 : i32 to index
        %get3A_1657 = arith.constant 64 : index
        %get3A_1658 = tpu.vector_load %arg7[%get3A_1656, %get3A_1657] {strides = array<i32>} : memref<512x128xi8, #tpu.memory_space<vmem>>, vector<64xi8>,
        %bitcast3A_1659 = vector.bitcast %get3A_1658 : vector<64xi8> to vector<16xi32>
        %swap3A_1660 = arith.index_cast %add3A_1651 : i32 to index
        %swap3A_1661 = arith.constant 0 : index
        %swap3A_1662 = tpu.vector_load %arg9[%swap3A_1660, %swap3A_1661] {strides = array<i32>} : memref<512x32xi32, #tpu.memory_space<vmem>>, vector<16xi32>,
        tpu.vector_store %arg9[%swap3A_1660, %swap3A_1661], %bitcast3A_1655 {strides = array<i32>} : memref<512x32xi32, #tpu.memory_space<vmem>>, vector<16xi32>,
        %swap3A_1663 = arith.index_cast %add3A_1651 : i32 to index
        %swap3A_1664 = arith.constant 16 : index
        %swap3A_1665 = tpu.vector_load %arg9[%swap3A_1663, %swap3A_1664] {strides = array<i32>} : memref<512x32xi32, #tpu.memory_space<vmem>>, vector<16xi32>,
        tpu.vector_store %arg9[%swap3A_1663, %swap3A_1664], %bitcast3A_1659 {strides = array<i32>} : memref<512x32xi32, #tpu.memory_space<vmem>>, vector<16xi32>,
        %mul3A_1666 = arith.constant 4 : i32
        %mul3A_1667 = arith.muli %scan3A_1630, %mul3A_1666 : i32
        %add3A_1668 = arith.constant 2 : i32
        %add3A_1669 = arith.addi %mul3A_1667, %add3A_1668 : i32
        %get3A_1670 = arith.index_cast %add3A_1669 : i32 to index
        %get3A_1671 = arith.constant 0 : index
        %get3A_1672 = tpu.vector_load %arg7[%get3A_1670, %get3A_1671] {strides = array<i32>} : memref<512x128xi8, #tpu.memory_space<vmem>>, vector<64xi8>,
        %bitcast3A_1673 = vector.bitcast %get3A_1672 : vector<64xi8> to vector<16xi32>
        %get3A_1674 = arith.index_cast %add3A_1669 : i32 to index
        %get3A_1675 = arith.constant 64 : index
        %get3A_1676 = tpu.vector_load %arg7[%get3A_1674, %get3A_1675] {strides = array<i32>} : memref<512x128xi8, #tpu.memory_space<vmem>>, vector<64xi8>,
        %bitcast3A_1677 = vector.bitcast %get3A_1676 : vector<64xi8> to vector<16xi32>
        %swap3A_1678 = arith.index_cast %add3A_1669 : i32 to index
        %swap3A_1679 = arith.constant 0 : index
        %swap3A_1680 = tpu.vector_load %arg9[%swap3A_1678, %swap3A_1679] {strides = array<i32>} : memref<512x32xi32, #tpu.memory_space<vmem>>, vector<16xi32>,
        tpu.vector_store %arg9[%swap3A_1678, %swap3A_1679], %bitcast3A_1673 {strides = array<i32>} : memref<512x32xi32, #tpu.memory_space<vmem>>, vector<16xi32>,
        %swap3A_1681 = arith.index_cast %add3A_1669 : i32 to index
        %swap3A_1682 = arith.constant 16 : index
        %swap3A_1683 = tpu.vector_load %arg9[%swap3A_1681, %swap3A_1682] {strides = array<i32>} : memref<512x32xi32, #tpu.memory_space<vmem>>, vector<16xi32>,
        tpu.vector_store %arg9[%swap3A_1681, %swap3A_1682], %bitcast3A_1677 {strides = array<i32>} : memref<512x32xi32, #tpu.memory_space<vmem>>, vector<16xi32>,
        %mul3A_1684 = arith.constant 4 : i32
        %mul3A_1685 = arith.muli %scan3A_1630, %mul3A_1684 : i32
        %add3A_1686 = arith.constant 3 : i32
        %add3A_1687 = arith.addi %mul3A_1685, %add3A_1686 : i32
        %get3A_1688 = arith.index_cast %add3A_1687 : i32 to index
        %get3A_1689 = arith.constant 0 : index
        %get3A_1690 = tpu.vector_load %arg7[%get3A_1688, %get3A_1689] {strides = array<i32>} : memref<512x128xi8, #tpu.memory_space<vmem>>, vector<64xi8>,
        %bitcast3A_1691 = vector.bitcast %get3A_1690 : vector<64xi8> to vector<16xi32>
        %get3A_1692 = arith.index_cast %add3A_1687 : i32 to index
        %get3A_1693 = arith.constant 64 : index
        %get3A_1694 = tpu.vector_load %arg7[%get3A_1692, %get3A_1693] {strides = array<i32>} : memref<512x128xi8, #tpu.memory_space<vmem>>, vector<64xi8>,
        %bitcast3A_1695 = vector.bitcast %get3A_1694 : vector<64xi8> to vector<16xi32>
        %swap3A_1696 = arith.index_cast %add3A_1687 : i32 to index
        %swap3A_1697 = arith.constant 0 : index
        %swap3A_1698 = tpu.vector_load %arg9[%swap3A_1696, %swap3A_1697] {strides = array<i32>} : memref<512x32xi32, #tpu.memory_space<vmem>>, vector<16xi32>,
        tpu.vector_store %arg9[%swap3A_1696, %swap3A_1697], %bitcast3A_1691 {strides = array<i32>} : memref<512x32xi32, #tpu.memory_space<vmem>>, vector<16xi32>,
        %swap3A_1699 = arith.index_cast %add3A_1687 : i32 to index
        %swap3A_1700 = arith.constant 16 : index
        %swap3A_1701 = tpu.vector_load %arg9[%swap3A_1699, %swap3A_1700] {strides = array<i32>} : memref<512x32xi32, #tpu.memory_space<vmem>>, vector<16xi32>,
        tpu.vector_store %arg9[%swap3A_1699, %swap3A_1700], %bitcast3A_1695 {strides = array<i32>} : memref<512x32xi32, #tpu.memory_space<vmem>>, vector<16xi32>,
      }
      %scan3A_1064 = arith.constant 128 : i32
      %scan3A_1065 = arith.constant 0 : i32
      %scan3A_1066 = arith.constant 0 : i32
      %scan3A_1067 = arith.constant 32 : i32
      %scan3A_1068 = arith.addi %scan3A_1066, %scan3A_1067 : i32
      %scan3A_1069 = arith.constant 1 : i32
      scf.for %scan3A_1630 = %scan3A_1066 to %scan3A_1068 step %scan3A_1069  : i32 {
        %mul3A_1631 = arith.constant 16 : i32
        %mul3A_1632 = arith.muli %scan3A_1630, %mul3A_1631 : i32
        %add3A_1633 = vector.broadcast %mul3A_1632 : i32 to vector<16xi32>
        %add3A_1634 = arith.addi %add3A_1633, %iota3A : vector<16xi32>
        %mul3A_1635 = arith.constant 16 : i32
        %mul3A_1636 = arith.muli %scan3A_1630, %mul3A_1635 : i32
        %get3A_1637 = arith.constant 0 : i32
        %get3A_1638 = arith.index_cast %get3A_1637 : i32 to index
        %get3A_1639 = arith.index_cast %mul3A_1636 : i32 to index
        %get3A_1640 = tpu.vector_load %arg5[%get3A_1638, %get3A_1639] {strides = array<i32>} : memref<2x512xi32, #tpu.memory_space<vmem>>, vector<16xi32>,
        %and3A = arith.constant 3 : i32
        %and3A_1641 = vector.broadcast %and3A : i32 to vector<16xi32>
        %and3A_1642 = arith.andi %get3A_1640, %and3A_1641 : vector<16xi32>
        %shift_left3A = arith.constant 3 : i32
        %shift_left3A_1643 = vector.broadcast %shift_left3A : i32 to vector<16xi32>
        %shift_left3A_1644 = arith.shli %and3A_1642, %shift_left3A_1643 : vector<16xi32>
        %mul3A_1645 = arith.constant 52 : i32
        %mul3A_1646 = vector.broadcast %mul3A_1645 : i32 to vector<16xi32>
        %mul3A_1647 = arith.muli %add3A_1634, %mul3A_1646 : vector<16xi32>
        %add3A_1648 = arith.constant 0 : i32
        %add3A_1649 = vector.broadcast %add3A_1648 : i32 to vector<16xi32>
        %add3A_1650 = arith.addi %shift_left3A_1644, %add3A_1649 : vector<16xi32>
        %gather3A = tpu.vector_load_idx %arg9[%add3A_1634, %add3A_1650] : memref<512x32xi32, #tpu.memory_space<vmem>>[vector<16xi32>, vector<16xi32>], vector<16xi32>,
        %shift_right_arithmetic3A_1651 = arith.constant 0 : i32
        %shift_right_arithmetic3A_1652 = vector.broadcast %shift_right_arithmetic3A_1651 : i32 to vector<16xi32>
        %shift_right_arithmetic3A_1653 = arith.shrsi %gather3A, %shift_right_arithmetic3A_1652 : vector<16xi32>
        %and3A_1654 = arith.constant 15 : i32
        %and3A_1655 = vector.broadcast %and3A_1654 : i32 to vector<16xi32>
        %and3A_1656 = arith.andi %shift_right_arithmetic3A_1653, %and3A_1655 : vector<16xi32>
        %convert_element_type3A_1657 = arith.sitofp %and3A_1656 : vector<16xi32> to vector<16xf32>
        %mul3A_1658 = arith.constant 0.0666666701 : f32
        %mul3A_1659 = vector.broadcast %mul3A_1658 : f32 to vector<16xf32>
        %mul3A_1660 = arith.mulf %convert_element_type3A_1657, %mul3A_1659 : vector<16xf32>
        %add3A_1661 = arith.constant 0 : i32
        %add3A_1662 = vector.broadcast %add3A_1661 : i32 to vector<16xi32>
        %add3A_1663 = arith.addi %mul3A_1647, %add3A_1662 : vector<16xi32>
        %scatter3A = arith.constant 0 : i32
        %scatter3A_1664 = arith.constant 0 : i32
        %scatter3A_1665 = tpu.memref_slice %arg10[%scatter3A, %scatter3A_1664] : memref<2x26624xf32, #tpu.memory_space<vmem>> -> memref<1x26624xf32, #tpu.memory_space<vmem>>
        %scatter3A_1666 = tpu.memref_squeeze %scatter3A_1665 : memref<1x26624xf32, #tpu.memory_space<vmem>> -> memref<26624xf32, #tpu.memory_space<vmem>>
        tpu.vector_store_idx %scatter3A_1666[%add3A_1663], %mul3A_1660 : memref<26624xf32, #tpu.memory_space<vmem>>[vector<16xi32>], vector<16xf32>,
        %shift_right_arithmetic3A_1667 = arith.constant 4 : i32
        %shift_right_arithmetic3A_1668 = vector.broadcast %shift_right_arithmetic3A_1667 : i32 to vector<16xi32>
        %shift_right_arithmetic3A_1669 = arith.shrsi %gather3A, %shift_right_arithmetic3A_1668 : vector<16xi32>
        %and3A_1670 = arith.constant 15 : i32
        %and3A_1671 = vector.broadcast %and3A_1670 : i32 to vector<16xi32>
        %and3A_1672 = arith.andi %shift_right_arithmetic3A_1669, %and3A_1671 : vector<16xi32>
        %convert_element_type3A_1673 = arith.sitofp %and3A_1672 : vector<16xi32> to vector<16xf32>
        %mul3A_1674 = arith.constant 0.0666666701 : f32
        %mul3A_1675 = vector.broadcast %mul3A_1674 : f32 to vector<16xf32>
        %mul3A_1676 = arith.mulf %convert_element_type3A_1673, %mul3A_1675 : vector<16xf32>
        %add3A_1677 = arith.constant 1 : i32
        %add3A_1678 = vector.broadcast %add3A_1677 : i32 to vector<16xi32>
        %add3A_1679 = arith.addi %mul3A_1647, %add3A_1678 : vector<16xi32>
        %scatter3A_1680 = arith.constant 0 : i32
        %scatter3A_1681 = arith.constant 0 : i32
        %scatter3A_1682 = tpu.memref_slice %arg10[%scatter3A_1680, %scatter3A_1681] : memref<2x26624xf32, #tpu.memory_space<vmem>> -> memref<1x26624xf32, #tpu.memory_space<vmem>>
        %scatter3A_1683 = tpu.memref_squeeze %scatter3A_1682 : memref<1x26624xf32, #tpu.memory_space<vmem>> -> memref<26624xf32, #tpu.memory_space<vmem>>
        tpu.vector_store_idx %scatter3A_1683[%add3A_1679], %mul3A_1676 : memref<26624xf32, #tpu.memory_space<vmem>>[vector<16xi32>], vector<16xf32>,
        %shift_right_arithmetic3A_1684 = arith.constant 8 : i32
        %shift_right_arithmetic3A_1685 = vector.broadcast %shift_right_arithmetic3A_1684 : i32 to vector<16xi32>
        %shift_right_arithmetic3A_1686 = arith.shrsi %gather3A, %shift_right_arithmetic3A_1685 : vector<16xi32>
        %and3A_1687 = arith.constant 15 : i32
        %and3A_1688 = vector.broadcast %and3A_1687 : i32 to vector<16xi32>
        %and3A_1689 = arith.andi %shift_right_arithmetic3A_1686, %and3A_1688 : vector<16xi32>
        %convert_element_type3A_1690 = arith.sitofp %and3A_1689 : vector<16xi32> to vector<16xf32>
        %mul3A_1691 = arith.constant 0.0666666701 : f32
        %mul3A_1692 = vector.broadcast %mul3A_1691 : f32 to vector<16xf32>
        %mul3A_1693 = arith.mulf %convert_element_type3A_1690, %mul3A_1692 : vector<16xf32>
        %add3A_1694 = arith.constant 2 : i32
        %add3A_1695 = vector.broadcast %add3A_1694 : i32 to vector<16xi32>
        %add3A_1696 = arith.addi %mul3A_1647, %add3A_1695 : vector<16xi32>
        %scatter3A_1697 = arith.constant 0 : i32
        %scatter3A_1698 = arith.constant 0 : i32
        %scatter3A_1699 = tpu.memref_slice %arg10[%scatter3A_1697, %scatter3A_1698] : memref<2x26624xf32, #tpu.memory_space<vmem>> -> memref<1x26624xf32, #tpu.memory_space<vmem>>
        %scatter3A_1700 = tpu.memref_squeeze %scatter3A_1699 : memref<1x26624xf32, #tpu.memory_space<vmem>> -> memref<26624xf32, #tpu.memory_space<vmem>>
        tpu.vector_store_idx %scatter3A_1700[%add3A_1696], %mul3A_1693 : memref<26624xf32, #tpu.memory_space<vmem>>[vector<16xi32>], vector<16xf32>,
        %shift_right_arithmetic3A_1701 = arith.constant 12 : i32
        %shift_right_arithmetic3A_1702 = vector.broadcast %shift_right_arithmetic3A_1701 : i32 to vector<16xi32>
        %shift_right_arithmetic3A_1703 = arith.shrsi %gather3A, %shift_right_arithmetic3A_1702 : vector<16xi32>
        %and3A_1704 = arith.constant 15 : i32
        %and3A_1705 = vector.broadcast %and3A_1704 : i32 to vector<16xi32>
        %and3A_1706 = arith.andi %shift_right_arithmetic3A_1703, %and3A_1705 : vector<16xi32>
        %convert_element_type3A_1707 = arith.sitofp %and3A_1706 : vector<16xi32> to vector<16xf32>
        %mul3A_1708 = arith.constant 0.0666666701 : f32
        %mul3A_1709 = vector.broadcast %mul3A_1708 : f32 to vector<16xf32>
        %mul3A_1710 = arith.mulf %convert_element_type3A_1707, %mul3A_1709 : vector<16xf32>
        %add3A_1711 = arith.constant 3 : i32
        %add3A_1712 = vector.broadcast %add3A_1711 : i32 to vector<16xi32>
        %add3A_1713 = arith.addi %mul3A_1647, %add3A_1712 : vector<16xi32>
        %scatter3A_1714 = arith.constant 0 : i32
        %scatter3A_1715 = arith.constant 0 : i32
        %scatter3A_1716 = tpu.memref_slice %arg10[%scatter3A_1714, %scatter3A_1715] : memref<2x26624xf32, #tpu.memory_space<vmem>> -> memref<1x26624xf32, #tpu.memory_space<vmem>>
        %scatter3A_1717 = tpu.memref_squeeze %scatter3A_1716 : memref<1x26624xf32, #tpu.memory_space<vmem>> -> memref<26624xf32, #tpu.memory_space<vmem>>
        tpu.vector_store_idx %scatter3A_1717[%add3A_1713], %mul3A_1710 : memref<26624xf32, #tpu.memory_space<vmem>>[vector<16xi32>], vector<16xf32>,
        %shift_right_arithmetic3A_1718 = arith.constant 16 : i32
        %shift_right_arithmetic3A_1719 = vector.broadcast %shift_right_arithmetic3A_1718 : i32 to vector<16xi32>
        %shift_right_arithmetic3A_1720 = arith.shrsi %gather3A, %shift_right_arithmetic3A_1719 : vector<16xi32>
        %and3A_1721 = arith.constant 15 : i32
        %and3A_1722 = vector.broadcast %and3A_1721 : i32 to vector<16xi32>
        %and3A_1723 = arith.andi %shift_right_arithmetic3A_1720, %and3A_1722 : vector<16xi32>
        %convert_element_type3A_1724 = arith.sitofp %and3A_1723 : vector<16xi32> to vector<16xf32>
        %mul3A_1725 = arith.constant 0.0666666701 : f32
        %mul3A_1726 = vector.broadcast %mul3A_1725 : f32 to vector<16xf32>
        %mul3A_1727 = arith.mulf %convert_element_type3A_1724, %mul3A_1726 : vector<16xf32>
        %add3A_1728 = arith.constant 4 : i32
        %add3A_1729 = vector.broadcast %add3A_1728 : i32 to vector<16xi32>
        %add3A_1730 = arith.addi %mul3A_1647, %add3A_1729 : vector<16xi32>
        %scatter3A_1731 = arith.constant 0 : i32
        %scatter3A_1732 = arith.constant 0 : i32
        %scatter3A_1733 = tpu.memref_slice %arg10[%scatter3A_1731, %scatter3A_1732] : memref<2x26624xf32, #tpu.memory_space<vmem>> -> memref<1x26624xf32, #tpu.memory_space<vmem>>
        %scatter3A_1734 = tpu.memref_squeeze %scatter3A_1733 : memref<1x26624xf32, #tpu.memory_space<vmem>> -> memref<26624xf32, #tpu.memory_space<vmem>>
        tpu.vector_store_idx %scatter3A_1734[%add3A_1730], %mul3A_1727 : memref<26624xf32, #tpu.memory_space<vmem>>[vector<16xi32>], vector<16xf32>,
        %shift_right_arithmetic3A_1735 = arith.constant 20 : i32
        %shift_right_arithmetic3A_1736 = vector.broadcast %shift_right_arithmetic3A_1735 : i32 to vector<16xi32>
        %shift_right_arithmetic3A_1737 = arith.shrsi %gather3A, %shift_right_arithmetic3A_1736 : vector<16xi32>
        %and3A_1738 = arith.constant 15 : i32
        %and3A_1739 = vector.broadcast %and3A_1738 : i32 to vector<16xi32>
        %and3A_1740 = arith.andi %shift_right_arithmetic3A_1737, %and3A_1739 : vector<16xi32>
        %convert_element_type3A_1741 = arith.sitofp %and3A_1740 : vector<16xi32> to vector<16xf32>
        %mul3A_1742 = arith.constant 0.0666666701 : f32
        %mul3A_1743 = vector.broadcast %mul3A_1742 : f32 to vector<16xf32>
        %mul3A_1744 = arith.mulf %convert_element_type3A_1741, %mul3A_1743 : vector<16xf32>
        %add3A_1745 = arith.constant 5 : i32
        %add3A_1746 = vector.broadcast %add3A_1745 : i32 to vector<16xi32>
        %add3A_1747 = arith.addi %mul3A_1647, %add3A_1746 : vector<16xi32>
        %scatter3A_1748 = arith.constant 0 : i32
        %scatter3A_1749 = arith.constant 0 : i32
        %scatter3A_1750 = tpu.memref_slice %arg10[%scatter3A_1748, %scatter3A_1749] : memref<2x26624xf32, #tpu.memory_space<vmem>> -> memref<1x26624xf32, #tpu.memory_space<vmem>>
        %scatter3A_1751 = tpu.memref_squeeze %scatter3A_1750 : memref<1x26624xf32, #tpu.memory_space<vmem>> -> memref<26624xf32, #tpu.memory_space<vmem>>
        tpu.vector_store_idx %scatter3A_1751[%add3A_1747], %mul3A_1744 : memref<26624xf32, #tpu.memory_space<vmem>>[vector<16xi32>], vector<16xf32>,
        %shift_right_arithmetic3A_1752 = arith.constant 24 : i32
        %shift_right_arithmetic3A_1753 = vector.broadcast %shift_right_arithmetic3A_1752 : i32 to vector<16xi32>
        %shift_right_arithmetic3A_1754 = arith.shrsi %gather3A, %shift_right_arithmetic3A_1753 : vector<16xi32>
        %and3A_1755 = arith.constant 15 : i32
        %and3A_1756 = vector.broadcast %and3A_1755 : i32 to vector<16xi32>
        %and3A_1757 = arith.andi %shift_right_arithmetic3A_1754, %and3A_1756 : vector<16xi32>
        %convert_element_type3A_1758 = arith.sitofp %and3A_1757 : vector<16xi32> to vector<16xf32>
        %mul3A_1759 = arith.constant 0.0666666701 : f32
        %mul3A_1760 = vector.broadcast %mul3A_1759 : f32 to vector<16xf32>
        %mul3A_1761 = arith.mulf %convert_element_type3A_1758, %mul3A_1760 : vector<16xf32>
        %add3A_1762 = arith.constant 6 : i32
        %add3A_1763 = vector.broadcast %add3A_1762 : i32 to vector<16xi32>
        %add3A_1764 = arith.addi %mul3A_1647, %add3A_1763 : vector<16xi32>
        %scatter3A_1765 = arith.constant 0 : i32
        %scatter3A_1766 = arith.constant 0 : i32
        %scatter3A_1767 = tpu.memref_slice %arg10[%scatter3A_1765, %scatter3A_1766] : memref<2x26624xf32, #tpu.memory_space<vmem>> -> memref<1x26624xf32, #tpu.memory_space<vmem>>
        %scatter3A_1768 = tpu.memref_squeeze %scatter3A_1767 : memref<1x26624xf32, #tpu.memory_space<vmem>> -> memref<26624xf32, #tpu.memory_space<vmem>>
        tpu.vector_store_idx %scatter3A_1768[%add3A_1764], %mul3A_1761 : memref<26624xf32, #tpu.memory_space<vmem>>[vector<16xi32>], vector<16xf32>,
        %shift_right_arithmetic3A_1769 = arith.constant 28 : i32
        %shift_right_arithmetic3A_1770 = vector.broadcast %shift_right_arithmetic3A_1769 : i32 to vector<16xi32>
        %shift_right_arithmetic3A_1771 = arith.shrsi %gather3A, %shift_right_arithmetic3A_1770 : vector<16xi32>
        %and3A_1772 = arith.constant 15 : i32
        %and3A_1773 = vector.broadcast %and3A_1772 : i32 to vector<16xi32>
        %and3A_1774 = arith.andi %shift_right_arithmetic3A_1771, %and3A_1773 : vector<16xi32>
        %convert_element_type3A_1775 = arith.sitofp %and3A_1774 : vector<16xi32> to vector<16xf32>
        %mul3A_1776 = arith.constant 0.0666666701 : f32
        %mul3A_1777 = vector.broadcast %mul3A_1776 : f32 to vector<16xf32>
        %mul3A_1778 = arith.mulf %convert_element_type3A_1775, %mul3A_1777 : vector<16xf32>
        %add3A_1779 = arith.constant 7 : i32
        %add3A_1780 = vector.broadcast %add3A_1779 : i32 to vector<16xi32>
        %add3A_1781 = arith.addi %mul3A_1647, %add3A_1780 : vector<16xi32>
        %scatter3A_1782 = arith.constant 0 : i32
        %scatter3A_1783 = arith.constant 0 : i32
        %scatter3A_1784 = tpu.memref_slice %arg10[%scatter3A_1782, %scatter3A_1783] : memref<2x26624xf32, #tpu.memory_space<vmem>> -> memref<1x26624xf32, #tpu.memory_space<vmem>>
        %scatter3A_1785 = tpu.memref_squeeze %scatter3A_1784 : memref<1x26624xf32, #tpu.memory_space<vmem>> -> memref<26624xf32, #tpu.memory_space<vmem>>
        tpu.vector_store_idx %scatter3A_1785[%add3A_1781], %mul3A_1778 : memref<26624xf32, #tpu.memory_space<vmem>>[vector<16xi32>], vector<16xf32>,
        %add3A_1786 = arith.constant 1 : i32
        %add3A_1787 = vector.broadcast %add3A_1786 : i32 to vector<16xi32>
        %add3A_1788 = arith.addi %shift_left3A_1644, %add3A_1787 : vector<16xi32>
        %gather3A_1789 = tpu.vector_load_idx %arg9[%add3A_1634, %add3A_1788] : memref<512x32xi32, #tpu.memory_space<vmem>>[vector<16xi32>, vector<16xi32>], vector<16xi32>,
        %shift_right_arithmetic3A_1790 = arith.constant 0 : i32
        %shift_right_arithmetic3A_1791 = vector.broadcast %shift_right_arithmetic3A_1790 : i32 to vector<16xi32>
        %shift_right_arithmetic3A_1792 = arith.shrsi %gather3A_1789, %shift_right_arithmetic3A_1791 : vector<16xi32>
        %and3A_1793 = arith.constant 15 : i32
        %and3A_1794 = vector.broadcast %and3A_1793 : i32 to vector<16xi32>
        %and3A_1795 = arith.andi %shift_right_arithmetic3A_1792, %and3A_1794 : vector<16xi32>
        %convert_element_type3A_1796 = arith.sitofp %and3A_1795 : vector<16xi32> to vector<16xf32>
        %mul3A_1797 = arith.constant 0.0666666701 : f32
        %mul3A_1798 = vector.broadcast %mul3A_1797 : f32 to vector<16xf32>
        %mul3A_1799 = arith.mulf %convert_element_type3A_1796, %mul3A_1798 : vector<16xf32>
        %add3A_1800 = arith.constant 8 : i32
        %add3A_1801 = vector.broadcast %add3A_1800 : i32 to vector<16xi32>
        %add3A_1802 = arith.addi %mul3A_1647, %add3A_1801 : vector<16xi32>
        %scatter3A_1803 = arith.constant 0 : i32
        %scatter3A_1804 = arith.constant 0 : i32
        %scatter3A_1805 = tpu.memref_slice %arg10[%scatter3A_1803, %scatter3A_1804] : memref<2x26624xf32, #tpu.memory_space<vmem>> -> memref<1x26624xf32, #tpu.memory_space<vmem>>
        %scatter3A_1806 = tpu.memref_squeeze %scatter3A_1805 : memref<1x26624xf32, #tpu.memory_space<vmem>> -> memref<26624xf32, #tpu.memory_space<vmem>>
        tpu.vector_store_idx %scatter3A_1806[%add3A_1802], %mul3A_1799 : memref<26624xf32, #tpu.memory_space<vmem>>[vector<16xi32>], vector<16xf32>,
        %shift_right_arithmetic3A_1807 = arith.constant 4 : i32
        %shift_right_arithmetic3A_1808 = vector.broadcast %shift_right_arithmetic3A_1807 : i32 to vector<16xi32>
        %shift_right_arithmetic3A_1809 = arith.shrsi %gather3A_1789, %shift_right_arithmetic3A_1808 : vector<16xi32>
        %and3A_1810 = arith.constant 15 : i32
        %and3A_1811 = vector.broadcast %and3A_1810 : i32 to vector<16xi32>
        %and3A_1812 = arith.andi %shift_right_arithmetic3A_1809, %and3A_1811 : vector<16xi32>
        %convert_element_type3A_1813 = arith.sitofp %and3A_1812 : vector<16xi32> to vector<16xf32>
        %mul3A_1814 = arith.constant 0.0666666701 : f32
        %mul3A_1815 = vector.broadcast %mul3A_1814 : f32 to vector<16xf32>
        %mul3A_1816 = arith.mulf %convert_element_type3A_1813, %mul3A_1815 : vector<16xf32>
        %add3A_1817 = arith.constant 9 : i32
        %add3A_1818 = vector.broadcast %add3A_1817 : i32 to vector<16xi32>
        %add3A_1819 = arith.addi %mul3A_1647, %add3A_1818 : vector<16xi32>
        %scatter3A_1820 = arith.constant 0 : i32
        %scatter3A_1821 = arith.constant 0 : i32
        %scatter3A_1822 = tpu.memref_slice %arg10[%scatter3A_1820, %scatter3A_1821] : memref<2x26624xf32, #tpu.memory_space<vmem>> -> memref<1x26624xf32, #tpu.memory_space<vmem>>
        %scatter3A_1823 = tpu.memref_squeeze %scatter3A_1822 : memref<1x26624xf32, #tpu.memory_space<vmem>> -> memref<26624xf32, #tpu.memory_space<vmem>>
        tpu.vector_store_idx %scatter3A_1823[%add3A_1819], %mul3A_1816 : memref<26624xf32, #tpu.memory_space<vmem>>[vector<16xi32>], vector<16xf32>,
        %shift_right_arithmetic3A_1824 = arith.constant 8 : i32
        %shift_right_arithmetic3A_1825 = vector.broadcast %shift_right_arithmetic3A_1824 : i32 to vector<16xi32>
        %shift_right_arithmetic3A_1826 = arith.shrsi %gather3A_1789, %shift_right_arithmetic3A_1825 : vector<16xi32>
        %and3A_1827 = arith.constant 15 : i32
        %and3A_1828 = vector.broadcast %and3A_1827 : i32 to vector<16xi32>
        %and3A_1829 = arith.andi %shift_right_arithmetic3A_1826, %and3A_1828 : vector<16xi32>
        %convert_element_type3A_1830 = arith.sitofp %and3A_1829 : vector<16xi32> to vector<16xf32>
        %mul3A_1831 = arith.constant 0.0666666701 : f32
        %mul3A_1832 = vector.broadcast %mul3A_1831 : f32 to vector<16xf32>
        %mul3A_1833 = arith.mulf %convert_element_type3A_1830, %mul3A_1832 : vector<16xf32>
        %add3A_1834 = arith.constant 10 : i32
        %add3A_1835 = vector.broadcast %add3A_1834 : i32 to vector<16xi32>
        %add3A_1836 = arith.addi %mul3A_1647, %add3A_1835 : vector<16xi32>
        %scatter3A_1837 = arith.constant 0 : i32
        %scatter3A_1838 = arith.constant 0 : i32
        %scatter3A_1839 = tpu.memref_slice %arg10[%scatter3A_1837, %scatter3A_1838] : memref<2x26624xf32, #tpu.memory_space<vmem>> -> memref<1x26624xf32, #tpu.memory_space<vmem>>
        %scatter3A_1840 = tpu.memref_squeeze %scatter3A_1839 : memref<1x26624xf32, #tpu.memory_space<vmem>> -> memref<26624xf32, #tpu.memory_space<vmem>>
        tpu.vector_store_idx %scatter3A_1840[%add3A_1836], %mul3A_1833 : memref<26624xf32, #tpu.memory_space<vmem>>[vector<16xi32>], vector<16xf32>,
        %shift_right_arithmetic3A_1841 = arith.constant 12 : i32
        %shift_right_arithmetic3A_1842 = vector.broadcast %shift_right_arithmetic3A_1841 : i32 to vector<16xi32>
        %shift_right_arithmetic3A_1843 = arith.shrsi %gather3A_1789, %shift_right_arithmetic3A_1842 : vector<16xi32>
        %and3A_1844 = arith.constant 15 : i32
        %and3A_1845 = vector.broadcast %and3A_1844 : i32 to vector<16xi32>
        %and3A_1846 = arith.andi %shift_right_arithmetic3A_1843, %and3A_1845 : vector<16xi32>
        %convert_element_type3A_1847 = arith.sitofp %and3A_1846 : vector<16xi32> to vector<16xf32>
        %mul3A_1848 = arith.constant 0.0666666701 : f32
        %mul3A_1849 = vector.broadcast %mul3A_1848 : f32 to vector<16xf32>
        %mul3A_1850 = arith.mulf %convert_element_type3A_1847, %mul3A_1849 : vector<16xf32>
        %add3A_1851 = arith.constant 11 : i32
        %add3A_1852 = vector.broadcast %add3A_1851 : i32 to vector<16xi32>
        %add3A_1853 = arith.addi %mul3A_1647, %add3A_1852 : vector<16xi32>
        %scatter3A_1854 = arith.constant 0 : i32
        %scatter3A_1855 = arith.constant 0 : i32
        %scatter3A_1856 = tpu.memref_slice %arg10[%scatter3A_1854, %scatter3A_1855] : memref<2x26624xf32, #tpu.memory_space<vmem>> -> memref<1x26624xf32, #tpu.memory_space<vmem>>
        %scatter3A_1857 = tpu.memref_squeeze %scatter3A_1856 : memref<1x26624xf32, #tpu.memory_space<vmem>> -> memref<26624xf32, #tpu.memory_space<vmem>>
        tpu.vector_store_idx %scatter3A_1857[%add3A_1853], %mul3A_1850 : memref<26624xf32, #tpu.memory_space<vmem>>[vector<16xi32>], vector<16xf32>,
        %shift_right_arithmetic3A_1858 = arith.constant 16 : i32
        %shift_right_arithmetic3A_1859 = vector.broadcast %shift_right_arithmetic3A_1858 : i32 to vector<16xi32>
        %shift_right_arithmetic3A_1860 = arith.shrsi %gather3A_1789, %shift_right_arithmetic3A_1859 : vector<16xi32>
        %and3A_1861 = arith.constant 15 : i32
        %and3A_1862 = vector.broadcast %and3A_1861 : i32 to vector<16xi32>
        %and3A_1863 = arith.andi %shift_right_arithmetic3A_1860, %and3A_1862 : vector<16xi32>
        %convert_element_type3A_1864 = arith.sitofp %and3A_1863 : vector<16xi32> to vector<16xf32>
        %mul3A_1865 = arith.constant 0.0666666701 : f32
        %mul3A_1866 = vector.broadcast %mul3A_1865 : f32 to vector<16xf32>
        %mul3A_1867 = arith.mulf %convert_element_type3A_1864, %mul3A_1866 : vector<16xf32>
        %add3A_1868 = arith.constant 12 : i32
        %add3A_1869 = vector.broadcast %add3A_1868 : i32 to vector<16xi32>
        %add3A_1870 = arith.addi %mul3A_1647, %add3A_1869 : vector<16xi32>
        %scatter3A_1871 = arith.constant 0 : i32
        %scatter3A_1872 = arith.constant 0 : i32
        %scatter3A_1873 = tpu.memref_slice %arg10[%scatter3A_1871, %scatter3A_1872] : memref<2x26624xf32, #tpu.memory_space<vmem>> -> memref<1x26624xf32, #tpu.memory_space<vmem>>
        %scatter3A_1874 = tpu.memref_squeeze %scatter3A_1873 : memref<1x26624xf32, #tpu.memory_space<vmem>> -> memref<26624xf32, #tpu.memory_space<vmem>>
        tpu.vector_store_idx %scatter3A_1874[%add3A_1870], %mul3A_1867 : memref<26624xf32, #tpu.memory_space<vmem>>[vector<16xi32>], vector<16xf32>,
        %shift_right_arithmetic3A_1875 = arith.constant 20 : i32
        %shift_right_arithmetic3A_1876 = vector.broadcast %shift_right_arithmetic3A_1875 : i32 to vector<16xi32>
        %shift_right_arithmetic3A_1877 = arith.shrsi %gather3A_1789, %shift_right_arithmetic3A_1876 : vector<16xi32>
        %and3A_1878 = arith.constant 15 : i32
        %and3A_1879 = vector.broadcast %and3A_1878 : i32 to vector<16xi32>
        %and3A_1880 = arith.andi %shift_right_arithmetic3A_1877, %and3A_1879 : vector<16xi32>
        %convert_element_type3A_1881 = arith.sitofp %and3A_1880 : vector<16xi32> to vector<16xf32>
        %mul3A_1882 = arith.constant 0.0666666701 : f32
        %mul3A_1883 = vector.broadcast %mul3A_1882 : f32 to vector<16xf32>
        %mul3A_1884 = arith.mulf %convert_element_type3A_1881, %mul3A_1883 : vector<16xf32>
        %add3A_1885 = arith.constant 13 : i32
        %add3A_1886 = vector.broadcast %add3A_1885 : i32 to vector<16xi32>
        %add3A_1887 = arith.addi %mul3A_1647, %add3A_1886 : vector<16xi32>
        %scatter3A_1888 = arith.constant 0 : i32
        %scatter3A_1889 = arith.constant 0 : i32
        %scatter3A_1890 = tpu.memref_slice %arg10[%scatter3A_1888, %scatter3A_1889] : memref<2x26624xf32, #tpu.memory_space<vmem>> -> memref<1x26624xf32, #tpu.memory_space<vmem>>
        %scatter3A_1891 = tpu.memref_squeeze %scatter3A_1890 : memref<1x26624xf32, #tpu.memory_space<vmem>> -> memref<26624xf32, #tpu.memory_space<vmem>>
        tpu.vector_store_idx %scatter3A_1891[%add3A_1887], %mul3A_1884 : memref<26624xf32, #tpu.memory_space<vmem>>[vector<16xi32>], vector<16xf32>,
        %shift_right_arithmetic3A_1892 = arith.constant 24 : i32
        %shift_right_arithmetic3A_1893 = vector.broadcast %shift_right_arithmetic3A_1892 : i32 to vector<16xi32>
        %shift_right_arithmetic3A_1894 = arith.shrsi %gather3A_1789, %shift_right_arithmetic3A_1893 : vector<16xi32>
        %and3A_1895 = arith.constant 15 : i32
        %and3A_1896 = vector.broadcast %and3A_1895 : i32 to vector<16xi32>
        %and3A_1897 = arith.andi %shift_right_arithmetic3A_1894, %and3A_1896 : vector<16xi32>
        %convert_element_type3A_1898 = arith.sitofp %and3A_1897 : vector<16xi32> to vector<16xf32>
        %mul3A_1899 = arith.constant 0.0666666701 : f32
        %mul3A_1900 = vector.broadcast %mul3A_1899 : f32 to vector<16xf32>
        %mul3A_1901 = arith.mulf %convert_element_type3A_1898, %mul3A_1900 : vector<16xf32>
        %add3A_1902 = arith.constant 14 : i32
        %add3A_1903 = vector.broadcast %add3A_1902 : i32 to vector<16xi32>
        %add3A_1904 = arith.addi %mul3A_1647, %add3A_1903 : vector<16xi32>
        %scatter3A_1905 = arith.constant 0 : i32
        %scatter3A_1906 = arith.constant 0 : i32
        %scatter3A_1907 = tpu.memref_slice %arg10[%scatter3A_1905, %scatter3A_1906] : memref<2x26624xf32, #tpu.memory_space<vmem>> -> memref<1x26624xf32, #tpu.memory_space<vmem>>
        %scatter3A_1908 = tpu.memref_squeeze %scatter3A_1907 : memref<1x26624xf32, #tpu.memory_space<vmem>> -> memref<26624xf32, #tpu.memory_space<vmem>>
        tpu.vector_store_idx %scatter3A_1908[%add3A_1904], %mul3A_1901 : memref<26624xf32, #tpu.memory_space<vmem>>[vector<16xi32>], vector<16xf32>,
        %shift_right_arithmetic3A_1909 = arith.constant 28 : i32
        %shift_right_arithmetic3A_1910 = vector.broadcast %shift_right_arithmetic3A_1909 : i32 to vector<16xi32>
        %shift_right_arithmetic3A_1911 = arith.shrsi %gather3A_1789, %shift_right_arithmetic3A_1910 : vector<16xi32>
        %and3A_1912 = arith.constant 15 : i32
        %and3A_1913 = vector.broadcast %and3A_1912 : i32 to vector<16xi32>
        %and3A_1914 = arith.andi %shift_right_arithmetic3A_1911, %and3A_1913 : vector<16xi32>
        %convert_element_type3A_1915 = arith.sitofp %and3A_1914 : vector<16xi32> to vector<16xf32>
        %mul3A_1916 = arith.constant 0.0666666701 : f32
        %mul3A_1917 = vector.broadcast %mul3A_1916 : f32 to vector<16xf32>
        %mul3A_1918 = arith.mulf %convert_element_type3A_1915, %mul3A_1917 : vector<16xf32>
        %add3A_1919 = arith.constant 15 : i32
        %add3A_1920 = vector.broadcast %add3A_1919 : i32 to vector<16xi32>
        %add3A_1921 = arith.addi %mul3A_1647, %add3A_1920 : vector<16xi32>
        %scatter3A_1922 = arith.constant 0 : i32
        %scatter3A_1923 = arith.constant 0 : i32
        %scatter3A_1924 = tpu.memref_slice %arg10[%scatter3A_1922, %scatter3A_1923] : memref<2x26624xf32, #tpu.memory_space<vmem>> -> memref<1x26624xf32, #tpu.memory_space<vmem>>
        %scatter3A_1925 = tpu.memref_squeeze %scatter3A_1924 : memref<1x26624xf32, #tpu.memory_space<vmem>> -> memref<26624xf32, #tpu.memory_space<vmem>>
        tpu.vector_store_idx %scatter3A_1925[%add3A_1921], %mul3A_1918 : memref<26624xf32, #tpu.memory_space<vmem>>[vector<16xi32>], vector<16xf32>,
        %add3A_1926 = arith.constant 2 : i32
        %add3A_1927 = vector.broadcast %add3A_1926 : i32 to vector<16xi32>
        %add3A_1928 = arith.addi %shift_left3A_1644, %add3A_1927 : vector<16xi32>
        %gather3A_1929 = tpu.vector_load_idx %arg9[%add3A_1634, %add3A_1928] : memref<512x32xi32, #tpu.memory_space<vmem>>[vector<16xi32>, vector<16xi32>], vector<16xi32>,
        %shift_right_arithmetic3A_1930 = arith.constant 0 : i32
        %shift_right_arithmetic3A_1931 = vector.broadcast %shift_right_arithmetic3A_1930 : i32 to vector<16xi32>
        %shift_right_arithmetic3A_1932 = arith.shrsi %gather3A_1929, %shift_right_arithmetic3A_1931 : vector<16xi32>
        %and3A_1933 = arith.constant 15 : i32
        %and3A_1934 = vector.broadcast %and3A_1933 : i32 to vector<16xi32>
        %and3A_1935 = arith.andi %shift_right_arithmetic3A_1932, %and3A_1934 : vector<16xi32>
        %convert_element_type3A_1936 = arith.sitofp %and3A_1935 : vector<16xi32> to vector<16xf32>
        %mul3A_1937 = arith.constant 0.0666666701 : f32
        %mul3A_1938 = vector.broadcast %mul3A_1937 : f32 to vector<16xf32>
        %mul3A_1939 = arith.mulf %convert_element_type3A_1936, %mul3A_1938 : vector<16xf32>
        %add3A_1940 = arith.constant 16 : i32
        %add3A_1941 = vector.broadcast %add3A_1940 : i32 to vector<16xi32>
        %add3A_1942 = arith.addi %mul3A_1647, %add3A_1941 : vector<16xi32>
        %scatter3A_1943 = arith.constant 0 : i32
        %scatter3A_1944 = arith.constant 0 : i32
        %scatter3A_1945 = tpu.memref_slice %arg10[%scatter3A_1943, %scatter3A_1944] : memref<2x26624xf32, #tpu.memory_space<vmem>> -> memref<1x26624xf32, #tpu.memory_space<vmem>>
        %scatter3A_1946 = tpu.memref_squeeze %scatter3A_1945 : memref<1x26624xf32, #tpu.memory_space<vmem>> -> memref<26624xf32, #tpu.memory_space<vmem>>
        tpu.vector_store_idx %scatter3A_1946[%add3A_1942], %mul3A_1939 : memref<26624xf32, #tpu.memory_space<vmem>>[vector<16xi32>], vector<16xf32>,
        %shift_right_arithmetic3A_1947 = arith.constant 4 : i32
        %shift_right_arithmetic3A_1948 = vector.broadcast %shift_right_arithmetic3A_1947 : i32 to vector<16xi32>
        %shift_right_arithmetic3A_1949 = arith.shrsi %gather3A_1929, %shift_right_arithmetic3A_1948 : vector<16xi32>
        %and3A_1950 = arith.constant 15 : i32
        %and3A_1951 = vector.broadcast %and3A_1950 : i32 to vector<16xi32>
        %and3A_1952 = arith.andi %shift_right_arithmetic3A_1949, %and3A_1951 : vector<16xi32>
        %convert_element_type3A_1953 = arith.sitofp %and3A_1952 : vector<16xi32> to vector<16xf32>
        %mul3A_1954 = arith.constant 0.0666666701 : f32
        %mul3A_1955 = vector.broadcast %mul3A_1954 : f32 to vector<16xf32>
        %mul3A_1956 = arith.mulf %convert_element_type3A_1953, %mul3A_1955 : vector<16xf32>
        %add3A_1957 = arith.constant 17 : i32
        %add3A_1958 = vector.broadcast %add3A_1957 : i32 to vector<16xi32>
        %add3A_1959 = arith.addi %mul3A_1647, %add3A_1958 : vector<16xi32>
        %scatter3A_1960 = arith.constant 0 : i32
        %scatter3A_1961 = arith.constant 0 : i32
        %scatter3A_1962 = tpu.memref_slice %arg10[%scatter3A_1960, %scatter3A_1961] : memref<2x26624xf32, #tpu.memory_space<vmem>> -> memref<1x26624xf32, #tpu.memory_space<vmem>>
        %scatter3A_1963 = tpu.memref_squeeze %scatter3A_1962 : memref<1x26624xf32, #tpu.memory_space<vmem>> -> memref<26624xf32, #tpu.memory_space<vmem>>
        tpu.vector_store_idx %scatter3A_1963[%add3A_1959], %mul3A_1956 : memref<26624xf32, #tpu.memory_space<vmem>>[vector<16xi32>], vector<16xf32>,
        %shift_right_arithmetic3A_1964 = arith.constant 8 : i32
        %shift_right_arithmetic3A_1965 = vector.broadcast %shift_right_arithmetic3A_1964 : i32 to vector<16xi32>
        %shift_right_arithmetic3A_1966 = arith.shrsi %gather3A_1929, %shift_right_arithmetic3A_1965 : vector<16xi32>
        %and3A_1967 = arith.constant 15 : i32
        %and3A_1968 = vector.broadcast %and3A_1967 : i32 to vector<16xi32>
        %and3A_1969 = arith.andi %shift_right_arithmetic3A_1966, %and3A_1968 : vector<16xi32>
        %convert_element_type3A_1970 = arith.sitofp %and3A_1969 : vector<16xi32> to vector<16xf32>
        %mul3A_1971 = arith.constant 0.0666666701 : f32
        %mul3A_1972 = vector.broadcast %mul3A_1971 : f32 to vector<16xf32>
        %mul3A_1973 = arith.mulf %convert_element_type3A_1970, %mul3A_1972 : vector<16xf32>
        %add3A_1974 = arith.constant 18 : i32
        %add3A_1975 = vector.broadcast %add3A_1974 : i32 to vector<16xi32>
        %add3A_1976 = arith.addi %mul3A_1647, %add3A_1975 : vector<16xi32>
        %scatter3A_1977 = arith.constant 0 : i32
        %scatter3A_1978 = arith.constant 0 : i32
        %scatter3A_1979 = tpu.memref_slice %arg10[%scatter3A_1977, %scatter3A_1978] : memref<2x26624xf32, #tpu.memory_space<vmem>> -> memref<1x26624xf32, #tpu.memory_space<vmem>>
        %scatter3A_1980 = tpu.memref_squeeze %scatter3A_1979 : memref<1x26624xf32, #tpu.memory_space<vmem>> -> memref<26624xf32, #tpu.memory_space<vmem>>
        tpu.vector_store_idx %scatter3A_1980[%add3A_1976], %mul3A_1973 : memref<26624xf32, #tpu.memory_space<vmem>>[vector<16xi32>], vector<16xf32>,
        %shift_right_arithmetic3A_1981 = arith.constant 12 : i32
        %shift_right_arithmetic3A_1982 = vector.broadcast %shift_right_arithmetic3A_1981 : i32 to vector<16xi32>
        %shift_right_arithmetic3A_1983 = arith.shrsi %gather3A_1929, %shift_right_arithmetic3A_1982 : vector<16xi32>
        %and3A_1984 = arith.constant 15 : i32
        %and3A_1985 = vector.broadcast %and3A_1984 : i32 to vector<16xi32>
        %and3A_1986 = arith.andi %shift_right_arithmetic3A_1983, %and3A_1985 : vector<16xi32>
        %convert_element_type3A_1987 = arith.sitofp %and3A_1986 : vector<16xi32> to vector<16xf32>
        %mul3A_1988 = arith.constant 0.0666666701 : f32
        %mul3A_1989 = vector.broadcast %mul3A_1988 : f32 to vector<16xf32>
        %mul3A_1990 = arith.mulf %convert_element_type3A_1987, %mul3A_1989 : vector<16xf32>
        %add3A_1991 = arith.constant 19 : i32
        %add3A_1992 = vector.broadcast %add3A_1991 : i32 to vector<16xi32>
        %add3A_1993 = arith.addi %mul3A_1647, %add3A_1992 : vector<16xi32>
        %scatter3A_1994 = arith.constant 0 : i32
        %scatter3A_1995 = arith.constant 0 : i32
        %scatter3A_1996 = tpu.memref_slice %arg10[%scatter3A_1994, %scatter3A_1995] : memref<2x26624xf32, #tpu.memory_space<vmem>> -> memref<1x26624xf32, #tpu.memory_space<vmem>>
        %scatter3A_1997 = tpu.memref_squeeze %scatter3A_1996 : memref<1x26624xf32, #tpu.memory_space<vmem>> -> memref<26624xf32, #tpu.memory_space<vmem>>
        tpu.vector_store_idx %scatter3A_1997[%add3A_1993], %mul3A_1990 : memref<26624xf32, #tpu.memory_space<vmem>>[vector<16xi32>], vector<16xf32>,
        %shift_right_arithmetic3A_1998 = arith.constant 16 : i32
        %shift_right_arithmetic3A_1999 = vector.broadcast %shift_right_arithmetic3A_1998 : i32 to vector<16xi32>
        %shift_right_arithmetic3A_2000 = arith.shrsi %gather3A_1929, %shift_right_arithmetic3A_1999 : vector<16xi32>
        %and3A_2001 = arith.constant 15 : i32
        %and3A_2002 = vector.broadcast %and3A_2001 : i32 to vector<16xi32>
        %and3A_2003 = arith.andi %shift_right_arithmetic3A_2000, %and3A_2002 : vector<16xi32>
        %convert_element_type3A_2004 = arith.sitofp %and3A_2003 : vector<16xi32> to vector<16xf32>
        %mul3A_2005 = arith.constant 0.0666666701 : f32
        %mul3A_2006 = vector.broadcast %mul3A_2005 : f32 to vector<16xf32>
        %mul3A_2007 = arith.mulf %convert_element_type3A_2004, %mul3A_2006 : vector<16xf32>
        %add3A_2008 = arith.constant 20 : i32
        %add3A_2009 = vector.broadcast %add3A_2008 : i32 to vector<16xi32>
        %add3A_2010 = arith.addi %mul3A_1647, %add3A_2009 : vector<16xi32>
        %scatter3A_2011 = arith.constant 0 : i32
        %scatter3A_2012 = arith.constant 0 : i32
        %scatter3A_2013 = tpu.memref_slice %arg10[%scatter3A_2011, %scatter3A_2012] : memref<2x26624xf32, #tpu.memory_space<vmem>> -> memref<1x26624xf32, #tpu.memory_space<vmem>>
        %scatter3A_2014 = tpu.memref_squeeze %scatter3A_2013 : memref<1x26624xf32, #tpu.memory_space<vmem>> -> memref<26624xf32, #tpu.memory_space<vmem>>
        tpu.vector_store_idx %scatter3A_2014[%add3A_2010], %mul3A_2007 : memref<26624xf32, #tpu.memory_space<vmem>>[vector<16xi32>], vector<16xf32>,
        %shift_right_arithmetic3A_2015 = arith.constant 20 : i32
        %shift_right_arithmetic3A_2016 = vector.broadcast %shift_right_arithmetic3A_2015 : i32 to vector<16xi32>
        %shift_right_arithmetic3A_2017 = arith.shrsi %gather3A_1929, %shift_right_arithmetic3A_2016 : vector<16xi32>
        %and3A_2018 = arith.constant 15 : i32
        %and3A_2019 = vector.broadcast %and3A_2018 : i32 to vector<16xi32>
        %and3A_2020 = arith.andi %shift_right_arithmetic3A_2017, %and3A_2019 : vector<16xi32>
        %convert_element_type3A_2021 = arith.sitofp %and3A_2020 : vector<16xi32> to vector<16xf32>
        %mul3A_2022 = arith.constant 0.0666666701 : f32
        %mul3A_2023 = vector.broadcast %mul3A_2022 : f32 to vector<16xf32>
        %mul3A_2024 = arith.mulf %convert_element_type3A_2021, %mul3A_2023 : vector<16xf32>
        %add3A_2025 = arith.constant 21 : i32
        %add3A_2026 = vector.broadcast %add3A_2025 : i32 to vector<16xi32>
        %add3A_2027 = arith.addi %mul3A_1647, %add3A_2026 : vector<16xi32>
        %scatter3A_2028 = arith.constant 0 : i32
        %scatter3A_2029 = arith.constant 0 : i32
        %scatter3A_2030 = tpu.memref_slice %arg10[%scatter3A_2028, %scatter3A_2029] : memref<2x26624xf32, #tpu.memory_space<vmem>> -> memref<1x26624xf32, #tpu.memory_space<vmem>>
        %scatter3A_2031 = tpu.memref_squeeze %scatter3A_2030 : memref<1x26624xf32, #tpu.memory_space<vmem>> -> memref<26624xf32, #tpu.memory_space<vmem>>
        tpu.vector_store_idx %scatter3A_2031[%add3A_2027], %mul3A_2024 : memref<26624xf32, #tpu.memory_space<vmem>>[vector<16xi32>], vector<16xf32>,
        %shift_right_arithmetic3A_2032 = arith.constant 24 : i32
        %shift_right_arithmetic3A_2033 = vector.broadcast %shift_right_arithmetic3A_2032 : i32 to vector<16xi32>
        %shift_right_arithmetic3A_2034 = arith.shrsi %gather3A_1929, %shift_right_arithmetic3A_2033 : vector<16xi32>
        %and3A_2035 = arith.constant 15 : i32
        %and3A_2036 = vector.broadcast %and3A_2035 : i32 to vector<16xi32>
        %and3A_2037 = arith.andi %shift_right_arithmetic3A_2034, %and3A_2036 : vector<16xi32>
        %convert_element_type3A_2038 = arith.sitofp %and3A_2037 : vector<16xi32> to vector<16xf32>
        %mul3A_2039 = arith.constant 0.0666666701 : f32
        %mul3A_2040 = vector.broadcast %mul3A_2039 : f32 to vector<16xf32>
        %mul3A_2041 = arith.mulf %convert_element_type3A_2038, %mul3A_2040 : vector<16xf32>
        %add3A_2042 = arith.constant 22 : i32
        %add3A_2043 = vector.broadcast %add3A_2042 : i32 to vector<16xi32>
        %add3A_2044 = arith.addi %mul3A_1647, %add3A_2043 : vector<16xi32>
        %scatter3A_2045 = arith.constant 0 : i32
        %scatter3A_2046 = arith.constant 0 : i32
        %scatter3A_2047 = tpu.memref_slice %arg10[%scatter3A_2045, %scatter3A_2046] : memref<2x26624xf32, #tpu.memory_space<vmem>> -> memref<1x26624xf32, #tpu.memory_space<vmem>>
        %scatter3A_2048 = tpu.memref_squeeze %scatter3A_2047 : memref<1x26624xf32, #tpu.memory_space<vmem>> -> memref<26624xf32, #tpu.memory_space<vmem>>
        tpu.vector_store_idx %scatter3A_2048[%add3A_2044], %mul3A_2041 : memref<26624xf32, #tpu.memory_space<vmem>>[vector<16xi32>], vector<16xf32>,
        %shift_right_arithmetic3A_2049 = arith.constant 28 : i32
        %shift_right_arithmetic3A_2050 = vector.broadcast %shift_right_arithmetic3A_2049 : i32 to vector<16xi32>
        %shift_right_arithmetic3A_2051 = arith.shrsi %gather3A_1929, %shift_right_arithmetic3A_2050 : vector<16xi32>
        %and3A_2052 = arith.constant 15 : i32
        %and3A_2053 = vector.broadcast %and3A_2052 : i32 to vector<16xi32>
        %and3A_2054 = arith.andi %shift_right_arithmetic3A_2051, %and3A_2053 : vector<16xi32>
        %convert_element_type3A_2055 = arith.sitofp %and3A_2054 : vector<16xi32> to vector<16xf32>
        %mul3A_2056 = arith.constant 0.0666666701 : f32
        %mul3A_2057 = vector.broadcast %mul3A_2056 : f32 to vector<16xf32>
        %mul3A_2058 = arith.mulf %convert_element_type3A_2055, %mul3A_2057 : vector<16xf32>
        %add3A_2059 = arith.constant 23 : i32
        %add3A_2060 = vector.broadcast %add3A_2059 : i32 to vector<16xi32>
        %add3A_2061 = arith.addi %mul3A_1647, %add3A_2060 : vector<16xi32>
        %scatter3A_2062 = arith.constant 0 : i32
        %scatter3A_2063 = arith.constant 0 : i32
        %scatter3A_2064 = tpu.memref_slice %arg10[%scatter3A_2062, %scatter3A_2063] : memref<2x26624xf32, #tpu.memory_space<vmem>> -> memref<1x26624xf32, #tpu.memory_space<vmem>>
        %scatter3A_2065 = tpu.memref_squeeze %scatter3A_2064 : memref<1x26624xf32, #tpu.memory_space<vmem>> -> memref<26624xf32, #tpu.memory_space<vmem>>
        tpu.vector_store_idx %scatter3A_2065[%add3A_2061], %mul3A_2058 : memref<26624xf32, #tpu.memory_space<vmem>>[vector<16xi32>], vector<16xf32>,
        %add3A_2066 = arith.constant 3 : i32
        %add3A_2067 = vector.broadcast %add3A_2066 : i32 to vector<16xi32>
        %add3A_2068 = arith.addi %shift_left3A_1644, %add3A_2067 : vector<16xi32>
        %gather3A_2069 = tpu.vector_load_idx %arg9[%add3A_1634, %add3A_2068] : memref<512x32xi32, #tpu.memory_space<vmem>>[vector<16xi32>, vector<16xi32>], vector<16xi32>,
        %shift_right_arithmetic3A_2070 = arith.constant 0 : i32
        %shift_right_arithmetic3A_2071 = vector.broadcast %shift_right_arithmetic3A_2070 : i32 to vector<16xi32>
        %shift_right_arithmetic3A_2072 = arith.shrsi %gather3A_2069, %shift_right_arithmetic3A_2071 : vector<16xi32>
        %and3A_2073 = arith.constant 15 : i32
        %and3A_2074 = vector.broadcast %and3A_2073 : i32 to vector<16xi32>
        %and3A_2075 = arith.andi %shift_right_arithmetic3A_2072, %and3A_2074 : vector<16xi32>
        %convert_element_type3A_2076 = arith.sitofp %and3A_2075 : vector<16xi32> to vector<16xf32>
        %mul3A_2077 = arith.constant 0.0666666701 : f32
        %mul3A_2078 = vector.broadcast %mul3A_2077 : f32 to vector<16xf32>
        %mul3A_2079 = arith.mulf %convert_element_type3A_2076, %mul3A_2078 : vector<16xf32>
        %add3A_2080 = arith.constant 24 : i32
        %add3A_2081 = vector.broadcast %add3A_2080 : i32 to vector<16xi32>
        %add3A_2082 = arith.addi %mul3A_1647, %add3A_2081 : vector<16xi32>
        %scatter3A_2083 = arith.constant 0 : i32
        %scatter3A_2084 = arith.constant 0 : i32
        %scatter3A_2085 = tpu.memref_slice %arg10[%scatter3A_2083, %scatter3A_2084] : memref<2x26624xf32, #tpu.memory_space<vmem>> -> memref<1x26624xf32, #tpu.memory_space<vmem>>
        %scatter3A_2086 = tpu.memref_squeeze %scatter3A_2085 : memref<1x26624xf32, #tpu.memory_space<vmem>> -> memref<26624xf32, #tpu.memory_space<vmem>>
        tpu.vector_store_idx %scatter3A_2086[%add3A_2082], %mul3A_2079 : memref<26624xf32, #tpu.memory_space<vmem>>[vector<16xi32>], vector<16xf32>,
        %shift_right_arithmetic3A_2087 = arith.constant 4 : i32
        %shift_right_arithmetic3A_2088 = vector.broadcast %shift_right_arithmetic3A_2087 : i32 to vector<16xi32>
        %shift_right_arithmetic3A_2089 = arith.shrsi %gather3A_2069, %shift_right_arithmetic3A_2088 : vector<16xi32>
        %and3A_2090 = arith.constant 15 : i32
        %and3A_2091 = vector.broadcast %and3A_2090 : i32 to vector<16xi32>
        %and3A_2092 = arith.andi %shift_right_arithmetic3A_2089, %and3A_2091 : vector<16xi32>
        %convert_element_type3A_2093 = arith.sitofp %and3A_2092 : vector<16xi32> to vector<16xf32>
        %mul3A_2094 = arith.constant 0.0666666701 : f32
        %mul3A_2095 = vector.broadcast %mul3A_2094 : f32 to vector<16xf32>
        %mul3A_2096 = arith.mulf %convert_element_type3A_2093, %mul3A_2095 : vector<16xf32>
        %add3A_2097 = arith.constant 25 : i32
        %add3A_2098 = vector.broadcast %add3A_2097 : i32 to vector<16xi32>
        %add3A_2099 = arith.addi %mul3A_1647, %add3A_2098 : vector<16xi32>
        %scatter3A_2100 = arith.constant 0 : i32
        %scatter3A_2101 = arith.constant 0 : i32
        %scatter3A_2102 = tpu.memref_slice %arg10[%scatter3A_2100, %scatter3A_2101] : memref<2x26624xf32, #tpu.memory_space<vmem>> -> memref<1x26624xf32, #tpu.memory_space<vmem>>
        %scatter3A_2103 = tpu.memref_squeeze %scatter3A_2102 : memref<1x26624xf32, #tpu.memory_space<vmem>> -> memref<26624xf32, #tpu.memory_space<vmem>>
        tpu.vector_store_idx %scatter3A_2103[%add3A_2099], %mul3A_2096 : memref<26624xf32, #tpu.memory_space<vmem>>[vector<16xi32>], vector<16xf32>,
        %shift_right_arithmetic3A_2104 = arith.constant 8 : i32
        %shift_right_arithmetic3A_2105 = vector.broadcast %shift_right_arithmetic3A_2104 : i32 to vector<16xi32>
        %shift_right_arithmetic3A_2106 = arith.shrsi %gather3A_2069, %shift_right_arithmetic3A_2105 : vector<16xi32>
        %and3A_2107 = arith.constant 15 : i32
        %and3A_2108 = vector.broadcast %and3A_2107 : i32 to vector<16xi32>
        %and3A_2109 = arith.andi %shift_right_arithmetic3A_2106, %and3A_2108 : vector<16xi32>
        %convert_element_type3A_2110 = arith.sitofp %and3A_2109 : vector<16xi32> to vector<16xf32>
        %mul3A_2111 = arith.constant 0.0666666701 : f32
        %mul3A_2112 = vector.broadcast %mul3A_2111 : f32 to vector<16xf32>
        %mul3A_2113 = arith.mulf %convert_element_type3A_2110, %mul3A_2112 : vector<16xf32>
        %add3A_2114 = arith.constant 26 : i32
        %add3A_2115 = vector.broadcast %add3A_2114 : i32 to vector<16xi32>
        %add3A_2116 = arith.addi %mul3A_1647, %add3A_2115 : vector<16xi32>
        %scatter3A_2117 = arith.constant 0 : i32
        %scatter3A_2118 = arith.constant 0 : i32
        %scatter3A_2119 = tpu.memref_slice %arg10[%scatter3A_2117, %scatter3A_2118] : memref<2x26624xf32, #tpu.memory_space<vmem>> -> memref<1x26624xf32, #tpu.memory_space<vmem>>
        %scatter3A_2120 = tpu.memref_squeeze %scatter3A_2119 : memref<1x26624xf32, #tpu.memory_space<vmem>> -> memref<26624xf32, #tpu.memory_space<vmem>>
        tpu.vector_store_idx %scatter3A_2120[%add3A_2116], %mul3A_2113 : memref<26624xf32, #tpu.memory_space<vmem>>[vector<16xi32>], vector<16xf32>,
        %shift_right_arithmetic3A_2121 = arith.constant 12 : i32
        %shift_right_arithmetic3A_2122 = vector.broadcast %shift_right_arithmetic3A_2121 : i32 to vector<16xi32>
        %shift_right_arithmetic3A_2123 = arith.shrsi %gather3A_2069, %shift_right_arithmetic3A_2122 : vector<16xi32>
        %and3A_2124 = arith.constant 15 : i32
        %and3A_2125 = vector.broadcast %and3A_2124 : i32 to vector<16xi32>
        %and3A_2126 = arith.andi %shift_right_arithmetic3A_2123, %and3A_2125 : vector<16xi32>
        %convert_element_type3A_2127 = arith.sitofp %and3A_2126 : vector<16xi32> to vector<16xf32>
        %mul3A_2128 = arith.constant 0.0666666701 : f32
        %mul3A_2129 = vector.broadcast %mul3A_2128 : f32 to vector<16xf32>
        %mul3A_2130 = arith.mulf %convert_element_type3A_2127, %mul3A_2129 : vector<16xf32>
        %add3A_2131 = arith.constant 27 : i32
        %add3A_2132 = vector.broadcast %add3A_2131 : i32 to vector<16xi32>
        %add3A_2133 = arith.addi %mul3A_1647, %add3A_2132 : vector<16xi32>
        %scatter3A_2134 = arith.constant 0 : i32
        %scatter3A_2135 = arith.constant 0 : i32
        %scatter3A_2136 = tpu.memref_slice %arg10[%scatter3A_2134, %scatter3A_2135] : memref<2x26624xf32, #tpu.memory_space<vmem>> -> memref<1x26624xf32, #tpu.memory_space<vmem>>
        %scatter3A_2137 = tpu.memref_squeeze %scatter3A_2136 : memref<1x26624xf32, #tpu.memory_space<vmem>> -> memref<26624xf32, #tpu.memory_space<vmem>>
        tpu.vector_store_idx %scatter3A_2137[%add3A_2133], %mul3A_2130 : memref<26624xf32, #tpu.memory_space<vmem>>[vector<16xi32>], vector<16xf32>,
        %shift_right_arithmetic3A_2138 = arith.constant 16 : i32
        %shift_right_arithmetic3A_2139 = vector.broadcast %shift_right_arithmetic3A_2138 : i32 to vector<16xi32>
        %shift_right_arithmetic3A_2140 = arith.shrsi %gather3A_2069, %shift_right_arithmetic3A_2139 : vector<16xi32>
        %and3A_2141 = arith.constant 15 : i32
        %and3A_2142 = vector.broadcast %and3A_2141 : i32 to vector<16xi32>
        %and3A_2143 = arith.andi %shift_right_arithmetic3A_2140, %and3A_2142 : vector<16xi32>
        %convert_element_type3A_2144 = arith.sitofp %and3A_2143 : vector<16xi32> to vector<16xf32>
        %mul3A_2145 = arith.constant 0.0666666701 : f32
        %mul3A_2146 = vector.broadcast %mul3A_2145 : f32 to vector<16xf32>
        %mul3A_2147 = arith.mulf %convert_element_type3A_2144, %mul3A_2146 : vector<16xf32>
        %add3A_2148 = arith.constant 28 : i32
        %add3A_2149 = vector.broadcast %add3A_2148 : i32 to vector<16xi32>
        %add3A_2150 = arith.addi %mul3A_1647, %add3A_2149 : vector<16xi32>
        %scatter3A_2151 = arith.constant 0 : i32
        %scatter3A_2152 = arith.constant 0 : i32
        %scatter3A_2153 = tpu.memref_slice %arg10[%scatter3A_2151, %scatter3A_2152] : memref<2x26624xf32, #tpu.memory_space<vmem>> -> memref<1x26624xf32, #tpu.memory_space<vmem>>
        %scatter3A_2154 = tpu.memref_squeeze %scatter3A_2153 : memref<1x26624xf32, #tpu.memory_space<vmem>> -> memref<26624xf32, #tpu.memory_space<vmem>>
        tpu.vector_store_idx %scatter3A_2154[%add3A_2150], %mul3A_2147 : memref<26624xf32, #tpu.memory_space<vmem>>[vector<16xi32>], vector<16xf32>,
        %shift_right_arithmetic3A_2155 = arith.constant 20 : i32
        %shift_right_arithmetic3A_2156 = vector.broadcast %shift_right_arithmetic3A_2155 : i32 to vector<16xi32>
        %shift_right_arithmetic3A_2157 = arith.shrsi %gather3A_2069, %shift_right_arithmetic3A_2156 : vector<16xi32>
        %and3A_2158 = arith.constant 15 : i32
        %and3A_2159 = vector.broadcast %and3A_2158 : i32 to vector<16xi32>
        %and3A_2160 = arith.andi %shift_right_arithmetic3A_2157, %and3A_2159 : vector<16xi32>
        %convert_element_type3A_2161 = arith.sitofp %and3A_2160 : vector<16xi32> to vector<16xf32>
        %mul3A_2162 = arith.constant 0.0666666701 : f32
        %mul3A_2163 = vector.broadcast %mul3A_2162 : f32 to vector<16xf32>
        %mul3A_2164 = arith.mulf %convert_element_type3A_2161, %mul3A_2163 : vector<16xf32>
        %add3A_2165 = arith.constant 29 : i32
        %add3A_2166 = vector.broadcast %add3A_2165 : i32 to vector<16xi32>
        %add3A_2167 = arith.addi %mul3A_1647, %add3A_2166 : vector<16xi32>
        %scatter3A_2168 = arith.constant 0 : i32
        %scatter3A_2169 = arith.constant 0 : i32
        %scatter3A_2170 = tpu.memref_slice %arg10[%scatter3A_2168, %scatter3A_2169] : memref<2x26624xf32, #tpu.memory_space<vmem>> -> memref<1x26624xf32, #tpu.memory_space<vmem>>
        %scatter3A_2171 = tpu.memref_squeeze %scatter3A_2170 : memref<1x26624xf32, #tpu.memory_space<vmem>> -> memref<26624xf32, #tpu.memory_space<vmem>>
        tpu.vector_store_idx %scatter3A_2171[%add3A_2167], %mul3A_2164 : memref<26624xf32, #tpu.memory_space<vmem>>[vector<16xi32>], vector<16xf32>,
        %shift_right_arithmetic3A_2172 = arith.constant 24 : i32
        %shift_right_arithmetic3A_2173 = vector.broadcast %shift_right_arithmetic3A_2172 : i32 to vector<16xi32>
        %shift_right_arithmetic3A_2174 = arith.shrsi %gather3A_2069, %shift_right_arithmetic3A_2173 : vector<16xi32>
        %and3A_2175 = arith.constant 15 : i32
        %and3A_2176 = vector.broadcast %and3A_2175 : i32 to vector<16xi32>
        %and3A_2177 = arith.andi %shift_right_arithmetic3A_2174, %and3A_2176 : vector<16xi32>
        %convert_element_type3A_2178 = arith.sitofp %and3A_2177 : vector<16xi32> to vector<16xf32>
        %mul3A_2179 = arith.constant 0.0666666701 : f32
        %mul3A_2180 = vector.broadcast %mul3A_2179 : f32 to vector<16xf32>
        %mul3A_2181 = arith.mulf %convert_element_type3A_2178, %mul3A_2180 : vector<16xf32>
        %add3A_2182 = arith.constant 30 : i32
        %add3A_2183 = vector.broadcast %add3A_2182 : i32 to vector<16xi32>
        %add3A_2184 = arith.addi %mul3A_1647, %add3A_2183 : vector<16xi32>
        %scatter3A_2185 = arith.constant 0 : i32
        %scatter3A_2186 = arith.constant 0 : i32
        %scatter3A_2187 = tpu.memref_slice %arg10[%scatter3A_2185, %scatter3A_2186] : memref<2x26624xf32, #tpu.memory_space<vmem>> -> memref<1x26624xf32, #tpu.memory_space<vmem>>
        %scatter3A_2188 = tpu.memref_squeeze %scatter3A_2187 : memref<1x26624xf32, #tpu.memory_space<vmem>> -> memref<26624xf32, #tpu.memory_space<vmem>>
        tpu.vector_store_idx %scatter3A_2188[%add3A_2184], %mul3A_2181 : memref<26624xf32, #tpu.memory_space<vmem>>[vector<16xi32>], vector<16xf32>,
        %shift_right_arithmetic3A_2189 = arith.constant 28 : i32
        %shift_right_arithmetic3A_2190 = vector.broadcast %shift_right_arithmetic3A_2189 : i32 to vector<16xi32>
        %shift_right_arithmetic3A_2191 = arith.shrsi %gather3A_2069, %shift_right_arithmetic3A_2190 : vector<16xi32>
        %and3A_2192 = arith.constant 15 : i32
        %and3A_2193 = vector.broadcast %and3A_2192 : i32 to vector<16xi32>
        %and3A_2194 = arith.andi %shift_right_arithmetic3A_2191, %and3A_2193 : vector<16xi32>
        %convert_element_type3A_2195 = arith.sitofp %and3A_2194 : vector<16xi32> to vector<16xf32>
        %mul3A_2196 = arith.constant 0.0666666701 : f32
        %mul3A_2197 = vector.broadcast %mul3A_2196 : f32 to vector<16xf32>
        %mul3A_2198 = arith.mulf %convert_element_type3A_2195, %mul3A_2197 : vector<16xf32>
        %add3A_2199 = arith.constant 31 : i32
        %add3A_2200 = vector.broadcast %add3A_2199 : i32 to vector<16xi32>
        %add3A_2201 = arith.addi %mul3A_1647, %add3A_2200 : vector<16xi32>
        %scatter3A_2202 = arith.constant 0 : i32
        %scatter3A_2203 = arith.constant 0 : i32
        %scatter3A_2204 = tpu.memref_slice %arg10[%scatter3A_2202, %scatter3A_2203] : memref<2x26624xf32, #tpu.memory_space<vmem>> -> memref<1x26624xf32, #tpu.memory_space<vmem>>
        %scatter3A_2205 = tpu.memref_squeeze %scatter3A_2204 : memref<1x26624xf32, #tpu.memory_space<vmem>> -> memref<26624xf32, #tpu.memory_space<vmem>>
        tpu.vector_store_idx %scatter3A_2205[%add3A_2201], %mul3A_2198 : memref<26624xf32, #tpu.memory_space<vmem>>[vector<16xi32>], vector<16xf32>,
        %add3A_2206 = arith.constant 4 : i32
        %add3A_2207 = vector.broadcast %add3A_2206 : i32 to vector<16xi32>
        %add3A_2208 = arith.addi %shift_left3A_1644, %add3A_2207 : vector<16xi32>
        %gather3A_2209 = tpu.vector_load_idx %arg9[%add3A_1634, %add3A_2208] : memref<512x32xi32, #tpu.memory_space<vmem>>[vector<16xi32>, vector<16xi32>], vector<16xi32>,
        %shift_right_arithmetic3A_2210 = arith.constant 0 : i32
        %shift_right_arithmetic3A_2211 = vector.broadcast %shift_right_arithmetic3A_2210 : i32 to vector<16xi32>
        %shift_right_arithmetic3A_2212 = arith.shrsi %gather3A_2209, %shift_right_arithmetic3A_2211 : vector<16xi32>
        %and3A_2213 = arith.constant 15 : i32
        %and3A_2214 = vector.broadcast %and3A_2213 : i32 to vector<16xi32>
        %and3A_2215 = arith.andi %shift_right_arithmetic3A_2212, %and3A_2214 : vector<16xi32>
        %convert_element_type3A_2216 = arith.sitofp %and3A_2215 : vector<16xi32> to vector<16xf32>
        %mul3A_2217 = arith.constant 0.0666666701 : f32
        %mul3A_2218 = vector.broadcast %mul3A_2217 : f32 to vector<16xf32>
        %mul3A_2219 = arith.mulf %convert_element_type3A_2216, %mul3A_2218 : vector<16xf32>
        %add3A_2220 = arith.constant 32 : i32
        %add3A_2221 = vector.broadcast %add3A_2220 : i32 to vector<16xi32>
        %add3A_2222 = arith.addi %mul3A_1647, %add3A_2221 : vector<16xi32>
        %scatter3A_2223 = arith.constant 0 : i32
        %scatter3A_2224 = arith.constant 0 : i32
        %scatter3A_2225 = tpu.memref_slice %arg10[%scatter3A_2223, %scatter3A_2224] : memref<2x26624xf32, #tpu.memory_space<vmem>> -> memref<1x26624xf32, #tpu.memory_space<vmem>>
        %scatter3A_2226 = tpu.memref_squeeze %scatter3A_2225 : memref<1x26624xf32, #tpu.memory_space<vmem>> -> memref<26624xf32, #tpu.memory_space<vmem>>
        tpu.vector_store_idx %scatter3A_2226[%add3A_2222], %mul3A_2219 : memref<26624xf32, #tpu.memory_space<vmem>>[vector<16xi32>], vector<16xf32>,
        %shift_right_arithmetic3A_2227 = arith.constant 4 : i32
        %shift_right_arithmetic3A_2228 = vector.broadcast %shift_right_arithmetic3A_2227 : i32 to vector<16xi32>
        %shift_right_arithmetic3A_2229 = arith.shrsi %gather3A_2209, %shift_right_arithmetic3A_2228 : vector<16xi32>
        %and3A_2230 = arith.constant 15 : i32
        %and3A_2231 = vector.broadcast %and3A_2230 : i32 to vector<16xi32>
        %and3A_2232 = arith.andi %shift_right_arithmetic3A_2229, %and3A_2231 : vector<16xi32>
        %convert_element_type3A_2233 = arith.sitofp %and3A_2232 : vector<16xi32> to vector<16xf32>
        %mul3A_2234 = arith.constant 0.0666666701 : f32
        %mul3A_2235 = vector.broadcast %mul3A_2234 : f32 to vector<16xf32>
        %mul3A_2236 = arith.mulf %convert_element_type3A_2233, %mul3A_2235 : vector<16xf32>
        %add3A_2237 = arith.constant 33 : i32
        %add3A_2238 = vector.broadcast %add3A_2237 : i32 to vector<16xi32>
        %add3A_2239 = arith.addi %mul3A_1647, %add3A_2238 : vector<16xi32>
        %scatter3A_2240 = arith.constant 0 : i32
        %scatter3A_2241 = arith.constant 0 : i32
        %scatter3A_2242 = tpu.memref_slice %arg10[%scatter3A_2240, %scatter3A_2241] : memref<2x26624xf32, #tpu.memory_space<vmem>> -> memref<1x26624xf32, #tpu.memory_space<vmem>>
        %scatter3A_2243 = tpu.memref_squeeze %scatter3A_2242 : memref<1x26624xf32, #tpu.memory_space<vmem>> -> memref<26624xf32, #tpu.memory_space<vmem>>
        tpu.vector_store_idx %scatter3A_2243[%add3A_2239], %mul3A_2236 : memref<26624xf32, #tpu.memory_space<vmem>>[vector<16xi32>], vector<16xf32>,
        %shift_right_arithmetic3A_2244 = arith.constant 8 : i32
        %shift_right_arithmetic3A_2245 = vector.broadcast %shift_right_arithmetic3A_2244 : i32 to vector<16xi32>
        %shift_right_arithmetic3A_2246 = arith.shrsi %gather3A_2209, %shift_right_arithmetic3A_2245 : vector<16xi32>
        %and3A_2247 = arith.constant 15 : i32
        %and3A_2248 = vector.broadcast %and3A_2247 : i32 to vector<16xi32>
        %and3A_2249 = arith.andi %shift_right_arithmetic3A_2246, %and3A_2248 : vector<16xi32>
        %convert_element_type3A_2250 = arith.sitofp %and3A_2249 : vector<16xi32> to vector<16xf32>
        %mul3A_2251 = arith.constant 0.0666666701 : f32
        %mul3A_2252 = vector.broadcast %mul3A_2251 : f32 to vector<16xf32>
        %mul3A_2253 = arith.mulf %convert_element_type3A_2250, %mul3A_2252 : vector<16xf32>
        %add3A_2254 = arith.constant 34 : i32
        %add3A_2255 = vector.broadcast %add3A_2254 : i32 to vector<16xi32>
        %add3A_2256 = arith.addi %mul3A_1647, %add3A_2255 : vector<16xi32>
        %scatter3A_2257 = arith.constant 0 : i32
        %scatter3A_2258 = arith.constant 0 : i32
        %scatter3A_2259 = tpu.memref_slice %arg10[%scatter3A_2257, %scatter3A_2258] : memref<2x26624xf32, #tpu.memory_space<vmem>> -> memref<1x26624xf32, #tpu.memory_space<vmem>>
        %scatter3A_2260 = tpu.memref_squeeze %scatter3A_2259 : memref<1x26624xf32, #tpu.memory_space<vmem>> -> memref<26624xf32, #tpu.memory_space<vmem>>
        tpu.vector_store_idx %scatter3A_2260[%add3A_2256], %mul3A_2253 : memref<26624xf32, #tpu.memory_space<vmem>>[vector<16xi32>], vector<16xf32>,
        %shift_right_arithmetic3A_2261 = arith.constant 12 : i32
        %shift_right_arithmetic3A_2262 = vector.broadcast %shift_right_arithmetic3A_2261 : i32 to vector<16xi32>
        %shift_right_arithmetic3A_2263 = arith.shrsi %gather3A_2209, %shift_right_arithmetic3A_2262 : vector<16xi32>
        %and3A_2264 = arith.constant 15 : i32
        %and3A_2265 = vector.broadcast %and3A_2264 : i32 to vector<16xi32>
        %and3A_2266 = arith.andi %shift_right_arithmetic3A_2263, %and3A_2265 : vector<16xi32>
        %convert_element_type3A_2267 = arith.sitofp %and3A_2266 : vector<16xi32> to vector<16xf32>
        %mul3A_2268 = arith.constant 0.0666666701 : f32
        %mul3A_2269 = vector.broadcast %mul3A_2268 : f32 to vector<16xf32>
        %mul3A_2270 = arith.mulf %convert_element_type3A_2267, %mul3A_2269 : vector<16xf32>
        %add3A_2271 = arith.constant 35 : i32
        %add3A_2272 = vector.broadcast %add3A_2271 : i32 to vector<16xi32>
        %add3A_2273 = arith.addi %mul3A_1647, %add3A_2272 : vector<16xi32>
        %scatter3A_2274 = arith.constant 0 : i32
        %scatter3A_2275 = arith.constant 0 : i32
        %scatter3A_2276 = tpu.memref_slice %arg10[%scatter3A_2274, %scatter3A_2275] : memref<2x26624xf32, #tpu.memory_space<vmem>> -> memref<1x26624xf32, #tpu.memory_space<vmem>>
        %scatter3A_2277 = tpu.memref_squeeze %scatter3A_2276 : memref<1x26624xf32, #tpu.memory_space<vmem>> -> memref<26624xf32, #tpu.memory_space<vmem>>
        tpu.vector_store_idx %scatter3A_2277[%add3A_2273], %mul3A_2270 : memref<26624xf32, #tpu.memory_space<vmem>>[vector<16xi32>], vector<16xf32>,
        %shift_right_arithmetic3A_2278 = arith.constant 16 : i32
        %shift_right_arithmetic3A_2279 = vector.broadcast %shift_right_arithmetic3A_2278 : i32 to vector<16xi32>
        %shift_right_arithmetic3A_2280 = arith.shrsi %gather3A_2209, %shift_right_arithmetic3A_2279 : vector<16xi32>
        %and3A_2281 = arith.constant 15 : i32
        %and3A_2282 = vector.broadcast %and3A_2281 : i32 to vector<16xi32>
        %and3A_2283 = arith.andi %shift_right_arithmetic3A_2280, %and3A_2282 : vector<16xi32>
        %convert_element_type3A_2284 = arith.sitofp %and3A_2283 : vector<16xi32> to vector<16xf32>
        %mul3A_2285 = arith.constant 0.0666666701 : f32
        %mul3A_2286 = vector.broadcast %mul3A_2285 : f32 to vector<16xf32>
        %mul3A_2287 = arith.mulf %convert_element_type3A_2284, %mul3A_2286 : vector<16xf32>
        %add3A_2288 = arith.constant 36 : i32
        %add3A_2289 = vector.broadcast %add3A_2288 : i32 to vector<16xi32>
        %add3A_2290 = arith.addi %mul3A_1647, %add3A_2289 : vector<16xi32>
        %scatter3A_2291 = arith.constant 0 : i32
        %scatter3A_2292 = arith.constant 0 : i32
        %scatter3A_2293 = tpu.memref_slice %arg10[%scatter3A_2291, %scatter3A_2292] : memref<2x26624xf32, #tpu.memory_space<vmem>> -> memref<1x26624xf32, #tpu.memory_space<vmem>>
        %scatter3A_2294 = tpu.memref_squeeze %scatter3A_2293 : memref<1x26624xf32, #tpu.memory_space<vmem>> -> memref<26624xf32, #tpu.memory_space<vmem>>
        tpu.vector_store_idx %scatter3A_2294[%add3A_2290], %mul3A_2287 : memref<26624xf32, #tpu.memory_space<vmem>>[vector<16xi32>], vector<16xf32>,
        %shift_right_arithmetic3A_2295 = arith.constant 20 : i32
        %shift_right_arithmetic3A_2296 = vector.broadcast %shift_right_arithmetic3A_2295 : i32 to vector<16xi32>
        %shift_right_arithmetic3A_2297 = arith.shrsi %gather3A_2209, %shift_right_arithmetic3A_2296 : vector<16xi32>
        %and3A_2298 = arith.constant 15 : i32
        %and3A_2299 = vector.broadcast %and3A_2298 : i32 to vector<16xi32>
        %and3A_2300 = arith.andi %shift_right_arithmetic3A_2297, %and3A_2299 : vector<16xi32>
        %convert_element_type3A_2301 = arith.sitofp %and3A_2300 : vector<16xi32> to vector<16xf32>
        %mul3A_2302 = arith.constant 0.0666666701 : f32
        %mul3A_2303 = vector.broadcast %mul3A_2302 : f32 to vector<16xf32>
        %mul3A_2304 = arith.mulf %convert_element_type3A_2301, %mul3A_2303 : vector<16xf32>
        %add3A_2305 = arith.constant 37 : i32
        %add3A_2306 = vector.broadcast %add3A_2305 : i32 to vector<16xi32>
        %add3A_2307 = arith.addi %mul3A_1647, %add3A_2306 : vector<16xi32>
        %scatter3A_2308 = arith.constant 0 : i32
        %scatter3A_2309 = arith.constant 0 : i32
        %scatter3A_2310 = tpu.memref_slice %arg10[%scatter3A_2308, %scatter3A_2309] : memref<2x26624xf32, #tpu.memory_space<vmem>> -> memref<1x26624xf32, #tpu.memory_space<vmem>>
        %scatter3A_2311 = tpu.memref_squeeze %scatter3A_2310 : memref<1x26624xf32, #tpu.memory_space<vmem>> -> memref<26624xf32, #tpu.memory_space<vmem>>
        tpu.vector_store_idx %scatter3A_2311[%add3A_2307], %mul3A_2304 : memref<26624xf32, #tpu.memory_space<vmem>>[vector<16xi32>], vector<16xf32>,
        %shift_right_arithmetic3A_2312 = arith.constant 24 : i32
        %shift_right_arithmetic3A_2313 = vector.broadcast %shift_right_arithmetic3A_2312 : i32 to vector<16xi32>
        %shift_right_arithmetic3A_2314 = arith.shrsi %gather3A_2209, %shift_right_arithmetic3A_2313 : vector<16xi32>
        %and3A_2315 = arith.constant 15 : i32
        %and3A_2316 = vector.broadcast %and3A_2315 : i32 to vector<16xi32>
        %and3A_2317 = arith.andi %shift_right_arithmetic3A_2314, %and3A_2316 : vector<16xi32>
        %convert_element_type3A_2318 = arith.sitofp %and3A_2317 : vector<16xi32> to vector<16xf32>
        %mul3A_2319 = arith.constant 0.0666666701 : f32
        %mul3A_2320 = vector.broadcast %mul3A_2319 : f32 to vector<16xf32>
        %mul3A_2321 = arith.mulf %convert_element_type3A_2318, %mul3A_2320 : vector<16xf32>
        %add3A_2322 = arith.constant 38 : i32
        %add3A_2323 = vector.broadcast %add3A_2322 : i32 to vector<16xi32>
        %add3A_2324 = arith.addi %mul3A_1647, %add3A_2323 : vector<16xi32>
        %scatter3A_2325 = arith.constant 0 : i32
        %scatter3A_2326 = arith.constant 0 : i32
        %scatter3A_2327 = tpu.memref_slice %arg10[%scatter3A_2325, %scatter3A_2326] : memref<2x26624xf32, #tpu.memory_space<vmem>> -> memref<1x26624xf32, #tpu.memory_space<vmem>>
        %scatter3A_2328 = tpu.memref_squeeze %scatter3A_2327 : memref<1x26624xf32, #tpu.memory_space<vmem>> -> memref<26624xf32, #tpu.memory_space<vmem>>
        tpu.vector_store_idx %scatter3A_2328[%add3A_2324], %mul3A_2321 : memref<26624xf32, #tpu.memory_space<vmem>>[vector<16xi32>], vector<16xf32>,
        %shift_right_arithmetic3A_2329 = arith.constant 28 : i32
        %shift_right_arithmetic3A_2330 = vector.broadcast %shift_right_arithmetic3A_2329 : i32 to vector<16xi32>
        %shift_right_arithmetic3A_2331 = arith.shrsi %gather3A_2209, %shift_right_arithmetic3A_2330 : vector<16xi32>
        %and3A_2332 = arith.constant 15 : i32
        %and3A_2333 = vector.broadcast %and3A_2332 : i32 to vector<16xi32>
        %and3A_2334 = arith.andi %shift_right_arithmetic3A_2331, %and3A_2333 : vector<16xi32>
        %convert_element_type3A_2335 = arith.sitofp %and3A_2334 : vector<16xi32> to vector<16xf32>
        %mul3A_2336 = arith.constant 0.0666666701 : f32
        %mul3A_2337 = vector.broadcast %mul3A_2336 : f32 to vector<16xf32>
        %mul3A_2338 = arith.mulf %convert_element_type3A_2335, %mul3A_2337 : vector<16xf32>
        %add3A_2339 = arith.constant 39 : i32
        %add3A_2340 = vector.broadcast %add3A_2339 : i32 to vector<16xi32>
        %add3A_2341 = arith.addi %mul3A_1647, %add3A_2340 : vector<16xi32>
        %scatter3A_2342 = arith.constant 0 : i32
        %scatter3A_2343 = arith.constant 0 : i32
        %scatter3A_2344 = tpu.memref_slice %arg10[%scatter3A_2342, %scatter3A_2343] : memref<2x26624xf32, #tpu.memory_space<vmem>> -> memref<1x26624xf32, #tpu.memory_space<vmem>>
        %scatter3A_2345 = tpu.memref_squeeze %scatter3A_2344 : memref<1x26624xf32, #tpu.memory_space<vmem>> -> memref<26624xf32, #tpu.memory_space<vmem>>
        tpu.vector_store_idx %scatter3A_2345[%add3A_2341], %mul3A_2338 : memref<26624xf32, #tpu.memory_space<vmem>>[vector<16xi32>], vector<16xf32>,
        %add3A_2346 = arith.constant 5 : i32
        %add3A_2347 = vector.broadcast %add3A_2346 : i32 to vector<16xi32>
        %add3A_2348 = arith.addi %shift_left3A_1644, %add3A_2347 : vector<16xi32>
        %gather3A_2349 = tpu.vector_load_idx %arg9[%add3A_1634, %add3A_2348] : memref<512x32xi32, #tpu.memory_space<vmem>>[vector<16xi32>, vector<16xi32>], vector<16xi32>,
        %shift_right_arithmetic3A_2350 = arith.constant 0 : i32
        %shift_right_arithmetic3A_2351 = vector.broadcast %shift_right_arithmetic3A_2350 : i32 to vector<16xi32>
        %shift_right_arithmetic3A_2352 = arith.shrsi %gather3A_2349, %shift_right_arithmetic3A_2351 : vector<16xi32>
        %and3A_2353 = arith.constant 15 : i32
        %and3A_2354 = vector.broadcast %and3A_2353 : i32 to vector<16xi32>
        %and3A_2355 = arith.andi %shift_right_arithmetic3A_2352, %and3A_2354 : vector<16xi32>
        %convert_element_type3A_2356 = arith.sitofp %and3A_2355 : vector<16xi32> to vector<16xf32>
        %mul3A_2357 = arith.constant 0.0666666701 : f32
        %mul3A_2358 = vector.broadcast %mul3A_2357 : f32 to vector<16xf32>
        %mul3A_2359 = arith.mulf %convert_element_type3A_2356, %mul3A_2358 : vector<16xf32>
        %add3A_2360 = arith.constant 40 : i32
        %add3A_2361 = vector.broadcast %add3A_2360 : i32 to vector<16xi32>
        %add3A_2362 = arith.addi %mul3A_1647, %add3A_2361 : vector<16xi32>
        %scatter3A_2363 = arith.constant 0 : i32
        %scatter3A_2364 = arith.constant 0 : i32
        %scatter3A_2365 = tpu.memref_slice %arg10[%scatter3A_2363, %scatter3A_2364] : memref<2x26624xf32, #tpu.memory_space<vmem>> -> memref<1x26624xf32, #tpu.memory_space<vmem>>
        %scatter3A_2366 = tpu.memref_squeeze %scatter3A_2365 : memref<1x26624xf32, #tpu.memory_space<vmem>> -> memref<26624xf32, #tpu.memory_space<vmem>>
        tpu.vector_store_idx %scatter3A_2366[%add3A_2362], %mul3A_2359 : memref<26624xf32, #tpu.memory_space<vmem>>[vector<16xi32>], vector<16xf32>,
        %shift_right_arithmetic3A_2367 = arith.constant 4 : i32
        %shift_right_arithmetic3A_2368 = vector.broadcast %shift_right_arithmetic3A_2367 : i32 to vector<16xi32>
        %shift_right_arithmetic3A_2369 = arith.shrsi %gather3A_2349, %shift_right_arithmetic3A_2368 : vector<16xi32>
        %and3A_2370 = arith.constant 15 : i32
        %and3A_2371 = vector.broadcast %and3A_2370 : i32 to vector<16xi32>
        %and3A_2372 = arith.andi %shift_right_arithmetic3A_2369, %and3A_2371 : vector<16xi32>
        %convert_element_type3A_2373 = arith.sitofp %and3A_2372 : vector<16xi32> to vector<16xf32>
        %mul3A_2374 = arith.constant 0.0666666701 : f32
        %mul3A_2375 = vector.broadcast %mul3A_2374 : f32 to vector<16xf32>
        %mul3A_2376 = arith.mulf %convert_element_type3A_2373, %mul3A_2375 : vector<16xf32>
        %add3A_2377 = arith.constant 41 : i32
        %add3A_2378 = vector.broadcast %add3A_2377 : i32 to vector<16xi32>
        %add3A_2379 = arith.addi %mul3A_1647, %add3A_2378 : vector<16xi32>
        %scatter3A_2380 = arith.constant 0 : i32
        %scatter3A_2381 = arith.constant 0 : i32
        %scatter3A_2382 = tpu.memref_slice %arg10[%scatter3A_2380, %scatter3A_2381] : memref<2x26624xf32, #tpu.memory_space<vmem>> -> memref<1x26624xf32, #tpu.memory_space<vmem>>
        %scatter3A_2383 = tpu.memref_squeeze %scatter3A_2382 : memref<1x26624xf32, #tpu.memory_space<vmem>> -> memref<26624xf32, #tpu.memory_space<vmem>>
        tpu.vector_store_idx %scatter3A_2383[%add3A_2379], %mul3A_2376 : memref<26624xf32, #tpu.memory_space<vmem>>[vector<16xi32>], vector<16xf32>,
        %shift_right_arithmetic3A_2384 = arith.constant 8 : i32
        %shift_right_arithmetic3A_2385 = vector.broadcast %shift_right_arithmetic3A_2384 : i32 to vector<16xi32>
        %shift_right_arithmetic3A_2386 = arith.shrsi %gather3A_2349, %shift_right_arithmetic3A_2385 : vector<16xi32>
        %and3A_2387 = arith.constant 15 : i32
        %and3A_2388 = vector.broadcast %and3A_2387 : i32 to vector<16xi32>
        %and3A_2389 = arith.andi %shift_right_arithmetic3A_2386, %and3A_2388 : vector<16xi32>
        %convert_element_type3A_2390 = arith.sitofp %and3A_2389 : vector<16xi32> to vector<16xf32>
        %mul3A_2391 = arith.constant 0.0666666701 : f32
        %mul3A_2392 = vector.broadcast %mul3A_2391 : f32 to vector<16xf32>
        %mul3A_2393 = arith.mulf %convert_element_type3A_2390, %mul3A_2392 : vector<16xf32>
        %add3A_2394 = arith.constant 42 : i32
        %add3A_2395 = vector.broadcast %add3A_2394 : i32 to vector<16xi32>
        %add3A_2396 = arith.addi %mul3A_1647, %add3A_2395 : vector<16xi32>
        %scatter3A_2397 = arith.constant 0 : i32
        %scatter3A_2398 = arith.constant 0 : i32
        %scatter3A_2399 = tpu.memref_slice %arg10[%scatter3A_2397, %scatter3A_2398] : memref<2x26624xf32, #tpu.memory_space<vmem>> -> memref<1x26624xf32, #tpu.memory_space<vmem>>
        %scatter3A_2400 = tpu.memref_squeeze %scatter3A_2399 : memref<1x26624xf32, #tpu.memory_space<vmem>> -> memref<26624xf32, #tpu.memory_space<vmem>>
        tpu.vector_store_idx %scatter3A_2400[%add3A_2396], %mul3A_2393 : memref<26624xf32, #tpu.memory_space<vmem>>[vector<16xi32>], vector<16xf32>,
        %shift_right_arithmetic3A_2401 = arith.constant 12 : i32
        %shift_right_arithmetic3A_2402 = vector.broadcast %shift_right_arithmetic3A_2401 : i32 to vector<16xi32>
        %shift_right_arithmetic3A_2403 = arith.shrsi %gather3A_2349, %shift_right_arithmetic3A_2402 : vector<16xi32>
        %and3A_2404 = arith.constant 15 : i32
        %and3A_2405 = vector.broadcast %and3A_2404 : i32 to vector<16xi32>
        %and3A_2406 = arith.andi %shift_right_arithmetic3A_2403, %and3A_2405 : vector<16xi32>
        %convert_element_type3A_2407 = arith.sitofp %and3A_2406 : vector<16xi32> to vector<16xf32>
        %mul3A_2408 = arith.constant 0.0666666701 : f32
        %mul3A_2409 = vector.broadcast %mul3A_2408 : f32 to vector<16xf32>
        %mul3A_2410 = arith.mulf %convert_element_type3A_2407, %mul3A_2409 : vector<16xf32>
        %add3A_2411 = arith.constant 43 : i32
        %add3A_2412 = vector.broadcast %add3A_2411 : i32 to vector<16xi32>
        %add3A_2413 = arith.addi %mul3A_1647, %add3A_2412 : vector<16xi32>
        %scatter3A_2414 = arith.constant 0 : i32
        %scatter3A_2415 = arith.constant 0 : i32
        %scatter3A_2416 = tpu.memref_slice %arg10[%scatter3A_2414, %scatter3A_2415] : memref<2x26624xf32, #tpu.memory_space<vmem>> -> memref<1x26624xf32, #tpu.memory_space<vmem>>
        %scatter3A_2417 = tpu.memref_squeeze %scatter3A_2416 : memref<1x26624xf32, #tpu.memory_space<vmem>> -> memref<26624xf32, #tpu.memory_space<vmem>>
        tpu.vector_store_idx %scatter3A_2417[%add3A_2413], %mul3A_2410 : memref<26624xf32, #tpu.memory_space<vmem>>[vector<16xi32>], vector<16xf32>,
        %shift_right_arithmetic3A_2418 = arith.constant 16 : i32
        %shift_right_arithmetic3A_2419 = vector.broadcast %shift_right_arithmetic3A_2418 : i32 to vector<16xi32>
        %shift_right_arithmetic3A_2420 = arith.shrsi %gather3A_2349, %shift_right_arithmetic3A_2419 : vector<16xi32>
        %and3A_2421 = arith.constant 15 : i32
        %and3A_2422 = vector.broadcast %and3A_2421 : i32 to vector<16xi32>
        %and3A_2423 = arith.andi %shift_right_arithmetic3A_2420, %and3A_2422 : vector<16xi32>
        %convert_element_type3A_2424 = arith.sitofp %and3A_2423 : vector<16xi32> to vector<16xf32>
        %mul3A_2425 = arith.constant 0.0666666701 : f32
        %mul3A_2426 = vector.broadcast %mul3A_2425 : f32 to vector<16xf32>
        %mul3A_2427 = arith.mulf %convert_element_type3A_2424, %mul3A_2426 : vector<16xf32>
        %add3A_2428 = arith.constant 44 : i32
        %add3A_2429 = vector.broadcast %add3A_2428 : i32 to vector<16xi32>
        %add3A_2430 = arith.addi %mul3A_1647, %add3A_2429 : vector<16xi32>
        %scatter3A_2431 = arith.constant 0 : i32
        %scatter3A_2432 = arith.constant 0 : i32
        %scatter3A_2433 = tpu.memref_slice %arg10[%scatter3A_2431, %scatter3A_2432] : memref<2x26624xf32, #tpu.memory_space<vmem>> -> memref<1x26624xf32, #tpu.memory_space<vmem>>
        %scatter3A_2434 = tpu.memref_squeeze %scatter3A_2433 : memref<1x26624xf32, #tpu.memory_space<vmem>> -> memref<26624xf32, #tpu.memory_space<vmem>>
        tpu.vector_store_idx %scatter3A_2434[%add3A_2430], %mul3A_2427 : memref<26624xf32, #tpu.memory_space<vmem>>[vector<16xi32>], vector<16xf32>,
        %shift_right_arithmetic3A_2435 = arith.constant 20 : i32
        %shift_right_arithmetic3A_2436 = vector.broadcast %shift_right_arithmetic3A_2435 : i32 to vector<16xi32>
        %shift_right_arithmetic3A_2437 = arith.shrsi %gather3A_2349, %shift_right_arithmetic3A_2436 : vector<16xi32>
        %and3A_2438 = arith.constant 15 : i32
        %and3A_2439 = vector.broadcast %and3A_2438 : i32 to vector<16xi32>
        %and3A_2440 = arith.andi %shift_right_arithmetic3A_2437, %and3A_2439 : vector<16xi32>
        %convert_element_type3A_2441 = arith.sitofp %and3A_2440 : vector<16xi32> to vector<16xf32>
        %mul3A_2442 = arith.constant 0.0666666701 : f32
        %mul3A_2443 = vector.broadcast %mul3A_2442 : f32 to vector<16xf32>
        %mul3A_2444 = arith.mulf %convert_element_type3A_2441, %mul3A_2443 : vector<16xf32>
        %add3A_2445 = arith.constant 45 : i32
        %add3A_2446 = vector.broadcast %add3A_2445 : i32 to vector<16xi32>
        %add3A_2447 = arith.addi %mul3A_1647, %add3A_2446 : vector<16xi32>
        %scatter3A_2448 = arith.constant 0 : i32
        %scatter3A_2449 = arith.constant 0 : i32
        %scatter3A_2450 = tpu.memref_slice %arg10[%scatter3A_2448, %scatter3A_2449] : memref<2x26624xf32, #tpu.memory_space<vmem>> -> memref<1x26624xf32, #tpu.memory_space<vmem>>
        %scatter3A_2451 = tpu.memref_squeeze %scatter3A_2450 : memref<1x26624xf32, #tpu.memory_space<vmem>> -> memref<26624xf32, #tpu.memory_space<vmem>>
        tpu.vector_store_idx %scatter3A_2451[%add3A_2447], %mul3A_2444 : memref<26624xf32, #tpu.memory_space<vmem>>[vector<16xi32>], vector<16xf32>,
        %shift_right_arithmetic3A_2452 = arith.constant 24 : i32
        %shift_right_arithmetic3A_2453 = vector.broadcast %shift_right_arithmetic3A_2452 : i32 to vector<16xi32>
        %shift_right_arithmetic3A_2454 = arith.shrsi %gather3A_2349, %shift_right_arithmetic3A_2453 : vector<16xi32>
        %and3A_2455 = arith.constant 15 : i32
        %and3A_2456 = vector.broadcast %and3A_2455 : i32 to vector<16xi32>
        %and3A_2457 = arith.andi %shift_right_arithmetic3A_2454, %and3A_2456 : vector<16xi32>
        %convert_element_type3A_2458 = arith.sitofp %and3A_2457 : vector<16xi32> to vector<16xf32>
        %mul3A_2459 = arith.constant 0.0666666701 : f32
        %mul3A_2460 = vector.broadcast %mul3A_2459 : f32 to vector<16xf32>
        %mul3A_2461 = arith.mulf %convert_element_type3A_2458, %mul3A_2460 : vector<16xf32>
        %add3A_2462 = arith.constant 46 : i32
        %add3A_2463 = vector.broadcast %add3A_2462 : i32 to vector<16xi32>
        %add3A_2464 = arith.addi %mul3A_1647, %add3A_2463 : vector<16xi32>
        %scatter3A_2465 = arith.constant 0 : i32
        %scatter3A_2466 = arith.constant 0 : i32
        %scatter3A_2467 = tpu.memref_slice %arg10[%scatter3A_2465, %scatter3A_2466] : memref<2x26624xf32, #tpu.memory_space<vmem>> -> memref<1x26624xf32, #tpu.memory_space<vmem>>
        %scatter3A_2468 = tpu.memref_squeeze %scatter3A_2467 : memref<1x26624xf32, #tpu.memory_space<vmem>> -> memref<26624xf32, #tpu.memory_space<vmem>>
        tpu.vector_store_idx %scatter3A_2468[%add3A_2464], %mul3A_2461 : memref<26624xf32, #tpu.memory_space<vmem>>[vector<16xi32>], vector<16xf32>,
        %shift_right_arithmetic3A_2469 = arith.constant 28 : i32
        %shift_right_arithmetic3A_2470 = vector.broadcast %shift_right_arithmetic3A_2469 : i32 to vector<16xi32>
        %shift_right_arithmetic3A_2471 = arith.shrsi %gather3A_2349, %shift_right_arithmetic3A_2470 : vector<16xi32>
        %and3A_2472 = arith.constant 15 : i32
        %and3A_2473 = vector.broadcast %and3A_2472 : i32 to vector<16xi32>
        %and3A_2474 = arith.andi %shift_right_arithmetic3A_2471, %and3A_2473 : vector<16xi32>
        %convert_element_type3A_2475 = arith.sitofp %and3A_2474 : vector<16xi32> to vector<16xf32>
        %mul3A_2476 = arith.constant 0.0666666701 : f32
        %mul3A_2477 = vector.broadcast %mul3A_2476 : f32 to vector<16xf32>
        %mul3A_2478 = arith.mulf %convert_element_type3A_2475, %mul3A_2477 : vector<16xf32>
        %add3A_2479 = arith.constant 47 : i32
        %add3A_2480 = vector.broadcast %add3A_2479 : i32 to vector<16xi32>
        %add3A_2481 = arith.addi %mul3A_1647, %add3A_2480 : vector<16xi32>
        %scatter3A_2482 = arith.constant 0 : i32
        %scatter3A_2483 = arith.constant 0 : i32
        %scatter3A_2484 = tpu.memref_slice %arg10[%scatter3A_2482, %scatter3A_2483] : memref<2x26624xf32, #tpu.memory_space<vmem>> -> memref<1x26624xf32, #tpu.memory_space<vmem>>
        %scatter3A_2485 = tpu.memref_squeeze %scatter3A_2484 : memref<1x26624xf32, #tpu.memory_space<vmem>> -> memref<26624xf32, #tpu.memory_space<vmem>>
        tpu.vector_store_idx %scatter3A_2485[%add3A_2481], %mul3A_2478 : memref<26624xf32, #tpu.memory_space<vmem>>[vector<16xi32>], vector<16xf32>,
        %add3A_2486 = arith.constant 6 : i32
        %add3A_2487 = vector.broadcast %add3A_2486 : i32 to vector<16xi32>
        %add3A_2488 = arith.addi %shift_left3A_1644, %add3A_2487 : vector<16xi32>
        %gather3A_2489 = tpu.vector_load_idx %arg9[%add3A_1634, %add3A_2488] : memref<512x32xi32, #tpu.memory_space<vmem>>[vector<16xi32>, vector<16xi32>], vector<16xi32>,
        %shift_right_arithmetic3A_2490 = arith.constant 0 : i32
        %shift_right_arithmetic3A_2491 = vector.broadcast %shift_right_arithmetic3A_2490 : i32 to vector<16xi32>
        %shift_right_arithmetic3A_2492 = arith.shrsi %gather3A_2489, %shift_right_arithmetic3A_2491 : vector<16xi32>
        %and3A_2493 = arith.constant 15 : i32
        %and3A_2494 = vector.broadcast %and3A_2493 : i32 to vector<16xi32>
        %and3A_2495 = arith.andi %shift_right_arithmetic3A_2492, %and3A_2494 : vector<16xi32>
        %convert_element_type3A_2496 = arith.sitofp %and3A_2495 : vector<16xi32> to vector<16xf32>
        %mul3A_2497 = arith.constant 0.0666666701 : f32
        %mul3A_2498 = vector.broadcast %mul3A_2497 : f32 to vector<16xf32>
        %mul3A_2499 = arith.mulf %convert_element_type3A_2496, %mul3A_2498 : vector<16xf32>
        %add3A_2500 = arith.constant 48 : i32
        %add3A_2501 = vector.broadcast %add3A_2500 : i32 to vector<16xi32>
        %add3A_2502 = arith.addi %mul3A_1647, %add3A_2501 : vector<16xi32>
        %scatter3A_2503 = arith.constant 0 : i32
        %scatter3A_2504 = arith.constant 0 : i32
        %scatter3A_2505 = tpu.memref_slice %arg10[%scatter3A_2503, %scatter3A_2504] : memref<2x26624xf32, #tpu.memory_space<vmem>> -> memref<1x26624xf32, #tpu.memory_space<vmem>>
        %scatter3A_2506 = tpu.memref_squeeze %scatter3A_2505 : memref<1x26624xf32, #tpu.memory_space<vmem>> -> memref<26624xf32, #tpu.memory_space<vmem>>
        tpu.vector_store_idx %scatter3A_2506[%add3A_2502], %mul3A_2499 : memref<26624xf32, #tpu.memory_space<vmem>>[vector<16xi32>], vector<16xf32>,
        %shift_right_arithmetic3A_2507 = arith.constant 4 : i32
        %shift_right_arithmetic3A_2508 = vector.broadcast %shift_right_arithmetic3A_2507 : i32 to vector<16xi32>
        %shift_right_arithmetic3A_2509 = arith.shrsi %gather3A_2489, %shift_right_arithmetic3A_2508 : vector<16xi32>
        %and3A_2510 = arith.constant 15 : i32
        %and3A_2511 = vector.broadcast %and3A_2510 : i32 to vector<16xi32>
        %and3A_2512 = arith.andi %shift_right_arithmetic3A_2509, %and3A_2511 : vector<16xi32>
        %convert_element_type3A_2513 = arith.sitofp %and3A_2512 : vector<16xi32> to vector<16xf32>
        %mul3A_2514 = arith.constant 0.0666666701 : f32
        %mul3A_2515 = vector.broadcast %mul3A_2514 : f32 to vector<16xf32>
        %mul3A_2516 = arith.mulf %convert_element_type3A_2513, %mul3A_2515 : vector<16xf32>
        %add3A_2517 = arith.constant 49 : i32
        %add3A_2518 = vector.broadcast %add3A_2517 : i32 to vector<16xi32>
        %add3A_2519 = arith.addi %mul3A_1647, %add3A_2518 : vector<16xi32>
        %scatter3A_2520 = arith.constant 0 : i32
        %scatter3A_2521 = arith.constant 0 : i32
        %scatter3A_2522 = tpu.memref_slice %arg10[%scatter3A_2520, %scatter3A_2521] : memref<2x26624xf32, #tpu.memory_space<vmem>> -> memref<1x26624xf32, #tpu.memory_space<vmem>>
        %scatter3A_2523 = tpu.memref_squeeze %scatter3A_2522 : memref<1x26624xf32, #tpu.memory_space<vmem>> -> memref<26624xf32, #tpu.memory_space<vmem>>
        tpu.vector_store_idx %scatter3A_2523[%add3A_2519], %mul3A_2516 : memref<26624xf32, #tpu.memory_space<vmem>>[vector<16xi32>], vector<16xf32>,
        %shift_right_arithmetic3A_2524 = arith.constant 8 : i32
        %shift_right_arithmetic3A_2525 = vector.broadcast %shift_right_arithmetic3A_2524 : i32 to vector<16xi32>
        %shift_right_arithmetic3A_2526 = arith.shrsi %gather3A_2489, %shift_right_arithmetic3A_2525 : vector<16xi32>
        %and3A_2527 = arith.constant 15 : i32
        %and3A_2528 = vector.broadcast %and3A_2527 : i32 to vector<16xi32>
        %and3A_2529 = arith.andi %shift_right_arithmetic3A_2526, %and3A_2528 : vector<16xi32>
        %convert_element_type3A_2530 = arith.sitofp %and3A_2529 : vector<16xi32> to vector<16xf32>
        %mul3A_2531 = arith.constant 0.0666666701 : f32
        %mul3A_2532 = vector.broadcast %mul3A_2531 : f32 to vector<16xf32>
        %mul3A_2533 = arith.mulf %convert_element_type3A_2530, %mul3A_2532 : vector<16xf32>
        %add3A_2534 = arith.constant 50 : i32
        %add3A_2535 = vector.broadcast %add3A_2534 : i32 to vector<16xi32>
        %add3A_2536 = arith.addi %mul3A_1647, %add3A_2535 : vector<16xi32>
        %scatter3A_2537 = arith.constant 0 : i32
        %scatter3A_2538 = arith.constant 0 : i32
        %scatter3A_2539 = tpu.memref_slice %arg10[%scatter3A_2537, %scatter3A_2538] : memref<2x26624xf32, #tpu.memory_space<vmem>> -> memref<1x26624xf32, #tpu.memory_space<vmem>>
        %scatter3A_2540 = tpu.memref_squeeze %scatter3A_2539 : memref<1x26624xf32, #tpu.memory_space<vmem>> -> memref<26624xf32, #tpu.memory_space<vmem>>
        tpu.vector_store_idx %scatter3A_2540[%add3A_2536], %mul3A_2533 : memref<26624xf32, #tpu.memory_space<vmem>>[vector<16xi32>], vector<16xf32>,
        %shift_right_arithmetic3A_2541 = arith.constant 12 : i32
        %shift_right_arithmetic3A_2542 = vector.broadcast %shift_right_arithmetic3A_2541 : i32 to vector<16xi32>
        %shift_right_arithmetic3A_2543 = arith.shrsi %gather3A_2489, %shift_right_arithmetic3A_2542 : vector<16xi32>
        %and3A_2544 = arith.constant 15 : i32
        %and3A_2545 = vector.broadcast %and3A_2544 : i32 to vector<16xi32>
        %and3A_2546 = arith.andi %shift_right_arithmetic3A_2543, %and3A_2545 : vector<16xi32>
        %convert_element_type3A_2547 = arith.sitofp %and3A_2546 : vector<16xi32> to vector<16xf32>
        %mul3A_2548 = arith.constant 0.0666666701 : f32
        %mul3A_2549 = vector.broadcast %mul3A_2548 : f32 to vector<16xf32>
        %mul3A_2550 = arith.mulf %convert_element_type3A_2547, %mul3A_2549 : vector<16xf32>
        %add3A_2551 = arith.constant 51 : i32
        %add3A_2552 = vector.broadcast %add3A_2551 : i32 to vector<16xi32>
        %add3A_2553 = arith.addi %mul3A_1647, %add3A_2552 : vector<16xi32>
        %scatter3A_2554 = arith.constant 0 : i32
        %scatter3A_2555 = arith.constant 0 : i32
        %scatter3A_2556 = tpu.memref_slice %arg10[%scatter3A_2554, %scatter3A_2555] : memref<2x26624xf32, #tpu.memory_space<vmem>> -> memref<1x26624xf32, #tpu.memory_space<vmem>>
        %scatter3A_2557 = tpu.memref_squeeze %scatter3A_2556 : memref<1x26624xf32, #tpu.memory_space<vmem>> -> memref<26624xf32, #tpu.memory_space<vmem>>
        tpu.vector_store_idx %scatter3A_2557[%add3A_2553], %mul3A_2550 : memref<26624xf32, #tpu.memory_space<vmem>>[vector<16xi32>], vector<16xf32>,
      }
      %scan3A_1070 = arith.constant 32 : i32
      %add3A_1071 = arith.addi %mul3A_2, %mul3A_544 : i32
      %mul3A_1072 = arith.constant 512 : i32
      %mul3A_1073 = arith.muli %add3A_1071, %mul3A_1072 : i32
      %mul3A_1074 = arith.constant 52 : i32
      %mul3A_1075 = arith.muli %mul3A_1073, %mul3A_1074 : i32
      %dma_start3A_1076 = arith.constant 0 : i32
      %dma_start3A_1077 = arith.constant 0 : i32
      %dma_start3A_1078 = tpu.memref_slice %arg10[%dma_start3A_1076, %dma_start3A_1077] : memref<2x26624xf32, #tpu.memory_space<vmem>> -> memref<1x26624xf32, #tpu.memory_space<vmem>>
      %dma_start3A_1079 = tpu.memref_squeeze %dma_start3A_1078 : memref<1x26624xf32, #tpu.memory_space<vmem>> -> memref<26624xf32, #tpu.memory_space<vmem>>
      %dma_start3A_1080 = tpu.memref_slice %arg4[%mul3A_1075] : memref<42598400xf32, #tpu.memory_space<hbm>> -> memref<26624xf32, #tpu.memory_space<hbm>>
      %dma_start3A_1081 = tpu.memref_slice %arg4[%mul3A_1075] : memref<42598400xf32, #tpu.memory_space<hbm>> -> memref<26624xf32, #tpu.memory_space<hbm>>
      %dma_start3A_1082 = arith.constant 0 : i32
      %dma_start3A_1083 = tpu.memref_slice %arg10[%dma_start3A_1076, %dma_start3A_1082] : memref<2x26624xf32, #tpu.memory_space<vmem>> -> memref<1x26624xf32, #tpu.memory_space<vmem>>
      %dma_start3A_1084 = tpu.memref_squeeze %dma_start3A_1083 : memref<1x26624xf32, #tpu.memory_space<vmem>> -> memref<26624xf32, #tpu.memory_space<vmem>>
      tpu.enqueue_dma source(%dma_start3A_1084 : memref<26624xf32, #tpu.memory_space<vmem>>) target(%dma_start3A_1081 : memref<26624xf32, #tpu.memory_space<hbm>>) target_semaphore(%arg13 : memref<!tpu.dma_semaphore, #tpu.memory_space<semaphore_mem>>)
      %add3A_1085 = arith.constant 2 : i32
      %add3A_1086 = arith.addi %mul3A_544, %add3A_1085 : i32
      %min3A_1087 = arith.constant 49 : i32
      %min3A_1088 = arith.minsi %add3A_1086, %min3A_1087 : i32
      %add3A_1089 = arith.addi %mul3A_2, %min3A_1088 : i32
      %mul3A_1090 = arith.constant 512 : i32
      %mul3A_1091 = arith.muli %add3A_1089, %mul3A_1090 : i32
      %run_scoped3A_1092 = arith.constant 0 : i32
      "tpu.region"() ({
        %run_scoped3A_1630 = tpu.sem_alloc : memref<!tpu.dma_semaphore, #tpu.memory_space<semaphore_mem>>
        %dma_start3A_1631 = arith.constant 0 : i32
        %dma_start3A_1632 = tpu.memref_slice %arg5[%run_scoped3A_1092, %dma_start3A_1631] : memref<2x512xi32, #tpu.memory_space<vmem>> -> memref<1x512xi32, #tpu.memory_space<vmem>>
        %dma_start3A_1633 = tpu.memref_squeeze %dma_start3A_1632 : memref<1x512xi32, #tpu.memory_space<vmem>> -> memref<512xi32, #tpu.memory_space<vmem>>
        %dma_start3A_1634 = tpu.memref_slice %arg3[%mul3A_1091] : memref<819200xi32, #tpu.memory_space<hbm>> -> memref<512xi32, #tpu.memory_space<hbm>>
        %dma_start3A_1635 = arith.constant 0 : i32
        %dma_start3A_1636 = tpu.memref_slice %arg5[%run_scoped3A_1092, %dma_start3A_1635] : memref<2x512xi32, #tpu.memory_space<vmem>> -> memref<1x512xi32, #tpu.memory_space<vmem>>
        %dma_start3A_1637 = tpu.memref_squeeze %dma_start3A_1636 : memref<1x512xi32, #tpu.memory_space<vmem>> -> memref<512xi32, #tpu.memory_space<vmem>>
        %dma_start3A_1638 = tpu.memref_slice %arg3[%mul3A_1091] : memref<819200xi32, #tpu.memory_space<hbm>> -> memref<512xi32, #tpu.memory_space<hbm>>
        tpu.enqueue_dma source(%dma_start3A_1638 : memref<512xi32, #tpu.memory_space<hbm>>) target(%dma_start3A_1637 : memref<512xi32, #tpu.memory_space<vmem>>) target_semaphore(%run_scoped3A_1630 : memref<!tpu.dma_semaphore, #tpu.memory_space<semaphore_mem>>)
        %dma_wait3A_1639 = arith.constant 0 : i32
        %dma_wait3A_1640 = tpu.memref_slice %arg5[%run_scoped3A_1092, %dma_wait3A_1639] : memref<2x512xi32, #tpu.memory_space<vmem>> -> memref<1x512xi32, #tpu.memory_space<vmem>>
        %dma_wait3A_1641 = tpu.memref_squeeze %dma_wait3A_1640 : memref<1x512xi32, #tpu.memory_space<vmem>> -> memref<512xi32, #tpu.memory_space<vmem>>
        %dma_wait3A_1642 = tpu.memref_slice %arg3[%mul3A_1091] : memref<819200xi32, #tpu.memory_space<hbm>> -> memref<512xi32, #tpu.memory_space<hbm>>
        %dma_wait3A_1643 = arith.constant 0 : i32
        %dma_wait3A_1644 = tpu.memref_slice %arg5[%run_scoped3A_1092, %dma_wait3A_1643] : memref<2x512xi32, #tpu.memory_space<vmem>> -> memref<1x512xi32, #tpu.memory_space<vmem>>
        %dma_wait3A_1645 = tpu.memref_squeeze %dma_wait3A_1644 : memref<1x512xi32, #tpu.memory_space<vmem>> -> memref<512xi32, #tpu.memory_space<vmem>>
        %dma_wait3A_1646 = tpu.memref_slice %arg3[%mul3A_1091] : memref<819200xi32, #tpu.memory_space<hbm>> -> memref<512xi32, #tpu.memory_space<hbm>>
        tpu.wait_dma2 semaphore(%run_scoped3A_1630 : memref<!tpu.dma_semaphore, #tpu.memory_space<semaphore_mem>>) src(%dma_wait3A_1646 : memref<512xi32, #tpu.memory_space<hbm>>) dst(%dma_wait3A_1645 : memref<512xi32, #tpu.memory_space<vmem>>)
        tpu.yield
      }) : () -> ()
      %get3A_1093 = arith.constant 0 : i32
      %get3A_1094 = arith.index_cast %get3A_1093 : i32 to index
      %get3A_1095 = arith.constant 0 : index
      %get3A_1096 = tpu.vector_load %arg5[%get3A_1094, %get3A_1095] {strides = array<i32>} : memref<2x512xi32, #tpu.memory_space<vmem>>, vector<16xi32>,
      %shift_right_arithmetic3A_1097 = arith.constant 2 : i32
      %shift_right_arithmetic3A_1098 = vector.broadcast %shift_right_arithmetic3A_1097 : i32 to vector<16xi32>
      %shift_right_arithmetic3A_1099 = arith.shrsi %get3A_1096, %shift_right_arithmetic3A_1098 : vector<16xi32>
      %swap3A_1100 = arith.constant 0 : i32
      %swap3A_1101 = arith.constant 0 : i32
      %swap3A_1102 = arith.index_cast %swap3A_1100 : i32 to index
      %swap3A_1103 = arith.index_cast %swap3A_1101 : i32 to index
      %swap3A_1104 = arith.constant 0 : index
      %swap3A_1105 = tpu.vector_load %arg6[%swap3A_1102, %swap3A_1103, %swap3A_1104] {strides = array<i32>} : memref<2x4x128xi32, #tpu.memory_space<vmem>>, vector<16xi32>,
      tpu.vector_store %arg6[%swap3A_1102, %swap3A_1103, %swap3A_1104], %shift_right_arithmetic3A_1099 {strides = array<i32>} : memref<2x4x128xi32, #tpu.memory_space<vmem>>, vector<16xi32>,
      %get3A_1106 = arith.constant 0 : i32
      %get3A_1107 = arith.index_cast %get3A_1106 : i32 to index
      %get3A_1108 = arith.constant 16 : index
      %get3A_1109 = tpu.vector_load %arg5[%get3A_1107, %get3A_1108] {strides = array<i32>} : memref<2x512xi32, #tpu.memory_space<vmem>>, vector<16xi32>,
      %shift_right_arithmetic3A_1110 = arith.constant 2 : i32
      %shift_right_arithmetic3A_1111 = vector.broadcast %shift_right_arithmetic3A_1110 : i32 to vector<16xi32>
      %shift_right_arithmetic3A_1112 = arith.shrsi %get3A_1109, %shift_right_arithmetic3A_1111 : vector<16xi32>
      %swap3A_1113 = arith.constant 0 : i32
      %swap3A_1114 = arith.constant 0 : i32
      %swap3A_1115 = arith.index_cast %swap3A_1113 : i32 to index
      %swap3A_1116 = arith.index_cast %swap3A_1114 : i32 to index
      %swap3A_1117 = arith.constant 16 : index
      %swap3A_1118 = tpu.vector_load %arg6[%swap3A_1115, %swap3A_1116, %swap3A_1117] {strides = array<i32>} : memref<2x4x128xi32, #tpu.memory_space<vmem>>, vector<16xi32>,
      tpu.vector_store %arg6[%swap3A_1115, %swap3A_1116, %swap3A_1117], %shift_right_arithmetic3A_1112 {strides = array<i32>} : memref<2x4x128xi32, #tpu.memory_space<vmem>>, vector<16xi32>,
      %get3A_1119 = arith.constant 0 : i32
      %get3A_1120 = arith.index_cast %get3A_1119 : i32 to index
      %get3A_1121 = arith.constant 32 : index
      %get3A_1122 = tpu.vector_load %arg5[%get3A_1120, %get3A_1121] {strides = array<i32>} : memref<2x512xi32, #tpu.memory_space<vmem>>, vector<16xi32>,
      %shift_right_arithmetic3A_1123 = arith.constant 2 : i32
      %shift_right_arithmetic3A_1124 = vector.broadcast %shift_right_arithmetic3A_1123 : i32 to vector<16xi32>
      %shift_right_arithmetic3A_1125 = arith.shrsi %get3A_1122, %shift_right_arithmetic3A_1124 : vector<16xi32>
      %swap3A_1126 = arith.constant 0 : i32
      %swap3A_1127 = arith.constant 0 : i32
      %swap3A_1128 = arith.index_cast %swap3A_1126 : i32 to index
      %swap3A_1129 = arith.index_cast %swap3A_1127 : i32 to index
      %swap3A_1130 = arith.constant 32 : index
      %swap3A_1131 = tpu.vector_load %arg6[%swap3A_1128, %swap3A_1129, %swap3A_1130] {strides = array<i32>} : memref<2x4x128xi32, #tpu.memory_space<vmem>>, vector<16xi32>,
      tpu.vector_store %arg6[%swap3A_1128, %swap3A_1129, %swap3A_1130], %shift_right_arithmetic3A_1125 {strides = array<i32>} : memref<2x4x128xi32, #tpu.memory_space<vmem>>, vector<16xi32>,
      %get3A_1132 = arith.constant 0 : i32
      %get3A_1133 = arith.index_cast %get3A_1132 : i32 to index
      %get3A_1134 = arith.constant 48 : index
      %get3A_1135 = tpu.vector_load %arg5[%get3A_1133, %get3A_1134] {strides = array<i32>} : memref<2x512xi32, #tpu.memory_space<vmem>>, vector<16xi32>,
      %shift_right_arithmetic3A_1136 = arith.constant 2 : i32
      %shift_right_arithmetic3A_1137 = vector.broadcast %shift_right_arithmetic3A_1136 : i32 to vector<16xi32>
      %shift_right_arithmetic3A_1138 = arith.shrsi %get3A_1135, %shift_right_arithmetic3A_1137 : vector<16xi32>
      %swap3A_1139 = arith.constant 0 : i32
      %swap3A_1140 = arith.constant 0 : i32
      %swap3A_1141 = arith.index_cast %swap3A_1139 : i32 to index
      %swap3A_1142 = arith.index_cast %swap3A_1140 : i32 to index
      %swap3A_1143 = arith.constant 48 : index
      %swap3A_1144 = tpu.vector_load %arg6[%swap3A_1141, %swap3A_1142, %swap3A_1143] {strides = array<i32>} : memref<2x4x128xi32, #tpu.memory_space<vmem>>, vector<16xi32>,
      tpu.vector_store %arg6[%swap3A_1141, %swap3A_1142, %swap3A_1143], %shift_right_arithmetic3A_1138 {strides = array<i32>} : memref<2x4x128xi32, #tpu.memory_space<vmem>>, vector<16xi32>,
      %get3A_1145 = arith.constant 0 : i32
      %get3A_1146 = arith.index_cast %get3A_1145 : i32 to index
      %get3A_1147 = arith.constant 64 : index
      %get3A_1148 = tpu.vector_load %arg5[%get3A_1146, %get3A_1147] {strides = array<i32>} : memref<2x512xi32, #tpu.memory_space<vmem>>, vector<16xi32>,
      %shift_right_arithmetic3A_1149 = arith.constant 2 : i32
      %shift_right_arithmetic3A_1150 = vector.broadcast %shift_right_arithmetic3A_1149 : i32 to vector<16xi32>
      %shift_right_arithmetic3A_1151 = arith.shrsi %get3A_1148, %shift_right_arithmetic3A_1150 : vector<16xi32>
      %swap3A_1152 = arith.constant 0 : i32
      %swap3A_1153 = arith.constant 0 : i32
      %swap3A_1154 = arith.index_cast %swap3A_1152 : i32 to index
      %swap3A_1155 = arith.index_cast %swap3A_1153 : i32 to index
      %swap3A_1156 = arith.constant 64 : index
      %swap3A_1157 = tpu.vector_load %arg6[%swap3A_1154, %swap3A_1155, %swap3A_1156] {strides = array<i32>} : memref<2x4x128xi32, #tpu.memory_space<vmem>>, vector<16xi32>,
      tpu.vector_store %arg6[%swap3A_1154, %swap3A_1155, %swap3A_1156], %shift_right_arithmetic3A_1151 {strides = array<i32>} : memref<2x4x128xi32, #tpu.memory_space<vmem>>, vector<16xi32>,
      %get3A_1158 = arith.constant 0 : i32
      %get3A_1159 = arith.index_cast %get3A_1158 : i32 to index
      %get3A_1160 = arith.constant 80 : index
      %get3A_1161 = tpu.vector_load %arg5[%get3A_1159, %get3A_1160] {strides = array<i32>} : memref<2x512xi32, #tpu.memory_space<vmem>>, vector<16xi32>,
      %shift_right_arithmetic3A_1162 = arith.constant 2 : i32
      %shift_right_arithmetic3A_1163 = vector.broadcast %shift_right_arithmetic3A_1162 : i32 to vector<16xi32>
      %shift_right_arithmetic3A_1164 = arith.shrsi %get3A_1161, %shift_right_arithmetic3A_1163 : vector<16xi32>
      %swap3A_1165 = arith.constant 0 : i32
      %swap3A_1166 = arith.constant 0 : i32
      %swap3A_1167 = arith.index_cast %swap3A_1165 : i32 to index
      %swap3A_1168 = arith.index_cast %swap3A_1166 : i32 to index
      %swap3A_1169 = arith.constant 80 : index
      %swap3A_1170 = tpu.vector_load %arg6[%swap3A_1167, %swap3A_1168, %swap3A_1169] {strides = array<i32>} : memref<2x4x128xi32, #tpu.memory_space<vmem>>, vector<16xi32>,
      tpu.vector_store %arg6[%swap3A_1167, %swap3A_1168, %swap3A_1169], %shift_right_arithmetic3A_1164 {strides = array<i32>} : memref<2x4x128xi32, #tpu.memory_space<vmem>>, vector<16xi32>,
      %get3A_1171 = arith.constant 0 : i32
      %get3A_1172 = arith.index_cast %get3A_1171 : i32 to index
      %get3A_1173 = arith.constant 96 : index
      %get3A_1174 = tpu.vector_load %arg5[%get3A_1172, %get3A_1173] {strides = array<i32>} : memref<2x512xi32, #tpu.memory_space<vmem>>, vector<16xi32>,
      %shift_right_arithmetic3A_1175 = arith.constant 2 : i32
      %shift_right_arithmetic3A_1176 = vector.broadcast %shift_right_arithmetic3A_1175 : i32 to vector<16xi32>
      %shift_right_arithmetic3A_1177 = arith.shrsi %get3A_1174, %shift_right_arithmetic3A_1176 : vector<16xi32>
      %swap3A_1178 = arith.constant 0 : i32
      %swap3A_1179 = arith.constant 0 : i32
      %swap3A_1180 = arith.index_cast %swap3A_1178 : i32 to index
      %swap3A_1181 = arith.index_cast %swap3A_1179 : i32 to index
      %swap3A_1182 = arith.constant 96 : index
      %swap3A_1183 = tpu.vector_load %arg6[%swap3A_1180, %swap3A_1181, %swap3A_1182] {strides = array<i32>} : memref<2x4x128xi32, #tpu.memory_space<vmem>>, vector<16xi32>,
      tpu.vector_store %arg6[%swap3A_1180, %swap3A_1181, %swap3A_1182], %shift_right_arithmetic3A_1177 {strides = array<i32>} : memref<2x4x128xi32, #tpu.memory_space<vmem>>, vector<16xi32>,
      %get3A_1184 = arith.constant 0 : i32
      %get3A_1185 = arith.index_cast %get3A_1184 : i32 to index
      %get3A_1186 = arith.constant 112 : index
      %get3A_1187 = tpu.vector_load %arg5[%get3A_1185, %get3A_1186] {strides = array<i32>} : memref<2x512xi32, #tpu.memory_space<vmem>>, vector<16xi32>,
      %shift_right_arithmetic3A_1188 = arith.constant 2 : i32
      %shift_right_arithmetic3A_1189 = vector.broadcast %shift_right_arithmetic3A_1188 : i32 to vector<16xi32>
      %shift_right_arithmetic3A_1190 = arith.shrsi %get3A_1187, %shift_right_arithmetic3A_1189 : vector<16xi32>
      %swap3A_1191 = arith.constant 0 : i32
      %swap3A_1192 = arith.constant 0 : i32
      %swap3A_1193 = arith.index_cast %swap3A_1191 : i32 to index
      %swap3A_1194 = arith.index_cast %swap3A_1192 : i32 to index
      %swap3A_1195 = arith.constant 112 : index
      %swap3A_1196 = tpu.vector_load %arg6[%swap3A_1193, %swap3A_1194, %swap3A_1195] {strides = array<i32>} : memref<2x4x128xi32, #tpu.memory_space<vmem>>, vector<16xi32>,
      tpu.vector_store %arg6[%swap3A_1193, %swap3A_1194, %swap3A_1195], %shift_right_arithmetic3A_1190 {strides = array<i32>} : memref<2x4x128xi32, #tpu.memory_space<vmem>>, vector<16xi32>,
      %get3A_1197 = arith.constant 0 : i32
      %get3A_1198 = arith.index_cast %get3A_1197 : i32 to index
      %get3A_1199 = arith.constant 128 : index
      %get3A_1200 = tpu.vector_load %arg5[%get3A_1198, %get3A_1199] {strides = array<i32>} : memref<2x512xi32, #tpu.memory_space<vmem>>, vector<16xi32>,
      %shift_right_arithmetic3A_1201 = arith.constant 2 : i32
      %shift_right_arithmetic3A_1202 = vector.broadcast %shift_right_arithmetic3A_1201 : i32 to vector<16xi32>
      %shift_right_arithmetic3A_1203 = arith.shrsi %get3A_1200, %shift_right_arithmetic3A_1202 : vector<16xi32>
      %swap3A_1204 = arith.constant 0 : i32
      %swap3A_1205 = arith.constant 1 : i32
      %swap3A_1206 = arith.index_cast %swap3A_1204 : i32 to index
      %swap3A_1207 = arith.index_cast %swap3A_1205 : i32 to index
      %swap3A_1208 = arith.constant 0 : index
      %swap3A_1209 = tpu.vector_load %arg6[%swap3A_1206, %swap3A_1207, %swap3A_1208] {strides = array<i32>} : memref<2x4x128xi32, #tpu.memory_space<vmem>>, vector<16xi32>,
      tpu.vector_store %arg6[%swap3A_1206, %swap3A_1207, %swap3A_1208], %shift_right_arithmetic3A_1203 {strides = array<i32>} : memref<2x4x128xi32, #tpu.memory_space<vmem>>, vector<16xi32>,
      %get3A_1210 = arith.constant 0 : i32
      %get3A_1211 = arith.index_cast %get3A_1210 : i32 to index
      %get3A_1212 = arith.constant 144 : index
      %get3A_1213 = tpu.vector_load %arg5[%get3A_1211, %get3A_1212] {strides = array<i32>} : memref<2x512xi32, #tpu.memory_space<vmem>>, vector<16xi32>,
      %shift_right_arithmetic3A_1214 = arith.constant 2 : i32
      %shift_right_arithmetic3A_1215 = vector.broadcast %shift_right_arithmetic3A_1214 : i32 to vector<16xi32>
      %shift_right_arithmetic3A_1216 = arith.shrsi %get3A_1213, %shift_right_arithmetic3A_1215 : vector<16xi32>
      %swap3A_1217 = arith.constant 0 : i32
      %swap3A_1218 = arith.constant 1 : i32
      %swap3A_1219 = arith.index_cast %swap3A_1217 : i32 to index
      %swap3A_1220 = arith.index_cast %swap3A_1218 : i32 to index
      %swap3A_1221 = arith.constant 16 : index
      %swap3A_1222 = tpu.vector_load %arg6[%swap3A_1219, %swap3A_1220, %swap3A_1221] {strides = array<i32>} : memref<2x4x128xi32, #tpu.memory_space<vmem>>, vector<16xi32>,
      tpu.vector_store %arg6[%swap3A_1219, %swap3A_1220, %swap3A_1221], %shift_right_arithmetic3A_1216 {strides = array<i32>} : memref<2x4x128xi32, #tpu.memory_space<vmem>>, vector<16xi32>,
      %get3A_1223 = arith.constant 0 : i32
      %get3A_1224 = arith.index_cast %get3A_1223 : i32 to index
      %get3A_1225 = arith.constant 160 : index
      %get3A_1226 = tpu.vector_load %arg5[%get3A_1224, %get3A_1225] {strides = array<i32>} : memref<2x512xi32, #tpu.memory_space<vmem>>, vector<16xi32>,
      %shift_right_arithmetic3A_1227 = arith.constant 2 : i32
      %shift_right_arithmetic3A_1228 = vector.broadcast %shift_right_arithmetic3A_1227 : i32 to vector<16xi32>
      %shift_right_arithmetic3A_1229 = arith.shrsi %get3A_1226, %shift_right_arithmetic3A_1228 : vector<16xi32>
      %swap3A_1230 = arith.constant 0 : i32
      %swap3A_1231 = arith.constant 1 : i32
      %swap3A_1232 = arith.index_cast %swap3A_1230 : i32 to index
      %swap3A_1233 = arith.index_cast %swap3A_1231 : i32 to index
      %swap3A_1234 = arith.constant 32 : index
      %swap3A_1235 = tpu.vector_load %arg6[%swap3A_1232, %swap3A_1233, %swap3A_1234] {strides = array<i32>} : memref<2x4x128xi32, #tpu.memory_space<vmem>>, vector<16xi32>,
      tpu.vector_store %arg6[%swap3A_1232, %swap3A_1233, %swap3A_1234], %shift_right_arithmetic3A_1229 {strides = array<i32>} : memref<2x4x128xi32, #tpu.memory_space<vmem>>, vector<16xi32>,
      %get3A_1236 = arith.constant 0 : i32
      %get3A_1237 = arith.index_cast %get3A_1236 : i32 to index
      %get3A_1238 = arith.constant 176 : index
      %get3A_1239 = tpu.vector_load %arg5[%get3A_1237, %get3A_1238] {strides = array<i32>} : memref<2x512xi32, #tpu.memory_space<vmem>>, vector<16xi32>,
      %shift_right_arithmetic3A_1240 = arith.constant 2 : i32
      %shift_right_arithmetic3A_1241 = vector.broadcast %shift_right_arithmetic3A_1240 : i32 to vector<16xi32>
      %shift_right_arithmetic3A_1242 = arith.shrsi %get3A_1239, %shift_right_arithmetic3A_1241 : vector<16xi32>
      %swap3A_1243 = arith.constant 0 : i32
      %swap3A_1244 = arith.constant 1 : i32
      %swap3A_1245 = arith.index_cast %swap3A_1243 : i32 to index
      %swap3A_1246 = arith.index_cast %swap3A_1244 : i32 to index
      %swap3A_1247 = arith.constant 48 : index
      %swap3A_1248 = tpu.vector_load %arg6[%swap3A_1245, %swap3A_1246, %swap3A_1247] {strides = array<i32>} : memref<2x4x128xi32, #tpu.memory_space<vmem>>, vector<16xi32>,
      tpu.vector_store %arg6[%swap3A_1245, %swap3A_1246, %swap3A_1247], %shift_right_arithmetic3A_1242 {strides = array<i32>} : memref<2x4x128xi32, #tpu.memory_space<vmem>>, vector<16xi32>,
      %get3A_1249 = arith.constant 0 : i32
      %get3A_1250 = arith.index_cast %get3A_1249 : i32 to index
      %get3A_1251 = arith.constant 192 : index
      %get3A_1252 = tpu.vector_load %arg5[%get3A_1250, %get3A_1251] {strides = array<i32>} : memref<2x512xi32, #tpu.memory_space<vmem>>, vector<16xi32>,
      %shift_right_arithmetic3A_1253 = arith.constant 2 : i32
      %shift_right_arithmetic3A_1254 = vector.broadcast %shift_right_arithmetic3A_1253 : i32 to vector<16xi32>
      %shift_right_arithmetic3A_1255 = arith.shrsi %get3A_1252, %shift_right_arithmetic3A_1254 : vector<16xi32>
      %swap3A_1256 = arith.constant 0 : i32
      %swap3A_1257 = arith.constant 1 : i32
      %swap3A_1258 = arith.index_cast %swap3A_1256 : i32 to index
      %swap3A_1259 = arith.index_cast %swap3A_1257 : i32 to index
      %swap3A_1260 = arith.constant 64 : index
      %swap3A_1261 = tpu.vector_load %arg6[%swap3A_1258, %swap3A_1259, %swap3A_1260] {strides = array<i32>} : memref<2x4x128xi32, #tpu.memory_space<vmem>>, vector<16xi32>,
      tpu.vector_store %arg6[%swap3A_1258, %swap3A_1259, %swap3A_1260], %shift_right_arithmetic3A_1255 {strides = array<i32>} : memref<2x4x128xi32, #tpu.memory_space<vmem>>, vector<16xi32>,
      %get3A_1262 = arith.constant 0 : i32
      %get3A_1263 = arith.index_cast %get3A_1262 : i32 to index
      %get3A_1264 = arith.constant 208 : index
      %get3A_1265 = tpu.vector_load %arg5[%get3A_1263, %get3A_1264] {strides = array<i32>} : memref<2x512xi32, #tpu.memory_space<vmem>>, vector<16xi32>,
      %shift_right_arithmetic3A_1266 = arith.constant 2 : i32
      %shift_right_arithmetic3A_1267 = vector.broadcast %shift_right_arithmetic3A_1266 : i32 to vector<16xi32>
      %shift_right_arithmetic3A_1268 = arith.shrsi %get3A_1265, %shift_right_arithmetic3A_1267 : vector<16xi32>
      %swap3A_1269 = arith.constant 0 : i32
      %swap3A_1270 = arith.constant 1 : i32
      %swap3A_1271 = arith.index_cast %swap3A_1269 : i32 to index
      %swap3A_1272 = arith.index_cast %swap3A_1270 : i32 to index
      %swap3A_1273 = arith.constant 80 : index
      %swap3A_1274 = tpu.vector_load %arg6[%swap3A_1271, %swap3A_1272, %swap3A_1273] {strides = array<i32>} : memref<2x4x128xi32, #tpu.memory_space<vmem>>, vector<16xi32>,
      tpu.vector_store %arg6[%swap3A_1271, %swap3A_1272, %swap3A_1273], %shift_right_arithmetic3A_1268 {strides = array<i32>} : memref<2x4x128xi32, #tpu.memory_space<vmem>>, vector<16xi32>,
      %get3A_1275 = arith.constant 0 : i32
      %get3A_1276 = arith.index_cast %get3A_1275 : i32 to index
      %get3A_1277 = arith.constant 224 : index
      %get3A_1278 = tpu.vector_load %arg5[%get3A_1276, %get3A_1277] {strides = array<i32>} : memref<2x512xi32, #tpu.memory_space<vmem>>, vector<16xi32>,
      %shift_right_arithmetic3A_1279 = arith.constant 2 : i32
      %shift_right_arithmetic3A_1280 = vector.broadcast %shift_right_arithmetic3A_1279 : i32 to vector<16xi32>
      %shift_right_arithmetic3A_1281 = arith.shrsi %get3A_1278, %shift_right_arithmetic3A_1280 : vector<16xi32>
      %swap3A_1282 = arith.constant 0 : i32
      %swap3A_1283 = arith.constant 1 : i32
      %swap3A_1284 = arith.index_cast %swap3A_1282 : i32 to index
      %swap3A_1285 = arith.index_cast %swap3A_1283 : i32 to index
      %swap3A_1286 = arith.constant 96 : index
      %swap3A_1287 = tpu.vector_load %arg6[%swap3A_1284, %swap3A_1285, %swap3A_1286] {strides = array<i32>} : memref<2x4x128xi32, #tpu.memory_space<vmem>>, vector<16xi32>,
      tpu.vector_store %arg6[%swap3A_1284, %swap3A_1285, %swap3A_1286], %shift_right_arithmetic3A_1281 {strides = array<i32>} : memref<2x4x128xi32, #tpu.memory_space<vmem>>, vector<16xi32>,
      %get3A_1288 = arith.constant 0 : i32
      %get3A_1289 = arith.index_cast %get3A_1288 : i32 to index
      %get3A_1290 = arith.constant 240 : index
      %get3A_1291 = tpu.vector_load %arg5[%get3A_1289, %get3A_1290] {strides = array<i32>} : memref<2x512xi32, #tpu.memory_space<vmem>>, vector<16xi32>,
      %shift_right_arithmetic3A_1292 = arith.constant 2 : i32
      %shift_right_arithmetic3A_1293 = vector.broadcast %shift_right_arithmetic3A_1292 : i32 to vector<16xi32>
      %shift_right_arithmetic3A_1294 = arith.shrsi %get3A_1291, %shift_right_arithmetic3A_1293 : vector<16xi32>
      %swap3A_1295 = arith.constant 0 : i32
      %swap3A_1296 = arith.constant 1 : i32
      %swap3A_1297 = arith.index_cast %swap3A_1295 : i32 to index
      %swap3A_1298 = arith.index_cast %swap3A_1296 : i32 to index
      %swap3A_1299 = arith.constant 112 : index
      %swap3A_1300 = tpu.vector_load %arg6[%swap3A_1297, %swap3A_1298, %swap3A_1299] {strides = array<i32>} : memref<2x4x128xi32, #tpu.memory_space<vmem>>, vector<16xi32>,
      tpu.vector_store %arg6[%swap3A_1297, %swap3A_1298, %swap3A_1299], %shift_right_arithmetic3A_1294 {strides = array<i32>} : memref<2x4x128xi32, #tpu.memory_space<vmem>>, vector<16xi32>,
      %get3A_1301 = arith.constant 0 : i32
      %get3A_1302 = arith.index_cast %get3A_1301 : i32 to index
      %get3A_1303 = arith.constant 256 : index
      %get3A_1304 = tpu.vector_load %arg5[%get3A_1302, %get3A_1303] {strides = array<i32>} : memref<2x512xi32, #tpu.memory_space<vmem>>, vector<16xi32>,
      %shift_right_arithmetic3A_1305 = arith.constant 2 : i32
      %shift_right_arithmetic3A_1306 = vector.broadcast %shift_right_arithmetic3A_1305 : i32 to vector<16xi32>
      %shift_right_arithmetic3A_1307 = arith.shrsi %get3A_1304, %shift_right_arithmetic3A_1306 : vector<16xi32>
      %swap3A_1308 = arith.constant 0 : i32
      %swap3A_1309 = arith.constant 2 : i32
      %swap3A_1310 = arith.index_cast %swap3A_1308 : i32 to index
      %swap3A_1311 = arith.index_cast %swap3A_1309 : i32 to index
      %swap3A_1312 = arith.constant 0 : index
      %swap3A_1313 = tpu.vector_load %arg6[%swap3A_1310, %swap3A_1311, %swap3A_1312] {strides = array<i32>} : memref<2x4x128xi32, #tpu.memory_space<vmem>>, vector<16xi32>,
      tpu.vector_store %arg6[%swap3A_1310, %swap3A_1311, %swap3A_1312], %shift_right_arithmetic3A_1307 {strides = array<i32>} : memref<2x4x128xi32, #tpu.memory_space<vmem>>, vector<16xi32>,
      %get3A_1314 = arith.constant 0 : i32
      %get3A_1315 = arith.index_cast %get3A_1314 : i32 to index
      %get3A_1316 = arith.constant 272 : index
      %get3A_1317 = tpu.vector_load %arg5[%get3A_1315, %get3A_1316] {strides = array<i32>} : memref<2x512xi32, #tpu.memory_space<vmem>>, vector<16xi32>,
      %shift_right_arithmetic3A_1318 = arith.constant 2 : i32
      %shift_right_arithmetic3A_1319 = vector.broadcast %shift_right_arithmetic3A_1318 : i32 to vector<16xi32>
      %shift_right_arithmetic3A_1320 = arith.shrsi %get3A_1317, %shift_right_arithmetic3A_1319 : vector<16xi32>
      %swap3A_1321 = arith.constant 0 : i32
      %swap3A_1322 = arith.constant 2 : i32
      %swap3A_1323 = arith.index_cast %swap3A_1321 : i32 to index
      %swap3A_1324 = arith.index_cast %swap3A_1322 : i32 to index
      %swap3A_1325 = arith.constant 16 : index
      %swap3A_1326 = tpu.vector_load %arg6[%swap3A_1323, %swap3A_1324, %swap3A_1325] {strides = array<i32>} : memref<2x4x128xi32, #tpu.memory_space<vmem>>, vector<16xi32>,
      tpu.vector_store %arg6[%swap3A_1323, %swap3A_1324, %swap3A_1325], %shift_right_arithmetic3A_1320 {strides = array<i32>} : memref<2x4x128xi32, #tpu.memory_space<vmem>>, vector<16xi32>,
      %get3A_1327 = arith.constant 0 : i32
      %get3A_1328 = arith.index_cast %get3A_1327 : i32 to index
      %get3A_1329 = arith.constant 288 : index
      %get3A_1330 = tpu.vector_load %arg5[%get3A_1328, %get3A_1329] {strides = array<i32>} : memref<2x512xi32, #tpu.memory_space<vmem>>, vector<16xi32>,
      %shift_right_arithmetic3A_1331 = arith.constant 2 : i32
      %shift_right_arithmetic3A_1332 = vector.broadcast %shift_right_arithmetic3A_1331 : i32 to vector<16xi32>
      %shift_right_arithmetic3A_1333 = arith.shrsi %get3A_1330, %shift_right_arithmetic3A_1332 : vector<16xi32>
      %swap3A_1334 = arith.constant 0 : i32
      %swap3A_1335 = arith.constant 2 : i32
      %swap3A_1336 = arith.index_cast %swap3A_1334 : i32 to index
      %swap3A_1337 = arith.index_cast %swap3A_1335 : i32 to index
      %swap3A_1338 = arith.constant 32 : index
      %swap3A_1339 = tpu.vector_load %arg6[%swap3A_1336, %swap3A_1337, %swap3A_1338] {strides = array<i32>} : memref<2x4x128xi32, #tpu.memory_space<vmem>>, vector<16xi32>,
      tpu.vector_store %arg6[%swap3A_1336, %swap3A_1337, %swap3A_1338], %shift_right_arithmetic3A_1333 {strides = array<i32>} : memref<2x4x128xi32, #tpu.memory_space<vmem>>, vector<16xi32>,
      %get3A_1340 = arith.constant 0 : i32
      %get3A_1341 = arith.index_cast %get3A_1340 : i32 to index
      %get3A_1342 = arith.constant 304 : index
      %get3A_1343 = tpu.vector_load %arg5[%get3A_1341, %get3A_1342] {strides = array<i32>} : memref<2x512xi32, #tpu.memory_space<vmem>>, vector<16xi32>,
      %shift_right_arithmetic3A_1344 = arith.constant 2 : i32
      %shift_right_arithmetic3A_1345 = vector.broadcast %shift_right_arithmetic3A_1344 : i32 to vector<16xi32>
      %shift_right_arithmetic3A_1346 = arith.shrsi %get3A_1343, %shift_right_arithmetic3A_1345 : vector<16xi32>
      %swap3A_1347 = arith.constant 0 : i32
      %swap3A_1348 = arith.constant 2 : i32
      %swap3A_1349 = arith.index_cast %swap3A_1347 : i32 to index
      %swap3A_1350 = arith.index_cast %swap3A_1348 : i32 to index
      %swap3A_1351 = arith.constant 48 : index
      %swap3A_1352 = tpu.vector_load %arg6[%swap3A_1349, %swap3A_1350, %swap3A_1351] {strides = array<i32>} : memref<2x4x128xi32, #tpu.memory_space<vmem>>, vector<16xi32>,
      tpu.vector_store %arg6[%swap3A_1349, %swap3A_1350, %swap3A_1351], %shift_right_arithmetic3A_1346 {strides = array<i32>} : memref<2x4x128xi32, #tpu.memory_space<vmem>>, vector<16xi32>,
      %get3A_1353 = arith.constant 0 : i32
      %get3A_1354 = arith.index_cast %get3A_1353 : i32 to index
      %get3A_1355 = arith.constant 320 : index
      %get3A_1356 = tpu.vector_load %arg5[%get3A_1354, %get3A_1355] {strides = array<i32>} : memref<2x512xi32, #tpu.memory_space<vmem>>, vector<16xi32>,
      %shift_right_arithmetic3A_1357 = arith.constant 2 : i32
      %shift_right_arithmetic3A_1358 = vector.broadcast %shift_right_arithmetic3A_1357 : i32 to vector<16xi32>
      %shift_right_arithmetic3A_1359 = arith.shrsi %get3A_1356, %shift_right_arithmetic3A_1358 : vector<16xi32>
      %swap3A_1360 = arith.constant 0 : i32
      %swap3A_1361 = arith.constant 2 : i32
      %swap3A_1362 = arith.index_cast %swap3A_1360 : i32 to index
      %swap3A_1363 = arith.index_cast %swap3A_1361 : i32 to index
      %swap3A_1364 = arith.constant 64 : index
      %swap3A_1365 = tpu.vector_load %arg6[%swap3A_1362, %swap3A_1363, %swap3A_1364] {strides = array<i32>} : memref<2x4x128xi32, #tpu.memory_space<vmem>>, vector<16xi32>,
      tpu.vector_store %arg6[%swap3A_1362, %swap3A_1363, %swap3A_1364], %shift_right_arithmetic3A_1359 {strides = array<i32>} : memref<2x4x128xi32, #tpu.memory_space<vmem>>, vector<16xi32>,
      %get3A_1366 = arith.constant 0 : i32
      %get3A_1367 = arith.index_cast %get3A_1366 : i32 to index
      %get3A_1368 = arith.constant 336 : index
      %get3A_1369 = tpu.vector_load %arg5[%get3A_1367, %get3A_1368] {strides = array<i32>} : memref<2x512xi32, #tpu.memory_space<vmem>>, vector<16xi32>,
      %shift_right_arithmetic3A_1370 = arith.constant 2 : i32
      %shift_right_arithmetic3A_1371 = vector.broadcast %shift_right_arithmetic3A_1370 : i32 to vector<16xi32>
      %shift_right_arithmetic3A_1372 = arith.shrsi %get3A_1369, %shift_right_arithmetic3A_1371 : vector<16xi32>
      %swap3A_1373 = arith.constant 0 : i32
      %swap3A_1374 = arith.constant 2 : i32
      %swap3A_1375 = arith.index_cast %swap3A_1373 : i32 to index
      %swap3A_1376 = arith.index_cast %swap3A_1374 : i32 to index
      %swap3A_1377 = arith.constant 80 : index
      %swap3A_1378 = tpu.vector_load %arg6[%swap3A_1375, %swap3A_1376, %swap3A_1377] {strides = array<i32>} : memref<2x4x128xi32, #tpu.memory_space<vmem>>, vector<16xi32>,
      tpu.vector_store %arg6[%swap3A_1375, %swap3A_1376, %swap3A_1377], %shift_right_arithmetic3A_1372 {strides = array<i32>} : memref<2x4x128xi32, #tpu.memory_space<vmem>>, vector<16xi32>,
      %get3A_1379 = arith.constant 0 : i32
      %get3A_1380 = arith.index_cast %get3A_1379 : i32 to index
      %get3A_1381 = arith.constant 352 : index
      %get3A_1382 = tpu.vector_load %arg5[%get3A_1380, %get3A_1381] {strides = array<i32>} : memref<2x512xi32, #tpu.memory_space<vmem>>, vector<16xi32>,
      %shift_right_arithmetic3A_1383 = arith.constant 2 : i32
      %shift_right_arithmetic3A_1384 = vector.broadcast %shift_right_arithmetic3A_1383 : i32 to vector<16xi32>
      %shift_right_arithmetic3A_1385 = arith.shrsi %get3A_1382, %shift_right_arithmetic3A_1384 : vector<16xi32>
      %swap3A_1386 = arith.constant 0 : i32
      %swap3A_1387 = arith.constant 2 : i32
      %swap3A_1388 = arith.index_cast %swap3A_1386 : i32 to index
      %swap3A_1389 = arith.index_cast %swap3A_1387 : i32 to index
      %swap3A_1390 = arith.constant 96 : index
      %swap3A_1391 = tpu.vector_load %arg6[%swap3A_1388, %swap3A_1389, %swap3A_1390] {strides = array<i32>} : memref<2x4x128xi32, #tpu.memory_space<vmem>>, vector<16xi32>,
      tpu.vector_store %arg6[%swap3A_1388, %swap3A_1389, %swap3A_1390], %shift_right_arithmetic3A_1385 {strides = array<i32>} : memref<2x4x128xi32, #tpu.memory_space<vmem>>, vector<16xi32>,
      %get3A_1392 = arith.constant 0 : i32
      %get3A_1393 = arith.index_cast %get3A_1392 : i32 to index
      %get3A_1394 = arith.constant 368 : index
      %get3A_1395 = tpu.vector_load %arg5[%get3A_1393, %get3A_1394] {strides = array<i32>} : memref<2x512xi32, #tpu.memory_space<vmem>>, vector<16xi32>,
      %shift_right_arithmetic3A_1396 = arith.constant 2 : i32
      %shift_right_arithmetic3A_1397 = vector.broadcast %shift_right_arithmetic3A_1396 : i32 to vector<16xi32>
      %shift_right_arithmetic3A_1398 = arith.shrsi %get3A_1395, %shift_right_arithmetic3A_1397 : vector<16xi32>
      %swap3A_1399 = arith.constant 0 : i32
      %swap3A_1400 = arith.constant 2 : i32
      %swap3A_1401 = arith.index_cast %swap3A_1399 : i32 to index
      %swap3A_1402 = arith.index_cast %swap3A_1400 : i32 to index
      %swap3A_1403 = arith.constant 112 : index
      %swap3A_1404 = tpu.vector_load %arg6[%swap3A_1401, %swap3A_1402, %swap3A_1403] {strides = array<i32>} : memref<2x4x128xi32, #tpu.memory_space<vmem>>, vector<16xi32>,
      tpu.vector_store %arg6[%swap3A_1401, %swap3A_1402, %swap3A_1403], %shift_right_arithmetic3A_1398 {strides = array<i32>} : memref<2x4x128xi32, #tpu.memory_space<vmem>>, vector<16xi32>,
      %get3A_1405 = arith.constant 0 : i32
      %get3A_1406 = arith.index_cast %get3A_1405 : i32 to index
      %get3A_1407 = arith.constant 384 : index
      %get3A_1408 = tpu.vector_load %arg5[%get3A_1406, %get3A_1407] {strides = array<i32>} : memref<2x512xi32, #tpu.memory_space<vmem>>, vector<16xi32>,
      %shift_right_arithmetic3A_1409 = arith.constant 2 : i32
      %shift_right_arithmetic3A_1410 = vector.broadcast %shift_right_arithmetic3A_1409 : i32 to vector<16xi32>
      %shift_right_arithmetic3A_1411 = arith.shrsi %get3A_1408, %shift_right_arithmetic3A_1410 : vector<16xi32>
      %swap3A_1412 = arith.constant 0 : i32
      %swap3A_1413 = arith.constant 3 : i32
      %swap3A_1414 = arith.index_cast %swap3A_1412 : i32 to index
      %swap3A_1415 = arith.index_cast %swap3A_1413 : i32 to index
      %swap3A_1416 = arith.constant 0 : index
      %swap3A_1417 = tpu.vector_load %arg6[%swap3A_1414, %swap3A_1415, %swap3A_1416] {strides = array<i32>} : memref<2x4x128xi32, #tpu.memory_space<vmem>>, vector<16xi32>,
      tpu.vector_store %arg6[%swap3A_1414, %swap3A_1415, %swap3A_1416], %shift_right_arithmetic3A_1411 {strides = array<i32>} : memref<2x4x128xi32, #tpu.memory_space<vmem>>, vector<16xi32>,
      %get3A_1418 = arith.constant 0 : i32
      %get3A_1419 = arith.index_cast %get3A_1418 : i32 to index
      %get3A_1420 = arith.constant 400 : index
      %get3A_1421 = tpu.vector_load %arg5[%get3A_1419, %get3A_1420] {strides = array<i32>} : memref<2x512xi32, #tpu.memory_space<vmem>>, vector<16xi32>,
      %shift_right_arithmetic3A_1422 = arith.constant 2 : i32
      %shift_right_arithmetic3A_1423 = vector.broadcast %shift_right_arithmetic3A_1422 : i32 to vector<16xi32>
      %shift_right_arithmetic3A_1424 = arith.shrsi %get3A_1421, %shift_right_arithmetic3A_1423 : vector<16xi32>
      %swap3A_1425 = arith.constant 0 : i32
      %swap3A_1426 = arith.constant 3 : i32
      %swap3A_1427 = arith.index_cast %swap3A_1425 : i32 to index
      %swap3A_1428 = arith.index_cast %swap3A_1426 : i32 to index
      %swap3A_1429 = arith.constant 16 : index
      %swap3A_1430 = tpu.vector_load %arg6[%swap3A_1427, %swap3A_1428, %swap3A_1429] {strides = array<i32>} : memref<2x4x128xi32, #tpu.memory_space<vmem>>, vector<16xi32>,
      tpu.vector_store %arg6[%swap3A_1427, %swap3A_1428, %swap3A_1429], %shift_right_arithmetic3A_1424 {strides = array<i32>} : memref<2x4x128xi32, #tpu.memory_space<vmem>>, vector<16xi32>,
      %get3A_1431 = arith.constant 0 : i32
      %get3A_1432 = arith.index_cast %get3A_1431 : i32 to index
      %get3A_1433 = arith.constant 416 : index
      %get3A_1434 = tpu.vector_load %arg5[%get3A_1432, %get3A_1433] {strides = array<i32>} : memref<2x512xi32, #tpu.memory_space<vmem>>, vector<16xi32>,
      %shift_right_arithmetic3A_1435 = arith.constant 2 : i32
      %shift_right_arithmetic3A_1436 = vector.broadcast %shift_right_arithmetic3A_1435 : i32 to vector<16xi32>
      %shift_right_arithmetic3A_1437 = arith.shrsi %get3A_1434, %shift_right_arithmetic3A_1436 : vector<16xi32>
      %swap3A_1438 = arith.constant 0 : i32
      %swap3A_1439 = arith.constant 3 : i32
      %swap3A_1440 = arith.index_cast %swap3A_1438 : i32 to index
      %swap3A_1441 = arith.index_cast %swap3A_1439 : i32 to index
      %swap3A_1442 = arith.constant 32 : index
      %swap3A_1443 = tpu.vector_load %arg6[%swap3A_1440, %swap3A_1441, %swap3A_1442] {strides = array<i32>} : memref<2x4x128xi32, #tpu.memory_space<vmem>>, vector<16xi32>,
      tpu.vector_store %arg6[%swap3A_1440, %swap3A_1441, %swap3A_1442], %shift_right_arithmetic3A_1437 {strides = array<i32>} : memref<2x4x128xi32, #tpu.memory_space<vmem>>, vector<16xi32>,
      %get3A_1444 = arith.constant 0 : i32
      %get3A_1445 = arith.index_cast %get3A_1444 : i32 to index
      %get3A_1446 = arith.constant 432 : index
      %get3A_1447 = tpu.vector_load %arg5[%get3A_1445, %get3A_1446] {strides = array<i32>} : memref<2x512xi32, #tpu.memory_space<vmem>>, vector<16xi32>,
      %shift_right_arithmetic3A_1448 = arith.constant 2 : i32
      %shift_right_arithmetic3A_1449 = vector.broadcast %shift_right_arithmetic3A_1448 : i32 to vector<16xi32>
      %shift_right_arithmetic3A_1450 = arith.shrsi %get3A_1447, %shift_right_arithmetic3A_1449 : vector<16xi32>
      %swap3A_1451 = arith.constant 0 : i32
      %swap3A_1452 = arith.constant 3 : i32
      %swap3A_1453 = arith.index_cast %swap3A_1451 : i32 to index
      %swap3A_1454 = arith.index_cast %swap3A_1452 : i32 to index
      %swap3A_1455 = arith.constant 48 : index
      %swap3A_1456 = tpu.vector_load %arg6[%swap3A_1453, %swap3A_1454, %swap3A_1455] {strides = array<i32>} : memref<2x4x128xi32, #tpu.memory_space<vmem>>, vector<16xi32>,
      tpu.vector_store %arg6[%swap3A_1453, %swap3A_1454, %swap3A_1455], %shift_right_arithmetic3A_1450 {strides = array<i32>} : memref<2x4x128xi32, #tpu.memory_space<vmem>>, vector<16xi32>,
      %get3A_1457 = arith.constant 0 : i32
      %get3A_1458 = arith.index_cast %get3A_1457 : i32 to index
      %get3A_1459 = arith.constant 448 : index
      %get3A_1460 = tpu.vector_load %arg5[%get3A_1458, %get3A_1459] {strides = array<i32>} : memref<2x512xi32, #tpu.memory_space<vmem>>, vector<16xi32>,
      %shift_right_arithmetic3A_1461 = arith.constant 2 : i32
      %shift_right_arithmetic3A_1462 = vector.broadcast %shift_right_arithmetic3A_1461 : i32 to vector<16xi32>
      %shift_right_arithmetic3A_1463 = arith.shrsi %get3A_1460, %shift_right_arithmetic3A_1462 : vector<16xi32>
      %swap3A_1464 = arith.constant 0 : i32
      %swap3A_1465 = arith.constant 3 : i32
      %swap3A_1466 = arith.index_cast %swap3A_1464 : i32 to index
      %swap3A_1467 = arith.index_cast %swap3A_1465 : i32 to index
      %swap3A_1468 = arith.constant 64 : index
      %swap3A_1469 = tpu.vector_load %arg6[%swap3A_1466, %swap3A_1467, %swap3A_1468] {strides = array<i32>} : memref<2x4x128xi32, #tpu.memory_space<vmem>>, vector<16xi32>,
      tpu.vector_store %arg6[%swap3A_1466, %swap3A_1467, %swap3A_1468], %shift_right_arithmetic3A_1463 {strides = array<i32>} : memref<2x4x128xi32, #tpu.memory_space<vmem>>, vector<16xi32>,
      %get3A_1470 = arith.constant 0 : i32
      %get3A_1471 = arith.index_cast %get3A_1470 : i32 to index
      %get3A_1472 = arith.constant 464 : index
      %get3A_1473 = tpu.vector_load %arg5[%get3A_1471, %get3A_1472] {strides = array<i32>} : memref<2x512xi32, #tpu.memory_space<vmem>>, vector<16xi32>,
      %shift_right_arithmetic3A_1474 = arith.constant 2 : i32
      %shift_right_arithmetic3A_1475 = vector.broadcast %shift_right_arithmetic3A_1474 : i32 to vector<16xi32>
      %shift_right_arithmetic3A_1476 = arith.shrsi %get3A_1473, %shift_right_arithmetic3A_1475 : vector<16xi32>
      %swap3A_1477 = arith.constant 0 : i32
      %swap3A_1478 = arith.constant 3 : i32
      %swap3A_1479 = arith.index_cast %swap3A_1477 : i32 to index
      %swap3A_1480 = arith.index_cast %swap3A_1478 : i32 to index
      %swap3A_1481 = arith.constant 80 : index
      %swap3A_1482 = tpu.vector_load %arg6[%swap3A_1479, %swap3A_1480, %swap3A_1481] {strides = array<i32>} : memref<2x4x128xi32, #tpu.memory_space<vmem>>, vector<16xi32>,
      tpu.vector_store %arg6[%swap3A_1479, %swap3A_1480, %swap3A_1481], %shift_right_arithmetic3A_1476 {strides = array<i32>} : memref<2x4x128xi32, #tpu.memory_space<vmem>>, vector<16xi32>,
      %get3A_1483 = arith.constant 0 : i32
      %get3A_1484 = arith.index_cast %get3A_1483 : i32 to index
      %get3A_1485 = arith.constant 480 : index
      %get3A_1486 = tpu.vector_load %arg5[%get3A_1484, %get3A_1485] {strides = array<i32>} : memref<2x512xi32, #tpu.memory_space<vmem>>, vector<16xi32>,
      %shift_right_arithmetic3A_1487 = arith.constant 2 : i32
      %shift_right_arithmetic3A_1488 = vector.broadcast %shift_right_arithmetic3A_1487 : i32 to vector<16xi32>
      %shift_right_arithmetic3A_1489 = arith.shrsi %get3A_1486, %shift_right_arithmetic3A_1488 : vector<16xi32>
      %swap3A_1490 = arith.constant 0 : i32
      %swap3A_1491 = arith.constant 3 : i32
      %swap3A_1492 = arith.index_cast %swap3A_1490 : i32 to index
      %swap3A_1493 = arith.index_cast %swap3A_1491 : i32 to index
      %swap3A_1494 = arith.constant 96 : index
      %swap3A_1495 = tpu.vector_load %arg6[%swap3A_1492, %swap3A_1493, %swap3A_1494] {strides = array<i32>} : memref<2x4x128xi32, #tpu.memory_space<vmem>>, vector<16xi32>,
      tpu.vector_store %arg6[%swap3A_1492, %swap3A_1493, %swap3A_1494], %shift_right_arithmetic3A_1489 {strides = array<i32>} : memref<2x4x128xi32, #tpu.memory_space<vmem>>, vector<16xi32>,
      %get3A_1496 = arith.constant 0 : i32
      %get3A_1497 = arith.index_cast %get3A_1496 : i32 to index
      %get3A_1498 = arith.constant 496 : index
      %get3A_1499 = tpu.vector_load %arg5[%get3A_1497, %get3A_1498] {strides = array<i32>} : memref<2x512xi32, #tpu.memory_space<vmem>>, vector<16xi32>,
      %shift_right_arithmetic3A_1500 = arith.constant 2 : i32
      %shift_right_arithmetic3A_1501 = vector.broadcast %shift_right_arithmetic3A_1500 : i32 to vector<16xi32>
      %shift_right_arithmetic3A_1502 = arith.shrsi %get3A_1499, %shift_right_arithmetic3A_1501 : vector<16xi32>
      %swap3A_1503 = arith.constant 0 : i32
      %swap3A_1504 = arith.constant 3 : i32
      %swap3A_1505 = arith.index_cast %swap3A_1503 : i32 to index
      %swap3A_1506 = arith.index_cast %swap3A_1504 : i32 to index
      %swap3A_1507 = arith.constant 112 : index
      %swap3A_1508 = tpu.vector_load %arg6[%swap3A_1505, %swap3A_1506, %swap3A_1507] {strides = array<i32>} : memref<2x4x128xi32, #tpu.memory_space<vmem>>, vector<16xi32>,
      tpu.vector_store %arg6[%swap3A_1505, %swap3A_1506, %swap3A_1507], %shift_right_arithmetic3A_1502 {strides = array<i32>} : memref<2x4x128xi32, #tpu.memory_space<vmem>>, vector<16xi32>,
      %dma_start3A_1509 = arith.constant 0 : i32
      %dma_start3A_1510 = arith.constant 0 : i32
      %dma_start3A_1511 = arith.constant 0 : i32
      %dma_start3A_1512 = arith.constant 0 : i32
      %dma_start3A_1513 = tpu.memref_slice %arg7[%dma_start3A_1511, %dma_start3A_1512] : memref<512x128xi8, #tpu.memory_space<vmem>> -> memref<128x128xi8, #tpu.memory_space<vmem>>
      %dma_start3A_1514 = arith.constant 0 : i32
      %dma_start3A_1515 = tpu.memref_slice %arg6[%dma_start3A_1509, %dma_start3A_1510, %dma_start3A_1514] : memref<2x4x128xi32, #tpu.memory_space<vmem>> -> memref<1x1x128xi32, #tpu.memory_space<vmem>>
      %dma_start3A_1516 = tpu.memref_squeeze %dma_start3A_1515 : memref<1x1x128xi32, #tpu.memory_space<vmem>> -> memref<128xi32, #tpu.memory_space<vmem>>
      %dma_start3A_1517 = arith.constant 0 : i32
      %dma_start3A_1518 = arith.constant 0 : i32
      %dma_start3A_1519 = tpu.memref_slice %arg2[%dma_start3A_1517, %dma_start3A_1518] : memref<250000x128xi8, #tpu.memory_space<hbm>> -> memref<250000x128xi8, #tpu.memory_space<hbm>>
      tpu.enqueue_indirect_dma source(%dma_start3A_1519 : memref<250000x128xi8, #tpu.memory_space<hbm>>) target(%dma_start3A_1513 : memref<128x128xi8, #tpu.memory_space<vmem>>) offsets(%dma_start3A_1516 : memref<128xi32, #tpu.memory_space<vmem>>) semaphore(%arg11 : memref<!tpu.dma_semaphore, #tpu.memory_space<semaphore_mem>>)
      %dma_start3A_1520 = arith.constant 0 : i32
      %dma_start3A_1521 = arith.constant 1 : i32
      %dma_start3A_1522 = arith.constant 128 : i32
      %dma_start3A_1523 = arith.constant 0 : i32
      %dma_start3A_1524 = tpu.memref_slice %arg7[%dma_start3A_1522, %dma_start3A_1523] : memref<512x128xi8, #tpu.memory_space<vmem>> -> memref<128x128xi8, #tpu.memory_space<vmem>>
      %dma_start3A_1525 = arith.constant 0 : i32
      %dma_start3A_1526 = tpu.memref_slice %arg6[%dma_start3A_1520, %dma_start3A_1521, %dma_start3A_1525] : memref<2x4x128xi32, #tpu.memory_space<vmem>> -> memref<1x1x128xi32, #tpu.memory_space<vmem>>
      %dma_start3A_1527 = tpu.memref_squeeze %dma_start3A_1526 : memref<1x1x128xi32, #tpu.memory_space<vmem>> -> memref<128xi32, #tpu.memory_space<vmem>>
      %dma_start3A_1528 = arith.constant 0 : i32
      %dma_start3A_1529 = arith.constant 0 : i32
      %dma_start3A_1530 = tpu.memref_slice %arg2[%dma_start3A_1528, %dma_start3A_1529] : memref<250000x128xi8, #tpu.memory_space<hbm>> -> memref<250000x128xi8, #tpu.memory_space<hbm>>
      tpu.enqueue_indirect_dma source(%dma_start3A_1530 : memref<250000x128xi8, #tpu.memory_space<hbm>>) target(%dma_start3A_1524 : memref<128x128xi8, #tpu.memory_space<vmem>>) offsets(%dma_start3A_1527 : memref<128xi32, #tpu.memory_space<vmem>>) semaphore(%arg11 : memref<!tpu.dma_semaphore, #tpu.memory_space<semaphore_mem>>)
      %dma_start3A_1531 = arith.constant 0 : i32
      %dma_start3A_1532 = arith.constant 2 : i32
      %dma_start3A_1533 = arith.constant 256 : i32
      %dma_start3A_1534 = arith.constant 0 : i32
      %dma_start3A_1535 = tpu.memref_slice %arg7[%dma_start3A_1533, %dma_start3A_1534] : memref<512x128xi8, #tpu.memory_space<vmem>> -> memref<128x128xi8, #tpu.memory_space<vmem>>
      %dma_start3A_1536 = arith.constant 0 : i32
      %dma_start3A_1537 = tpu.memref_slice %arg6[%dma_start3A_1531, %dma_start3A_1532, %dma_start3A_1536] : memref<2x4x128xi32, #tpu.memory_space<vmem>> -> memref<1x1x128xi32, #tpu.memory_space<vmem>>
      %dma_start3A_1538 = tpu.memref_squeeze %dma_start3A_1537 : memref<1x1x128xi32, #tpu.memory_space<vmem>> -> memref<128xi32, #tpu.memory_space<vmem>>
      %dma_start3A_1539 = arith.constant 0 : i32
      %dma_start3A_1540 = arith.constant 0 : i32
      %dma_start3A_1541 = tpu.memref_slice %arg2[%dma_start3A_1539, %dma_start3A_1540] : memref<250000x128xi8, #tpu.memory_space<hbm>> -> memref<250000x128xi8, #tpu.memory_space<hbm>>
      tpu.enqueue_indirect_dma source(%dma_start3A_1541 : memref<250000x128xi8, #tpu.memory_space<hbm>>) target(%dma_start3A_1535 : memref<128x128xi8, #tpu.memory_space<vmem>>) offsets(%dma_start3A_1538 : memref<128xi32, #tpu.memory_space<vmem>>) semaphore(%arg11 : memref<!tpu.dma_semaphore, #tpu.memory_space<semaphore_mem>>)
      %dma_start3A_1542 = arith.constant 0 : i32
      %dma_start3A_1543 = arith.constant 3 : i32
      %dma_start3A_1544 = arith.constant 384 : i32
      %dma_start3A_1545 = arith.constant 0 : i32
      %dma_start3A_1546 = tpu.memref_slice %arg7[%dma_start3A_1544, %dma_start3A_1545] : memref<512x128xi8, #tpu.memory_space<vmem>> -> memref<128x128xi8, #tpu.memory_space<vmem>>
      %dma_start3A_1547 = arith.constant 0 : i32
      %dma_start3A_1548 = tpu.memref_slice %arg6[%dma_start3A_1542, %dma_start3A_1543, %dma_start3A_1547] : memref<2x4x128xi32, #tpu.memory_space<vmem>> -> memref<1x1x128xi32, #tpu.memory_space<vmem>>
      %dma_start3A_1549 = tpu.memref_squeeze %dma_start3A_1548 : memref<1x1x128xi32, #tpu.memory_space<vmem>> -> memref<128xi32, #tpu.memory_space<vmem>>
      %dma_start3A_1550 = arith.constant 0 : i32
      %dma_start3A_1551 = arith.constant 0 : i32
      %dma_start3A_1552 = tpu.memref_slice %arg2[%dma_start3A_1550, %dma_start3A_1551] : memref<250000x128xi8, #tpu.memory_space<hbm>> -> memref<250000x128xi8, #tpu.memory_space<hbm>>
      tpu.enqueue_indirect_dma source(%dma_start3A_1552 : memref<250000x128xi8, #tpu.memory_space<hbm>>) target(%dma_start3A_1546 : memref<128x128xi8, #tpu.memory_space<vmem>>) offsets(%dma_start3A_1549 : memref<128xi32, #tpu.memory_space<vmem>>) semaphore(%arg11 : memref<!tpu.dma_semaphore, #tpu.memory_space<semaphore_mem>>)
      %dma_wait3A_1553 = arith.constant 1 : i32
      %dma_wait3A_1554 = arith.constant 0 : i32
      %dma_wait3A_1555 = arith.constant 0 : i32
      %dma_wait3A_1556 = arith.constant 0 : i32
      %dma_wait3A_1557 = tpu.memref_slice %arg8[%dma_wait3A_1555, %dma_wait3A_1556] : memref<512x128xi8, #tpu.memory_space<vmem>> -> memref<128x128xi8, #tpu.memory_space<vmem>>
      %dma_wait3A_1558 = arith.constant 0 : i32
      %dma_wait3A_1559 = tpu.memref_slice %arg6[%dma_wait3A_1553, %dma_wait3A_1554, %dma_wait3A_1558] : memref<2x4x128xi32, #tpu.memory_space<vmem>> -> memref<1x1x128xi32, #tpu.memory_space<vmem>>
      %dma_wait3A_1560 = tpu.memref_squeeze %dma_wait3A_1559 : memref<1x1x128xi32, #tpu.memory_space<vmem>> -> memref<128xi32, #tpu.memory_space<vmem>>
      %dma_wait3A_1561 = arith.constant 0 : i32
      %dma_wait3A_1562 = arith.constant 0 : i32
      %dma_wait3A_1563 = tpu.memref_slice %arg2[%dma_wait3A_1561, %dma_wait3A_1562] : memref<250000x128xi8, #tpu.memory_space<hbm>> -> memref<250000x128xi8, #tpu.memory_space<hbm>>
      tpu.wait_indirect_dma semaphore(%arg12 : memref<!tpu.dma_semaphore, #tpu.memory_space<semaphore_mem>>) src(%dma_wait3A_1563 : memref<250000x128xi8, #tpu.memory_space<hbm>>) dst(%dma_wait3A_1557 : memref<128x128xi8, #tpu.memory_space<vmem>>)
      %dma_wait3A_1564 = arith.constant 1 : i32
      %dma_wait3A_1565 = arith.constant 1 : i32
      %dma_wait3A_1566 = arith.constant 128 : i32
      %dma_wait3A_1567 = arith.constant 0 : i32
      %dma_wait3A_1568 = tpu.memref_slice %arg8[%dma_wait3A_1566, %dma_wait3A_1567] : memref<512x128xi8, #tpu.memory_space<vmem>> -> memref<128x128xi8, #tpu.memory_space<vmem>>
      %dma_wait3A_1569 = arith.constant 0 : i32
      %dma_wait3A_1570 = tpu.memref_slice %arg6[%dma_wait3A_1564, %dma_wait3A_1565, %dma_wait3A_1569] : memref<2x4x128xi32, #tpu.memory_space<vmem>> -> memref<1x1x128xi32, #tpu.memory_space<vmem>>
      %dma_wait3A_1571 = tpu.memref_squeeze %dma_wait3A_1570 : memref<1x1x128xi32, #tpu.memory_space<vmem>> -> memref<128xi32, #tpu.memory_space<vmem>>
      %dma_wait3A_1572 = arith.constant 0 : i32
      %dma_wait3A_1573 = arith.constant 0 : i32
      %dma_wait3A_1574 = tpu.memref_slice %arg2[%dma_wait3A_1572, %dma_wait3A_1573] : memref<250000x128xi8, #tpu.memory_space<hbm>> -> memref<250000x128xi8, #tpu.memory_space<hbm>>
      tpu.wait_indirect_dma semaphore(%arg12 : memref<!tpu.dma_semaphore, #tpu.memory_space<semaphore_mem>>) src(%dma_wait3A_1574 : memref<250000x128xi8, #tpu.memory_space<hbm>>) dst(%dma_wait3A_1568 : memref<128x128xi8, #tpu.memory_space<vmem>>)
      %dma_wait3A_1575 = arith.constant 1 : i32
      %dma_wait3A_1576 = arith.constant 2 : i32
      %dma_wait3A_1577 = arith.constant 256 : i32
      %dma_wait3A_1578 = arith.constant 0 : i32
      %dma_wait3A_1579 = tpu.memref_slice %arg8[%dma_wait3A_1577, %dma_wait3A_1578] : memref<512x128xi8, #tpu.memory_space<vmem>> -> memref<128x128xi8, #tpu.memory_space<vmem>>
      %dma_wait3A_1580 = arith.constant 0 : i32
      %dma_wait3A_1581 = tpu.memref_slice %arg6[%dma_wait3A_1575, %dma_wait3A_1576, %dma_wait3A_1580] : memref<2x4x128xi32, #tpu.memory_space<vmem>> -> memref<1x1x128xi32, #tpu.memory_space<vmem>>
      %dma_wait3A_1582 = tpu.memref_squeeze %dma_wait3A_1581 : memref<1x1x128xi32, #tpu.memory_space<vmem>> -> memref<128xi32, #tpu.memory_space<vmem>>
      %dma_wait3A_1583 = arith.constant 0 : i32
      %dma_wait3A_1584 = arith.constant 0 : i32
      %dma_wait3A_1585 = tpu.memref_slice %arg2[%dma_wait3A_1583, %dma_wait3A_1584] : memref<250000x128xi8, #tpu.memory_space<hbm>> -> memref<250000x128xi8, #tpu.memory_space<hbm>>
      tpu.wait_indirect_dma semaphore(%arg12 : memref<!tpu.dma_semaphore, #tpu.memory_space<semaphore_mem>>) src(%dma_wait3A_1585 : memref<250000x128xi8, #tpu.memory_space<hbm>>) dst(%dma_wait3A_1579 : memref<128x128xi8, #tpu.memory_space<vmem>>)
      %dma_wait3A_1586 = arith.constant 1 : i32
      %dma_wait3A_1587 = arith.constant 3 : i32
      %dma_wait3A_1588 = arith.constant 384 : i32
      %dma_wait3A_1589 = arith.constant 0 : i32
      %dma_wait3A_1590 = tpu.memref_slice %arg8[%dma_wait3A_1588, %dma_wait3A_1589] : memref<512x128xi8, #tpu.memory_space<vmem>> -> memref<128x128xi8, #tpu.memory_space<vmem>>
      %dma_wait3A_1591 = arith.constant 0 : i32
      %dma_wait3A_1592 = tpu.memref_slice %arg6[%dma_wait3A_1586, %dma_wait3A_1587, %dma_wait3A_1591] : memref<2x4x128xi32, #tpu.memory_space<vmem>> -> memref<1x1x128xi32, #tpu.memory_space<vmem>>
      %dma_wait3A_1593 = tpu.memref_squeeze %dma_wait3A_1592 : memref<1x1x128xi32, #tpu.memory_space<vmem>> -> memref<128xi32, #tpu.memory_space<vmem>>
      %dma_wait3A_1594 = arith.constant 0 : i32
      %dma_wait3A_1595 = arith.constant 0 : i32
      %dma_wait3A_1596 = tpu.memref_slice %arg2[%dma_wait3A_1594, %dma_wait3A_1595] : memref<250000x128xi8, #tpu.memory_space<hbm>> -> memref<250000x128xi8, #tpu.memory_space<hbm>>
      tpu.wait_indirect_dma semaphore(%arg12 : memref<!tpu.dma_semaphore, #tpu.memory_space<semaphore_mem>>) src(%dma_wait3A_1596 : memref<250000x128xi8, #tpu.memory_space<hbm>>) dst(%dma_wait3A_1590 : memref<128x128xi8, #tpu.memory_space<vmem>>)
      %gt3A_1597 = arith.constant 0 : i32
      %gt3A_1598 = arith.cmpi sgt, %scan3A_542, %gt3A_1597 : i32
      %convert_element_type3A_1599 = arith.extui %gt3A_1598 : i1 to i32
      %cond3A_1600 = arith.constant 0 : i32
      %cond3A_1601 = arith.cmpi ne, %convert_element_type3A_1599, %cond3A_1600 : i32
      scf.if %cond3A_1601 {
        %sub3A = arith.constant 1 : i32
        %sub3A_1630 = arith.subi %mul3A_544, %sub3A : i32
        %add3A_1631 = arith.addi %mul3A_2, %sub3A_1630 : i32
        %mul3A_1632 = arith.constant 512 : i32
        %mul3A_1633 = arith.muli %add3A_1631, %mul3A_1632 : i32
        %mul3A_1634 = arith.constant 52 : i32
        %mul3A_1635 = arith.muli %mul3A_1633, %mul3A_1634 : i32
        %dma_wait3A_1636 = arith.constant 1 : i32
        %dma_wait3A_1637 = arith.constant 0 : i32
        %dma_wait3A_1638 = tpu.memref_slice %arg10[%dma_wait3A_1636, %dma_wait3A_1637] : memref<2x26624xf32, #tpu.memory_space<vmem>> -> memref<1x26624xf32, #tpu.memory_space<vmem>>
        %dma_wait3A_1639 = tpu.memref_squeeze %dma_wait3A_1638 : memref<1x26624xf32, #tpu.memory_space<vmem>> -> memref<26624xf32, #tpu.memory_space<vmem>>
        %dma_wait3A_1640 = tpu.memref_slice %arg4[%mul3A_1635] : memref<42598400xf32, #tpu.memory_space<hbm>> -> memref<26624xf32, #tpu.memory_space<hbm>>
        %dma_wait3A_1641 = tpu.memref_slice %arg4[%mul3A_1635] : memref<42598400xf32, #tpu.memory_space<hbm>> -> memref<26624xf32, #tpu.memory_space<hbm>>
        %dma_wait3A_1642 = arith.constant 0 : i32
        %dma_wait3A_1643 = tpu.memref_slice %arg10[%dma_wait3A_1636, %dma_wait3A_1642] : memref<2x26624xf32, #tpu.memory_space<vmem>> -> memref<1x26624xf32, #tpu.memory_space<vmem>>
        %dma_wait3A_1644 = tpu.memref_squeeze %dma_wait3A_1643 : memref<1x26624xf32, #tpu.memory_space<vmem>> -> memref<26624xf32, #tpu.memory_space<vmem>>
        tpu.wait_dma2 semaphore(%arg13 : memref<!tpu.dma_semaphore, #tpu.memory_space<semaphore_mem>>) src(%dma_wait3A_1644 : memref<26624xf32, #tpu.memory_space<vmem>>) dst(%dma_wait3A_1641 : memref<26624xf32, #tpu.memory_space<hbm>>)
      } else {
      }
      %add3A_1602 = arith.constant 1 : i32
      %add3A_1603 = arith.addi %mul3A_544, %add3A_1602 : i32
      %scan3A_1604 = arith.constant 0 : i32
      %scan3A_1605 = arith.constant 0 : i32
      %scan3A_1606 = arith.constant 128 : i32
      %scan3A_1607 = arith.addi %scan3A_1605, %scan3A_1606 : i32
      %scan3A_1608 = arith.constant 1 : i32
      scf.for %scan3A_1630 = %scan3A_1605 to %scan3A_1607 step %scan3A_1608  : i32 {
        %mul3A_1631 = arith.constant 4 : i32
        %mul3A_1632 = arith.muli %scan3A_1630, %mul3A_1631 : i32
        %add3A_1633 = arith.constant 0 : i32
        %add3A_1634 = arith.addi %mul3A_1632, %add3A_1633 : i32
        %get3A_1635 = arith.index_cast %add3A_1634 : i32 to index
        %get3A_1636 = arith.constant 0 : index
        %get3A_1637 = tpu.vector_load %arg8[%get3A_1635, %get3A_1636] {strides = array<i32>} : memref<512x128xi8, #tpu.memory_space<vmem>>, vector<64xi8>,
        %bitcast3A = vector.bitcast %get3A_1637 : vector<64xi8> to vector<16xi32>
        %get3A_1638 = arith.index_cast %add3A_1634 : i32 to index
        %get3A_1639 = arith.constant 64 : index
        %get3A_1640 = tpu.vector_load %arg8[%get3A_1638, %get3A_1639] {strides = array<i32>} : memref<512x128xi8, #tpu.memory_space<vmem>>, vector<64xi8>,
        %bitcast3A_1641 = vector.bitcast %get3A_1640 : vector<64xi8> to vector<16xi32>
        %swap3A_1642 = arith.index_cast %add3A_1634 : i32 to index
        %swap3A_1643 = arith.constant 0 : index
        %swap3A_1644 = tpu.vector_load %arg9[%swap3A_1642, %swap3A_1643] {strides = array<i32>} : memref<512x32xi32, #tpu.memory_space<vmem>>, vector<16xi32>,
        tpu.vector_store %arg9[%swap3A_1642, %swap3A_1643], %bitcast3A {strides = array<i32>} : memref<512x32xi32, #tpu.memory_space<vmem>>, vector<16xi32>,
        %swap3A_1645 = arith.index_cast %add3A_1634 : i32 to index
        %swap3A_1646 = arith.constant 16 : index
        %swap3A_1647 = tpu.vector_load %arg9[%swap3A_1645, %swap3A_1646] {strides = array<i32>} : memref<512x32xi32, #tpu.memory_space<vmem>>, vector<16xi32>,
        tpu.vector_store %arg9[%swap3A_1645, %swap3A_1646], %bitcast3A_1641 {strides = array<i32>} : memref<512x32xi32, #tpu.memory_space<vmem>>, vector<16xi32>,
        %mul3A_1648 = arith.constant 4 : i32
        %mul3A_1649 = arith.muli %scan3A_1630, %mul3A_1648 : i32
        %add3A_1650 = arith.constant 1 : i32
        %add3A_1651 = arith.addi %mul3A_1649, %add3A_1650 : i32
        %get3A_1652 = arith.index_cast %add3A_1651 : i32 to index
        %get3A_1653 = arith.constant 0 : index
        %get3A_1654 = tpu.vector_load %arg8[%get3A_1652, %get3A_1653] {strides = array<i32>} : memref<512x128xi8, #tpu.memory_space<vmem>>, vector<64xi8>,
        %bitcast3A_1655 = vector.bitcast %get3A_1654 : vector<64xi8> to vector<16xi32>
        %get3A_1656 = arith.index_cast %add3A_1651 : i32 to index
        %get3A_1657 = arith.constant 64 : index
        %get3A_1658 = tpu.vector_load %arg8[%get3A_1656, %get3A_1657] {strides = array<i32>} : memref<512x128xi8, #tpu.memory_space<vmem>>, vector<64xi8>,
        %bitcast3A_1659 = vector.bitcast %get3A_1658 : vector<64xi8> to vector<16xi32>
        %swap3A_1660 = arith.index_cast %add3A_1651 : i32 to index
        %swap3A_1661 = arith.constant 0 : index
        %swap3A_1662 = tpu.vector_load %arg9[%swap3A_1660, %swap3A_1661] {strides = array<i32>} : memref<512x32xi32, #tpu.memory_space<vmem>>, vector<16xi32>,
        tpu.vector_store %arg9[%swap3A_1660, %swap3A_1661], %bitcast3A_1655 {strides = array<i32>} : memref<512x32xi32, #tpu.memory_space<vmem>>, vector<16xi32>,
        %swap3A_1663 = arith.index_cast %add3A_1651 : i32 to index
        %swap3A_1664 = arith.constant 16 : index
        %swap3A_1665 = tpu.vector_load %arg9[%swap3A_1663, %swap3A_1664] {strides = array<i32>} : memref<512x32xi32, #tpu.memory_space<vmem>>, vector<16xi32>,
        tpu.vector_store %arg9[%swap3A_1663, %swap3A_1664], %bitcast3A_1659 {strides = array<i32>} : memref<512x32xi32, #tpu.memory_space<vmem>>, vector<16xi32>,
        %mul3A_1666 = arith.constant 4 : i32
        %mul3A_1667 = arith.muli %scan3A_1630, %mul3A_1666 : i32
        %add3A_1668 = arith.constant 2 : i32
        %add3A_1669 = arith.addi %mul3A_1667, %add3A_1668 : i32
        %get3A_1670 = arith.index_cast %add3A_1669 : i32 to index
        %get3A_1671 = arith.constant 0 : index
        %get3A_1672 = tpu.vector_load %arg8[%get3A_1670, %get3A_1671] {strides = array<i32>} : memref<512x128xi8, #tpu.memory_space<vmem>>, vector<64xi8>,
        %bitcast3A_1673 = vector.bitcast %get3A_1672 : vector<64xi8> to vector<16xi32>
        %get3A_1674 = arith.index_cast %add3A_1669 : i32 to index
        %get3A_1675 = arith.constant 64 : index
        %get3A_1676 = tpu.vector_load %arg8[%get3A_1674, %get3A_1675] {strides = array<i32>} : memref<512x128xi8, #tpu.memory_space<vmem>>, vector<64xi8>,
        %bitcast3A_1677 = vector.bitcast %get3A_1676 : vector<64xi8> to vector<16xi32>
        %swap3A_1678 = arith.index_cast %add3A_1669 : i32 to index
        %swap3A_1679 = arith.constant 0 : index
        %swap3A_1680 = tpu.vector_load %arg9[%swap3A_1678, %swap3A_1679] {strides = array<i32>} : memref<512x32xi32, #tpu.memory_space<vmem>>, vector<16xi32>,
        tpu.vector_store %arg9[%swap3A_1678, %swap3A_1679], %bitcast3A_1673 {strides = array<i32>} : memref<512x32xi32, #tpu.memory_space<vmem>>, vector<16xi32>,
        %swap3A_1681 = arith.index_cast %add3A_1669 : i32 to index
        %swap3A_1682 = arith.constant 16 : index
        %swap3A_1683 = tpu.vector_load %arg9[%swap3A_1681, %swap3A_1682] {strides = array<i32>} : memref<512x32xi32, #tpu.memory_space<vmem>>, vector<16xi32>,
        tpu.vector_store %arg9[%swap3A_1681, %swap3A_1682], %bitcast3A_1677 {strides = array<i32>} : memref<512x32xi32, #tpu.memory_space<vmem>>, vector<16xi32>,
        %mul3A_1684 = arith.constant 4 : i32
        %mul3A_1685 = arith.muli %scan3A_1630, %mul3A_1684 : i32
        %add3A_1686 = arith.constant 3 : i32
        %add3A_1687 = arith.addi %mul3A_1685, %add3A_1686 : i32
        %get3A_1688 = arith.index_cast %add3A_1687 : i32 to index
        %get3A_1689 = arith.constant 0 : index
        %get3A_1690 = tpu.vector_load %arg8[%get3A_1688, %get3A_1689] {strides = array<i32>} : memref<512x128xi8, #tpu.memory_space<vmem>>, vector<64xi8>,
        %bitcast3A_1691 = vector.bitcast %get3A_1690 : vector<64xi8> to vector<16xi32>
        %get3A_1692 = arith.index_cast %add3A_1687 : i32 to index
        %get3A_1693 = arith.constant 64 : index
        %get3A_1694 = tpu.vector_load %arg8[%get3A_1692, %get3A_1693] {strides = array<i32>} : memref<512x128xi8, #tpu.memory_space<vmem>>, vector<64xi8>,
        %bitcast3A_1695 = vector.bitcast %get3A_1694 : vector<64xi8> to vector<16xi32>
        %swap3A_1696 = arith.index_cast %add3A_1687 : i32 to index
        %swap3A_1697 = arith.constant 0 : index
        %swap3A_1698 = tpu.vector_load %arg9[%swap3A_1696, %swap3A_1697] {strides = array<i32>} : memref<512x32xi32, #tpu.memory_space<vmem>>, vector<16xi32>,
        tpu.vector_store %arg9[%swap3A_1696, %swap3A_1697], %bitcast3A_1691 {strides = array<i32>} : memref<512x32xi32, #tpu.memory_space<vmem>>, vector<16xi32>,
        %swap3A_1699 = arith.index_cast %add3A_1687 : i32 to index
        %swap3A_1700 = arith.constant 16 : index
        %swap3A_1701 = tpu.vector_load %arg9[%swap3A_1699, %swap3A_1700] {strides = array<i32>} : memref<512x32xi32, #tpu.memory_space<vmem>>, vector<16xi32>,
        tpu.vector_store %arg9[%swap3A_1699, %swap3A_1700], %bitcast3A_1695 {strides = array<i32>} : memref<512x32xi32, #tpu.memory_space<vmem>>, vector<16xi32>,
      }
      %scan3A_1609 = arith.constant 128 : i32
      %scan3A_1610 = arith.constant 0 : i32
      %scan3A_1611 = arith.constant 0 : i32
      %scan3A_1612 = arith.constant 32 : i32
      %scan3A_1613 = arith.addi %scan3A_1611, %scan3A_1612 : i32
      %scan3A_1614 = arith.constant 1 : i32
      scf.for %scan3A_1630 = %scan3A_1611 to %scan3A_1613 step %scan3A_1614  : i32 {
        %mul3A_1631 = arith.constant 16 : i32
        %mul3A_1632 = arith.muli %scan3A_1630, %mul3A_1631 : i32
        %add3A_1633 = vector.broadcast %mul3A_1632 : i32 to vector<16xi32>
        %add3A_1634 = arith.addi %add3A_1633, %iota3A : vector<16xi32>
        %mul3A_1635 = arith.constant 16 : i32
        %mul3A_1636 = arith.muli %scan3A_1630, %mul3A_1635 : i32
        %get3A_1637 = arith.constant 1 : i32
        %get3A_1638 = arith.index_cast %get3A_1637 : i32 to index
        %get3A_1639 = arith.index_cast %mul3A_1636 : i32 to index
        %get3A_1640 = tpu.vector_load %arg5[%get3A_1638, %get3A_1639] {strides = array<i32>} : memref<2x512xi32, #tpu.memory_space<vmem>>, vector<16xi32>,
        %and3A = arith.constant 3 : i32
        %and3A_1641 = vector.broadcast %and3A : i32 to vector<16xi32>
        %and3A_1642 = arith.andi %get3A_1640, %and3A_1641 : vector<16xi32>
        %shift_left3A = arith.constant 3 : i32
        %shift_left3A_1643 = vector.broadcast %shift_left3A : i32 to vector<16xi32>
        %shift_left3A_1644 = arith.shli %and3A_1642, %shift_left3A_1643 : vector<16xi32>
        %mul3A_1645 = arith.constant 52 : i32
        %mul3A_1646 = vector.broadcast %mul3A_1645 : i32 to vector<16xi32>
        %mul3A_1647 = arith.muli %add3A_1634, %mul3A_1646 : vector<16xi32>
        %add3A_1648 = arith.constant 0 : i32
        %add3A_1649 = vector.broadcast %add3A_1648 : i32 to vector<16xi32>
        %add3A_1650 = arith.addi %shift_left3A_1644, %add3A_1649 : vector<16xi32>
        %gather3A = tpu.vector_load_idx %arg9[%add3A_1634, %add3A_1650] : memref<512x32xi32, #tpu.memory_space<vmem>>[vector<16xi32>, vector<16xi32>], vector<16xi32>,
        %shift_right_arithmetic3A_1651 = arith.constant 0 : i32
        %shift_right_arithmetic3A_1652 = vector.broadcast %shift_right_arithmetic3A_1651 : i32 to vector<16xi32>
        %shift_right_arithmetic3A_1653 = arith.shrsi %gather3A, %shift_right_arithmetic3A_1652 : vector<16xi32>
        %and3A_1654 = arith.constant 15 : i32
        %and3A_1655 = vector.broadcast %and3A_1654 : i32 to vector<16xi32>
        %and3A_1656 = arith.andi %shift_right_arithmetic3A_1653, %and3A_1655 : vector<16xi32>
        %convert_element_type3A_1657 = arith.sitofp %and3A_1656 : vector<16xi32> to vector<16xf32>
        %mul3A_1658 = arith.constant 0.0666666701 : f32
        %mul3A_1659 = vector.broadcast %mul3A_1658 : f32 to vector<16xf32>
        %mul3A_1660 = arith.mulf %convert_element_type3A_1657, %mul3A_1659 : vector<16xf32>
        %add3A_1661 = arith.constant 0 : i32
        %add3A_1662 = vector.broadcast %add3A_1661 : i32 to vector<16xi32>
        %add3A_1663 = arith.addi %mul3A_1647, %add3A_1662 : vector<16xi32>
        %scatter3A = arith.constant 1 : i32
        %scatter3A_1664 = arith.constant 0 : i32
        %scatter3A_1665 = tpu.memref_slice %arg10[%scatter3A, %scatter3A_1664] : memref<2x26624xf32, #tpu.memory_space<vmem>> -> memref<1x26624xf32, #tpu.memory_space<vmem>>
        %scatter3A_1666 = tpu.memref_squeeze %scatter3A_1665 : memref<1x26624xf32, #tpu.memory_space<vmem>> -> memref<26624xf32, #tpu.memory_space<vmem>>
        tpu.vector_store_idx %scatter3A_1666[%add3A_1663], %mul3A_1660 : memref<26624xf32, #tpu.memory_space<vmem>>[vector<16xi32>], vector<16xf32>,
        %shift_right_arithmetic3A_1667 = arith.constant 4 : i32
        %shift_right_arithmetic3A_1668 = vector.broadcast %shift_right_arithmetic3A_1667 : i32 to vector<16xi32>
        %shift_right_arithmetic3A_1669 = arith.shrsi %gather3A, %shift_right_arithmetic3A_1668 : vector<16xi32>
        %and3A_1670 = arith.constant 15 : i32
        %and3A_1671 = vector.broadcast %and3A_1670 : i32 to vector<16xi32>
        %and3A_1672 = arith.andi %shift_right_arithmetic3A_1669, %and3A_1671 : vector<16xi32>
        %convert_element_type3A_1673 = arith.sitofp %and3A_1672 : vector<16xi32> to vector<16xf32>
        %mul3A_1674 = arith.constant 0.0666666701 : f32
        %mul3A_1675 = vector.broadcast %mul3A_1674 : f32 to vector<16xf32>
        %mul3A_1676 = arith.mulf %convert_element_type3A_1673, %mul3A_1675 : vector<16xf32>
        %add3A_1677 = arith.constant 1 : i32
        %add3A_1678 = vector.broadcast %add3A_1677 : i32 to vector<16xi32>
        %add3A_1679 = arith.addi %mul3A_1647, %add3A_1678 : vector<16xi32>
        %scatter3A_1680 = arith.constant 1 : i32
        %scatter3A_1681 = arith.constant 0 : i32
        %scatter3A_1682 = tpu.memref_slice %arg10[%scatter3A_1680, %scatter3A_1681] : memref<2x26624xf32, #tpu.memory_space<vmem>> -> memref<1x26624xf32, #tpu.memory_space<vmem>>
        %scatter3A_1683 = tpu.memref_squeeze %scatter3A_1682 : memref<1x26624xf32, #tpu.memory_space<vmem>> -> memref<26624xf32, #tpu.memory_space<vmem>>
        tpu.vector_store_idx %scatter3A_1683[%add3A_1679], %mul3A_1676 : memref<26624xf32, #tpu.memory_space<vmem>>[vector<16xi32>], vector<16xf32>,
        %shift_right_arithmetic3A_1684 = arith.constant 8 : i32
        %shift_right_arithmetic3A_1685 = vector.broadcast %shift_right_arithmetic3A_1684 : i32 to vector<16xi32>
        %shift_right_arithmetic3A_1686 = arith.shrsi %gather3A, %shift_right_arithmetic3A_1685 : vector<16xi32>
        %and3A_1687 = arith.constant 15 : i32
        %and3A_1688 = vector.broadcast %and3A_1687 : i32 to vector<16xi32>
        %and3A_1689 = arith.andi %shift_right_arithmetic3A_1686, %and3A_1688 : vector<16xi32>
        %convert_element_type3A_1690 = arith.sitofp %and3A_1689 : vector<16xi32> to vector<16xf32>
        %mul3A_1691 = arith.constant 0.0666666701 : f32
        %mul3A_1692 = vector.broadcast %mul3A_1691 : f32 to vector<16xf32>
        %mul3A_1693 = arith.mulf %convert_element_type3A_1690, %mul3A_1692 : vector<16xf32>
        %add3A_1694 = arith.constant 2 : i32
        %add3A_1695 = vector.broadcast %add3A_1694 : i32 to vector<16xi32>
        %add3A_1696 = arith.addi %mul3A_1647, %add3A_1695 : vector<16xi32>
        %scatter3A_1697 = arith.constant 1 : i32
        %scatter3A_1698 = arith.constant 0 : i32
        %scatter3A_1699 = tpu.memref_slice %arg10[%scatter3A_1697, %scatter3A_1698] : memref<2x26624xf32, #tpu.memory_space<vmem>> -> memref<1x26624xf32, #tpu.memory_space<vmem>>
        %scatter3A_1700 = tpu.memref_squeeze %scatter3A_1699 : memref<1x26624xf32, #tpu.memory_space<vmem>> -> memref<26624xf32, #tpu.memory_space<vmem>>
        tpu.vector_store_idx %scatter3A_1700[%add3A_1696], %mul3A_1693 : memref<26624xf32, #tpu.memory_space<vmem>>[vector<16xi32>], vector<16xf32>,
        %shift_right_arithmetic3A_1701 = arith.constant 12 : i32
        %shift_right_arithmetic3A_1702 = vector.broadcast %shift_right_arithmetic3A_1701 : i32 to vector<16xi32>
        %shift_right_arithmetic3A_1703 = arith.shrsi %gather3A, %shift_right_arithmetic3A_1702 : vector<16xi32>
        %and3A_1704 = arith.constant 15 : i32
        %and3A_1705 = vector.broadcast %and3A_1704 : i32 to vector<16xi32>
        %and3A_1706 = arith.andi %shift_right_arithmetic3A_1703, %and3A_1705 : vector<16xi32>
        %convert_element_type3A_1707 = arith.sitofp %and3A_1706 : vector<16xi32> to vector<16xf32>
        %mul3A_1708 = arith.constant 0.0666666701 : f32
        %mul3A_1709 = vector.broadcast %mul3A_1708 : f32 to vector<16xf32>
        %mul3A_1710 = arith.mulf %convert_element_type3A_1707, %mul3A_1709 : vector<16xf32>
        %add3A_1711 = arith.constant 3 : i32
        %add3A_1712 = vector.broadcast %add3A_1711 : i32 to vector<16xi32>
        %add3A_1713 = arith.addi %mul3A_1647, %add3A_1712 : vector<16xi32>
        %scatter3A_1714 = arith.constant 1 : i32
        %scatter3A_1715 = arith.constant 0 : i32
        %scatter3A_1716 = tpu.memref_slice %arg10[%scatter3A_1714, %scatter3A_1715] : memref<2x26624xf32, #tpu.memory_space<vmem>> -> memref<1x26624xf32, #tpu.memory_space<vmem>>
        %scatter3A_1717 = tpu.memref_squeeze %scatter3A_1716 : memref<1x26624xf32, #tpu.memory_space<vmem>> -> memref<26624xf32, #tpu.memory_space<vmem>>
        tpu.vector_store_idx %scatter3A_1717[%add3A_1713], %mul3A_1710 : memref<26624xf32, #tpu.memory_space<vmem>>[vector<16xi32>], vector<16xf32>,
        %shift_right_arithmetic3A_1718 = arith.constant 16 : i32
        %shift_right_arithmetic3A_1719 = vector.broadcast %shift_right_arithmetic3A_1718 : i32 to vector<16xi32>
        %shift_right_arithmetic3A_1720 = arith.shrsi %gather3A, %shift_right_arithmetic3A_1719 : vector<16xi32>
        %and3A_1721 = arith.constant 15 : i32
        %and3A_1722 = vector.broadcast %and3A_1721 : i32 to vector<16xi32>
        %and3A_1723 = arith.andi %shift_right_arithmetic3A_1720, %and3A_1722 : vector<16xi32>
        %convert_element_type3A_1724 = arith.sitofp %and3A_1723 : vector<16xi32> to vector<16xf32>
        %mul3A_1725 = arith.constant 0.0666666701 : f32
        %mul3A_1726 = vector.broadcast %mul3A_1725 : f32 to vector<16xf32>
        %mul3A_1727 = arith.mulf %convert_element_type3A_1724, %mul3A_1726 : vector<16xf32>
        %add3A_1728 = arith.constant 4 : i32
        %add3A_1729 = vector.broadcast %add3A_1728 : i32 to vector<16xi32>
        %add3A_1730 = arith.addi %mul3A_1647, %add3A_1729 : vector<16xi32>
        %scatter3A_1731 = arith.constant 1 : i32
        %scatter3A_1732 = arith.constant 0 : i32
        %scatter3A_1733 = tpu.memref_slice %arg10[%scatter3A_1731, %scatter3A_1732] : memref<2x26624xf32, #tpu.memory_space<vmem>> -> memref<1x26624xf32, #tpu.memory_space<vmem>>
        %scatter3A_1734 = tpu.memref_squeeze %scatter3A_1733 : memref<1x26624xf32, #tpu.memory_space<vmem>> -> memref<26624xf32, #tpu.memory_space<vmem>>
        tpu.vector_store_idx %scatter3A_1734[%add3A_1730], %mul3A_1727 : memref<26624xf32, #tpu.memory_space<vmem>>[vector<16xi32>], vector<16xf32>,
        %shift_right_arithmetic3A_1735 = arith.constant 20 : i32
        %shift_right_arithmetic3A_1736 = vector.broadcast %shift_right_arithmetic3A_1735 : i32 to vector<16xi32>
        %shift_right_arithmetic3A_1737 = arith.shrsi %gather3A, %shift_right_arithmetic3A_1736 : vector<16xi32>
        %and3A_1738 = arith.constant 15 : i32
        %and3A_1739 = vector.broadcast %and3A_1738 : i32 to vector<16xi32>
        %and3A_1740 = arith.andi %shift_right_arithmetic3A_1737, %and3A_1739 : vector<16xi32>
        %convert_element_type3A_1741 = arith.sitofp %and3A_1740 : vector<16xi32> to vector<16xf32>
        %mul3A_1742 = arith.constant 0.0666666701 : f32
        %mul3A_1743 = vector.broadcast %mul3A_1742 : f32 to vector<16xf32>
        %mul3A_1744 = arith.mulf %convert_element_type3A_1741, %mul3A_1743 : vector<16xf32>
        %add3A_1745 = arith.constant 5 : i32
        %add3A_1746 = vector.broadcast %add3A_1745 : i32 to vector<16xi32>
        %add3A_1747 = arith.addi %mul3A_1647, %add3A_1746 : vector<16xi32>
        %scatter3A_1748 = arith.constant 1 : i32
        %scatter3A_1749 = arith.constant 0 : i32
        %scatter3A_1750 = tpu.memref_slice %arg10[%scatter3A_1748, %scatter3A_1749] : memref<2x26624xf32, #tpu.memory_space<vmem>> -> memref<1x26624xf32, #tpu.memory_space<vmem>>
        %scatter3A_1751 = tpu.memref_squeeze %scatter3A_1750 : memref<1x26624xf32, #tpu.memory_space<vmem>> -> memref<26624xf32, #tpu.memory_space<vmem>>
        tpu.vector_store_idx %scatter3A_1751[%add3A_1747], %mul3A_1744 : memref<26624xf32, #tpu.memory_space<vmem>>[vector<16xi32>], vector<16xf32>,
        %shift_right_arithmetic3A_1752 = arith.constant 24 : i32
        %shift_right_arithmetic3A_1753 = vector.broadcast %shift_right_arithmetic3A_1752 : i32 to vector<16xi32>
        %shift_right_arithmetic3A_1754 = arith.shrsi %gather3A, %shift_right_arithmetic3A_1753 : vector<16xi32>
        %and3A_1755 = arith.constant 15 : i32
        %and3A_1756 = vector.broadcast %and3A_1755 : i32 to vector<16xi32>
        %and3A_1757 = arith.andi %shift_right_arithmetic3A_1754, %and3A_1756 : vector<16xi32>
        %convert_element_type3A_1758 = arith.sitofp %and3A_1757 : vector<16xi32> to vector<16xf32>
        %mul3A_1759 = arith.constant 0.0666666701 : f32
        %mul3A_1760 = vector.broadcast %mul3A_1759 : f32 to vector<16xf32>
        %mul3A_1761 = arith.mulf %convert_element_type3A_1758, %mul3A_1760 : vector<16xf32>
        %add3A_1762 = arith.constant 6 : i32
        %add3A_1763 = vector.broadcast %add3A_1762 : i32 to vector<16xi32>
        %add3A_1764 = arith.addi %mul3A_1647, %add3A_1763 : vector<16xi32>
        %scatter3A_1765 = arith.constant 1 : i32
        %scatter3A_1766 = arith.constant 0 : i32
        %scatter3A_1767 = tpu.memref_slice %arg10[%scatter3A_1765, %scatter3A_1766] : memref<2x26624xf32, #tpu.memory_space<vmem>> -> memref<1x26624xf32, #tpu.memory_space<vmem>>
        %scatter3A_1768 = tpu.memref_squeeze %scatter3A_1767 : memref<1x26624xf32, #tpu.memory_space<vmem>> -> memref<26624xf32, #tpu.memory_space<vmem>>
        tpu.vector_store_idx %scatter3A_1768[%add3A_1764], %mul3A_1761 : memref<26624xf32, #tpu.memory_space<vmem>>[vector<16xi32>], vector<16xf32>,
        %shift_right_arithmetic3A_1769 = arith.constant 28 : i32
        %shift_right_arithmetic3A_1770 = vector.broadcast %shift_right_arithmetic3A_1769 : i32 to vector<16xi32>
        %shift_right_arithmetic3A_1771 = arith.shrsi %gather3A, %shift_right_arithmetic3A_1770 : vector<16xi32>
        %and3A_1772 = arith.constant 15 : i32
        %and3A_1773 = vector.broadcast %and3A_1772 : i32 to vector<16xi32>
        %and3A_1774 = arith.andi %shift_right_arithmetic3A_1771, %and3A_1773 : vector<16xi32>
        %convert_element_type3A_1775 = arith.sitofp %and3A_1774 : vector<16xi32> to vector<16xf32>
        %mul3A_1776 = arith.constant 0.0666666701 : f32
        %mul3A_1777 = vector.broadcast %mul3A_1776 : f32 to vector<16xf32>
        %mul3A_1778 = arith.mulf %convert_element_type3A_1775, %mul3A_1777 : vector<16xf32>
        %add3A_1779 = arith.constant 7 : i32
        %add3A_1780 = vector.broadcast %add3A_1779 : i32 to vector<16xi32>
        %add3A_1781 = arith.addi %mul3A_1647, %add3A_1780 : vector<16xi32>
        %scatter3A_1782 = arith.constant 1 : i32
        %scatter3A_1783 = arith.constant 0 : i32
        %scatter3A_1784 = tpu.memref_slice %arg10[%scatter3A_1782, %scatter3A_1783] : memref<2x26624xf32, #tpu.memory_space<vmem>> -> memref<1x26624xf32, #tpu.memory_space<vmem>>
        %scatter3A_1785 = tpu.memref_squeeze %scatter3A_1784 : memref<1x26624xf32, #tpu.memory_space<vmem>> -> memref<26624xf32, #tpu.memory_space<vmem>>
        tpu.vector_store_idx %scatter3A_1785[%add3A_1781], %mul3A_1778 : memref<26624xf32, #tpu.memory_space<vmem>>[vector<16xi32>], vector<16xf32>,
        %add3A_1786 = arith.constant 1 : i32
        %add3A_1787 = vector.broadcast %add3A_1786 : i32 to vector<16xi32>
        %add3A_1788 = arith.addi %shift_left3A_1644, %add3A_1787 : vector<16xi32>
        %gather3A_1789 = tpu.vector_load_idx %arg9[%add3A_1634, %add3A_1788] : memref<512x32xi32, #tpu.memory_space<vmem>>[vector<16xi32>, vector<16xi32>], vector<16xi32>,
        %shift_right_arithmetic3A_1790 = arith.constant 0 : i32
        %shift_right_arithmetic3A_1791 = vector.broadcast %shift_right_arithmetic3A_1790 : i32 to vector<16xi32>
        %shift_right_arithmetic3A_1792 = arith.shrsi %gather3A_1789, %shift_right_arithmetic3A_1791 : vector<16xi32>
        %and3A_1793 = arith.constant 15 : i32
        %and3A_1794 = vector.broadcast %and3A_1793 : i32 to vector<16xi32>
        %and3A_1795 = arith.andi %shift_right_arithmetic3A_1792, %and3A_1794 : vector<16xi32>
        %convert_element_type3A_1796 = arith.sitofp %and3A_1795 : vector<16xi32> to vector<16xf32>
        %mul3A_1797 = arith.constant 0.0666666701 : f32
        %mul3A_1798 = vector.broadcast %mul3A_1797 : f32 to vector<16xf32>
        %mul3A_1799 = arith.mulf %convert_element_type3A_1796, %mul3A_1798 : vector<16xf32>
        %add3A_1800 = arith.constant 8 : i32
        %add3A_1801 = vector.broadcast %add3A_1800 : i32 to vector<16xi32>
        %add3A_1802 = arith.addi %mul3A_1647, %add3A_1801 : vector<16xi32>
        %scatter3A_1803 = arith.constant 1 : i32
        %scatter3A_1804 = arith.constant 0 : i32
        %scatter3A_1805 = tpu.memref_slice %arg10[%scatter3A_1803, %scatter3A_1804] : memref<2x26624xf32, #tpu.memory_space<vmem>> -> memref<1x26624xf32, #tpu.memory_space<vmem>>
        %scatter3A_1806 = tpu.memref_squeeze %scatter3A_1805 : memref<1x26624xf32, #tpu.memory_space<vmem>> -> memref<26624xf32, #tpu.memory_space<vmem>>
        tpu.vector_store_idx %scatter3A_1806[%add3A_1802], %mul3A_1799 : memref<26624xf32, #tpu.memory_space<vmem>>[vector<16xi32>], vector<16xf32>,
        %shift_right_arithmetic3A_1807 = arith.constant 4 : i32
        %shift_right_arithmetic3A_1808 = vector.broadcast %shift_right_arithmetic3A_1807 : i32 to vector<16xi32>
        %shift_right_arithmetic3A_1809 = arith.shrsi %gather3A_1789, %shift_right_arithmetic3A_1808 : vector<16xi32>
        %and3A_1810 = arith.constant 15 : i32
        %and3A_1811 = vector.broadcast %and3A_1810 : i32 to vector<16xi32>
        %and3A_1812 = arith.andi %shift_right_arithmetic3A_1809, %and3A_1811 : vector<16xi32>
        %convert_element_type3A_1813 = arith.sitofp %and3A_1812 : vector<16xi32> to vector<16xf32>
        %mul3A_1814 = arith.constant 0.0666666701 : f32
        %mul3A_1815 = vector.broadcast %mul3A_1814 : f32 to vector<16xf32>
        %mul3A_1816 = arith.mulf %convert_element_type3A_1813, %mul3A_1815 : vector<16xf32>
        %add3A_1817 = arith.constant 9 : i32
        %add3A_1818 = vector.broadcast %add3A_1817 : i32 to vector<16xi32>
        %add3A_1819 = arith.addi %mul3A_1647, %add3A_1818 : vector<16xi32>
        %scatter3A_1820 = arith.constant 1 : i32
        %scatter3A_1821 = arith.constant 0 : i32
        %scatter3A_1822 = tpu.memref_slice %arg10[%scatter3A_1820, %scatter3A_1821] : memref<2x26624xf32, #tpu.memory_space<vmem>> -> memref<1x26624xf32, #tpu.memory_space<vmem>>
        %scatter3A_1823 = tpu.memref_squeeze %scatter3A_1822 : memref<1x26624xf32, #tpu.memory_space<vmem>> -> memref<26624xf32, #tpu.memory_space<vmem>>
        tpu.vector_store_idx %scatter3A_1823[%add3A_1819], %mul3A_1816 : memref<26624xf32, #tpu.memory_space<vmem>>[vector<16xi32>], vector<16xf32>,
        %shift_right_arithmetic3A_1824 = arith.constant 8 : i32
        %shift_right_arithmetic3A_1825 = vector.broadcast %shift_right_arithmetic3A_1824 : i32 to vector<16xi32>
        %shift_right_arithmetic3A_1826 = arith.shrsi %gather3A_1789, %shift_right_arithmetic3A_1825 : vector<16xi32>
        %and3A_1827 = arith.constant 15 : i32
        %and3A_1828 = vector.broadcast %and3A_1827 : i32 to vector<16xi32>
        %and3A_1829 = arith.andi %shift_right_arithmetic3A_1826, %and3A_1828 : vector<16xi32>
        %convert_element_type3A_1830 = arith.sitofp %and3A_1829 : vector<16xi32> to vector<16xf32>
        %mul3A_1831 = arith.constant 0.0666666701 : f32
        %mul3A_1832 = vector.broadcast %mul3A_1831 : f32 to vector<16xf32>
        %mul3A_1833 = arith.mulf %convert_element_type3A_1830, %mul3A_1832 : vector<16xf32>
        %add3A_1834 = arith.constant 10 : i32
        %add3A_1835 = vector.broadcast %add3A_1834 : i32 to vector<16xi32>
        %add3A_1836 = arith.addi %mul3A_1647, %add3A_1835 : vector<16xi32>
        %scatter3A_1837 = arith.constant 1 : i32
        %scatter3A_1838 = arith.constant 0 : i32
        %scatter3A_1839 = tpu.memref_slice %arg10[%scatter3A_1837, %scatter3A_1838] : memref<2x26624xf32, #tpu.memory_space<vmem>> -> memref<1x26624xf32, #tpu.memory_space<vmem>>
        %scatter3A_1840 = tpu.memref_squeeze %scatter3A_1839 : memref<1x26624xf32, #tpu.memory_space<vmem>> -> memref<26624xf32, #tpu.memory_space<vmem>>
        tpu.vector_store_idx %scatter3A_1840[%add3A_1836], %mul3A_1833 : memref<26624xf32, #tpu.memory_space<vmem>>[vector<16xi32>], vector<16xf32>,
        %shift_right_arithmetic3A_1841 = arith.constant 12 : i32
        %shift_right_arithmetic3A_1842 = vector.broadcast %shift_right_arithmetic3A_1841 : i32 to vector<16xi32>
        %shift_right_arithmetic3A_1843 = arith.shrsi %gather3A_1789, %shift_right_arithmetic3A_1842 : vector<16xi32>
        %and3A_1844 = arith.constant 15 : i32
        %and3A_1845 = vector.broadcast %and3A_1844 : i32 to vector<16xi32>
        %and3A_1846 = arith.andi %shift_right_arithmetic3A_1843, %and3A_1845 : vector<16xi32>
        %convert_element_type3A_1847 = arith.sitofp %and3A_1846 : vector<16xi32> to vector<16xf32>
        %mul3A_1848 = arith.constant 0.0666666701 : f32
        %mul3A_1849 = vector.broadcast %mul3A_1848 : f32 to vector<16xf32>
        %mul3A_1850 = arith.mulf %convert_element_type3A_1847, %mul3A_1849 : vector<16xf32>
        %add3A_1851 = arith.constant 11 : i32
        %add3A_1852 = vector.broadcast %add3A_1851 : i32 to vector<16xi32>
        %add3A_1853 = arith.addi %mul3A_1647, %add3A_1852 : vector<16xi32>
        %scatter3A_1854 = arith.constant 1 : i32
        %scatter3A_1855 = arith.constant 0 : i32
        %scatter3A_1856 = tpu.memref_slice %arg10[%scatter3A_1854, %scatter3A_1855] : memref<2x26624xf32, #tpu.memory_space<vmem>> -> memref<1x26624xf32, #tpu.memory_space<vmem>>
        %scatter3A_1857 = tpu.memref_squeeze %scatter3A_1856 : memref<1x26624xf32, #tpu.memory_space<vmem>> -> memref<26624xf32, #tpu.memory_space<vmem>>
        tpu.vector_store_idx %scatter3A_1857[%add3A_1853], %mul3A_1850 : memref<26624xf32, #tpu.memory_space<vmem>>[vector<16xi32>], vector<16xf32>,
        %shift_right_arithmetic3A_1858 = arith.constant 16 : i32
        %shift_right_arithmetic3A_1859 = vector.broadcast %shift_right_arithmetic3A_1858 : i32 to vector<16xi32>
        %shift_right_arithmetic3A_1860 = arith.shrsi %gather3A_1789, %shift_right_arithmetic3A_1859 : vector<16xi32>
        %and3A_1861 = arith.constant 15 : i32
        %and3A_1862 = vector.broadcast %and3A_1861 : i32 to vector<16xi32>
        %and3A_1863 = arith.andi %shift_right_arithmetic3A_1860, %and3A_1862 : vector<16xi32>
        %convert_element_type3A_1864 = arith.sitofp %and3A_1863 : vector<16xi32> to vector<16xf32>
        %mul3A_1865 = arith.constant 0.0666666701 : f32
        %mul3A_1866 = vector.broadcast %mul3A_1865 : f32 to vector<16xf32>
        %mul3A_1867 = arith.mulf %convert_element_type3A_1864, %mul3A_1866 : vector<16xf32>
        %add3A_1868 = arith.constant 12 : i32
        %add3A_1869 = vector.broadcast %add3A_1868 : i32 to vector<16xi32>
        %add3A_1870 = arith.addi %mul3A_1647, %add3A_1869 : vector<16xi32>
        %scatter3A_1871 = arith.constant 1 : i32
        %scatter3A_1872 = arith.constant 0 : i32
        %scatter3A_1873 = tpu.memref_slice %arg10[%scatter3A_1871, %scatter3A_1872] : memref<2x26624xf32, #tpu.memory_space<vmem>> -> memref<1x26624xf32, #tpu.memory_space<vmem>>
        %scatter3A_1874 = tpu.memref_squeeze %scatter3A_1873 : memref<1x26624xf32, #tpu.memory_space<vmem>> -> memref<26624xf32, #tpu.memory_space<vmem>>
        tpu.vector_store_idx %scatter3A_1874[%add3A_1870], %mul3A_1867 : memref<26624xf32, #tpu.memory_space<vmem>>[vector<16xi32>], vector<16xf32>,
        %shift_right_arithmetic3A_1875 = arith.constant 20 : i32
        %shift_right_arithmetic3A_1876 = vector.broadcast %shift_right_arithmetic3A_1875 : i32 to vector<16xi32>
        %shift_right_arithmetic3A_1877 = arith.shrsi %gather3A_1789, %shift_right_arithmetic3A_1876 : vector<16xi32>
        %and3A_1878 = arith.constant 15 : i32
        %and3A_1879 = vector.broadcast %and3A_1878 : i32 to vector<16xi32>
        %and3A_1880 = arith.andi %shift_right_arithmetic3A_1877, %and3A_1879 : vector<16xi32>
        %convert_element_type3A_1881 = arith.sitofp %and3A_1880 : vector<16xi32> to vector<16xf32>
        %mul3A_1882 = arith.constant 0.0666666701 : f32
        %mul3A_1883 = vector.broadcast %mul3A_1882 : f32 to vector<16xf32>
        %mul3A_1884 = arith.mulf %convert_element_type3A_1881, %mul3A_1883 : vector<16xf32>
        %add3A_1885 = arith.constant 13 : i32
        %add3A_1886 = vector.broadcast %add3A_1885 : i32 to vector<16xi32>
        %add3A_1887 = arith.addi %mul3A_1647, %add3A_1886 : vector<16xi32>
        %scatter3A_1888 = arith.constant 1 : i32
        %scatter3A_1889 = arith.constant 0 : i32
        %scatter3A_1890 = tpu.memref_slice %arg10[%scatter3A_1888, %scatter3A_1889] : memref<2x26624xf32, #tpu.memory_space<vmem>> -> memref<1x26624xf32, #tpu.memory_space<vmem>>
        %scatter3A_1891 = tpu.memref_squeeze %scatter3A_1890 : memref<1x26624xf32, #tpu.memory_space<vmem>> -> memref<26624xf32, #tpu.memory_space<vmem>>
        tpu.vector_store_idx %scatter3A_1891[%add3A_1887], %mul3A_1884 : memref<26624xf32, #tpu.memory_space<vmem>>[vector<16xi32>], vector<16xf32>,
        %shift_right_arithmetic3A_1892 = arith.constant 24 : i32
        %shift_right_arithmetic3A_1893 = vector.broadcast %shift_right_arithmetic3A_1892 : i32 to vector<16xi32>
        %shift_right_arithmetic3A_1894 = arith.shrsi %gather3A_1789, %shift_right_arithmetic3A_1893 : vector<16xi32>
        %and3A_1895 = arith.constant 15 : i32
        %and3A_1896 = vector.broadcast %and3A_1895 : i32 to vector<16xi32>
        %and3A_1897 = arith.andi %shift_right_arithmetic3A_1894, %and3A_1896 : vector<16xi32>
        %convert_element_type3A_1898 = arith.sitofp %and3A_1897 : vector<16xi32> to vector<16xf32>
        %mul3A_1899 = arith.constant 0.0666666701 : f32
        %mul3A_1900 = vector.broadcast %mul3A_1899 : f32 to vector<16xf32>
        %mul3A_1901 = arith.mulf %convert_element_type3A_1898, %mul3A_1900 : vector<16xf32>
        %add3A_1902 = arith.constant 14 : i32
        %add3A_1903 = vector.broadcast %add3A_1902 : i32 to vector<16xi32>
        %add3A_1904 = arith.addi %mul3A_1647, %add3A_1903 : vector<16xi32>
        %scatter3A_1905 = arith.constant 1 : i32
        %scatter3A_1906 = arith.constant 0 : i32
        %scatter3A_1907 = tpu.memref_slice %arg10[%scatter3A_1905, %scatter3A_1906] : memref<2x26624xf32, #tpu.memory_space<vmem>> -> memref<1x26624xf32, #tpu.memory_space<vmem>>
        %scatter3A_1908 = tpu.memref_squeeze %scatter3A_1907 : memref<1x26624xf32, #tpu.memory_space<vmem>> -> memref<26624xf32, #tpu.memory_space<vmem>>
        tpu.vector_store_idx %scatter3A_1908[%add3A_1904], %mul3A_1901 : memref<26624xf32, #tpu.memory_space<vmem>>[vector<16xi32>], vector<16xf32>,
        %shift_right_arithmetic3A_1909 = arith.constant 28 : i32
        %shift_right_arithmetic3A_1910 = vector.broadcast %shift_right_arithmetic3A_1909 : i32 to vector<16xi32>
        %shift_right_arithmetic3A_1911 = arith.shrsi %gather3A_1789, %shift_right_arithmetic3A_1910 : vector<16xi32>
        %and3A_1912 = arith.constant 15 : i32
        %and3A_1913 = vector.broadcast %and3A_1912 : i32 to vector<16xi32>
        %and3A_1914 = arith.andi %shift_right_arithmetic3A_1911, %and3A_1913 : vector<16xi32>
        %convert_element_type3A_1915 = arith.sitofp %and3A_1914 : vector<16xi32> to vector<16xf32>
        %mul3A_1916 = arith.constant 0.0666666701 : f32
        %mul3A_1917 = vector.broadcast %mul3A_1916 : f32 to vector<16xf32>
        %mul3A_1918 = arith.mulf %convert_element_type3A_1915, %mul3A_1917 : vector<16xf32>
        %add3A_1919 = arith.constant 15 : i32
        %add3A_1920 = vector.broadcast %add3A_1919 : i32 to vector<16xi32>
        %add3A_1921 = arith.addi %mul3A_1647, %add3A_1920 : vector<16xi32>
        %scatter3A_1922 = arith.constant 1 : i32
        %scatter3A_1923 = arith.constant 0 : i32
        %scatter3A_1924 = tpu.memref_slice %arg10[%scatter3A_1922, %scatter3A_1923] : memref<2x26624xf32, #tpu.memory_space<vmem>> -> memref<1x26624xf32, #tpu.memory_space<vmem>>
        %scatter3A_1925 = tpu.memref_squeeze %scatter3A_1924 : memref<1x26624xf32, #tpu.memory_space<vmem>> -> memref<26624xf32, #tpu.memory_space<vmem>>
        tpu.vector_store_idx %scatter3A_1925[%add3A_1921], %mul3A_1918 : memref<26624xf32, #tpu.memory_space<vmem>>[vector<16xi32>], vector<16xf32>,
        %add3A_1926 = arith.constant 2 : i32
        %add3A_1927 = vector.broadcast %add3A_1926 : i32 to vector<16xi32>
        %add3A_1928 = arith.addi %shift_left3A_1644, %add3A_1927 : vector<16xi32>
        %gather3A_1929 = tpu.vector_load_idx %arg9[%add3A_1634, %add3A_1928] : memref<512x32xi32, #tpu.memory_space<vmem>>[vector<16xi32>, vector<16xi32>], vector<16xi32>,
        %shift_right_arithmetic3A_1930 = arith.constant 0 : i32
        %shift_right_arithmetic3A_1931 = vector.broadcast %shift_right_arithmetic3A_1930 : i32 to vector<16xi32>
        %shift_right_arithmetic3A_1932 = arith.shrsi %gather3A_1929, %shift_right_arithmetic3A_1931 : vector<16xi32>
        %and3A_1933 = arith.constant 15 : i32
        %and3A_1934 = vector.broadcast %and3A_1933 : i32 to vector<16xi32>
        %and3A_1935 = arith.andi %shift_right_arithmetic3A_1932, %and3A_1934 : vector<16xi32>
        %convert_element_type3A_1936 = arith.sitofp %and3A_1935 : vector<16xi32> to vector<16xf32>
        %mul3A_1937 = arith.constant 0.0666666701 : f32
        %mul3A_1938 = vector.broadcast %mul3A_1937 : f32 to vector<16xf32>
        %mul3A_1939 = arith.mulf %convert_element_type3A_1936, %mul3A_1938 : vector<16xf32>
        %add3A_1940 = arith.constant 16 : i32
        %add3A_1941 = vector.broadcast %add3A_1940 : i32 to vector<16xi32>
        %add3A_1942 = arith.addi %mul3A_1647, %add3A_1941 : vector<16xi32>
        %scatter3A_1943 = arith.constant 1 : i32
        %scatter3A_1944 = arith.constant 0 : i32
        %scatter3A_1945 = tpu.memref_slice %arg10[%scatter3A_1943, %scatter3A_1944] : memref<2x26624xf32, #tpu.memory_space<vmem>> -> memref<1x26624xf32, #tpu.memory_space<vmem>>
        %scatter3A_1946 = tpu.memref_squeeze %scatter3A_1945 : memref<1x26624xf32, #tpu.memory_space<vmem>> -> memref<26624xf32, #tpu.memory_space<vmem>>
        tpu.vector_store_idx %scatter3A_1946[%add3A_1942], %mul3A_1939 : memref<26624xf32, #tpu.memory_space<vmem>>[vector<16xi32>], vector<16xf32>,
        %shift_right_arithmetic3A_1947 = arith.constant 4 : i32
        %shift_right_arithmetic3A_1948 = vector.broadcast %shift_right_arithmetic3A_1947 : i32 to vector<16xi32>
        %shift_right_arithmetic3A_1949 = arith.shrsi %gather3A_1929, %shift_right_arithmetic3A_1948 : vector<16xi32>
        %and3A_1950 = arith.constant 15 : i32
        %and3A_1951 = vector.broadcast %and3A_1950 : i32 to vector<16xi32>
        %and3A_1952 = arith.andi %shift_right_arithmetic3A_1949, %and3A_1951 : vector<16xi32>
        %convert_element_type3A_1953 = arith.sitofp %and3A_1952 : vector<16xi32> to vector<16xf32>
        %mul3A_1954 = arith.constant 0.0666666701 : f32
        %mul3A_1955 = vector.broadcast %mul3A_1954 : f32 to vector<16xf32>
        %mul3A_1956 = arith.mulf %convert_element_type3A_1953, %mul3A_1955 : vector<16xf32>
        %add3A_1957 = arith.constant 17 : i32
        %add3A_1958 = vector.broadcast %add3A_1957 : i32 to vector<16xi32>
        %add3A_1959 = arith.addi %mul3A_1647, %add3A_1958 : vector<16xi32>
        %scatter3A_1960 = arith.constant 1 : i32
        %scatter3A_1961 = arith.constant 0 : i32
        %scatter3A_1962 = tpu.memref_slice %arg10[%scatter3A_1960, %scatter3A_1961] : memref<2x26624xf32, #tpu.memory_space<vmem>> -> memref<1x26624xf32, #tpu.memory_space<vmem>>
        %scatter3A_1963 = tpu.memref_squeeze %scatter3A_1962 : memref<1x26624xf32, #tpu.memory_space<vmem>> -> memref<26624xf32, #tpu.memory_space<vmem>>
        tpu.vector_store_idx %scatter3A_1963[%add3A_1959], %mul3A_1956 : memref<26624xf32, #tpu.memory_space<vmem>>[vector<16xi32>], vector<16xf32>,
        %shift_right_arithmetic3A_1964 = arith.constant 8 : i32
        %shift_right_arithmetic3A_1965 = vector.broadcast %shift_right_arithmetic3A_1964 : i32 to vector<16xi32>
        %shift_right_arithmetic3A_1966 = arith.shrsi %gather3A_1929, %shift_right_arithmetic3A_1965 : vector<16xi32>
        %and3A_1967 = arith.constant 15 : i32
        %and3A_1968 = vector.broadcast %and3A_1967 : i32 to vector<16xi32>
        %and3A_1969 = arith.andi %shift_right_arithmetic3A_1966, %and3A_1968 : vector<16xi32>
        %convert_element_type3A_1970 = arith.sitofp %and3A_1969 : vector<16xi32> to vector<16xf32>
        %mul3A_1971 = arith.constant 0.0666666701 : f32
        %mul3A_1972 = vector.broadcast %mul3A_1971 : f32 to vector<16xf32>
        %mul3A_1973 = arith.mulf %convert_element_type3A_1970, %mul3A_1972 : vector<16xf32>
        %add3A_1974 = arith.constant 18 : i32
        %add3A_1975 = vector.broadcast %add3A_1974 : i32 to vector<16xi32>
        %add3A_1976 = arith.addi %mul3A_1647, %add3A_1975 : vector<16xi32>
        %scatter3A_1977 = arith.constant 1 : i32
        %scatter3A_1978 = arith.constant 0 : i32
        %scatter3A_1979 = tpu.memref_slice %arg10[%scatter3A_1977, %scatter3A_1978] : memref<2x26624xf32, #tpu.memory_space<vmem>> -> memref<1x26624xf32, #tpu.memory_space<vmem>>
        %scatter3A_1980 = tpu.memref_squeeze %scatter3A_1979 : memref<1x26624xf32, #tpu.memory_space<vmem>> -> memref<26624xf32, #tpu.memory_space<vmem>>
        tpu.vector_store_idx %scatter3A_1980[%add3A_1976], %mul3A_1973 : memref<26624xf32, #tpu.memory_space<vmem>>[vector<16xi32>], vector<16xf32>,
        %shift_right_arithmetic3A_1981 = arith.constant 12 : i32
        %shift_right_arithmetic3A_1982 = vector.broadcast %shift_right_arithmetic3A_1981 : i32 to vector<16xi32>
        %shift_right_arithmetic3A_1983 = arith.shrsi %gather3A_1929, %shift_right_arithmetic3A_1982 : vector<16xi32>
        %and3A_1984 = arith.constant 15 : i32
        %and3A_1985 = vector.broadcast %and3A_1984 : i32 to vector<16xi32>
        %and3A_1986 = arith.andi %shift_right_arithmetic3A_1983, %and3A_1985 : vector<16xi32>
        %convert_element_type3A_1987 = arith.sitofp %and3A_1986 : vector<16xi32> to vector<16xf32>
        %mul3A_1988 = arith.constant 0.0666666701 : f32
        %mul3A_1989 = vector.broadcast %mul3A_1988 : f32 to vector<16xf32>
        %mul3A_1990 = arith.mulf %convert_element_type3A_1987, %mul3A_1989 : vector<16xf32>
        %add3A_1991 = arith.constant 19 : i32
        %add3A_1992 = vector.broadcast %add3A_1991 : i32 to vector<16xi32>
        %add3A_1993 = arith.addi %mul3A_1647, %add3A_1992 : vector<16xi32>
        %scatter3A_1994 = arith.constant 1 : i32
        %scatter3A_1995 = arith.constant 0 : i32
        %scatter3A_1996 = tpu.memref_slice %arg10[%scatter3A_1994, %scatter3A_1995] : memref<2x26624xf32, #tpu.memory_space<vmem>> -> memref<1x26624xf32, #tpu.memory_space<vmem>>
        %scatter3A_1997 = tpu.memref_squeeze %scatter3A_1996 : memref<1x26624xf32, #tpu.memory_space<vmem>> -> memref<26624xf32, #tpu.memory_space<vmem>>
        tpu.vector_store_idx %scatter3A_1997[%add3A_1993], %mul3A_1990 : memref<26624xf32, #tpu.memory_space<vmem>>[vector<16xi32>], vector<16xf32>,
        %shift_right_arithmetic3A_1998 = arith.constant 16 : i32
        %shift_right_arithmetic3A_1999 = vector.broadcast %shift_right_arithmetic3A_1998 : i32 to vector<16xi32>
        %shift_right_arithmetic3A_2000 = arith.shrsi %gather3A_1929, %shift_right_arithmetic3A_1999 : vector<16xi32>
        %and3A_2001 = arith.constant 15 : i32
        %and3A_2002 = vector.broadcast %and3A_2001 : i32 to vector<16xi32>
        %and3A_2003 = arith.andi %shift_right_arithmetic3A_2000, %and3A_2002 : vector<16xi32>
        %convert_element_type3A_2004 = arith.sitofp %and3A_2003 : vector<16xi32> to vector<16xf32>
        %mul3A_2005 = arith.constant 0.0666666701 : f32
        %mul3A_2006 = vector.broadcast %mul3A_2005 : f32 to vector<16xf32>
        %mul3A_2007 = arith.mulf %convert_element_type3A_2004, %mul3A_2006 : vector<16xf32>
        %add3A_2008 = arith.constant 20 : i32
        %add3A_2009 = vector.broadcast %add3A_2008 : i32 to vector<16xi32>
        %add3A_2010 = arith.addi %mul3A_1647, %add3A_2009 : vector<16xi32>
        %scatter3A_2011 = arith.constant 1 : i32
        %scatter3A_2012 = arith.constant 0 : i32
        %scatter3A_2013 = tpu.memref_slice %arg10[%scatter3A_2011, %scatter3A_2012] : memref<2x26624xf32, #tpu.memory_space<vmem>> -> memref<1x26624xf32, #tpu.memory_space<vmem>>
        %scatter3A_2014 = tpu.memref_squeeze %scatter3A_2013 : memref<1x26624xf32, #tpu.memory_space<vmem>> -> memref<26624xf32, #tpu.memory_space<vmem>>
        tpu.vector_store_idx %scatter3A_2014[%add3A_2010], %mul3A_2007 : memref<26624xf32, #tpu.memory_space<vmem>>[vector<16xi32>], vector<16xf32>,
        %shift_right_arithmetic3A_2015 = arith.constant 20 : i32
        %shift_right_arithmetic3A_2016 = vector.broadcast %shift_right_arithmetic3A_2015 : i32 to vector<16xi32>
        %shift_right_arithmetic3A_2017 = arith.shrsi %gather3A_1929, %shift_right_arithmetic3A_2016 : vector<16xi32>
        %and3A_2018 = arith.constant 15 : i32
        %and3A_2019 = vector.broadcast %and3A_2018 : i32 to vector<16xi32>
        %and3A_2020 = arith.andi %shift_right_arithmetic3A_2017, %and3A_2019 : vector<16xi32>
        %convert_element_type3A_2021 = arith.sitofp %and3A_2020 : vector<16xi32> to vector<16xf32>
        %mul3A_2022 = arith.constant 0.0666666701 : f32
        %mul3A_2023 = vector.broadcast %mul3A_2022 : f32 to vector<16xf32>
        %mul3A_2024 = arith.mulf %convert_element_type3A_2021, %mul3A_2023 : vector<16xf32>
        %add3A_2025 = arith.constant 21 : i32
        %add3A_2026 = vector.broadcast %add3A_2025 : i32 to vector<16xi32>
        %add3A_2027 = arith.addi %mul3A_1647, %add3A_2026 : vector<16xi32>
        %scatter3A_2028 = arith.constant 1 : i32
        %scatter3A_2029 = arith.constant 0 : i32
        %scatter3A_2030 = tpu.memref_slice %arg10[%scatter3A_2028, %scatter3A_2029] : memref<2x26624xf32, #tpu.memory_space<vmem>> -> memref<1x26624xf32, #tpu.memory_space<vmem>>
        %scatter3A_2031 = tpu.memref_squeeze %scatter3A_2030 : memref<1x26624xf32, #tpu.memory_space<vmem>> -> memref<26624xf32, #tpu.memory_space<vmem>>
        tpu.vector_store_idx %scatter3A_2031[%add3A_2027], %mul3A_2024 : memref<26624xf32, #tpu.memory_space<vmem>>[vector<16xi32>], vector<16xf32>,
        %shift_right_arithmetic3A_2032 = arith.constant 24 : i32
        %shift_right_arithmetic3A_2033 = vector.broadcast %shift_right_arithmetic3A_2032 : i32 to vector<16xi32>
        %shift_right_arithmetic3A_2034 = arith.shrsi %gather3A_1929, %shift_right_arithmetic3A_2033 : vector<16xi32>
        %and3A_2035 = arith.constant 15 : i32
        %and3A_2036 = vector.broadcast %and3A_2035 : i32 to vector<16xi32>
        %and3A_2037 = arith.andi %shift_right_arithmetic3A_2034, %and3A_2036 : vector<16xi32>
        %convert_element_type3A_2038 = arith.sitofp %and3A_2037 : vector<16xi32> to vector<16xf32>
        %mul3A_2039 = arith.constant 0.0666666701 : f32
        %mul3A_2040 = vector.broadcast %mul3A_2039 : f32 to vector<16xf32>
        %mul3A_2041 = arith.mulf %convert_element_type3A_2038, %mul3A_2040 : vector<16xf32>
        %add3A_2042 = arith.constant 22 : i32
        %add3A_2043 = vector.broadcast %add3A_2042 : i32 to vector<16xi32>
        %add3A_2044 = arith.addi %mul3A_1647, %add3A_2043 : vector<16xi32>
        %scatter3A_2045 = arith.constant 1 : i32
        %scatter3A_2046 = arith.constant 0 : i32
        %scatter3A_2047 = tpu.memref_slice %arg10[%scatter3A_2045, %scatter3A_2046] : memref<2x26624xf32, #tpu.memory_space<vmem>> -> memref<1x26624xf32, #tpu.memory_space<vmem>>
        %scatter3A_2048 = tpu.memref_squeeze %scatter3A_2047 : memref<1x26624xf32, #tpu.memory_space<vmem>> -> memref<26624xf32, #tpu.memory_space<vmem>>
        tpu.vector_store_idx %scatter3A_2048[%add3A_2044], %mul3A_2041 : memref<26624xf32, #tpu.memory_space<vmem>>[vector<16xi32>], vector<16xf32>,
        %shift_right_arithmetic3A_2049 = arith.constant 28 : i32
        %shift_right_arithmetic3A_2050 = vector.broadcast %shift_right_arithmetic3A_2049 : i32 to vector<16xi32>
        %shift_right_arithmetic3A_2051 = arith.shrsi %gather3A_1929, %shift_right_arithmetic3A_2050 : vector<16xi32>
        %and3A_2052 = arith.constant 15 : i32
        %and3A_2053 = vector.broadcast %and3A_2052 : i32 to vector<16xi32>
        %and3A_2054 = arith.andi %shift_right_arithmetic3A_2051, %and3A_2053 : vector<16xi32>
        %convert_element_type3A_2055 = arith.sitofp %and3A_2054 : vector<16xi32> to vector<16xf32>
        %mul3A_2056 = arith.constant 0.0666666701 : f32
        %mul3A_2057 = vector.broadcast %mul3A_2056 : f32 to vector<16xf32>
        %mul3A_2058 = arith.mulf %convert_element_type3A_2055, %mul3A_2057 : vector<16xf32>
        %add3A_2059 = arith.constant 23 : i32
        %add3A_2060 = vector.broadcast %add3A_2059 : i32 to vector<16xi32>
        %add3A_2061 = arith.addi %mul3A_1647, %add3A_2060 : vector<16xi32>
        %scatter3A_2062 = arith.constant 1 : i32
        %scatter3A_2063 = arith.constant 0 : i32
        %scatter3A_2064 = tpu.memref_slice %arg10[%scatter3A_2062, %scatter3A_2063] : memref<2x26624xf32, #tpu.memory_space<vmem>> -> memref<1x26624xf32, #tpu.memory_space<vmem>>
        %scatter3A_2065 = tpu.memref_squeeze %scatter3A_2064 : memref<1x26624xf32, #tpu.memory_space<vmem>> -> memref<26624xf32, #tpu.memory_space<vmem>>
        tpu.vector_store_idx %scatter3A_2065[%add3A_2061], %mul3A_2058 : memref<26624xf32, #tpu.memory_space<vmem>>[vector<16xi32>], vector<16xf32>,
        %add3A_2066 = arith.constant 3 : i32
        %add3A_2067 = vector.broadcast %add3A_2066 : i32 to vector<16xi32>
        %add3A_2068 = arith.addi %shift_left3A_1644, %add3A_2067 : vector<16xi32>
        %gather3A_2069 = tpu.vector_load_idx %arg9[%add3A_1634, %add3A_2068] : memref<512x32xi32, #tpu.memory_space<vmem>>[vector<16xi32>, vector<16xi32>], vector<16xi32>,
        %shift_right_arithmetic3A_2070 = arith.constant 0 : i32
        %shift_right_arithmetic3A_2071 = vector.broadcast %shift_right_arithmetic3A_2070 : i32 to vector<16xi32>
        %shift_right_arithmetic3A_2072 = arith.shrsi %gather3A_2069, %shift_right_arithmetic3A_2071 : vector<16xi32>
        %and3A_2073 = arith.constant 15 : i32
        %and3A_2074 = vector.broadcast %and3A_2073 : i32 to vector<16xi32>
        %and3A_2075 = arith.andi %shift_right_arithmetic3A_2072, %and3A_2074 : vector<16xi32>
        %convert_element_type3A_2076 = arith.sitofp %and3A_2075 : vector<16xi32> to vector<16xf32>
        %mul3A_2077 = arith.constant 0.0666666701 : f32
        %mul3A_2078 = vector.broadcast %mul3A_2077 : f32 to vector<16xf32>
        %mul3A_2079 = arith.mulf %convert_element_type3A_2076, %mul3A_2078 : vector<16xf32>
        %add3A_2080 = arith.constant 24 : i32
        %add3A_2081 = vector.broadcast %add3A_2080 : i32 to vector<16xi32>
        %add3A_2082 = arith.addi %mul3A_1647, %add3A_2081 : vector<16xi32>
        %scatter3A_2083 = arith.constant 1 : i32
        %scatter3A_2084 = arith.constant 0 : i32
        %scatter3A_2085 = tpu.memref_slice %arg10[%scatter3A_2083, %scatter3A_2084] : memref<2x26624xf32, #tpu.memory_space<vmem>> -> memref<1x26624xf32, #tpu.memory_space<vmem>>
        %scatter3A_2086 = tpu.memref_squeeze %scatter3A_2085 : memref<1x26624xf32, #tpu.memory_space<vmem>> -> memref<26624xf32, #tpu.memory_space<vmem>>
        tpu.vector_store_idx %scatter3A_2086[%add3A_2082], %mul3A_2079 : memref<26624xf32, #tpu.memory_space<vmem>>[vector<16xi32>], vector<16xf32>,
        %shift_right_arithmetic3A_2087 = arith.constant 4 : i32
        %shift_right_arithmetic3A_2088 = vector.broadcast %shift_right_arithmetic3A_2087 : i32 to vector<16xi32>
        %shift_right_arithmetic3A_2089 = arith.shrsi %gather3A_2069, %shift_right_arithmetic3A_2088 : vector<16xi32>
        %and3A_2090 = arith.constant 15 : i32
        %and3A_2091 = vector.broadcast %and3A_2090 : i32 to vector<16xi32>
        %and3A_2092 = arith.andi %shift_right_arithmetic3A_2089, %and3A_2091 : vector<16xi32>
        %convert_element_type3A_2093 = arith.sitofp %and3A_2092 : vector<16xi32> to vector<16xf32>
        %mul3A_2094 = arith.constant 0.0666666701 : f32
        %mul3A_2095 = vector.broadcast %mul3A_2094 : f32 to vector<16xf32>
        %mul3A_2096 = arith.mulf %convert_element_type3A_2093, %mul3A_2095 : vector<16xf32>
        %add3A_2097 = arith.constant 25 : i32
        %add3A_2098 = vector.broadcast %add3A_2097 : i32 to vector<16xi32>
        %add3A_2099 = arith.addi %mul3A_1647, %add3A_2098 : vector<16xi32>
        %scatter3A_2100 = arith.constant 1 : i32
        %scatter3A_2101 = arith.constant 0 : i32
        %scatter3A_2102 = tpu.memref_slice %arg10[%scatter3A_2100, %scatter3A_2101] : memref<2x26624xf32, #tpu.memory_space<vmem>> -> memref<1x26624xf32, #tpu.memory_space<vmem>>
        %scatter3A_2103 = tpu.memref_squeeze %scatter3A_2102 : memref<1x26624xf32, #tpu.memory_space<vmem>> -> memref<26624xf32, #tpu.memory_space<vmem>>
        tpu.vector_store_idx %scatter3A_2103[%add3A_2099], %mul3A_2096 : memref<26624xf32, #tpu.memory_space<vmem>>[vector<16xi32>], vector<16xf32>,
        %shift_right_arithmetic3A_2104 = arith.constant 8 : i32
        %shift_right_arithmetic3A_2105 = vector.broadcast %shift_right_arithmetic3A_2104 : i32 to vector<16xi32>
        %shift_right_arithmetic3A_2106 = arith.shrsi %gather3A_2069, %shift_right_arithmetic3A_2105 : vector<16xi32>
        %and3A_2107 = arith.constant 15 : i32
        %and3A_2108 = vector.broadcast %and3A_2107 : i32 to vector<16xi32>
        %and3A_2109 = arith.andi %shift_right_arithmetic3A_2106, %and3A_2108 : vector<16xi32>
        %convert_element_type3A_2110 = arith.sitofp %and3A_2109 : vector<16xi32> to vector<16xf32>
        %mul3A_2111 = arith.constant 0.0666666701 : f32
        %mul3A_2112 = vector.broadcast %mul3A_2111 : f32 to vector<16xf32>
        %mul3A_2113 = arith.mulf %convert_element_type3A_2110, %mul3A_2112 : vector<16xf32>
        %add3A_2114 = arith.constant 26 : i32
        %add3A_2115 = vector.broadcast %add3A_2114 : i32 to vector<16xi32>
        %add3A_2116 = arith.addi %mul3A_1647, %add3A_2115 : vector<16xi32>
        %scatter3A_2117 = arith.constant 1 : i32
        %scatter3A_2118 = arith.constant 0 : i32
        %scatter3A_2119 = tpu.memref_slice %arg10[%scatter3A_2117, %scatter3A_2118] : memref<2x26624xf32, #tpu.memory_space<vmem>> -> memref<1x26624xf32, #tpu.memory_space<vmem>>
        %scatter3A_2120 = tpu.memref_squeeze %scatter3A_2119 : memref<1x26624xf32, #tpu.memory_space<vmem>> -> memref<26624xf32, #tpu.memory_space<vmem>>
        tpu.vector_store_idx %scatter3A_2120[%add3A_2116], %mul3A_2113 : memref<26624xf32, #tpu.memory_space<vmem>>[vector<16xi32>], vector<16xf32>,
        %shift_right_arithmetic3A_2121 = arith.constant 12 : i32
        %shift_right_arithmetic3A_2122 = vector.broadcast %shift_right_arithmetic3A_2121 : i32 to vector<16xi32>
        %shift_right_arithmetic3A_2123 = arith.shrsi %gather3A_2069, %shift_right_arithmetic3A_2122 : vector<16xi32>
        %and3A_2124 = arith.constant 15 : i32
        %and3A_2125 = vector.broadcast %and3A_2124 : i32 to vector<16xi32>
        %and3A_2126 = arith.andi %shift_right_arithmetic3A_2123, %and3A_2125 : vector<16xi32>
        %convert_element_type3A_2127 = arith.sitofp %and3A_2126 : vector<16xi32> to vector<16xf32>
        %mul3A_2128 = arith.constant 0.0666666701 : f32
        %mul3A_2129 = vector.broadcast %mul3A_2128 : f32 to vector<16xf32>
        %mul3A_2130 = arith.mulf %convert_element_type3A_2127, %mul3A_2129 : vector<16xf32>
        %add3A_2131 = arith.constant 27 : i32
        %add3A_2132 = vector.broadcast %add3A_2131 : i32 to vector<16xi32>
        %add3A_2133 = arith.addi %mul3A_1647, %add3A_2132 : vector<16xi32>
        %scatter3A_2134 = arith.constant 1 : i32
        %scatter3A_2135 = arith.constant 0 : i32
        %scatter3A_2136 = tpu.memref_slice %arg10[%scatter3A_2134, %scatter3A_2135] : memref<2x26624xf32, #tpu.memory_space<vmem>> -> memref<1x26624xf32, #tpu.memory_space<vmem>>
        %scatter3A_2137 = tpu.memref_squeeze %scatter3A_2136 : memref<1x26624xf32, #tpu.memory_space<vmem>> -> memref<26624xf32, #tpu.memory_space<vmem>>
        tpu.vector_store_idx %scatter3A_2137[%add3A_2133], %mul3A_2130 : memref<26624xf32, #tpu.memory_space<vmem>>[vector<16xi32>], vector<16xf32>,
        %shift_right_arithmetic3A_2138 = arith.constant 16 : i32
        %shift_right_arithmetic3A_2139 = vector.broadcast %shift_right_arithmetic3A_2138 : i32 to vector<16xi32>
        %shift_right_arithmetic3A_2140 = arith.shrsi %gather3A_2069, %shift_right_arithmetic3A_2139 : vector<16xi32>
        %and3A_2141 = arith.constant 15 : i32
        %and3A_2142 = vector.broadcast %and3A_2141 : i32 to vector<16xi32>
        %and3A_2143 = arith.andi %shift_right_arithmetic3A_2140, %and3A_2142 : vector<16xi32>
        %convert_element_type3A_2144 = arith.sitofp %and3A_2143 : vector<16xi32> to vector<16xf32>
        %mul3A_2145 = arith.constant 0.0666666701 : f32
        %mul3A_2146 = vector.broadcast %mul3A_2145 : f32 to vector<16xf32>
        %mul3A_2147 = arith.mulf %convert_element_type3A_2144, %mul3A_2146 : vector<16xf32>
        %add3A_2148 = arith.constant 28 : i32
        %add3A_2149 = vector.broadcast %add3A_2148 : i32 to vector<16xi32>
        %add3A_2150 = arith.addi %mul3A_1647, %add3A_2149 : vector<16xi32>
        %scatter3A_2151 = arith.constant 1 : i32
        %scatter3A_2152 = arith.constant 0 : i32
        %scatter3A_2153 = tpu.memref_slice %arg10[%scatter3A_2151, %scatter3A_2152] : memref<2x26624xf32, #tpu.memory_space<vmem>> -> memref<1x26624xf32, #tpu.memory_space<vmem>>
        %scatter3A_2154 = tpu.memref_squeeze %scatter3A_2153 : memref<1x26624xf32, #tpu.memory_space<vmem>> -> memref<26624xf32, #tpu.memory_space<vmem>>
        tpu.vector_store_idx %scatter3A_2154[%add3A_2150], %mul3A_2147 : memref<26624xf32, #tpu.memory_space<vmem>>[vector<16xi32>], vector<16xf32>,
        %shift_right_arithmetic3A_2155 = arith.constant 20 : i32
        %shift_right_arithmetic3A_2156 = vector.broadcast %shift_right_arithmetic3A_2155 : i32 to vector<16xi32>
        %shift_right_arithmetic3A_2157 = arith.shrsi %gather3A_2069, %shift_right_arithmetic3A_2156 : vector<16xi32>
        %and3A_2158 = arith.constant 15 : i32
        %and3A_2159 = vector.broadcast %and3A_2158 : i32 to vector<16xi32>
        %and3A_2160 = arith.andi %shift_right_arithmetic3A_2157, %and3A_2159 : vector<16xi32>
        %convert_element_type3A_2161 = arith.sitofp %and3A_2160 : vector<16xi32> to vector<16xf32>
        %mul3A_2162 = arith.constant 0.0666666701 : f32
        %mul3A_2163 = vector.broadcast %mul3A_2162 : f32 to vector<16xf32>
        %mul3A_2164 = arith.mulf %convert_element_type3A_2161, %mul3A_2163 : vector<16xf32>
        %add3A_2165 = arith.constant 29 : i32
        %add3A_2166 = vector.broadcast %add3A_2165 : i32 to vector<16xi32>
        %add3A_2167 = arith.addi %mul3A_1647, %add3A_2166 : vector<16xi32>
        %scatter3A_2168 = arith.constant 1 : i32
        %scatter3A_2169 = arith.constant 0 : i32
        %scatter3A_2170 = tpu.memref_slice %arg10[%scatter3A_2168, %scatter3A_2169] : memref<2x26624xf32, #tpu.memory_space<vmem>> -> memref<1x26624xf32, #tpu.memory_space<vmem>>
        %scatter3A_2171 = tpu.memref_squeeze %scatter3A_2170 : memref<1x26624xf32, #tpu.memory_space<vmem>> -> memref<26624xf32, #tpu.memory_space<vmem>>
        tpu.vector_store_idx %scatter3A_2171[%add3A_2167], %mul3A_2164 : memref<26624xf32, #tpu.memory_space<vmem>>[vector<16xi32>], vector<16xf32>,
        %shift_right_arithmetic3A_2172 = arith.constant 24 : i32
        %shift_right_arithmetic3A_2173 = vector.broadcast %shift_right_arithmetic3A_2172 : i32 to vector<16xi32>
        %shift_right_arithmetic3A_2174 = arith.shrsi %gather3A_2069, %shift_right_arithmetic3A_2173 : vector<16xi32>
        %and3A_2175 = arith.constant 15 : i32
        %and3A_2176 = vector.broadcast %and3A_2175 : i32 to vector<16xi32>
        %and3A_2177 = arith.andi %shift_right_arithmetic3A_2174, %and3A_2176 : vector<16xi32>
        %convert_element_type3A_2178 = arith.sitofp %and3A_2177 : vector<16xi32> to vector<16xf32>
        %mul3A_2179 = arith.constant 0.0666666701 : f32
        %mul3A_2180 = vector.broadcast %mul3A_2179 : f32 to vector<16xf32>
        %mul3A_2181 = arith.mulf %convert_element_type3A_2178, %mul3A_2180 : vector<16xf32>
        %add3A_2182 = arith.constant 30 : i32
        %add3A_2183 = vector.broadcast %add3A_2182 : i32 to vector<16xi32>
        %add3A_2184 = arith.addi %mul3A_1647, %add3A_2183 : vector<16xi32>
        %scatter3A_2185 = arith.constant 1 : i32
        %scatter3A_2186 = arith.constant 0 : i32
        %scatter3A_2187 = tpu.memref_slice %arg10[%scatter3A_2185, %scatter3A_2186] : memref<2x26624xf32, #tpu.memory_space<vmem>> -> memref<1x26624xf32, #tpu.memory_space<vmem>>
        %scatter3A_2188 = tpu.memref_squeeze %scatter3A_2187 : memref<1x26624xf32, #tpu.memory_space<vmem>> -> memref<26624xf32, #tpu.memory_space<vmem>>
        tpu.vector_store_idx %scatter3A_2188[%add3A_2184], %mul3A_2181 : memref<26624xf32, #tpu.memory_space<vmem>>[vector<16xi32>], vector<16xf32>,
        %shift_right_arithmetic3A_2189 = arith.constant 28 : i32
        %shift_right_arithmetic3A_2190 = vector.broadcast %shift_right_arithmetic3A_2189 : i32 to vector<16xi32>
        %shift_right_arithmetic3A_2191 = arith.shrsi %gather3A_2069, %shift_right_arithmetic3A_2190 : vector<16xi32>
        %and3A_2192 = arith.constant 15 : i32
        %and3A_2193 = vector.broadcast %and3A_2192 : i32 to vector<16xi32>
        %and3A_2194 = arith.andi %shift_right_arithmetic3A_2191, %and3A_2193 : vector<16xi32>
        %convert_element_type3A_2195 = arith.sitofp %and3A_2194 : vector<16xi32> to vector<16xf32>
        %mul3A_2196 = arith.constant 0.0666666701 : f32
        %mul3A_2197 = vector.broadcast %mul3A_2196 : f32 to vector<16xf32>
        %mul3A_2198 = arith.mulf %convert_element_type3A_2195, %mul3A_2197 : vector<16xf32>
        %add3A_2199 = arith.constant 31 : i32
        %add3A_2200 = vector.broadcast %add3A_2199 : i32 to vector<16xi32>
        %add3A_2201 = arith.addi %mul3A_1647, %add3A_2200 : vector<16xi32>
        %scatter3A_2202 = arith.constant 1 : i32
        %scatter3A_2203 = arith.constant 0 : i32
        %scatter3A_2204 = tpu.memref_slice %arg10[%scatter3A_2202, %scatter3A_2203] : memref<2x26624xf32, #tpu.memory_space<vmem>> -> memref<1x26624xf32, #tpu.memory_space<vmem>>
        %scatter3A_2205 = tpu.memref_squeeze %scatter3A_2204 : memref<1x26624xf32, #tpu.memory_space<vmem>> -> memref<26624xf32, #tpu.memory_space<vmem>>
        tpu.vector_store_idx %scatter3A_2205[%add3A_2201], %mul3A_2198 : memref<26624xf32, #tpu.memory_space<vmem>>[vector<16xi32>], vector<16xf32>,
        %add3A_2206 = arith.constant 4 : i32
        %add3A_2207 = vector.broadcast %add3A_2206 : i32 to vector<16xi32>
        %add3A_2208 = arith.addi %shift_left3A_1644, %add3A_2207 : vector<16xi32>
        %gather3A_2209 = tpu.vector_load_idx %arg9[%add3A_1634, %add3A_2208] : memref<512x32xi32, #tpu.memory_space<vmem>>[vector<16xi32>, vector<16xi32>], vector<16xi32>,
        %shift_right_arithmetic3A_2210 = arith.constant 0 : i32
        %shift_right_arithmetic3A_2211 = vector.broadcast %shift_right_arithmetic3A_2210 : i32 to vector<16xi32>
        %shift_right_arithmetic3A_2212 = arith.shrsi %gather3A_2209, %shift_right_arithmetic3A_2211 : vector<16xi32>
        %and3A_2213 = arith.constant 15 : i32
        %and3A_2214 = vector.broadcast %and3A_2213 : i32 to vector<16xi32>
        %and3A_2215 = arith.andi %shift_right_arithmetic3A_2212, %and3A_2214 : vector<16xi32>
        %convert_element_type3A_2216 = arith.sitofp %and3A_2215 : vector<16xi32> to vector<16xf32>
        %mul3A_2217 = arith.constant 0.0666666701 : f32
        %mul3A_2218 = vector.broadcast %mul3A_2217 : f32 to vector<16xf32>
        %mul3A_2219 = arith.mulf %convert_element_type3A_2216, %mul3A_2218 : vector<16xf32>
        %add3A_2220 = arith.constant 32 : i32
        %add3A_2221 = vector.broadcast %add3A_2220 : i32 to vector<16xi32>
        %add3A_2222 = arith.addi %mul3A_1647, %add3A_2221 : vector<16xi32>
        %scatter3A_2223 = arith.constant 1 : i32
        %scatter3A_2224 = arith.constant 0 : i32
        %scatter3A_2225 = tpu.memref_slice %arg10[%scatter3A_2223, %scatter3A_2224] : memref<2x26624xf32, #tpu.memory_space<vmem>> -> memref<1x26624xf32, #tpu.memory_space<vmem>>
        %scatter3A_2226 = tpu.memref_squeeze %scatter3A_2225 : memref<1x26624xf32, #tpu.memory_space<vmem>> -> memref<26624xf32, #tpu.memory_space<vmem>>
        tpu.vector_store_idx %scatter3A_2226[%add3A_2222], %mul3A_2219 : memref<26624xf32, #tpu.memory_space<vmem>>[vector<16xi32>], vector<16xf32>,
        %shift_right_arithmetic3A_2227 = arith.constant 4 : i32
        %shift_right_arithmetic3A_2228 = vector.broadcast %shift_right_arithmetic3A_2227 : i32 to vector<16xi32>
        %shift_right_arithmetic3A_2229 = arith.shrsi %gather3A_2209, %shift_right_arithmetic3A_2228 : vector<16xi32>
        %and3A_2230 = arith.constant 15 : i32
        %and3A_2231 = vector.broadcast %and3A_2230 : i32 to vector<16xi32>
        %and3A_2232 = arith.andi %shift_right_arithmetic3A_2229, %and3A_2231 : vector<16xi32>
        %convert_element_type3A_2233 = arith.sitofp %and3A_2232 : vector<16xi32> to vector<16xf32>
        %mul3A_2234 = arith.constant 0.0666666701 : f32
        %mul3A_2235 = vector.broadcast %mul3A_2234 : f32 to vector<16xf32>
        %mul3A_2236 = arith.mulf %convert_element_type3A_2233, %mul3A_2235 : vector<16xf32>
        %add3A_2237 = arith.constant 33 : i32
        %add3A_2238 = vector.broadcast %add3A_2237 : i32 to vector<16xi32>
        %add3A_2239 = arith.addi %mul3A_1647, %add3A_2238 : vector<16xi32>
        %scatter3A_2240 = arith.constant 1 : i32
        %scatter3A_2241 = arith.constant 0 : i32
        %scatter3A_2242 = tpu.memref_slice %arg10[%scatter3A_2240, %scatter3A_2241] : memref<2x26624xf32, #tpu.memory_space<vmem>> -> memref<1x26624xf32, #tpu.memory_space<vmem>>
        %scatter3A_2243 = tpu.memref_squeeze %scatter3A_2242 : memref<1x26624xf32, #tpu.memory_space<vmem>> -> memref<26624xf32, #tpu.memory_space<vmem>>
        tpu.vector_store_idx %scatter3A_2243[%add3A_2239], %mul3A_2236 : memref<26624xf32, #tpu.memory_space<vmem>>[vector<16xi32>], vector<16xf32>,
        %shift_right_arithmetic3A_2244 = arith.constant 8 : i32
        %shift_right_arithmetic3A_2245 = vector.broadcast %shift_right_arithmetic3A_2244 : i32 to vector<16xi32>
        %shift_right_arithmetic3A_2246 = arith.shrsi %gather3A_2209, %shift_right_arithmetic3A_2245 : vector<16xi32>
        %and3A_2247 = arith.constant 15 : i32
        %and3A_2248 = vector.broadcast %and3A_2247 : i32 to vector<16xi32>
        %and3A_2249 = arith.andi %shift_right_arithmetic3A_2246, %and3A_2248 : vector<16xi32>
        %convert_element_type3A_2250 = arith.sitofp %and3A_2249 : vector<16xi32> to vector<16xf32>
        %mul3A_2251 = arith.constant 0.0666666701 : f32
        %mul3A_2252 = vector.broadcast %mul3A_2251 : f32 to vector<16xf32>
        %mul3A_2253 = arith.mulf %convert_element_type3A_2250, %mul3A_2252 : vector<16xf32>
        %add3A_2254 = arith.constant 34 : i32
        %add3A_2255 = vector.broadcast %add3A_2254 : i32 to vector<16xi32>
        %add3A_2256 = arith.addi %mul3A_1647, %add3A_2255 : vector<16xi32>
        %scatter3A_2257 = arith.constant 1 : i32
        %scatter3A_2258 = arith.constant 0 : i32
        %scatter3A_2259 = tpu.memref_slice %arg10[%scatter3A_2257, %scatter3A_2258] : memref<2x26624xf32, #tpu.memory_space<vmem>> -> memref<1x26624xf32, #tpu.memory_space<vmem>>
        %scatter3A_2260 = tpu.memref_squeeze %scatter3A_2259 : memref<1x26624xf32, #tpu.memory_space<vmem>> -> memref<26624xf32, #tpu.memory_space<vmem>>
        tpu.vector_store_idx %scatter3A_2260[%add3A_2256], %mul3A_2253 : memref<26624xf32, #tpu.memory_space<vmem>>[vector<16xi32>], vector<16xf32>,
        %shift_right_arithmetic3A_2261 = arith.constant 12 : i32
        %shift_right_arithmetic3A_2262 = vector.broadcast %shift_right_arithmetic3A_2261 : i32 to vector<16xi32>
        %shift_right_arithmetic3A_2263 = arith.shrsi %gather3A_2209, %shift_right_arithmetic3A_2262 : vector<16xi32>
        %and3A_2264 = arith.constant 15 : i32
        %and3A_2265 = vector.broadcast %and3A_2264 : i32 to vector<16xi32>
        %and3A_2266 = arith.andi %shift_right_arithmetic3A_2263, %and3A_2265 : vector<16xi32>
        %convert_element_type3A_2267 = arith.sitofp %and3A_2266 : vector<16xi32> to vector<16xf32>
        %mul3A_2268 = arith.constant 0.0666666701 : f32
        %mul3A_2269 = vector.broadcast %mul3A_2268 : f32 to vector<16xf32>
        %mul3A_2270 = arith.mulf %convert_element_type3A_2267, %mul3A_2269 : vector<16xf32>
        %add3A_2271 = arith.constant 35 : i32
        %add3A_2272 = vector.broadcast %add3A_2271 : i32 to vector<16xi32>
        %add3A_2273 = arith.addi %mul3A_1647, %add3A_2272 : vector<16xi32>
        %scatter3A_2274 = arith.constant 1 : i32
        %scatter3A_2275 = arith.constant 0 : i32
        %scatter3A_2276 = tpu.memref_slice %arg10[%scatter3A_2274, %scatter3A_2275] : memref<2x26624xf32, #tpu.memory_space<vmem>> -> memref<1x26624xf32, #tpu.memory_space<vmem>>
        %scatter3A_2277 = tpu.memref_squeeze %scatter3A_2276 : memref<1x26624xf32, #tpu.memory_space<vmem>> -> memref<26624xf32, #tpu.memory_space<vmem>>
        tpu.vector_store_idx %scatter3A_2277[%add3A_2273], %mul3A_2270 : memref<26624xf32, #tpu.memory_space<vmem>>[vector<16xi32>], vector<16xf32>,
        %shift_right_arithmetic3A_2278 = arith.constant 16 : i32
        %shift_right_arithmetic3A_2279 = vector.broadcast %shift_right_arithmetic3A_2278 : i32 to vector<16xi32>
        %shift_right_arithmetic3A_2280 = arith.shrsi %gather3A_2209, %shift_right_arithmetic3A_2279 : vector<16xi32>
        %and3A_2281 = arith.constant 15 : i32
        %and3A_2282 = vector.broadcast %and3A_2281 : i32 to vector<16xi32>
        %and3A_2283 = arith.andi %shift_right_arithmetic3A_2280, %and3A_2282 : vector<16xi32>
        %convert_element_type3A_2284 = arith.sitofp %and3A_2283 : vector<16xi32> to vector<16xf32>
        %mul3A_2285 = arith.constant 0.0666666701 : f32
        %mul3A_2286 = vector.broadcast %mul3A_2285 : f32 to vector<16xf32>
        %mul3A_2287 = arith.mulf %convert_element_type3A_2284, %mul3A_2286 : vector<16xf32>
        %add3A_2288 = arith.constant 36 : i32
        %add3A_2289 = vector.broadcast %add3A_2288 : i32 to vector<16xi32>
        %add3A_2290 = arith.addi %mul3A_1647, %add3A_2289 : vector<16xi32>
        %scatter3A_2291 = arith.constant 1 : i32
        %scatter3A_2292 = arith.constant 0 : i32
        %scatter3A_2293 = tpu.memref_slice %arg10[%scatter3A_2291, %scatter3A_2292] : memref<2x26624xf32, #tpu.memory_space<vmem>> -> memref<1x26624xf32, #tpu.memory_space<vmem>>
        %scatter3A_2294 = tpu.memref_squeeze %scatter3A_2293 : memref<1x26624xf32, #tpu.memory_space<vmem>> -> memref<26624xf32, #tpu.memory_space<vmem>>
        tpu.vector_store_idx %scatter3A_2294[%add3A_2290], %mul3A_2287 : memref<26624xf32, #tpu.memory_space<vmem>>[vector<16xi32>], vector<16xf32>,
        %shift_right_arithmetic3A_2295 = arith.constant 20 : i32
        %shift_right_arithmetic3A_2296 = vector.broadcast %shift_right_arithmetic3A_2295 : i32 to vector<16xi32>
        %shift_right_arithmetic3A_2297 = arith.shrsi %gather3A_2209, %shift_right_arithmetic3A_2296 : vector<16xi32>
        %and3A_2298 = arith.constant 15 : i32
        %and3A_2299 = vector.broadcast %and3A_2298 : i32 to vector<16xi32>
        %and3A_2300 = arith.andi %shift_right_arithmetic3A_2297, %and3A_2299 : vector<16xi32>
        %convert_element_type3A_2301 = arith.sitofp %and3A_2300 : vector<16xi32> to vector<16xf32>
        %mul3A_2302 = arith.constant 0.0666666701 : f32
        %mul3A_2303 = vector.broadcast %mul3A_2302 : f32 to vector<16xf32>
        %mul3A_2304 = arith.mulf %convert_element_type3A_2301, %mul3A_2303 : vector<16xf32>
        %add3A_2305 = arith.constant 37 : i32
        %add3A_2306 = vector.broadcast %add3A_2305 : i32 to vector<16xi32>
        %add3A_2307 = arith.addi %mul3A_1647, %add3A_2306 : vector<16xi32>
        %scatter3A_2308 = arith.constant 1 : i32
        %scatter3A_2309 = arith.constant 0 : i32
        %scatter3A_2310 = tpu.memref_slice %arg10[%scatter3A_2308, %scatter3A_2309] : memref<2x26624xf32, #tpu.memory_space<vmem>> -> memref<1x26624xf32, #tpu.memory_space<vmem>>
        %scatter3A_2311 = tpu.memref_squeeze %scatter3A_2310 : memref<1x26624xf32, #tpu.memory_space<vmem>> -> memref<26624xf32, #tpu.memory_space<vmem>>
        tpu.vector_store_idx %scatter3A_2311[%add3A_2307], %mul3A_2304 : memref<26624xf32, #tpu.memory_space<vmem>>[vector<16xi32>], vector<16xf32>,
        %shift_right_arithmetic3A_2312 = arith.constant 24 : i32
        %shift_right_arithmetic3A_2313 = vector.broadcast %shift_right_arithmetic3A_2312 : i32 to vector<16xi32>
        %shift_right_arithmetic3A_2314 = arith.shrsi %gather3A_2209, %shift_right_arithmetic3A_2313 : vector<16xi32>
        %and3A_2315 = arith.constant 15 : i32
        %and3A_2316 = vector.broadcast %and3A_2315 : i32 to vector<16xi32>
        %and3A_2317 = arith.andi %shift_right_arithmetic3A_2314, %and3A_2316 : vector<16xi32>
        %convert_element_type3A_2318 = arith.sitofp %and3A_2317 : vector<16xi32> to vector<16xf32>
        %mul3A_2319 = arith.constant 0.0666666701 : f32
        %mul3A_2320 = vector.broadcast %mul3A_2319 : f32 to vector<16xf32>
        %mul3A_2321 = arith.mulf %convert_element_type3A_2318, %mul3A_2320 : vector<16xf32>
        %add3A_2322 = arith.constant 38 : i32
        %add3A_2323 = vector.broadcast %add3A_2322 : i32 to vector<16xi32>
        %add3A_2324 = arith.addi %mul3A_1647, %add3A_2323 : vector<16xi32>
        %scatter3A_2325 = arith.constant 1 : i32
        %scatter3A_2326 = arith.constant 0 : i32
        %scatter3A_2327 = tpu.memref_slice %arg10[%scatter3A_2325, %scatter3A_2326] : memref<2x26624xf32, #tpu.memory_space<vmem>> -> memref<1x26624xf32, #tpu.memory_space<vmem>>
        %scatter3A_2328 = tpu.memref_squeeze %scatter3A_2327 : memref<1x26624xf32, #tpu.memory_space<vmem>> -> memref<26624xf32, #tpu.memory_space<vmem>>
        tpu.vector_store_idx %scatter3A_2328[%add3A_2324], %mul3A_2321 : memref<26624xf32, #tpu.memory_space<vmem>>[vector<16xi32>], vector<16xf32>,
        %shift_right_arithmetic3A_2329 = arith.constant 28 : i32
        %shift_right_arithmetic3A_2330 = vector.broadcast %shift_right_arithmetic3A_2329 : i32 to vector<16xi32>
        %shift_right_arithmetic3A_2331 = arith.shrsi %gather3A_2209, %shift_right_arithmetic3A_2330 : vector<16xi32>
        %and3A_2332 = arith.constant 15 : i32
        %and3A_2333 = vector.broadcast %and3A_2332 : i32 to vector<16xi32>
        %and3A_2334 = arith.andi %shift_right_arithmetic3A_2331, %and3A_2333 : vector<16xi32>
        %convert_element_type3A_2335 = arith.sitofp %and3A_2334 : vector<16xi32> to vector<16xf32>
        %mul3A_2336 = arith.constant 0.0666666701 : f32
        %mul3A_2337 = vector.broadcast %mul3A_2336 : f32 to vector<16xf32>
        %mul3A_2338 = arith.mulf %convert_element_type3A_2335, %mul3A_2337 : vector<16xf32>
        %add3A_2339 = arith.constant 39 : i32
        %add3A_2340 = vector.broadcast %add3A_2339 : i32 to vector<16xi32>
        %add3A_2341 = arith.addi %mul3A_1647, %add3A_2340 : vector<16xi32>
        %scatter3A_2342 = arith.constant 1 : i32
        %scatter3A_2343 = arith.constant 0 : i32
        %scatter3A_2344 = tpu.memref_slice %arg10[%scatter3A_2342, %scatter3A_2343] : memref<2x26624xf32, #tpu.memory_space<vmem>> -> memref<1x26624xf32, #tpu.memory_space<vmem>>
        %scatter3A_2345 = tpu.memref_squeeze %scatter3A_2344 : memref<1x26624xf32, #tpu.memory_space<vmem>> -> memref<26624xf32, #tpu.memory_space<vmem>>
        tpu.vector_store_idx %scatter3A_2345[%add3A_2341], %mul3A_2338 : memref<26624xf32, #tpu.memory_space<vmem>>[vector<16xi32>], vector<16xf32>,
        %add3A_2346 = arith.constant 5 : i32
        %add3A_2347 = vector.broadcast %add3A_2346 : i32 to vector<16xi32>
        %add3A_2348 = arith.addi %shift_left3A_1644, %add3A_2347 : vector<16xi32>
        %gather3A_2349 = tpu.vector_load_idx %arg9[%add3A_1634, %add3A_2348] : memref<512x32xi32, #tpu.memory_space<vmem>>[vector<16xi32>, vector<16xi32>], vector<16xi32>,
        %shift_right_arithmetic3A_2350 = arith.constant 0 : i32
        %shift_right_arithmetic3A_2351 = vector.broadcast %shift_right_arithmetic3A_2350 : i32 to vector<16xi32>
        %shift_right_arithmetic3A_2352 = arith.shrsi %gather3A_2349, %shift_right_arithmetic3A_2351 : vector<16xi32>
        %and3A_2353 = arith.constant 15 : i32
        %and3A_2354 = vector.broadcast %and3A_2353 : i32 to vector<16xi32>
        %and3A_2355 = arith.andi %shift_right_arithmetic3A_2352, %and3A_2354 : vector<16xi32>
        %convert_element_type3A_2356 = arith.sitofp %and3A_2355 : vector<16xi32> to vector<16xf32>
        %mul3A_2357 = arith.constant 0.0666666701 : f32
        %mul3A_2358 = vector.broadcast %mul3A_2357 : f32 to vector<16xf32>
        %mul3A_2359 = arith.mulf %convert_element_type3A_2356, %mul3A_2358 : vector<16xf32>
        %add3A_2360 = arith.constant 40 : i32
        %add3A_2361 = vector.broadcast %add3A_2360 : i32 to vector<16xi32>
        %add3A_2362 = arith.addi %mul3A_1647, %add3A_2361 : vector<16xi32>
        %scatter3A_2363 = arith.constant 1 : i32
        %scatter3A_2364 = arith.constant 0 : i32
        %scatter3A_2365 = tpu.memref_slice %arg10[%scatter3A_2363, %scatter3A_2364] : memref<2x26624xf32, #tpu.memory_space<vmem>> -> memref<1x26624xf32, #tpu.memory_space<vmem>>
        %scatter3A_2366 = tpu.memref_squeeze %scatter3A_2365 : memref<1x26624xf32, #tpu.memory_space<vmem>> -> memref<26624xf32, #tpu.memory_space<vmem>>
        tpu.vector_store_idx %scatter3A_2366[%add3A_2362], %mul3A_2359 : memref<26624xf32, #tpu.memory_space<vmem>>[vector<16xi32>], vector<16xf32>,
        %shift_right_arithmetic3A_2367 = arith.constant 4 : i32
        %shift_right_arithmetic3A_2368 = vector.broadcast %shift_right_arithmetic3A_2367 : i32 to vector<16xi32>
        %shift_right_arithmetic3A_2369 = arith.shrsi %gather3A_2349, %shift_right_arithmetic3A_2368 : vector<16xi32>
        %and3A_2370 = arith.constant 15 : i32
        %and3A_2371 = vector.broadcast %and3A_2370 : i32 to vector<16xi32>
        %and3A_2372 = arith.andi %shift_right_arithmetic3A_2369, %and3A_2371 : vector<16xi32>
        %convert_element_type3A_2373 = arith.sitofp %and3A_2372 : vector<16xi32> to vector<16xf32>
        %mul3A_2374 = arith.constant 0.0666666701 : f32
        %mul3A_2375 = vector.broadcast %mul3A_2374 : f32 to vector<16xf32>
        %mul3A_2376 = arith.mulf %convert_element_type3A_2373, %mul3A_2375 : vector<16xf32>
        %add3A_2377 = arith.constant 41 : i32
        %add3A_2378 = vector.broadcast %add3A_2377 : i32 to vector<16xi32>
        %add3A_2379 = arith.addi %mul3A_1647, %add3A_2378 : vector<16xi32>
        %scatter3A_2380 = arith.constant 1 : i32
        %scatter3A_2381 = arith.constant 0 : i32
        %scatter3A_2382 = tpu.memref_slice %arg10[%scatter3A_2380, %scatter3A_2381] : memref<2x26624xf32, #tpu.memory_space<vmem>> -> memref<1x26624xf32, #tpu.memory_space<vmem>>
        %scatter3A_2383 = tpu.memref_squeeze %scatter3A_2382 : memref<1x26624xf32, #tpu.memory_space<vmem>> -> memref<26624xf32, #tpu.memory_space<vmem>>
        tpu.vector_store_idx %scatter3A_2383[%add3A_2379], %mul3A_2376 : memref<26624xf32, #tpu.memory_space<vmem>>[vector<16xi32>], vector<16xf32>,
        %shift_right_arithmetic3A_2384 = arith.constant 8 : i32
        %shift_right_arithmetic3A_2385 = vector.broadcast %shift_right_arithmetic3A_2384 : i32 to vector<16xi32>
        %shift_right_arithmetic3A_2386 = arith.shrsi %gather3A_2349, %shift_right_arithmetic3A_2385 : vector<16xi32>
        %and3A_2387 = arith.constant 15 : i32
        %and3A_2388 = vector.broadcast %and3A_2387 : i32 to vector<16xi32>
        %and3A_2389 = arith.andi %shift_right_arithmetic3A_2386, %and3A_2388 : vector<16xi32>
        %convert_element_type3A_2390 = arith.sitofp %and3A_2389 : vector<16xi32> to vector<16xf32>
        %mul3A_2391 = arith.constant 0.0666666701 : f32
        %mul3A_2392 = vector.broadcast %mul3A_2391 : f32 to vector<16xf32>
        %mul3A_2393 = arith.mulf %convert_element_type3A_2390, %mul3A_2392 : vector<16xf32>
        %add3A_2394 = arith.constant 42 : i32
        %add3A_2395 = vector.broadcast %add3A_2394 : i32 to vector<16xi32>
        %add3A_2396 = arith.addi %mul3A_1647, %add3A_2395 : vector<16xi32>
        %scatter3A_2397 = arith.constant 1 : i32
        %scatter3A_2398 = arith.constant 0 : i32
        %scatter3A_2399 = tpu.memref_slice %arg10[%scatter3A_2397, %scatter3A_2398] : memref<2x26624xf32, #tpu.memory_space<vmem>> -> memref<1x26624xf32, #tpu.memory_space<vmem>>
        %scatter3A_2400 = tpu.memref_squeeze %scatter3A_2399 : memref<1x26624xf32, #tpu.memory_space<vmem>> -> memref<26624xf32, #tpu.memory_space<vmem>>
        tpu.vector_store_idx %scatter3A_2400[%add3A_2396], %mul3A_2393 : memref<26624xf32, #tpu.memory_space<vmem>>[vector<16xi32>], vector<16xf32>,
        %shift_right_arithmetic3A_2401 = arith.constant 12 : i32
        %shift_right_arithmetic3A_2402 = vector.broadcast %shift_right_arithmetic3A_2401 : i32 to vector<16xi32>
        %shift_right_arithmetic3A_2403 = arith.shrsi %gather3A_2349, %shift_right_arithmetic3A_2402 : vector<16xi32>
        %and3A_2404 = arith.constant 15 : i32
        %and3A_2405 = vector.broadcast %and3A_2404 : i32 to vector<16xi32>
        %and3A_2406 = arith.andi %shift_right_arithmetic3A_2403, %and3A_2405 : vector<16xi32>
        %convert_element_type3A_2407 = arith.sitofp %and3A_2406 : vector<16xi32> to vector<16xf32>
        %mul3A_2408 = arith.constant 0.0666666701 : f32
        %mul3A_2409 = vector.broadcast %mul3A_2408 : f32 to vector<16xf32>
        %mul3A_2410 = arith.mulf %convert_element_type3A_2407, %mul3A_2409 : vector<16xf32>
        %add3A_2411 = arith.constant 43 : i32
        %add3A_2412 = vector.broadcast %add3A_2411 : i32 to vector<16xi32>
        %add3A_2413 = arith.addi %mul3A_1647, %add3A_2412 : vector<16xi32>
        %scatter3A_2414 = arith.constant 1 : i32
        %scatter3A_2415 = arith.constant 0 : i32
        %scatter3A_2416 = tpu.memref_slice %arg10[%scatter3A_2414, %scatter3A_2415] : memref<2x26624xf32, #tpu.memory_space<vmem>> -> memref<1x26624xf32, #tpu.memory_space<vmem>>
        %scatter3A_2417 = tpu.memref_squeeze %scatter3A_2416 : memref<1x26624xf32, #tpu.memory_space<vmem>> -> memref<26624xf32, #tpu.memory_space<vmem>>
        tpu.vector_store_idx %scatter3A_2417[%add3A_2413], %mul3A_2410 : memref<26624xf32, #tpu.memory_space<vmem>>[vector<16xi32>], vector<16xf32>,
        %shift_right_arithmetic3A_2418 = arith.constant 16 : i32
        %shift_right_arithmetic3A_2419 = vector.broadcast %shift_right_arithmetic3A_2418 : i32 to vector<16xi32>
        %shift_right_arithmetic3A_2420 = arith.shrsi %gather3A_2349, %shift_right_arithmetic3A_2419 : vector<16xi32>
        %and3A_2421 = arith.constant 15 : i32
        %and3A_2422 = vector.broadcast %and3A_2421 : i32 to vector<16xi32>
        %and3A_2423 = arith.andi %shift_right_arithmetic3A_2420, %and3A_2422 : vector<16xi32>
        %convert_element_type3A_2424 = arith.sitofp %and3A_2423 : vector<16xi32> to vector<16xf32>
        %mul3A_2425 = arith.constant 0.0666666701 : f32
        %mul3A_2426 = vector.broadcast %mul3A_2425 : f32 to vector<16xf32>
        %mul3A_2427 = arith.mulf %convert_element_type3A_2424, %mul3A_2426 : vector<16xf32>
        %add3A_2428 = arith.constant 44 : i32
        %add3A_2429 = vector.broadcast %add3A_2428 : i32 to vector<16xi32>
        %add3A_2430 = arith.addi %mul3A_1647, %add3A_2429 : vector<16xi32>
        %scatter3A_2431 = arith.constant 1 : i32
        %scatter3A_2432 = arith.constant 0 : i32
        %scatter3A_2433 = tpu.memref_slice %arg10[%scatter3A_2431, %scatter3A_2432] : memref<2x26624xf32, #tpu.memory_space<vmem>> -> memref<1x26624xf32, #tpu.memory_space<vmem>>
        %scatter3A_2434 = tpu.memref_squeeze %scatter3A_2433 : memref<1x26624xf32, #tpu.memory_space<vmem>> -> memref<26624xf32, #tpu.memory_space<vmem>>
        tpu.vector_store_idx %scatter3A_2434[%add3A_2430], %mul3A_2427 : memref<26624xf32, #tpu.memory_space<vmem>>[vector<16xi32>], vector<16xf32>,
        %shift_right_arithmetic3A_2435 = arith.constant 20 : i32
        %shift_right_arithmetic3A_2436 = vector.broadcast %shift_right_arithmetic3A_2435 : i32 to vector<16xi32>
        %shift_right_arithmetic3A_2437 = arith.shrsi %gather3A_2349, %shift_right_arithmetic3A_2436 : vector<16xi32>
        %and3A_2438 = arith.constant 15 : i32
        %and3A_2439 = vector.broadcast %and3A_2438 : i32 to vector<16xi32>
        %and3A_2440 = arith.andi %shift_right_arithmetic3A_2437, %and3A_2439 : vector<16xi32>
        %convert_element_type3A_2441 = arith.sitofp %and3A_2440 : vector<16xi32> to vector<16xf32>
        %mul3A_2442 = arith.constant 0.0666666701 : f32
        %mul3A_2443 = vector.broadcast %mul3A_2442 : f32 to vector<16xf32>
        %mul3A_2444 = arith.mulf %convert_element_type3A_2441, %mul3A_2443 : vector<16xf32>
        %add3A_2445 = arith.constant 45 : i32
        %add3A_2446 = vector.broadcast %add3A_2445 : i32 to vector<16xi32>
        %add3A_2447 = arith.addi %mul3A_1647, %add3A_2446 : vector<16xi32>
        %scatter3A_2448 = arith.constant 1 : i32
        %scatter3A_2449 = arith.constant 0 : i32
        %scatter3A_2450 = tpu.memref_slice %arg10[%scatter3A_2448, %scatter3A_2449] : memref<2x26624xf32, #tpu.memory_space<vmem>> -> memref<1x26624xf32, #tpu.memory_space<vmem>>
        %scatter3A_2451 = tpu.memref_squeeze %scatter3A_2450 : memref<1x26624xf32, #tpu.memory_space<vmem>> -> memref<26624xf32, #tpu.memory_space<vmem>>
        tpu.vector_store_idx %scatter3A_2451[%add3A_2447], %mul3A_2444 : memref<26624xf32, #tpu.memory_space<vmem>>[vector<16xi32>], vector<16xf32>,
        %shift_right_arithmetic3A_2452 = arith.constant 24 : i32
        %shift_right_arithmetic3A_2453 = vector.broadcast %shift_right_arithmetic3A_2452 : i32 to vector<16xi32>
        %shift_right_arithmetic3A_2454 = arith.shrsi %gather3A_2349, %shift_right_arithmetic3A_2453 : vector<16xi32>
        %and3A_2455 = arith.constant 15 : i32
        %and3A_2456 = vector.broadcast %and3A_2455 : i32 to vector<16xi32>
        %and3A_2457 = arith.andi %shift_right_arithmetic3A_2454, %and3A_2456 : vector<16xi32>
        %convert_element_type3A_2458 = arith.sitofp %and3A_2457 : vector<16xi32> to vector<16xf32>
        %mul3A_2459 = arith.constant 0.0666666701 : f32
        %mul3A_2460 = vector.broadcast %mul3A_2459 : f32 to vector<16xf32>
        %mul3A_2461 = arith.mulf %convert_element_type3A_2458, %mul3A_2460 : vector<16xf32>
        %add3A_2462 = arith.constant 46 : i32
        %add3A_2463 = vector.broadcast %add3A_2462 : i32 to vector<16xi32>
        %add3A_2464 = arith.addi %mul3A_1647, %add3A_2463 : vector<16xi32>
        %scatter3A_2465 = arith.constant 1 : i32
        %scatter3A_2466 = arith.constant 0 : i32
        %scatter3A_2467 = tpu.memref_slice %arg10[%scatter3A_2465, %scatter3A_2466] : memref<2x26624xf32, #tpu.memory_space<vmem>> -> memref<1x26624xf32, #tpu.memory_space<vmem>>
        %scatter3A_2468 = tpu.memref_squeeze %scatter3A_2467 : memref<1x26624xf32, #tpu.memory_space<vmem>> -> memref<26624xf32, #tpu.memory_space<vmem>>
        tpu.vector_store_idx %scatter3A_2468[%add3A_2464], %mul3A_2461 : memref<26624xf32, #tpu.memory_space<vmem>>[vector<16xi32>], vector<16xf32>,
        %shift_right_arithmetic3A_2469 = arith.constant 28 : i32
        %shift_right_arithmetic3A_2470 = vector.broadcast %shift_right_arithmetic3A_2469 : i32 to vector<16xi32>
        %shift_right_arithmetic3A_2471 = arith.shrsi %gather3A_2349, %shift_right_arithmetic3A_2470 : vector<16xi32>
        %and3A_2472 = arith.constant 15 : i32
        %and3A_2473 = vector.broadcast %and3A_2472 : i32 to vector<16xi32>
        %and3A_2474 = arith.andi %shift_right_arithmetic3A_2471, %and3A_2473 : vector<16xi32>
        %convert_element_type3A_2475 = arith.sitofp %and3A_2474 : vector<16xi32> to vector<16xf32>
        %mul3A_2476 = arith.constant 0.0666666701 : f32
        %mul3A_2477 = vector.broadcast %mul3A_2476 : f32 to vector<16xf32>
        %mul3A_2478 = arith.mulf %convert_element_type3A_2475, %mul3A_2477 : vector<16xf32>
        %add3A_2479 = arith.constant 47 : i32
        %add3A_2480 = vector.broadcast %add3A_2479 : i32 to vector<16xi32>
        %add3A_2481 = arith.addi %mul3A_1647, %add3A_2480 : vector<16xi32>
        %scatter3A_2482 = arith.constant 1 : i32
        %scatter3A_2483 = arith.constant 0 : i32
        %scatter3A_2484 = tpu.memref_slice %arg10[%scatter3A_2482, %scatter3A_2483] : memref<2x26624xf32, #tpu.memory_space<vmem>> -> memref<1x26624xf32, #tpu.memory_space<vmem>>
        %scatter3A_2485 = tpu.memref_squeeze %scatter3A_2484 : memref<1x26624xf32, #tpu.memory_space<vmem>> -> memref<26624xf32, #tpu.memory_space<vmem>>
        tpu.vector_store_idx %scatter3A_2485[%add3A_2481], %mul3A_2478 : memref<26624xf32, #tpu.memory_space<vmem>>[vector<16xi32>], vector<16xf32>,
        %add3A_2486 = arith.constant 6 : i32
        %add3A_2487 = vector.broadcast %add3A_2486 : i32 to vector<16xi32>
        %add3A_2488 = arith.addi %shift_left3A_1644, %add3A_2487 : vector<16xi32>
        %gather3A_2489 = tpu.vector_load_idx %arg9[%add3A_1634, %add3A_2488] : memref<512x32xi32, #tpu.memory_space<vmem>>[vector<16xi32>, vector<16xi32>], vector<16xi32>,
        %shift_right_arithmetic3A_2490 = arith.constant 0 : i32
        %shift_right_arithmetic3A_2491 = vector.broadcast %shift_right_arithmetic3A_2490 : i32 to vector<16xi32>
        %shift_right_arithmetic3A_2492 = arith.shrsi %gather3A_2489, %shift_right_arithmetic3A_2491 : vector<16xi32>
        %and3A_2493 = arith.constant 15 : i32
        %and3A_2494 = vector.broadcast %and3A_2493 : i32 to vector<16xi32>
        %and3A_2495 = arith.andi %shift_right_arithmetic3A_2492, %and3A_2494 : vector<16xi32>
        %convert_element_type3A_2496 = arith.sitofp %and3A_2495 : vector<16xi32> to vector<16xf32>
        %mul3A_2497 = arith.constant 0.0666666701 : f32
        %mul3A_2498 = vector.broadcast %mul3A_2497 : f32 to vector<16xf32>
        %mul3A_2499 = arith.mulf %convert_element_type3A_2496, %mul3A_2498 : vector<16xf32>
        %add3A_2500 = arith.constant 48 : i32
        %add3A_2501 = vector.broadcast %add3A_2500 : i32 to vector<16xi32>
        %add3A_2502 = arith.addi %mul3A_1647, %add3A_2501 : vector<16xi32>
        %scatter3A_2503 = arith.constant 1 : i32
        %scatter3A_2504 = arith.constant 0 : i32
        %scatter3A_2505 = tpu.memref_slice %arg10[%scatter3A_2503, %scatter3A_2504] : memref<2x26624xf32, #tpu.memory_space<vmem>> -> memref<1x26624xf32, #tpu.memory_space<vmem>>
        %scatter3A_2506 = tpu.memref_squeeze %scatter3A_2505 : memref<1x26624xf32, #tpu.memory_space<vmem>> -> memref<26624xf32, #tpu.memory_space<vmem>>
        tpu.vector_store_idx %scatter3A_2506[%add3A_2502], %mul3A_2499 : memref<26624xf32, #tpu.memory_space<vmem>>[vector<16xi32>], vector<16xf32>,
        %shift_right_arithmetic3A_2507 = arith.constant 4 : i32
        %shift_right_arithmetic3A_2508 = vector.broadcast %shift_right_arithmetic3A_2507 : i32 to vector<16xi32>
        %shift_right_arithmetic3A_2509 = arith.shrsi %gather3A_2489, %shift_right_arithmetic3A_2508 : vector<16xi32>
        %and3A_2510 = arith.constant 15 : i32
        %and3A_2511 = vector.broadcast %and3A_2510 : i32 to vector<16xi32>
        %and3A_2512 = arith.andi %shift_right_arithmetic3A_2509, %and3A_2511 : vector<16xi32>
        %convert_element_type3A_2513 = arith.sitofp %and3A_2512 : vector<16xi32> to vector<16xf32>
        %mul3A_2514 = arith.constant 0.0666666701 : f32
        %mul3A_2515 = vector.broadcast %mul3A_2514 : f32 to vector<16xf32>
        %mul3A_2516 = arith.mulf %convert_element_type3A_2513, %mul3A_2515 : vector<16xf32>
        %add3A_2517 = arith.constant 49 : i32
        %add3A_2518 = vector.broadcast %add3A_2517 : i32 to vector<16xi32>
        %add3A_2519 = arith.addi %mul3A_1647, %add3A_2518 : vector<16xi32>
        %scatter3A_2520 = arith.constant 1 : i32
        %scatter3A_2521 = arith.constant 0 : i32
        %scatter3A_2522 = tpu.memref_slice %arg10[%scatter3A_2520, %scatter3A_2521] : memref<2x26624xf32, #tpu.memory_space<vmem>> -> memref<1x26624xf32, #tpu.memory_space<vmem>>
        %scatter3A_2523 = tpu.memref_squeeze %scatter3A_2522 : memref<1x26624xf32, #tpu.memory_space<vmem>> -> memref<26624xf32, #tpu.memory_space<vmem>>
        tpu.vector_store_idx %scatter3A_2523[%add3A_2519], %mul3A_2516 : memref<26624xf32, #tpu.memory_space<vmem>>[vector<16xi32>], vector<16xf32>,
        %shift_right_arithmetic3A_2524 = arith.constant 8 : i32
        %shift_right_arithmetic3A_2525 = vector.broadcast %shift_right_arithmetic3A_2524 : i32 to vector<16xi32>
        %shift_right_arithmetic3A_2526 = arith.shrsi %gather3A_2489, %shift_right_arithmetic3A_2525 : vector<16xi32>
        %and3A_2527 = arith.constant 15 : i32
        %and3A_2528 = vector.broadcast %and3A_2527 : i32 to vector<16xi32>
        %and3A_2529 = arith.andi %shift_right_arithmetic3A_2526, %and3A_2528 : vector<16xi32>
        %convert_element_type3A_2530 = arith.sitofp %and3A_2529 : vector<16xi32> to vector<16xf32>
        %mul3A_2531 = arith.constant 0.0666666701 : f32
        %mul3A_2532 = vector.broadcast %mul3A_2531 : f32 to vector<16xf32>
        %mul3A_2533 = arith.mulf %convert_element_type3A_2530, %mul3A_2532 : vector<16xf32>
        %add3A_2534 = arith.constant 50 : i32
        %add3A_2535 = vector.broadcast %add3A_2534 : i32 to vector<16xi32>
        %add3A_2536 = arith.addi %mul3A_1647, %add3A_2535 : vector<16xi32>
        %scatter3A_2537 = arith.constant 1 : i32
        %scatter3A_2538 = arith.constant 0 : i32
        %scatter3A_2539 = tpu.memref_slice %arg10[%scatter3A_2537, %scatter3A_2538] : memref<2x26624xf32, #tpu.memory_space<vmem>> -> memref<1x26624xf32, #tpu.memory_space<vmem>>
        %scatter3A_2540 = tpu.memref_squeeze %scatter3A_2539 : memref<1x26624xf32, #tpu.memory_space<vmem>> -> memref<26624xf32, #tpu.memory_space<vmem>>
        tpu.vector_store_idx %scatter3A_2540[%add3A_2536], %mul3A_2533 : memref<26624xf32, #tpu.memory_space<vmem>>[vector<16xi32>], vector<16xf32>,
        %shift_right_arithmetic3A_2541 = arith.constant 12 : i32
        %shift_right_arithmetic3A_2542 = vector.broadcast %shift_right_arithmetic3A_2541 : i32 to vector<16xi32>
        %shift_right_arithmetic3A_2543 = arith.shrsi %gather3A_2489, %shift_right_arithmetic3A_2542 : vector<16xi32>
        %and3A_2544 = arith.constant 15 : i32
        %and3A_2545 = vector.broadcast %and3A_2544 : i32 to vector<16xi32>
        %and3A_2546 = arith.andi %shift_right_arithmetic3A_2543, %and3A_2545 : vector<16xi32>
        %convert_element_type3A_2547 = arith.sitofp %and3A_2546 : vector<16xi32> to vector<16xf32>
        %mul3A_2548 = arith.constant 0.0666666701 : f32
        %mul3A_2549 = vector.broadcast %mul3A_2548 : f32 to vector<16xf32>
        %mul3A_2550 = arith.mulf %convert_element_type3A_2547, %mul3A_2549 : vector<16xf32>
        %add3A_2551 = arith.constant 51 : i32
        %add3A_2552 = vector.broadcast %add3A_2551 : i32 to vector<16xi32>
        %add3A_2553 = arith.addi %mul3A_1647, %add3A_2552 : vector<16xi32>
        %scatter3A_2554 = arith.constant 1 : i32
        %scatter3A_2555 = arith.constant 0 : i32
        %scatter3A_2556 = tpu.memref_slice %arg10[%scatter3A_2554, %scatter3A_2555] : memref<2x26624xf32, #tpu.memory_space<vmem>> -> memref<1x26624xf32, #tpu.memory_space<vmem>>
        %scatter3A_2557 = tpu.memref_squeeze %scatter3A_2556 : memref<1x26624xf32, #tpu.memory_space<vmem>> -> memref<26624xf32, #tpu.memory_space<vmem>>
        tpu.vector_store_idx %scatter3A_2557[%add3A_2553], %mul3A_2550 : memref<26624xf32, #tpu.memory_space<vmem>>[vector<16xi32>], vector<16xf32>,
      }
      %scan3A_1615 = arith.constant 32 : i32
      %add3A_1616 = arith.addi %mul3A_2, %add3A_1603 : i32
      %mul3A_1617 = arith.constant 512 : i32
      %mul3A_1618 = arith.muli %add3A_1616, %mul3A_1617 : i32
      %mul3A_1619 = arith.constant 52 : i32
      %mul3A_1620 = arith.muli %mul3A_1618, %mul3A_1619 : i32
      %dma_start3A_1621 = arith.constant 1 : i32
      %dma_start3A_1622 = arith.constant 0 : i32
      %dma_start3A_1623 = tpu.memref_slice %arg10[%dma_start3A_1621, %dma_start3A_1622] : memref<2x26624xf32, #tpu.memory_space<vmem>> -> memref<1x26624xf32, #tpu.memory_space<vmem>>
      %dma_start3A_1624 = tpu.memref_squeeze %dma_start3A_1623 : memref<1x26624xf32, #tpu.memory_space<vmem>> -> memref<26624xf32, #tpu.memory_space<vmem>>
      %dma_start3A_1625 = tpu.memref_slice %arg4[%mul3A_1620] : memref<42598400xf32, #tpu.memory_space<hbm>> -> memref<26624xf32, #tpu.memory_space<hbm>>
      %dma_start3A_1626 = tpu.memref_slice %arg4[%mul3A_1620] : memref<42598400xf32, #tpu.memory_space<hbm>> -> memref<26624xf32, #tpu.memory_space<hbm>>
      %dma_start3A_1627 = arith.constant 0 : i32
      %dma_start3A_1628 = tpu.memref_slice %arg10[%dma_start3A_1621, %dma_start3A_1627] : memref<2x26624xf32, #tpu.memory_space<vmem>> -> memref<1x26624xf32, #tpu.memory_space<vmem>>
      %dma_start3A_1629 = tpu.memref_squeeze %dma_start3A_1628 : memref<1x26624xf32, #tpu.memory_space<vmem>> -> memref<26624xf32, #tpu.memory_space<vmem>>
      tpu.enqueue_dma source(%dma_start3A_1629 : memref<26624xf32, #tpu.memory_space<vmem>>) target(%dma_start3A_1626 : memref<26624xf32, #tpu.memory_space<hbm>>) target_semaphore(%arg13 : memref<!tpu.dma_semaphore, #tpu.memory_space<semaphore_mem>>)
    }
    %scan3A_468 = arith.constant 25 : i32
    %dma_wait3A = arith.constant 0 : i32
    %dma_wait3A_469 = arith.constant 0 : i32
    %dma_wait3A_470 = arith.constant 0 : i32
    %dma_wait3A_471 = arith.constant 0 : i32
    %dma_wait3A_472 = tpu.memref_slice %arg7[%dma_wait3A_470, %dma_wait3A_471] : memref<512x128xi8, #tpu.memory_space<vmem>> -> memref<128x128xi8, #tpu.memory_space<vmem>>
    %dma_wait3A_473 = arith.constant 0 : i32
    %dma_wait3A_474 = tpu.memref_slice %arg6[%dma_wait3A, %dma_wait3A_469, %dma_wait3A_473] : memref<2x4x128xi32, #tpu.memory_space<vmem>> -> memref<1x1x128xi32, #tpu.memory_space<vmem>>
    %dma_wait3A_475 = tpu.memref_squeeze %dma_wait3A_474 : memref<1x1x128xi32, #tpu.memory_space<vmem>> -> memref<128xi32, #tpu.memory_space<vmem>>
    %dma_wait3A_476 = arith.constant 0 : i32
    %dma_wait3A_477 = arith.constant 0 : i32
    %dma_wait3A_478 = tpu.memref_slice %arg2[%dma_wait3A_476, %dma_wait3A_477] : memref<250000x128xi8, #tpu.memory_space<hbm>> -> memref<250000x128xi8, #tpu.memory_space<hbm>>
    tpu.wait_indirect_dma semaphore(%arg11 : memref<!tpu.dma_semaphore, #tpu.memory_space<semaphore_mem>>) src(%dma_wait3A_478 : memref<250000x128xi8, #tpu.memory_space<hbm>>) dst(%dma_wait3A_472 : memref<128x128xi8, #tpu.memory_space<vmem>>)
    %dma_wait3A_479 = arith.constant 0 : i32
    %dma_wait3A_480 = arith.constant 1 : i32
    %dma_wait3A_481 = arith.constant 128 : i32
    %dma_wait3A_482 = arith.constant 0 : i32
    %dma_wait3A_483 = tpu.memref_slice %arg7[%dma_wait3A_481, %dma_wait3A_482] : memref<512x128xi8, #tpu.memory_space<vmem>> -> memref<128x128xi8, #tpu.memory_space<vmem>>
    %dma_wait3A_484 = arith.constant 0 : i32
    %dma_wait3A_485 = tpu.memref_slice %arg6[%dma_wait3A_479, %dma_wait3A_480, %dma_wait3A_484] : memref<2x4x128xi32, #tpu.memory_space<vmem>> -> memref<1x1x128xi32, #tpu.memory_space<vmem>>
    %dma_wait3A_486 = tpu.memref_squeeze %dma_wait3A_485 : memref<1x1x128xi32, #tpu.memory_space<vmem>> -> memref<128xi32, #tpu.memory_space<vmem>>
    %dma_wait3A_487 = arith.constant 0 : i32
    %dma_wait3A_488 = arith.constant 0 : i32
    %dma_wait3A_489 = tpu.memref_slice %arg2[%dma_wait3A_487, %dma_wait3A_488] : memref<250000x128xi8, #tpu.memory_space<hbm>> -> memref<250000x128xi8, #tpu.memory_space<hbm>>
    tpu.wait_indirect_dma semaphore(%arg11 : memref<!tpu.dma_semaphore, #tpu.memory_space<semaphore_mem>>) src(%dma_wait3A_489 : memref<250000x128xi8, #tpu.memory_space<hbm>>) dst(%dma_wait3A_483 : memref<128x128xi8, #tpu.memory_space<vmem>>)
    %dma_wait3A_490 = arith.constant 0 : i32
    %dma_wait3A_491 = arith.constant 2 : i32
    %dma_wait3A_492 = arith.constant 256 : i32
    %dma_wait3A_493 = arith.constant 0 : i32
    %dma_wait3A_494 = tpu.memref_slice %arg7[%dma_wait3A_492, %dma_wait3A_493] : memref<512x128xi8, #tpu.memory_space<vmem>> -> memref<128x128xi8, #tpu.memory_space<vmem>>
    %dma_wait3A_495 = arith.constant 0 : i32
    %dma_wait3A_496 = tpu.memref_slice %arg6[%dma_wait3A_490, %dma_wait3A_491, %dma_wait3A_495] : memref<2x4x128xi32, #tpu.memory_space<vmem>> -> memref<1x1x128xi32, #tpu.memory_space<vmem>>
    %dma_wait3A_497 = tpu.memref_squeeze %dma_wait3A_496 : memref<1x1x128xi32, #tpu.memory_space<vmem>> -> memref<128xi32, #tpu.memory_space<vmem>>
    %dma_wait3A_498 = arith.constant 0 : i32
    %dma_wait3A_499 = arith.constant 0 : i32
    %dma_wait3A_500 = tpu.memref_slice %arg2[%dma_wait3A_498, %dma_wait3A_499] : memref<250000x128xi8, #tpu.memory_space<hbm>> -> memref<250000x128xi8, #tpu.memory_space<hbm>>
    tpu.wait_indirect_dma semaphore(%arg11 : memref<!tpu.dma_semaphore, #tpu.memory_space<semaphore_mem>>) src(%dma_wait3A_500 : memref<250000x128xi8, #tpu.memory_space<hbm>>) dst(%dma_wait3A_494 : memref<128x128xi8, #tpu.memory_space<vmem>>)
    %dma_wait3A_501 = arith.constant 0 : i32
    %dma_wait3A_502 = arith.constant 3 : i32
    %dma_wait3A_503 = arith.constant 384 : i32
    %dma_wait3A_504 = arith.constant 0 : i32
    %dma_wait3A_505 = tpu.memref_slice %arg7[%dma_wait3A_503, %dma_wait3A_504] : memref<512x128xi8, #tpu.memory_space<vmem>> -> memref<128x128xi8, #tpu.memory_space<vmem>>
    %dma_wait3A_506 = arith.constant 0 : i32
    %dma_wait3A_507 = tpu.memref_slice %arg6[%dma_wait3A_501, %dma_wait3A_502, %dma_wait3A_506] : memref<2x4x128xi32, #tpu.memory_space<vmem>> -> memref<1x1x128xi32, #tpu.memory_space<vmem>>
    %dma_wait3A_508 = tpu.memref_squeeze %dma_wait3A_507 : memref<1x1x128xi32, #tpu.memory_space<vmem>> -> memref<128xi32, #tpu.memory_space<vmem>>
    %dma_wait3A_509 = arith.constant 0 : i32
    %dma_wait3A_510 = arith.constant 0 : i32
    %dma_wait3A_511 = tpu.memref_slice %arg2[%dma_wait3A_509, %dma_wait3A_510] : memref<250000x128xi8, #tpu.memory_space<hbm>> -> memref<250000x128xi8, #tpu.memory_space<hbm>>
    tpu.wait_indirect_dma semaphore(%arg11 : memref<!tpu.dma_semaphore, #tpu.memory_space<semaphore_mem>>) src(%dma_wait3A_511 : memref<250000x128xi8, #tpu.memory_space<hbm>>) dst(%dma_wait3A_505 : memref<128x128xi8, #tpu.memory_space<vmem>>)
    %add3A_512 = arith.constant 48 : i32
    %add3A_513 = arith.addi %mul3A_2, %add3A_512 : i32
    %mul3A_514 = arith.constant 512 : i32
    %mul3A_515 = arith.muli %add3A_513, %mul3A_514 : i32
    %mul3A_516 = arith.constant 52 : i32
    %mul3A_517 = arith.muli %mul3A_515, %mul3A_516 : i32
    %dma_wait3A_518 = arith.constant 0 : i32
    %dma_wait3A_519 = arith.constant 0 : i32
    %dma_wait3A_520 = tpu.memref_slice %arg10[%dma_wait3A_518, %dma_wait3A_519] : memref<2x26624xf32, #tpu.memory_space<vmem>> -> memref<1x26624xf32, #tpu.memory_space<vmem>>
    %dma_wait3A_521 = tpu.memref_squeeze %dma_wait3A_520 : memref<1x26624xf32, #tpu.memory_space<vmem>> -> memref<26624xf32, #tpu.memory_space<vmem>>
    %dma_wait3A_522 = tpu.memref_slice %arg4[%mul3A_517] : memref<42598400xf32, #tpu.memory_space<hbm>> -> memref<26624xf32, #tpu.memory_space<hbm>>
    %dma_wait3A_523 = tpu.memref_slice %arg4[%mul3A_517] : memref<42598400xf32, #tpu.memory_space<hbm>> -> memref<26624xf32, #tpu.memory_space<hbm>>
    %dma_wait3A_524 = arith.constant 0 : i32
    %dma_wait3A_525 = tpu.memref_slice %arg10[%dma_wait3A_518, %dma_wait3A_524] : memref<2x26624xf32, #tpu.memory_space<vmem>> -> memref<1x26624xf32, #tpu.memory_space<vmem>>
    %dma_wait3A_526 = tpu.memref_squeeze %dma_wait3A_525 : memref<1x26624xf32, #tpu.memory_space<vmem>> -> memref<26624xf32, #tpu.memory_space<vmem>>
    tpu.wait_dma2 semaphore(%arg13 : memref<!tpu.dma_semaphore, #tpu.memory_space<semaphore_mem>>) src(%dma_wait3A_526 : memref<26624xf32, #tpu.memory_space<vmem>>) dst(%dma_wait3A_523 : memref<26624xf32, #tpu.memory_space<hbm>>)
    %add3A_527 = arith.constant 49 : i32
    %add3A_528 = arith.addi %mul3A_2, %add3A_527 : i32
    %mul3A_529 = arith.constant 512 : i32
    %mul3A_530 = arith.muli %add3A_528, %mul3A_529 : i32
    %mul3A_531 = arith.constant 52 : i32
    %mul3A_532 = arith.muli %mul3A_530, %mul3A_531 : i32
    %dma_wait3A_533 = arith.constant 1 : i32
    %dma_wait3A_534 = arith.constant 0 : i32
    %dma_wait3A_535 = tpu.memref_slice %arg10[%dma_wait3A_533, %dma_wait3A_534] : memref<2x26624xf32, #tpu.memory_space<vmem>> -> memref<1x26624xf32, #tpu.memory_space<vmem>>
    %dma_wait3A_536 = tpu.memref_squeeze %dma_wait3A_535 : memref<1x26624xf32, #tpu.memory_space<vmem>> -> memref<26624xf32, #tpu.memory_space<vmem>>
    %dma_wait3A_537 = tpu.memref_slice %arg4[%mul3A_532] : memref<42598400xf32, #tpu.memory_space<hbm>> -> memref<26624xf32, #tpu.memory_space<hbm>>
    %dma_wait3A_538 = tpu.memref_slice %arg4[%mul3A_532] : memref<42598400xf32, #tpu.memory_space<hbm>> -> memref<26624xf32, #tpu.memory_space<hbm>>
    %dma_wait3A_539 = arith.constant 0 : i32
    %dma_wait3A_540 = tpu.memref_slice %arg10[%dma_wait3A_533, %dma_wait3A_539] : memref<2x26624xf32, #tpu.memory_space<vmem>> -> memref<1x26624xf32, #tpu.memory_space<vmem>>
    %dma_wait3A_541 = tpu.memref_squeeze %dma_wait3A_540 : memref<1x26624xf32, #tpu.memory_space<vmem>> -> memref<26624xf32, #tpu.memory_space<vmem>>
    tpu.wait_dma2 semaphore(%arg13 : memref<!tpu.dma_semaphore, #tpu.memory_space<semaphore_mem>>) src(%dma_wait3A_541 : memref<26624xf32, #tpu.memory_space<vmem>>) dst(%dma_wait3A_538 : memref<26624xf32, #tpu.memory_space<hbm>>)
    return
  }
}

</mosaic_0001>

<sc_bundles>
// kernel: kernel.3.cloned.1.call-start
scs
__scs_entry_jumppad:
0x0: {  	(pc) =	sbr.rel $0x88, $3  }
0x1: {  	(tag) =	ssettag $0x0;
	lr =	simm.s32 $0x1  }
0x2: {  	[smem:$0x3F9F] =	sst lr;
	_ =	strace $0xD0000000  }
0x3: {  	_ = 	snop  }
0x4: {  	_ = 	snop  }
0x5: {  	_ = 	snop  }
0x6: {  	_ = 	snop  }
0x7: {  	_ = 	snop  }
__scs_overlays_trampoline_lowered:
0x8: {  	[smem:$0x3FAE] =	sst s0  }
0x9: {  	[smem:$0x3FAF] =	sst s1  }
0xa: {  	[smem:$0x3FB0] =	sst s2  }
0xb: {  	[smem:$0x3FB1] =	sst s3  }
0xc: {  	[smem:$0x3FB2] =	sst s4  }
0xd: {  	[smem:$0x3FB3] =	sst s5  }
0xe: {  	[smem:$0x3FB4] =	sst s6  }
0xf: {  	[smem:$0x3FB5] =	sst s7  }
0x10: {  	[smem:$0x3FB6] =	sst s8  }
0x11: {  	[smem:$0x3FB7] =	sst s9;
	s0 =	simm.s32 @!p0 $0x0  }
0x12: {  	s1 =	sld [smem:$0x3F9D];
	s0 =	simm.s32 @p0 $0x1  }
0x13: {  	[smem:$0x3FB8] =	sst s0;
	s0 =	simm.s32 @!p1 $0x0  }
0x14: {  	s2 =	sld [smem:$0x3F9C];
	s0 =	simm.s32 @p1 $0x1  }
0x15: {  	[smem:$0x3FB9] =	sst s0;
	s0 =	simm.s32 @!p2 $0x0  }
0x16: {  	s3 =	sld [smem:$0x3FDB];
	s0 =	simm.s32 @p2 $0x1  }
0x17: {  	s4 =	simm.s32 $0x1BF5;
	[smem:$0x3FBB] =	sst s0  }
0x18: {  	s0 =	sld [smem:$0x3F9E];
	_ =	swait.ge [sflag:s4], $0x0  }
0x19: {  	s7 =	sld [smem:$0x3F9F]  }
0x1a: {  	s8 =	sadd.s32 $0xFFFFE003, lr  }
0x1b: {  	s9 =	sadd.s32 $0xFFFFFEF7, lr;
	s5 =	simm.s32 $0xFFFFFFFF;
	p2 =	slt.u32 s8, $0xFFFFF086  }
0x1c: {  	p1 =	slt.u32 s9, $0xF7A;
	s5 =	simm.s32 @!p2 $0x0  }
0x1d: {  	s5 =	simm.s32 @p1 $0x1;
	p0 =	seq.s32 s7, s2  }
0x1e: {  	s7 =	smul.u32 @!p0 $0xF7A, s2;
	p2 =	seq.s32 @!p0 s5, $0x0  }
0x1f: {  	s9 =	smul.u32 $0xF7A, s1;
	s8 =	simm.s32 @!p0 $0x1BF5;
	p2 =	por !p2, p0  }
0x20: {  	[sflag:s8] =	ssyncset.s32 @!p0 $0xFFFFF086;
	s6 =	sadd.s32 @!p0 s3, s7;
	s7 =	simm.s32 @!p0 $0x108  }
0x21: {  	s3 =	sadd.s32 s3, s9;
	s6 =	sadd.s32 @!p0 $0x88, s6;
	s7 =	simm.s32 @p2 $0x1082  }
0x22: {  	[simem:s7], [sflag:s8] =	dma.local @!p0 [hbm:s6], $0xF7A  }
0x23: {  	s9 =	sor.u32 $0xD0000000, s2;
	s6 =	simm.s32 $0x108;
	_ =	swait.ge @!p0 [sflag:s8], $0x0  }
0x24: {  	s3 =	sadd.s32 $0x88, s3;
	s6 =	simm.s32 @!p1 $0x1082;
	[sflag:s4] =	ssyncset.s32 $0xFFFFF086  }
0x25: {  	[simem:s6], [sflag:s4] =	dma.local [hbm:s3], $0xF7A  }
0x26: {  	[smem:$0x3F9F] =	sst s1;
	(tag) =	ssettag s2;
	_ =	strace s9  }
0x27: {  	s1 =	sld [smem:$0x3FAF]  }
0x28: {  	s2 =	sld [smem:$0x3FB0]  }
0x29: {  	s4 =	sld [smem:$0x3FB2]  }
0x2a: {  	p0 =	seq.s32 s5, $0x0;
	s5 =	sld [smem:$0x3FB3]  }
0x2b: {  	s6 =	sld [smem:$0x3FB4]  }
0x2c: {  	s7 =	sld [smem:$0x3FB5]  }
0x2d: {  	s3 =	simm.s32 $0x108;
	s8 =	sld [smem:$0x3FB6]  }
0x2e: {  	s3 =	simm.s32 @!p0 $0x1082;
	s9 =	sld [smem:$0x3FB7]  }
0x2f: {  	lr =	sadd.s32 s0, s3;
	s0 =	sld [smem:$0x3FAE]  }
0x30: {  	s3 =	sld [smem:$0x3FB1]  }
0x31: {  	[smem:$0x3FBA] =	sst s10  }
0x32: {  	s10 =	sld [smem:$0x3FB8];
	_ =	sdelay $0x3  }
0x33: {  	p0 =	seq.s32 s10, $0x1;
	s10 =	sld [smem:$0x3FBA];
	_ =	sdelay $0x3  }
0x34: {  	[smem:$0x3FBA] =	sst s10  }
0x35: {  	s10 =	sld [smem:$0x3FB9];
	_ =	sdelay $0x3  }
0x36: {  	p1 =	seq.s32 s10, $0x1;
	s10 =	sld [smem:$0x3FBA];
	_ =	sdelay $0x3  }
0x37: {  	[smem:$0x3FBA] =	sst s10  }
0x38: {  	s10 =	sld [smem:$0x3FBB]  }
0x39: {  	_ = 	snop;
	(pc) =	sbr.ind lr, $3  }
0x3a: {  	_ = 	snop  }
0x3b: {  	_ = 	snop  }
0x3c: {  	p2 =	seq.s32 s10, $0x1;
	s10 =	sld [smem:$0x3FBA]  }
0x3d: {  	_ =	shalt  }
0x3e: {  	_ =	shalt  }
0x3f: {  	_ =	shalt  }
0x40: {  	_ =	shalt  }
0x41: {  	_ =	shalt  }
0x42: {  	_ =	shalt  }
0x43: {  	_ =	shalt  }
0x44: {  	_ =	shalt  }
0x45: {  	_ =	shalt  }
0x46: {  	_ =	shalt  }
0x47: {  	_ =	shalt  }
0x48: {  	_ =	shalt  }
0x49: {  	_ =	shalt  }
0x4a: {  	_ =	shalt  }
0x4b: {  	_ =	shalt  }
0x4c: {  	_ =	shalt  }
0x4d: {  	_ =	shalt  }
0x4e: {  	_ =	shalt  }
0x4f: {  	_ =	shalt  }
0x50: {  	_ =	shalt  }
0x51: {  	_ =	shalt  }
0x52: {  	_ =	shalt  }
0x53: {  	_ =	shalt  }
0x54: {  	_ =	shalt  }
0x55: {  	_ =	shalt  }
0x56: {  	_ =	shalt  }
0x57: {  	_ =	shalt  }
0x58: {  	_ =	shalt  }
0x59: {  	_ =	shalt  }
0x5a: {  	_ =	shalt  }
0x5b: {  	_ =	shalt  }
0x5c: {  	_ =	shalt  }
0x5d: {  	_ =	shalt  }
0x5e: {  	_ =	shalt  }
0x5f: {  	_ =	shalt  }
0x60: {  	_ =	shalt  }
0x61: {  	_ =	shalt  }
0x62: {  	_ =	shalt  }
0x63: {  	_ =	shalt  }
0x64: {  	_ =	shalt  }
0x65: {  	_ =	shalt  }
0x66: {  	_ =	shalt  }
0x67: {  	_ =	shalt  }
0x68: {  	_ =	shalt  }
0x69: {  	_ =	shalt  }
0x6a: {  	_ =	shalt  }
0x6b: {  	_ =	shalt  }
0x6c: {  	_ =	shalt  }
0x6d: {  	_ =	shalt  }
0x6e: {  	_ =	shalt  }
0x6f: {  	_ =	shalt  }
0x70: {  	_ =	shalt  }
0x71: {  	_ =	shalt  }
0x72: {  	_ =	shalt  }
0x73: {  	_ =	shalt  }
0x74: {  	_ =	shalt  }
0x75: {  	_ =	shalt  }
0x76: {  	_ =	shalt  }
0x77: {  	_ =	shalt  }
0x78: {  	_ =	shalt  }
0x79: {  	_ =	shalt  }
0x7a: {  	_ =	shalt  }
0x7b: {  	_ =	shalt  }
0x7c: {  	_ =	shalt  }
0x7d: {  	_ =	shalt  }
0x7e: {  	_ =	shalt  }
0x7f: {  	_ =	shalt  }
0x80: {  	_ =	shalt  }
0x81: {  	_ =	shalt  }
0x82: {  	_ =	shalt  }
0x83: {  	_ =	shalt  }
0x84: {  	_ =	shalt  }
0x85: {  	_ =	shalt  }
0x86: {  	_ =	shalt  }
0x87: {  	_ =	shalt  }
.Lfunc_end0:
.L_simem_size_0:
called_computation.1_lowered:
.L_overlay_start_0:
0x88: {  	s2 =	sld [smem:$0x3FD9]  }
0x89: {  	s3 =	sld [smem:$0x3FFE];
	_ =	sdelay $0x1  }
0x8a: {  	s1 =	srdreg.scid  }
0x8b: {  	s0 =	sand.u32 $0x1, s1  }
0x8c: {  	s17 =	sshll.u32 s0, $0xA;
	s2 =	sadd.s32 s3, s2  }
0x8d: {  	s2 =	sadd.s32 s2, s17  }
0x8e: {  	[smem:$0x3FC6] =	sst s2  }
0x8f: {  	_ = 	snop  }
0x90: {  	s2 =	sld [smem:$0x3FD0];
	(tm) =	ssettm $0x1  }
0x91: {  	s18 =	sld [smem:$0x3FFB];
	_ =	sdelay $0x3  }
0x92: {  	_ =	strace s18  }
0x93: {  	s3 =	sld [smem:$0x3FFC];
	_ =	sdelay $0x3  }
0x94: {  	_ =	strace s3  }
0x95: {  	s3 =	sld [smem:$0x3FFD];
	_ =	sdelay $0x3  }
0x96: {  	_ =	strace s3  }
0x97: {  	_ =	strace $0x8FFFFFFF  }
0x98: {  	s19 =	sld [smem:$0x3FDB];
	_ =	sdelay $0x1  }
0x99: {  	s4 =	simm.s32 $_scs_section_size  }
0x9a: {  	s5 =	simm.s32 $_size__tile_overlayer_lowered;
	s6 =	simm.s32 $_tile_overlayer_lowered  }
0x9b: {  	s22 =	simm.s32 $0x1BFF;
	s21 =	sshll.u32 s6, $0x1;
	s3 =	sadd.s32 s4, s19  }
0x9c: {  	s7 =	simm.s32 $0x0;
	s20 =	sshll.u32 s5, $0x1;
	s5 =	sadd.s32 s21, s3  }
0x9d: {  	[timem:s7], [sflag:s22] =	dma.local [hbm:s5], s20  }
0x9e: {  	_ =	swait.ge [sflag:s22], s20  }
0x9f: {  	s4 =	ssub.s32 $0x0, s20;
	[sflag:s22] =	ssyncset.done $0x0  }
0xa0: {  	[sflag:s22] =	ssyncadd.s32 s4;
	_ =	sdelay $0x1  }
0xa1: {  	s23 =	simm.s32 $0x1B8B  }
0xa2: {  	_ =	swait.ge [sflag:s23], $0x1  }
0xa3: {  	[sflag:s23] =	ssyncset.done $0x0  }
0xa4: {  	s25 =	simm.s32 $0x1B8E;
	s24 =	sld [smem:$0x3FFE];
	[sflag:s23] =	ssyncadd.s32 $0xFFFFFFFF  }
0xa5: {  	s26 =	simm.s32 $execute0_lowered;
	[smem:$0x3FD2] =	sst s25  }
0xa6: {  	s5 =	sshll.u32 s26, $0x1;
	_ =	strace $0x80000046;
	[dreg:$0x1] =	wrdreg $0xFFFFFFFF  }
0xa7: {  	s28 =	simm.s32 $_size_execute0_lowered;
	s3 =	sadd.s32 s3, s5;
	[dreg:$0x0] =	wrdreg $0x0  }
0xa8: {  	s5 =	sshll.u32 s28, $0x1;
	[dreg:$0x2] =	wrdreg s3  }
0xa9: {  	[dreg:$0x3] =	wrdreg s5  }
0xaa: {  	[dreg:$0x4] =	wrdreg $0xC0  }
0xab: {  	_ =	task [dreg:s7], $0x5FFFF  }
0xac: {  	[dreg:$0x1] =	wrdreg $0xFFFFFFFF  }
0xad: {  	[dreg:$0x0] =	wrdreg $0x60  }
0xae: {  	[dreg:$0x2] =	wrdreg s24  }
0xaf: {  	[dreg:$0x3] =	wrdreg s2  }
0xb0: {  	[dreg:$0x4] =	wrdreg $0x9  }
0xb1: {  	_ =	task.clear_ibuf [dreg:s7], $0x5FFFF;
	_ =	strace $0x90000046  }
0xb2: {  	s29 =	simm.s32 $0x9;
	_ =	strace $0x80000048  }
0xb3: {  	_ =	swait.ge [sflag:s29], $0x1  }
0xb4: {  	[sflag:s29] =	ssyncadd.s32 $0xFFFFFFFF  }
0xb5: {  	_ =	strace $0x90000048  }
0xb6: {  	_ =	sfence  }
0xb7: {  	s30 =	sld [smem:$0x0];
	_ =	sdelay $0x2  }
0xb8: {  	s31 =	sshll.u32 s1, $0xD;
	s1 =	sshrl.u32 s1, $0x2  }
0xb9: {  	s3 =	sand.u32 $0x4000, s31;
	s1 =	sadd.s32 s1, s30  }
0xba: {  	s0 =	sor.u32 s3, s0;
	s1 =	sshll.u32 s1, $0x11  }
0xbb: {  	s0 =	sor.u32 s1, s0  }
0xbc: {  	s0 =	sadd.s32 $0x8F2B, s0  }
0xbd: {  	[sflag:s0] =	ssyncadd.remote.s32 $0x1  }
0xbe: {  	_ =	sfence.sel $0xFFFF  }
0xbf: {  	[dreg:$0x0] =	wrdreg $0xFFFFFFFF;
	(pc) =	sbr.abs _section_cstart, $3  }
0xc0: {  	[dreg:$0x1] =	wrdreg $0xFFFFFFFF  }
0xc1: {  	_ =	task.clear_ibuf [dreg:s7], $0x2FFFF;
	_ =	strace $0x9FFFFFFF  }
0xc2: {  	(tm) =	ssettm $0x7FFFFFFF  }
0xc3: {  	_ =	shalt  }
tec
execute0_lowered:
.L_overlay_start_1:
0x0: {  	(tag) =	ssettag $0x1  }
0x1: {  	s0 =	rddreg [dreg:$0x0];
	s1 =	srdreg.scid  }
0x2: {  	s3 =	stileid.u32;
	s2 =	rddreg [dreg:$0x1];
	s10 =	simm.s32 $0x4  }
0x3: {  	s11 =	simm.s32 $0x80;
	s12 =	simm.s32 $0x400;
	s13 =	simm.s32 $0x800  }
0x4: {  	s14 =	simm.s32 $0x480;
	s15 =	simm.s32 $0x1800;
	s16 =	simm.s32 $0x500  }
0x5: {  	s17 =	simm.s32 $0x2800;
	s18 =	simm.s32 $0x580;
	s19 =	simm.s32 $0x3800  }
0x6: {  	s28 =	simm.s32 $0x780;
	s29 =	simm.s32 $0x7800;
	s30 =	simm.s32 $0x1  }
0x7: {  	s31 =	simm.s32 $0x8800;
	s1 =	sand.u32 $0x1, s1;
	s4 =	sshll.u32 s3, $0x1  }
0x8: {  	s21 =	simm.s32 $0x0;
	s3 =	simm.s32 $0x0;
	s5 =	sor.u32 s1, s4  }
0x9: {  	s6 =	sadd.s32 $0x800, s0;
	s1 =	ssub.s32 $0x2, s1;
	s4 =	smul.u32 $0x32, s5  }
0xa: {  	[smem:$0x7FF] =	sst s3;
	s7 =	smul.u32 $0xC80, s5;
	s25 =	sshrl.u32 s1, $0x1  }
0xb: {  	_ =	strace $0x80000047;
	s5 =	sadd.s32 $0x19800, s0;
	s0 =	ssub.s32 s1, s25  }
0xc: {  	s1 =	simm.s32 $0xC800;
	s26 =	sadd.s32 s6, s7;
	s8 =	sadd.s32 $0x2, s4  }
0xd: {  	s0 =	smax.u32 s0, $0x1;
	s7 =	simm.s32 $0x13000;
	[dreg:$0x3] =	wrdreg s26  }
0xe: {  	v0 =	vlaneseq.u32;
	[dreg:$0x4] =	wrdreg s0;
	s26 =	simm.s32 $0x6800;
	s0 =	simm.s32 $0x2  }
.LBB2_1:
0xf: {  	[dreg:$0x5] =	wrdreg s21  }
0x10: {  	s9 =	rddreg [dreg:$0x3]  }
0x11: {  	[tilespmem:s3], [sflag:$0x4] =	stream.linear.gather [hbm4b:s9+s3], $0x200, $0x38;
	[tilespmem:$0x19800] =	vst v63  }
0x12: {  	_ =	swait.ge [sflag:s10], $0x200  }
0x13: {  	[sflag:s10] =	ssyncset.done $0x0  }
0x14: {  	[sflag:s10] =	ssyncadd.s32 $0xFFFFFE00  }
0x15: {  	v1 =	vld [tilespmem:$0x0]  }
0x16: {  	v2 =	vld [tilespmem:$0x10]  }
0x17: {  	v3 =	vld [tilespmem:$0x20]  }
0x18: {  	v4 =	vld [tilespmem:$0x30]  }
0x19: {  	v5 =	vld [tilespmem:$0x40]  }
0x1a: {  	v6 =	vld [tilespmem:$0x50];
	v1 =	vshra.s32 v1, $0x2  }
0x1b: {  	[tilespmem:$0x400] =	vst v1;
	v1 =	vshra.s32 v2, $0x2;
	v2 =	vld [tilespmem:$0x60]  }
0x1c: {  	[tilespmem:$0x410] =	vst v1;
	v1 =	vshra.s32 v3, $0x2;
	v3 =	vld [tilespmem:$0x70]  }
0x1d: {  	v49 =	vld [tilespmem:$0x80];
	[tilespmem:$0x420] =	vst v1;
	v1 =	vshra.s32 v4, $0x2  }
0x1e: {  	v50 =	vld [tilespmem:$0x90];
	[tilespmem:$0x430] =	vst v1;
	v1 =	vshra.s32 v5, $0x2  }
0x1f: {  	v51 =	vld [tilespmem:$0xA0];
	[tilespmem:$0x440] =	vst v1;
	v1 =	vshra.s32 v6, $0x2  }
0x20: {  	[tilespmem:$0x450] =	vst v1;
	v1 =	vshra.s32 v2, $0x2;
	v2 =	vld [tilespmem:$0xB0]  }
0x21: {  	[tilespmem:$0x460] =	vst v1;
	v1 =	vshra.s32 v3, $0x2;
	v3 =	vld [tilespmem:$0xC0]  }
0x22: {  	v52 =	vld [tilespmem:$0xD0];
	[tilespmem:$0x470] =	vst v1;
	v1 =	vshra.s32 v49, $0x2  }
0x23: {  	v53 =	vld [tilespmem:$0xE0];
	[tilespmem:$0x480] =	vst v1;
	v1 =	vshra.s32 v50, $0x2  }
0x24: {  	v54 =	vld [tilespmem:$0xF0];
	[tilespmem:$0x490] =	vst v1;
	v1 =	vshra.s32 v51, $0x2  }
0x25: {  	[tilespmem:$0x4A0] =	vst v1;
	v1 =	vshra.s32 v2, $0x2;
	v2 =	vld [tilespmem:$0x100]  }
0x26: {  	[tilespmem:$0x4B0] =	vst v1;
	v1 =	vshra.s32 v3, $0x2;
	v3 =	vld [tilespmem:$0x110]  }
0x27: {  	v55 =	vld [tilespmem:$0x120];
	[tilespmem:$0x4C0] =	vst v1;
	v1 =	vshra.s32 v52, $0x2  }
0x28: {  	v56 =	vld [tilespmem:$0x130];
	[tilespmem:$0x4D0] =	vst v1;
	v1 =	vshra.s32 v53, $0x2  }
0x29: {  	v57 =	vld [tilespmem:$0x140];
	[tilespmem:$0x4E0] =	vst v1;
	v1 =	vshra.s32 v54, $0x2  }
0x2a: {  	[tilespmem:$0x4F0] =	vst v1;
	v1 =	vshra.s32 v2, $0x2;
	v2 =	vld [tilespmem:$0x150]  }
0x2b: {  	[tilespmem:$0x500] =	vst v1;
	v1 =	vshra.s32 v3, $0x2;
	v3 =	vld [tilespmem:$0x160]  }
0x2c: {  	v58 =	vld [tilespmem:$0x170];
	[tilespmem:$0x510] =	vst v1;
	v1 =	vshra.s32 v55, $0x2  }
0x2d: {  	v59 =	vld [tilespmem:$0x180];
	[tilespmem:$0x520] =	vst v1;
	v1 =	vshra.s32 v56, $0x2  }
0x2e: {  	v60 =	vld [tilespmem:$0x190];
	[tilespmem:$0x530] =	vst v1;
	v1 =	vshra.s32 v57, $0x2  }
0x2f: {  	[tilespmem:$0x540] =	vst v1;
	v1 =	vshra.s32 v2, $0x2;
	v2 =	vld [tilespmem:$0x1A0]  }
0x30: {  	[tilespmem:$0x550] =	vst v1;
	v1 =	vshra.s32 v3, $0x2;
	v3 =	vld [tilespmem:$0x1B0]  }
0x31: {  	v61 =	vld [tilespmem:$0x1C0];
	[tilespmem:$0x560] =	vst v1;
	v1 =	vshra.s32 v58, $0x2  }
0x32: {  	v62 =	vld [tilespmem:$0x1D0];
	[tilespmem:$0x570] =	vst v1;
	v1 =	vshra.s32 v59, $0x2  }
0x33: {  	v63 =	vld [tilespmem:$0x1E0];
	[tilespmem:$0x580] =	vst v1;
	v1 =	vshra.s32 v60, $0x2  }
0x34: {  	[tilespmem:$0x590] =	vst v1;
	v1 =	vshra.s32 v2, $0x2;
	v2 =	vld [tilespmem:$0x1F0]  }
0x35: {  	[tilespmem:$0x5A0] =	vst v1;
	v1 =	vshra.s32 v3, $0x2  }
0x36: {  	[tilespmem:$0x5B0] =	vst v1;
	v1 =	vshra.s32 v61, $0x2  }
0x37: {  	[tilespmem:$0x5C0] =	vst v1;
	v1 =	vshra.s32 v62, $0x2  }
0x38: {  	[tilespmem:$0x5D0] =	vst v1;
	v1 =	vshra.s32 v63, $0x2  }
0x39: {  	[tilespmem:$0x5E0] =	vst v1;
	v1 =	vshra.s32 v2, $0x2  }
0x3a: {  	[tilespmem:$0x5F0] =	vst v1  }
0x3b: {  	[tilespmem:s13], [sflag:$0x1] =	stream.indirect.gather [hbm4b:s5+s11], $0x20, s12, s11, $0xb8;
	[tilespmem:$0x19800] =	vst v63  }
0x3c: {  	_ = 	snop  }
0x3d: {  	[tilespmem:s15], [sflag:$0x1] =	stream.indirect.gather [hbm4b:s5+s11], $0x20, s14, s11, $0xb8;
	[tilespmem:$0x19800] =	vst v63  }
0x3e: {  	_ = 	snop  }
0x3f: {  	[tilespmem:s17], [sflag:$0x1] =	stream.indirect.gather [hbm4b:s5+s11], $0x20, s16, s11, $0xb8;
	[tilespmem:$0x19800] =	vst v63  }
0x40: {  	s9 =	simm.s32 $0x0  }
0x41: {  	[tilespmem:s19], [sflag:$0x1] =	stream.indirect.gather [hbm4b:s5+s11], $0x20, s18, s11, $0xb8;
	[tilespmem:$0x19800] =	vst v63  }
.LBB2_2:
0x42: {  	s21 =	sshll.u32 s9, $0x1  }
0x43: {  	s20 =	sadd.s32 s21, s4  }
0x44: {  	s20 =	sadd.s32 $0x1, s20  }
0x45: {  	s22 =	sshll.u32 s20, $0x6  }
0x46: {  	s22 =	sand.u32 $0x1FFFFFC0, s22  }
0x47: {  	s23 =	simm.s32 $0x200;
	s22 =	sadd.s32 s6, s22  }
0x48: {  	[tilespmem:s23], [sflag:$0x4] =	stream.linear.gather [hbm4b:s22+s3], $0x200, $0x38;
	[tilespmem:$0x19800] =	vst v63  }
0x49: {  	_ =	swait.ge [sflag:s10], $0x200  }
0x4a: {  	[sflag:s10] =	ssyncset.done $0x0  }
0x4b: {  	[sflag:s10] =	ssyncadd.s32 $0xFFFFFE00  }
0x4c: {  	v1 =	vld [tilespmem:$0x200]  }
0x4d: {  	v2 =	vld [tilespmem:$0x210]  }
0x4e: {  	v3 =	vld [tilespmem:$0x220]  }
0x4f: {  	v4 =	vld [tilespmem:$0x230]  }
0x50: {  	v5 =	vld [tilespmem:$0x240]  }
0x51: {  	v6 =	vld [tilespmem:$0x250];
	v1 =	vshra.s32 v1, $0x2  }
0x52: {  	[tilespmem:$0x600] =	vst v1;
	v1 =	vshra.s32 v2, $0x2;
	v2 =	vld [tilespmem:$0x260]  }
0x53: {  	[tilespmem:$0x610] =	vst v1;
	v1 =	vshra.s32 v3, $0x2;
	v3 =	vld [tilespmem:$0x270]  }
0x54: {  	[tilespmem:$0x620] =	vst v1;
	v1 =	vshra.s32 v4, $0x2;
	v4 =	vld [tilespmem:$0x280]  }
0x55: {  	[tilespmem:$0x630] =	vst v1;
	v1 =	vshra.s32 v5, $0x2;
	v5 =	vld [tilespmem:$0x290]  }
0x56: {  	[tilespmem:$0x640] =	vst v1;
	v1 =	vshra.s32 v6, $0x2;
	v6 =	vld [tilespmem:$0x2A0]  }
0x57: {  	[tilespmem:$0x650] =	vst v1;
	v1 =	vshra.s32 v2, $0x2;
	v2 =	vld [tilespmem:$0x2B0]  }
0x58: {  	[tilespmem:$0x660] =	vst v1;
	v1 =	vshra.s32 v3, $0x2;
	v3 =	vld [tilespmem:$0x2C0]  }
0x59: {  	[tilespmem:$0x670] =	vst v1;
	v1 =	vshra.s32 v4, $0x2;
	v4 =	vld [tilespmem:$0x2D0]  }
0x5a: {  	[tilespmem:$0x680] =	vst v1;
	v1 =	vshra.s32 v5, $0x2;
	v5 =	vld [tilespmem:$0x2E0]  }
0x5b: {  	[tilespmem:$0x690] =	vst v1;
	v1 =	vshra.s32 v6, $0x2;
	v6 =	vld [tilespmem:$0x2F0]  }
0x5c: {  	[tilespmem:$0x6A0] =	vst v1;
	v1 =	vshra.s32 v2, $0x2;
	v2 =	vld [tilespmem:$0x300]  }
0x5d: {  	[tilespmem:$0x6B0] =	vst v1;
	v1 =	vshra.s32 v3, $0x2;
	v3 =	vld [tilespmem:$0x310]  }
0x5e: {  	[tilespmem:$0x6C0] =	vst v1;
	v1 =	vshra.s32 v4, $0x2;
	v4 =	vld [tilespmem:$0x320]  }
0x5f: {  	[tilespmem:$0x6D0] =	vst v1;
	v1 =	vshra.s32 v5, $0x2;
	v5 =	vld [tilespmem:$0x330]  }
0x60: {  	[tilespmem:$0x6E0] =	vst v1;
	v1 =	vshra.s32 v6, $0x2;
	v6 =	vld [tilespmem:$0x340]  }
0x61: {  	[tilespmem:$0x6F0] =	vst v1;
	v1 =	vshra.s32 v2, $0x2;
	v2 =	vld [tilespmem:$0x350]  }
0x62: {  	[tilespmem:$0x700] =	vst v1;
	v1 =	vshra.s32 v3, $0x2;
	v3 =	vld [tilespmem:$0x360]  }
0x63: {  	[tilespmem:$0x710] =	vst v1;
	v1 =	vshra.s32 v4, $0x2;
	v4 =	vld [tilespmem:$0x370]  }
0x64: {  	[tilespmem:$0x720] =	vst v1;
	v1 =	vshra.s32 v5, $0x2;
	v5 =	vld [tilespmem:$0x380]  }
0x65: {  	[tilespmem:$0x730] =	vst v1;
	v1 =	vshra.s32 v6, $0x2;
	v6 =	vld [tilespmem:$0x390]  }
0x66: {  	[tilespmem:$0x740] =	vst v1;
	v1 =	vshra.s32 v2, $0x2;
	v2 =	vld [tilespmem:$0x3A0]  }
0x67: {  	[tilespmem:$0x750] =	vst v1;
	v1 =	vshra.s32 v3, $0x2;
	v3 =	vld [tilespmem:$0x3B0]  }
0x68: {  	[tilespmem:$0x760] =	vst v1;
	v1 =	vshra.s32 v4, $0x2;
	v4 =	vld [tilespmem:$0x3C0]  }
0x69: {  	[tilespmem:$0x770] =	vst v1;
	v1 =	vshra.s32 v5, $0x2;
	v5 =	vld [tilespmem:$0x3D0]  }
0x6a: {  	[tilespmem:$0x780] =	vst v1;
	v1 =	vshra.s32 v6, $0x2;
	v6 =	vld [tilespmem:$0x3E0]  }
0x6b: {  	[tilespmem:$0x790] =	vst v1;
	v1 =	vshra.s32 v2, $0x2;
	v2 =	vld [tilespmem:$0x3F0]  }
0x6c: {  	[tilespmem:$0x7A0] =	vst v1;
	v1 =	vshra.s32 v3, $0x2  }
0x6d: {  	[tilespmem:$0x7B0] =	vst v1;
	v1 =	vshra.s32 v4, $0x2  }
0x6e: {  	[tilespmem:$0x7C0] =	vst v1;
	v1 =	vshra.s32 v5, $0x2  }
0x6f: {  	[tilespmem:$0x7D0] =	vst v1;
	v1 =	vshra.s32 v6, $0x2  }
0x70: {  	[tilespmem:$0x7E0] =	vst v1;
	v1 =	vshra.s32 v2, $0x2  }
0x71: {  	s24 =	simm.s32 $0x600;
	s25 =	simm.s32 $0x4800;
	[tilespmem:$0x7F0] =	vst v1  }
0x72: {  	[tilespmem:s25], [sflag:$0x2] =	stream.indirect.gather [hbm4b:s5+s11], $0x20, s24, s11, $0xb8;
	[tilespmem:$0x19800] =	vst v63  }
0x73: {  	s23 =	simm.s32 $0x680;
	s24 =	simm.s32 $0x5800  }
0x74: {  	[tilespmem:s24], [sflag:$0x2] =	stream.indirect.gather [hbm4b:s5+s11], $0x20, s23, s11, $0xb8;
	[tilespmem:$0x19800] =	vst v63  }
0x75: {  	s25 =	simm.s32 $0x700  }
0x76: {  	[tilespmem:s26], [sflag:$0x2] =	stream.indirect.gather [hbm4b:s5+s11], $0x20, s25, s11, $0xb8;
	[tilespmem:$0x19800] =	vst v63  }
0x77: {  	_ = 	snop  }
0x78: {  	[tilespmem:s29], [sflag:$0x2] =	stream.indirect.gather [hbm4b:s5+s11], $0x20, s28, s11, $0xb8;
	[tilespmem:$0x19800] =	vst v63  }
0x79: {  	_ =	swait.ge [sflag:s30], $0x1000  }
0x7a: {  	[sflag:s30] =	ssyncset.done $0x0  }
0x7b: {  	[sflag:s30] =	ssyncadd.s32 $0xFFFFF000  }
0x7c: {  	_ =	swait.ge [sflag:s30], $0x1000  }
0x7d: {  	[sflag:s30] =	ssyncset.done $0x0  }
0x7e: {  	[sflag:s30] =	ssyncadd.s32 $0xFFFFF000  }
0x7f: {  	_ =	swait.ge [sflag:s30], $0x1000  }
0x80: {  	[sflag:s30] =	ssyncset.done $0x0  }
0x81: {  	[sflag:s30] =	ssyncadd.s32 $0xFFFFF000  }
0x82: {  	_ =	swait.ge [sflag:s30], $0x1000  }
0x83: {  	p0 =	seq.s32 s9, $0x0;
	[sflag:s30] =	ssyncset.done $0x0  }
0x84: {  	s22 =	simm.s32 @!p0 $0x3;
	[sflag:s30] =	ssyncadd.s32 $0xFFFFF000  }
0x85: {  	_ =	swait.ge @!p0 [sflag:s22], $0x6800  }
0x86: {  	[sflag:s22] =	ssyncset.done @!p0 $0x0  }
0x87: {  	s23 =	simm.s32 $0x0;
	[sflag:s22] =	ssyncadd.s32 @!p0 $0xFFFF9800  }
0x88: {  	v4 =	vld [tilespmem:s23+$0x870]  }
0x89: {  	v5 =	vld [tilespmem:s23+$0x800]  }
0x8a: {  	v6 =	vld [tilespmem:s23+$0x810]  }
0x8b: {  	v3 =	vld [tilespmem:s23+$0x820]  }
0x8c: {  	v1 =	vld [tilespmem:s23+$0x830]  }
0x8d: {  	v2 =	vld [tilespmem:s23+$0x840];
	[tilespmem:s23+$0x8870] =	vst v4  }
0x8e: {  	[tilespmem:s23+$0x8800] =	vst v5;
	v4 =	vld [tilespmem:s23+$0x850]  }
0x8f: {  	s24 =	simm.s32 $0x80;
	s25 =	simm.s32 $0x400;
	s22 =	simm.s32 $0x0;
	[tilespmem:s23+$0x8810] =	vst v6;
	v5 =	vld [tilespmem:s23+$0x860]  }
.LBB2_3:
0x90: {  	p1 =	sne.s32 s25, $0xFE00;
	v6 =	vld [tilespmem:s24+$0x870];
	[tilespmem:s23+$0x8820] =	vst v3  }
0x91: {  	v7 =	vld [tilespmem:s24+$0x800];
	[tilespmem:s23+$0x8830] =	vst v1  }
0x92: {  	v8 =	vld [tilespmem:s24+$0x810];
	[tilespmem:s23+$0x8840] =	vst v2  }
.Ltmp0:
0x93: {  	v3 =	vld [tilespmem:s24+$0x820];
	[tilespmem:s23+$0x8850] =	vst v4;
	(pc) =	sbr.rel @p1 .LBB2_3-.Ltmp0, $4  }
0x94: {  	v1 =	vld [tilespmem:s24+$0x830];
	[tilespmem:s23+$0x8860] =	vst v5;
	s23 =	smov.u32 s24  }
0x95: {  	v2 =	vld [tilespmem:s23+$0x840];
	[tilespmem:s23+$0x8870] =	vst v6  }
0x96: {  	[tilespmem:s23+$0x8800] =	vst v7;
	v4 =	vld [tilespmem:s23+$0x850]  }
0x97: {  	s24 =	sshra.s32 s25, $0x2;
	s25 =	sadd.s32 $0x200, s25;
	[tilespmem:s23+$0x8810] =	vst v8;
	v5 =	vld [tilespmem:s23+$0x860]  }
0x98: {  	v6 =	vld [tilespmem:s24+$0x870];
	[tilespmem:s23+$0x8820] =	vst v3  }
0x99: {  	v3 =	vld [tilespmem:s24+$0x800];
	[tilespmem:s23+$0x8830] =	vst v1  }
0x9a: {  	v1 =	vld [tilespmem:s24+$0x810];
	[tilespmem:s23+$0x8840] =	vst v2  }
0x9b: {  	v2 =	vld [tilespmem:s24+$0x820];
	[tilespmem:s23+$0x8850] =	vst v4  }
0x9c: {  	v4 =	vld [tilespmem:s24+$0x830];
	[tilespmem:s23+$0x8860] =	vst v5  }
0x9d: {  	v5 =	vld [tilespmem:s24+$0x840];
	[tilespmem:s24+$0x8870] =	vst v6  }
0x9e: {  	[tilespmem:s24+$0x8800] =	vst v3;
	v3 =	vld [tilespmem:s24+$0x850]  }
0x9f: {  	[tilespmem:s24+$0x8810] =	vst v1;
	v1 =	vld [tilespmem:s24+$0x860]  }
0xa0: {  	[tilespmem:s24+$0x8820] =	vst v2  }
0xa1: {  	[tilespmem:s24+$0x8830] =	vst v4  }
0xa2: {  	[tilespmem:s24+$0x8840] =	vst v5  }
0xa3: {  	[tilespmem:s24+$0x8850] =	vst v3  }
0xa4: {  	s23 =	simm.s32 $0x0;
	[tilespmem:s24+$0x8860] =	vst v1  }
.LBB2_5:
0xa5: {  	v1 =	vld [tilespmem:s22+$0x0];
	_ =	sdelay $0x4  }
0xa6: {  	v3 =	vor.u32 s23, v0;
	v1 =	vshll.u32 v1, $0x3  }
0xa7: {  	v2 =	vshll.u32 v3, $0x5;
	v1 =	vand.u32 $0x18, v1  }
0xa8: {  	v2 =	vor.u32 v2, v1;
	_ =	sdelay $0x4  }
0xa9: {  	v4 =	vld.idx.msk [tilespmem:v2+s31+$0x0], $0xffff;
	_ =	sdelay $0x4  }
0xaa: {  	v1 =	vand.u32 $0xF, v4  }
0xab: {  	v6 =	vshrl.u32 v4, $0x4;
	v7 =	vshrl.u32 v4, $0x8;
	v8 =	vshrl.u32 v4, $0xC  }
0xac: {  	v9 =	vshrl.u32 v4, $0x10;
	v13 =	vshrl.u32 v4, $0x14;
	v14 =	vshrl.u32 v4, $0x18  }
0xad: {  	v4 =	vshrl.u32 v4, $0x1C;
	v5 =	vcvt.s32.f32 v1;
	v1 =	vmul.u32 $0x34, v3  }
0xae: {  	v3 =	vand.u32 $0xF, v6;
	v7 =	vand.u32 $0xF, v7;
	v8 =	vand.u32 $0xF, v8  }
0xaf: {  	v9 =	vand.u32 $0xF, v9;
	v62 =	vand.u32 $0xF, v13;
	v61 =	vor.u32 $0x1, v1  }
0xb0: {  	v16 =	vand.u32 $0xF, v14;
	v3 =	vcvt.s32.f32 v3;
	v10 =	vor.u32 $0x2, v1  }
0xb1: {  	v7 =	vcvt.s32.f32 v7;
	v5 =	vmul.f32 $6.666667010e-02, v5;
	v11 =	vor.u32 $0x3, v1  }
0xb2: {  	v8 =	vcvt.s32.f32 v8;
	v12 =	vadd.s32 $0x4, v1;
	v3 =	vmul.f32 $6.666667010e-02, v3  }
0xb3: {  	v9 =	vcvt.s32.f32 v9;
	v63 =	vadd.s32 $0x5, v1;
	v7 =	vmul.f32 $6.666667010e-02, v7;
	[tilespmem:v1+s1+$0x0] =	vst.idx.msk $0xffff, v5  }
0xb4: {  	v17 =	vadd.s32 $0x6, v1;
	v8 =	vmul.f32 $6.666667010e-02, v8;
	[tilespmem:v61+s1+$0x0] =	vst.idx.msk $0xffff, v3;
	v3 =	vcvt.s32.f32 v62  }
0xb5: {  	v18 =	vadd.s32 $0x7, v1;
	v9 =	vmul.f32 $6.666667010e-02, v9;
	v5 =	vcvt.s32.f32 v16;
	[tilespmem:v10+s1+$0x0] =	vst.idx.msk $0xffff, v7  }
0xb6: {  	v19 =	vor.u32 $0x1, v2;
	v4 =	vcvt.s32.f32 v4;
	[tilespmem:v11+s1+$0x0] =	vst.idx.msk $0xffff, v8;
	v3 =	vmul.f32 $6.666667010e-02, v3  }
0xb7: {  	v5 =	vmul.f32 $6.666667010e-02, v5;
	[tilespmem:v12+s1+$0x0] =	vst.idx.msk $0xffff, v9  }
0xb8: {  	[tilespmem:v63+s1+$0x0] =	vst.idx.msk $0xffff, v3;
	v3 =	vmul.f32 $6.666667010e-02, v4  }
0xb9: {  	[tilespmem:v17+s1+$0x0] =	vst.idx.msk $0xffff, v5  }
0xba: {  	[tilespmem:v18+s1+$0x0] =	vst.idx.msk $0xffff, v3  }
0xbb: {  	v20 =	vld.idx.msk [tilespmem:v19+s31+$0x0], $0xffff;
	_ =	sdelay $0x2  }
0xbc: {  	v24 =	vadd.s32 $0x9, v1;
	v28 =	vadd.s32 $0xA, v1  }
0xbd: {  	v29 =	vadd.s32 $0xB, v1;
	v30 =	vadd.s32 $0xC, v1;
	v32 =	vadd.s32 $0xD, v1  }
0xbe: {  	v35 =	vadd.s32 $0xE, v1;
	v36 =	vadd.s32 $0xF, v1;
	v3 =	vand.u32 $0xF, v20  }
0xbf: {  	v22 =	vshrl.u32 v20, $0x4;
	v21 =	vcvt.s32.f32 v3;
	v3 =	vand.u32 $0x7FFC, v1  }
0xc0: {  	v25 =	vshrl.u32 v20, $0x8;
	v26 =	vshrl.u32 v20, $0xC;
	v23 =	vadd.s32 $0x8, v3  }
0xc1: {  	v27 =	vshrl.u32 v20, $0x10;
	v15 =	vshrl.u32 v20, $0x14;
	v6 =	vand.u32 $0xF, v22  }
0xc2: {  	v33 =	vshrl.u32 v20, $0x18;
	v9 =	vand.u32 $0xF, v25;
	v6 =	vcvt.s32.f32 v6  }
0xc3: {  	v10 =	vand.u32 $0xF, v26;
	v9 =	vcvt.s32.f32 v9;
	v5 =	vmul.f32 $6.666667010e-02, v21  }
0xc4: {  	v11 =	vand.u32 $0xF, v27;
	v10 =	vcvt.s32.f32 v10;
	v6 =	vmul.f32 $6.666667010e-02, v6  }
0xc5: {  	v31 =	vand.u32 $0xF, v15;
	v11 =	vcvt.s32.f32 v11;
	v9 =	vmul.f32 $6.666667010e-02, v9;
	[tilespmem:v23+s1+$0x0] =	vst.idx.msk $0xffff, v5  }
0xc6: {  	v34 =	vand.u32 $0xF, v33;
	v10 =	vmul.f32 $6.666667010e-02, v10;
	v5 =	vcvt.s32.f32 v31;
	[tilespmem:v24+s1+$0x0] =	vst.idx.msk $0xffff, v6  }
0xc7: {  	v4 =	vshrl.u32 v20, $0x1C;
	v11 =	vmul.f32 $6.666667010e-02, v11;
	v6 =	vcvt.s32.f32 v34;
	[tilespmem:v28+s1+$0x0] =	vst.idx.msk $0xffff, v9  }
0xc8: {  	v37 =	vor.u32 $0x2, v2;
	v4 =	vcvt.s32.f32 v4;
	v5 =	vmul.f32 $6.666667010e-02, v5;
	[tilespmem:v29+s1+$0x0] =	vst.idx.msk $0xffff, v10  }
0xc9: {  	v6 =	vmul.f32 $6.666667010e-02, v6;
	[tilespmem:v30+s1+$0x0] =	vst.idx.msk $0xffff, v11  }
0xca: {  	v4 =	vmul.f32 $6.666667010e-02, v4;
	[tilespmem:v32+s1+$0x0] =	vst.idx.msk $0xffff, v5  }
0xcb: {  	[tilespmem:v35+s1+$0x0] =	vst.idx.msk $0xffff, v6  }
0xcc: {  	[tilespmem:v36+s1+$0x0] =	vst.idx.msk $0xffff, v4  }
0xcd: {  	v4 =	vld.idx.msk [tilespmem:v37+s31+$0x0], $0xffff;
	_ =	sdelay $0x1  }
0xce: {  	v41 =	vadd.s32 $0x11, v1  }
0xcf: {  	v44 =	vadd.s32 $0x12, v1;
	v45 =	vadd.s32 $0x13, v1;
	v46 =	vadd.s32 $0x14, v1  }
0xd0: {  	v49 =	vadd.s32 $0x15, v1;
	v52 =	vadd.s32 $0x16, v1;
	v53 =	vadd.s32 $0x17, v1  }
0xd1: {  	v40 =	vadd.s32 $0x10, v3;
	v38 =	vand.u32 $0xF, v4;
	v39 =	vshrl.u32 v4, $0x4  }
0xd2: {  	v42 =	vshrl.u32 v4, $0x8;
	v10 =	vshrl.u32 v4, $0xC;
	v43 =	vshrl.u32 v4, $0x10  }
0xd3: {  	v47 =	vshrl.u32 v4, $0x14;
	v5 =	vcvt.s32.f32 v38;
	v6 =	vand.u32 $0xF, v39  }
0xd4: {  	v50 =	vshrl.u32 v4, $0x18;
	v9 =	vand.u32 $0xF, v42;
	v6 =	vcvt.s32.f32 v6  }
0xd5: {  	v10 =	vand.u32 $0xF, v10;
	v9 =	vcvt.s32.f32 v9;
	v5 =	vmul.f32 $6.666667010e-02, v5  }
0xd6: {  	v11 =	vand.u32 $0xF, v43;
	v10 =	vcvt.s32.f32 v10;
	v6 =	vmul.f32 $6.666667010e-02, v6  }
0xd7: {  	v48 =	vand.u32 $0xF, v47;
	v11 =	vcvt.s32.f32 v11;
	v9 =	vmul.f32 $6.666667010e-02, v9;
	[tilespmem:v40+s1+$0x0] =	vst.idx.msk $0xffff, v5  }
0xd8: {  	v51 =	vand.u32 $0xF, v50;
	v10 =	vmul.f32 $6.666667010e-02, v10;
	v5 =	vcvt.s32.f32 v48;
	[tilespmem:v41+s1+$0x0] =	vst.idx.msk $0xffff, v6  }
0xd9: {  	v4 =	vshrl.u32 v4, $0x1C;
	v11 =	vmul.f32 $6.666667010e-02, v11;
	v6 =	vcvt.s32.f32 v51;
	[tilespmem:v44+s1+$0x0] =	vst.idx.msk $0xffff, v9  }
0xda: {  	v54 =	vor.u32 $0x3, v2;
	v4 =	vcvt.s32.f32 v4;
	v5 =	vmul.f32 $6.666667010e-02, v5;
	[tilespmem:v45+s1+$0x0] =	vst.idx.msk $0xffff, v10  }
0xdb: {  	v6 =	vmul.f32 $6.666667010e-02, v6;
	[tilespmem:v46+s1+$0x0] =	vst.idx.msk $0xffff, v11  }
0xdc: {  	v4 =	vmul.f32 $6.666667010e-02, v4;
	[tilespmem:v49+s1+$0x0] =	vst.idx.msk $0xffff, v5  }
0xdd: {  	[tilespmem:v52+s1+$0x0] =	vst.idx.msk $0xffff, v6  }
0xde: {  	[tilespmem:v53+s1+$0x0] =	vst.idx.msk $0xffff, v4  }
0xdf: {  	v4 =	vld.idx.msk [tilespmem:v54+s31+$0x0], $0xffff;
	_ =	sdelay $0x1  }
0xe0: {  	v58 =	vadd.s32 $0x19, v1  }
0xe1: {  	v61 =	vadd.s32 $0x1A, v1;
	v62 =	vadd.s32 $0x1B, v1;
	v63 =	vadd.s32 $0x1C, v1  }
0xe2: {  	v20 =	vadd.s32 $0x1D, v1;
	v57 =	vadd.s32 $0x18, v3;
	v23 =	vadd.s32 $0x1E, v1  }
0xe3: {  	v24 =	vadd.s32 $0x1F, v1;
	v55 =	vand.u32 $0xF, v4;
	v56 =	vshrl.u32 v4, $0x4  }
0xe4: {  	v59 =	vshrl.u32 v4, $0x8;
	v10 =	vshrl.u32 v4, $0xC;
	v60 =	vshrl.u32 v4, $0x10  }
0xe5: {  	v18 =	vshrl.u32 v4, $0x14;
	v5 =	vcvt.s32.f32 v55;
	v6 =	vand.u32 $0xF, v56  }
0xe6: {  	v21 =	vshrl.u32 v4, $0x18;
	v9 =	vand.u32 $0xF, v59;
	v6 =	vcvt.s32.f32 v6  }
0xe7: {  	v10 =	vand.u32 $0xF, v10;
	v9 =	vcvt.s32.f32 v9;
	v5 =	vmul.f32 $6.666667010e-02, v5  }
0xe8: {  	v11 =	vand.u32 $0xF, v60;
	v10 =	vcvt.s32.f32 v10;
	v6 =	vmul.f32 $6.666667010e-02, v6  }
0xe9: {  	v19 =	vand.u32 $0xF, v18;
	v11 =	vcvt.s32.f32 v11;
	v9 =	vmul.f32 $6.666667010e-02, v9;
	[tilespmem:v57+s1+$0x0] =	vst.idx.msk $0xffff, v5  }
0xea: {  	v22 =	vand.u32 $0xF, v21;
	v10 =	vmul.f32 $6.666667010e-02, v10;
	v5 =	vcvt.s32.f32 v19;
	[tilespmem:v58+s1+$0x0] =	vst.idx.msk $0xffff, v6  }
0xeb: {  	v4 =	vshrl.u32 v4, $0x1C;
	v11 =	vmul.f32 $6.666667010e-02, v11;
	v6 =	vcvt.s32.f32 v22;
	[tilespmem:v61+s1+$0x0] =	vst.idx.msk $0xffff, v9  }
0xec: {  	v25 =	vor.u32 $0x4, v2;
	v4 =	vcvt.s32.f32 v4;
	v5 =	vmul.f32 $6.666667010e-02, v5;
	[tilespmem:v62+s1+$0x0] =	vst.idx.msk $0xffff, v10  }
0xed: {  	v6 =	vmul.f32 $6.666667010e-02, v6;
	[tilespmem:v63+s1+$0x0] =	vst.idx.msk $0xffff, v11  }
0xee: {  	v4 =	vmul.f32 $6.666667010e-02, v4;
	[tilespmem:v20+s1+$0x0] =	vst.idx.msk $0xffff, v5  }
0xef: {  	[tilespmem:v23+s1+$0x0] =	vst.idx.msk $0xffff, v6  }
0xf0: {  	[tilespmem:v24+s1+$0x0] =	vst.idx.msk $0xffff, v4  }
0xf1: {  	v4 =	vld.idx.msk [tilespmem:v25+s31+$0x0], $0xffff;
	_ =	sdelay $0x1  }
0xf2: {  	v33 =	vadd.s32 $0x23, v1  }
0xf3: {  	v34 =	vadd.s32 $0x24, v1;
	v28 =	vadd.s32 $0x20, v3;
	v29 =	vadd.s32 $0x21, v1  }
0xf4: {  	v32 =	vadd.s32 $0x22, v1;
	v37 =	vadd.s32 $0x25, v1;
	v40 =	vadd.s32 $0x26, v1  }
0xf5: {  	v41 =	vadd.s32 $0x27, v1;
	v26 =	vand.u32 $0xF, v4;
	v27 =	vshrl.u32 v4, $0x4  }
0xf6: {  	v30 =	vshrl.u32 v4, $0x8;
	v10 =	vshrl.u32 v4, $0xC;
	v31 =	vshrl.u32 v4, $0x10  }
0xf7: {  	v35 =	vshrl.u32 v4, $0x14;
	v5 =	vcvt.s32.f32 v26;
	v6 =	vand.u32 $0xF, v27  }
0xf8: {  	v38 =	vshrl.u32 v4, $0x18;
	v9 =	vand.u32 $0xF, v30;
	v6 =	vcvt.s32.f32 v6  }
0xf9: {  	v10 =	vand.u32 $0xF, v10;
	v9 =	vcvt.s32.f32 v9;
	v5 =	vmul.f32 $6.666667010e-02, v5  }
0xfa: {  	v11 =	vand.u32 $0xF, v31;
	v10 =	vcvt.s32.f32 v10;
	v6 =	vmul.f32 $6.666667010e-02, v6  }
0xfb: {  	v36 =	vand.u32 $0xF, v35;
	v11 =	vcvt.s32.f32 v11;
	v9 =	vmul.f32 $6.666667010e-02, v9;
	[tilespmem:v28+s1+$0x0] =	vst.idx.msk $0xffff, v5  }
0xfc: {  	v39 =	vand.u32 $0xF, v38;
	v10 =	vmul.f32 $6.666667010e-02, v10;
	v5 =	vcvt.s32.f32 v36;
	[tilespmem:v29+s1+$0x0] =	vst.idx.msk $0xffff, v6  }
0xfd: {  	v4 =	vshrl.u32 v4, $0x1C;
	v11 =	vmul.f32 $6.666667010e-02, v11;
	v6 =	vcvt.s32.f32 v39;
	[tilespmem:v32+s1+$0x0] =	vst.idx.msk $0xffff, v9  }
0xfe: {  	v42 =	vor.u32 $0x5, v2;
	v4 =	vcvt.s32.f32 v4;
	v5 =	vmul.f32 $6.666667010e-02, v5;
	[tilespmem:v33+s1+$0x0] =	vst.idx.msk $0xffff, v10  }
0xff: {  	v6 =	vmul.f32 $6.666667010e-02, v6;
	[tilespmem:v34+s1+$0x0] =	vst.idx.msk $0xffff, v11  }
0x100: {  	v4 =	vmul.f32 $6.666667010e-02, v4;
	[tilespmem:v37+s1+$0x0] =	vst.idx.msk $0xffff, v5  }
0x101: {  	[tilespmem:v40+s1+$0x0] =	vst.idx.msk $0xffff, v6  }
0x102: {  	[tilespmem:v41+s1+$0x0] =	vst.idx.msk $0xffff, v4  }
0x103: {  	v4 =	vld.idx.msk [tilespmem:v42+s31+$0x0], $0xffff;
	_ =	sdelay $0x1  }
0x104: {  	v50 =	vadd.s32 $0x2B, v1  }
0x105: {  	v51 =	vadd.s32 $0x2C, v1;
	v45 =	vadd.s32 $0x28, v3;
	v46 =	vadd.s32 $0x29, v1  }
0x106: {  	v49 =	vadd.s32 $0x2A, v1;
	v54 =	vadd.s32 $0x2D, v1;
	v57 =	vadd.s32 $0x2E, v1  }
0x107: {  	v58 =	vadd.s32 $0x2F, v1;
	v43 =	vand.u32 $0xF, v4;
	v44 =	vshrl.u32 v4, $0x4  }
0x108: {  	v47 =	vshrl.u32 v4, $0x8;
	v10 =	vshrl.u32 v4, $0xC;
	v48 =	vshrl.u32 v4, $0x10  }
0x109: {  	v52 =	vshrl.u32 v4, $0x14;
	v5 =	vcvt.s32.f32 v43;
	v6 =	vand.u32 $0xF, v44  }
0x10a: {  	v55 =	vshrl.u32 v4, $0x18;
	v9 =	vand.u32 $0xF, v47;
	v6 =	vcvt.s32.f32 v6  }
0x10b: {  	v10 =	vand.u32 $0xF, v10;
	v9 =	vcvt.s32.f32 v9;
	v5 =	vmul.f32 $6.666667010e-02, v5  }
0x10c: {  	v11 =	vand.u32 $0xF, v48;
	v10 =	vcvt.s32.f32 v10;
	v6 =	vmul.f32 $6.666667010e-02, v6  }
0x10d: {  	v53 =	vand.u32 $0xF, v52;
	v11 =	vcvt.s32.f32 v11;
	v9 =	vmul.f32 $6.666667010e-02, v9;
	[tilespmem:v45+s1+$0x0] =	vst.idx.msk $0xffff, v5  }
0x10e: {  	v56 =	vand.u32 $0xF, v55;
	v10 =	vmul.f32 $6.666667010e-02, v10;
	v5 =	vcvt.s32.f32 v53;
	[tilespmem:v46+s1+$0x0] =	vst.idx.msk $0xffff, v6  }
0x10f: {  	v4 =	vshrl.u32 v4, $0x1C;
	v11 =	vmul.f32 $6.666667010e-02, v11;
	v6 =	vcvt.s32.f32 v56;
	[tilespmem:v49+s1+$0x0] =	vst.idx.msk $0xffff, v9  }
0x110: {  	v2 =	vor.u32 $0x6, v2;
	v4 =	vcvt.s32.f32 v4;
	v5 =	vmul.f32 $6.666667010e-02, v5;
	[tilespmem:v50+s1+$0x0] =	vst.idx.msk $0xffff, v10  }
0x111: {  	v6 =	vmul.f32 $6.666667010e-02, v6;
	[tilespmem:v51+s1+$0x0] =	vst.idx.msk $0xffff, v11  }
0x112: {  	v4 =	vmul.f32 $6.666667010e-02, v4;
	[tilespmem:v54+s1+$0x0] =	vst.idx.msk $0xffff, v5  }
0x113: {  	[tilespmem:v57+s1+$0x0] =	vst.idx.msk $0xffff, v6  }
0x114: {  	[tilespmem:v58+s1+$0x0] =	vst.idx.msk $0xffff, v4  }
0x115: {  	v2 =	vld.idx.msk [tilespmem:v2+s31+$0x0], $0xffff;
	_ =	sdelay $0x3  }
0x116: {  	v3 =	vadd.s32 $0x30, v3;
	v61 =	vadd.s32 $0x31, v1;
	v63 =	vadd.s32 $0x32, v1  }
0x117: {  	v1 =	vadd.s32 $0x33, v1;
	v59 =	vand.u32 $0xF, v2;
	v60 =	vshrl.u32 v2, $0x4  }
0x118: {  	v62 =	vshrl.u32 v2, $0x8;
	v4 =	vcvt.s32.f32 v59;
	v5 =	vand.u32 $0xF, v60  }
0x119: {  	v2 =	vshrl.u32 v2, $0xC;
	v7 =	vand.u32 $0xF, v62;
	v5 =	vcvt.s32.f32 v5  }
0x11a: {  	p1 =	sne.s32 s23, $0x1F0;
	v2 =	vand.u32 $0xF, v2;
	v7 =	vcvt.s32.f32 v7;
	v4 =	vmul.f32 $6.666667010e-02, v4  }
.Ltmp1:
0x11b: {  	v2 =	vcvt.s32.f32 v2;
	v5 =	vmul.f32 $6.666667010e-02, v5;
	(pc) =	sbr.rel @p1 .LBB2_5-.Ltmp1, $4  }
0x11c: {  	[tilespmem:v3+s1+$0x0] =	vst.idx.msk $0xffff, v4;
	v3 =	vmul.f32 $6.666667010e-02, v7  }
0x11d: {  	v2 =	vmul.f32 $6.666667010e-02, v2;
	[tilespmem:v61+s1+$0x0] =	vst.idx.msk $0xffff, v5  }
0x11e: {  	[tilespmem:v63+s1+$0x0] =	vst.idx.msk $0xffff, v3  }
0x11f: {  	s22 =	sadd.s32 $0x10, s22;
	s23 =	sadd.s32 $0x10, s23;
	[tilespmem:v1+s1+$0x0] =	vst.idx.msk $0xffff, v2  }
0x120: {  	s22 =	sadd.s32 s4, s21  }
0x121: {  	s25 =	smin.u32 s21, $0x2F;
	s22 =	smul.u32 $0xD00, s22  }
0x122: {  	s21 =	sadd.s32 s25, s8  }
0x123: {  	s21 =	sshll.u32 s21, $0x6;
	s22 =	sadd.s32 s2, s22  }
0x124: {  	[hbm4b:s22+s3] =	stream.linear.scatter [tilespmem:s1], [sflag:$0x3], $0x6800, $0x38;
	[tilespmem:$0x19800] =	vst v63  }
0x125: {  	s21 =	sadd.s32 s6, s21  }
0x126: {  	[tilespmem:s3], [sflag:$0x4] =	stream.linear.gather [hbm4b:s21+s3], $0x200, $0x38;
	[tilespmem:$0x19800] =	vst v63  }
0x127: {  	_ =	swait.ge [sflag:s10], $0x200  }
0x128: {  	[sflag:s10] =	ssyncset.done $0x0  }
0x129: {  	[sflag:s10] =	ssyncadd.s32 $0xFFFFFE00  }
0x12a: {  	v1 =	vld [tilespmem:$0x0]  }
0x12b: {  	v2 =	vld [tilespmem:$0x10]  }
0x12c: {  	v3 =	vld [tilespmem:$0x20]  }
0x12d: {  	v4 =	vld [tilespmem:$0x30]  }
0x12e: {  	v5 =	vld [tilespmem:$0x40]  }
0x12f: {  	v6 =	vld [tilespmem:$0x50];
	v1 =	vshra.s32 v1, $0x2  }
0x130: {  	[tilespmem:$0x400] =	vst v1;
	v1 =	vshra.s32 v2, $0x2;
	v2 =	vld [tilespmem:$0x60]  }
0x131: {  	[tilespmem:$0x410] =	vst v1;
	v1 =	vshra.s32 v3, $0x2;
	v3 =	vld [tilespmem:$0x70]  }
0x132: {  	[tilespmem:$0x420] =	vst v1;
	v1 =	vshra.s32 v4, $0x2;
	v4 =	vld [tilespmem:$0x80]  }
0x133: {  	[tilespmem:$0x430] =	vst v1;
	v1 =	vshra.s32 v5, $0x2;
	v5 =	vld [tilespmem:$0x90]  }
0x134: {  	[tilespmem:$0x440] =	vst v1;
	v1 =	vshra.s32 v6, $0x2;
	v6 =	vld [tilespmem:$0xA0]  }
0x135: {  	[tilespmem:$0x450] =	vst v1;
	v1 =	vshra.s32 v2, $0x2;
	v2 =	vld [tilespmem:$0xB0]  }
0x136: {  	[tilespmem:$0x460] =	vst v1;
	v1 =	vshra.s32 v3, $0x2;
	v3 =	vld [tilespmem:$0xC0]  }
0x137: {  	[tilespmem:$0x470] =	vst v1;
	v1 =	vshra.s32 v4, $0x2;
	v4 =	vld [tilespmem:$0xD0]  }
0x138: {  	[tilespmem:$0x480] =	vst v1;
	v1 =	vshra.s32 v5, $0x2;
	v5 =	vld [tilespmem:$0xE0]  }
0x139: {  	[tilespmem:$0x490] =	vst v1;
	v1 =	vshra.s32 v6, $0x2;
	v6 =	vld [tilespmem:$0xF0]  }
0x13a: {  	[tilespmem:$0x4A0] =	vst v1;
	v1 =	vshra.s32 v2, $0x2;
	v2 =	vld [tilespmem:$0x100]  }
0x13b: {  	[tilespmem:$0x4B0] =	vst v1;
	v1 =	vshra.s32 v3, $0x2;
	v3 =	vld [tilespmem:$0x110]  }
0x13c: {  	[tilespmem:$0x4C0] =	vst v1;
	v1 =	vshra.s32 v4, $0x2;
	v4 =	vld [tilespmem:$0x120]  }
0x13d: {  	[tilespmem:$0x4D0] =	vst v1;
	v1 =	vshra.s32 v5, $0x2;
	v5 =	vld [tilespmem:$0x130]  }
0x13e: {  	[tilespmem:$0x4E0] =	vst v1;
	v1 =	vshra.s32 v6, $0x2;
	v6 =	vld [tilespmem:$0x140]  }
0x13f: {  	[tilespmem:$0x4F0] =	vst v1;
	v1 =	vshra.s32 v2, $0x2;
	v2 =	vld [tilespmem:$0x150]  }
0x140: {  	[tilespmem:$0x500] =	vst v1;
	v1 =	vshra.s32 v3, $0x2;
	v3 =	vld [tilespmem:$0x160]  }
0x141: {  	[tilespmem:$0x510] =	vst v1;
	v1 =	vshra.s32 v4, $0x2;
	v4 =	vld [tilespmem:$0x170]  }
0x142: {  	[tilespmem:$0x520] =	vst v1;
	v1 =	vshra.s32 v5, $0x2;
	v5 =	vld [tilespmem:$0x180]  }
0x143: {  	[tilespmem:$0x530] =	vst v1;
	v1 =	vshra.s32 v6, $0x2;
	v6 =	vld [tilespmem:$0x190]  }
0x144: {  	[tilespmem:$0x540] =	vst v1;
	v1 =	vshra.s32 v2, $0x2;
	v2 =	vld [tilespmem:$0x1A0]  }
0x145: {  	[tilespmem:$0x550] =	vst v1;
	v1 =	vshra.s32 v3, $0x2;
	v3 =	vld [tilespmem:$0x1B0]  }
0x146: {  	[tilespmem:$0x560] =	vst v1;
	v1 =	vshra.s32 v4, $0x2;
	v4 =	vld [tilespmem:$0x1C0]  }
0x147: {  	[tilespmem:$0x570] =	vst v1;
	v1 =	vshra.s32 v5, $0x2;
	v5 =	vld [tilespmem:$0x1D0]  }
0x148: {  	[tilespmem:$0x580] =	vst v1;
	v1 =	vshra.s32 v6, $0x2;
	v6 =	vld [tilespmem:$0x1E0]  }
0x149: {  	[tilespmem:$0x590] =	vst v1;
	v1 =	vshra.s32 v2, $0x2;
	v2 =	vld [tilespmem:$0x1F0]  }
0x14a: {  	[tilespmem:$0x5A0] =	vst v1;
	v1 =	vshra.s32 v3, $0x2  }
0x14b: {  	[tilespmem:$0x5B0] =	vst v1;
	v1 =	vshra.s32 v4, $0x2  }
0x14c: {  	[tilespmem:$0x5C0] =	vst v1;
	v1 =	vshra.s32 v5, $0x2  }
0x14d: {  	[tilespmem:$0x5D0] =	vst v1;
	v1 =	vshra.s32 v6, $0x2  }
0x14e: {  	[tilespmem:$0x5E0] =	vst v1;
	v1 =	vshra.s32 v2, $0x2  }
0x14f: {  	[tilespmem:$0x5F0] =	vst v1  }
0x150: {  	[tilespmem:s13], [sflag:$0x1] =	stream.indirect.gather [hbm4b:s5+s11], $0x20, s12, s11, $0xb8;
	[tilespmem:$0x19800] =	vst v63  }
0x151: {  	_ = 	snop  }
0x152: {  	[tilespmem:s15], [sflag:$0x1] =	stream.indirect.gather [hbm4b:s5+s11], $0x20, s14, s11, $0xb8;
	[tilespmem:$0x19800] =	vst v63  }
0x153: {  	_ = 	snop  }
0x154: {  	[tilespmem:s17], [sflag:$0x1] =	stream.indirect.gather [hbm4b:s5+s11], $0x20, s16, s11, $0xb8;
	[tilespmem:$0x19800] =	vst v63  }
0x155: {  	_ = 	snop  }
0x156: {  	[tilespmem:s19], [sflag:$0x1] =	stream.indirect.gather [hbm4b:s5+s11], $0x20, s18, s11, $0xb8;
	[tilespmem:$0x19800] =	vst v63  }
0x157: {  	_ =	swait.ge [sflag:s0], $0x1000  }
0x158: {  	[sflag:s0] =	ssyncset.done $0x0  }
0x159: {  	[sflag:s0] =	ssyncadd.s32 $0xFFFFF000  }
0x15a: {  	_ =	swait.ge [sflag:s0], $0x1000  }
0x15b: {  	[sflag:s0] =	ssyncset.done $0x0  }
0x15c: {  	[sflag:s0] =	ssyncadd.s32 $0xFFFFF000  }
0x15d: {  	_ =	swait.ge [sflag:s0], $0x1000  }
0x15e: {  	[sflag:s0] =	ssyncset.done $0x0  }
0x15f: {  	[sflag:s0] =	ssyncadd.s32 $0xFFFFF000  }
0x160: {  	_ =	swait.ge [sflag:s0], $0x1000  }
0x161: {  	[sflag:s0] =	ssyncset.done $0x0  }
0x162: {  	s21 =	simm.s32 @!p0 $0x3;
	[sflag:s0] =	ssyncadd.s32 $0xFFFFF000  }
0x163: {  	_ =	swait.ge @!p0 [sflag:s21], $0x6800  }
0x164: {  	[sflag:s21] =	ssyncset.done @!p0 $0x0  }
0x165: {  	s22 =	simm.s32 $0x0;
	[sflag:s21] =	ssyncadd.s32 @!p0 $0xFFFF9800  }
0x166: {  	v4 =	vld [tilespmem:s22+$0x4870]  }
0x167: {  	v5 =	vld [tilespmem:s22+$0x4800]  }
0x168: {  	v6 =	vld [tilespmem:s22+$0x4810]  }
0x169: {  	v3 =	vld [tilespmem:s22+$0x4820]  }
0x16a: {  	v1 =	vld [tilespmem:s22+$0x4830]  }
0x16b: {  	v2 =	vld [tilespmem:s22+$0x4840];
	[tilespmem:s22+$0x8870] =	vst v4  }
0x16c: {  	[tilespmem:s22+$0x8800] =	vst v5;
	v4 =	vld [tilespmem:s22+$0x4850]  }
0x16d: {  	s23 =	simm.s32 $0x80;
	s24 =	simm.s32 $0x400;
	s21 =	simm.s32 $0x0;
	[tilespmem:s22+$0x8810] =	vst v6;
	v5 =	vld [tilespmem:s22+$0x4860]  }
.LBB2_7:
0x16e: {  	p0 =	sne.s32 s24, $0xFE00;
	v6 =	vld [tilespmem:s23+$0x4870];
	[tilespmem:s22+$0x8820] =	vst v3  }
0x16f: {  	v7 =	vld [tilespmem:s23+$0x4800];
	[tilespmem:s22+$0x8830] =	vst v1  }
0x170: {  	v8 =	vld [tilespmem:s23+$0x4810];
	[tilespmem:s22+$0x8840] =	vst v2  }
.Ltmp2:
0x171: {  	v3 =	vld [tilespmem:s23+$0x4820];
	[tilespmem:s22+$0x8850] =	vst v4;
	(pc) =	sbr.rel @p0 .LBB2_7-.Ltmp2, $4  }
0x172: {  	v1 =	vld [tilespmem:s23+$0x4830];
	[tilespmem:s22+$0x8860] =	vst v5;
	s22 =	smov.u32 s23  }
0x173: {  	v2 =	vld [tilespmem:s22+$0x4840];
	[tilespmem:s22+$0x8870] =	vst v6  }
0x174: {  	[tilespmem:s22+$0x8800] =	vst v7;
	v4 =	vld [tilespmem:s22+$0x4850]  }
0x175: {  	s23 =	sshra.s32 s24, $0x2;
	s24 =	sadd.s32 $0x200, s24;
	[tilespmem:s22+$0x8810] =	vst v8;
	v5 =	vld [tilespmem:s22+$0x4860]  }
0x176: {  	v6 =	vld [tilespmem:s23+$0x4870];
	[tilespmem:s22+$0x8820] =	vst v3  }
0x177: {  	v3 =	vld [tilespmem:s23+$0x4800];
	[tilespmem:s22+$0x8830] =	vst v1  }
0x178: {  	v1 =	vld [tilespmem:s23+$0x4810];
	[tilespmem:s22+$0x8840] =	vst v2  }
0x179: {  	v2 =	vld [tilespmem:s23+$0x4820];
	[tilespmem:s22+$0x8850] =	vst v4  }
0x17a: {  	v4 =	vld [tilespmem:s23+$0x4830];
	[tilespmem:s22+$0x8860] =	vst v5  }
0x17b: {  	v5 =	vld [tilespmem:s23+$0x4840];
	[tilespmem:s23+$0x8870] =	vst v6  }
0x17c: {  	[tilespmem:s23+$0x8800] =	vst v3;
	v3 =	vld [tilespmem:s23+$0x4850]  }
0x17d: {  	[tilespmem:s23+$0x8810] =	vst v1;
	v1 =	vld [tilespmem:s23+$0x4860]  }
0x17e: {  	[tilespmem:s23+$0x8820] =	vst v2  }
0x17f: {  	[tilespmem:s23+$0x8830] =	vst v4  }
0x180: {  	[tilespmem:s23+$0x8840] =	vst v5  }
0x181: {  	[tilespmem:s23+$0x8850] =	vst v3  }
0x182: {  	s22 =	simm.s32 $0x200;
	[tilespmem:s23+$0x8860] =	vst v1  }
.LBB2_9:
0x183: {  	v1 =	vld [tilespmem:s22+$0x0];
	_ =	sdelay $0x4  }
0x184: {  	v3 =	vor.u32 s21, v0;
	v1 =	vshll.u32 v1, $0x3  }
0x185: {  	v2 =	vshll.u32 v3, $0x5;
	v1 =	vand.u32 $0x18, v1  }
0x186: {  	v2 =	vor.u32 v2, v1;
	_ =	sdelay $0x4  }
0x187: {  	v4 =	vld.idx.msk [tilespmem:v2+s31+$0x0], $0xffff;
	_ =	sdelay $0x4  }
0x188: {  	v1 =	vand.u32 $0xF, v4  }
0x189: {  	v6 =	vshrl.u32 v4, $0x4;
	v7 =	vshrl.u32 v4, $0x8;
	v8 =	vshrl.u32 v4, $0xC  }
0x18a: {  	v9 =	vshrl.u32 v4, $0x10;
	v13 =	vshrl.u32 v4, $0x14;
	v14 =	vshrl.u32 v4, $0x18  }
0x18b: {  	v4 =	vshrl.u32 v4, $0x1C;
	v5 =	vcvt.s32.f32 v1;
	v1 =	vmul.u32 $0x34, v3  }
0x18c: {  	v3 =	vand.u32 $0xF, v6;
	v7 =	vand.u32 $0xF, v7;
	v8 =	vand.u32 $0xF, v8  }
0x18d: {  	v9 =	vand.u32 $0xF, v9;
	v62 =	vand.u32 $0xF, v13;
	v61 =	vor.u32 $0x1, v1  }
0x18e: {  	v16 =	vand.u32 $0xF, v14;
	v3 =	vcvt.s32.f32 v3;
	v10 =	vor.u32 $0x2, v1  }
0x18f: {  	v7 =	vcvt.s32.f32 v7;
	v5 =	vmul.f32 $6.666667010e-02, v5;
	v11 =	vor.u32 $0x3, v1  }
0x190: {  	v8 =	vcvt.s32.f32 v8;
	v12 =	vadd.s32 $0x4, v1;
	v3 =	vmul.f32 $6.666667010e-02, v3  }
0x191: {  	v9 =	vcvt.s32.f32 v9;
	v63 =	vadd.s32 $0x5, v1;
	v7 =	vmul.f32 $6.666667010e-02, v7;
	[tilespmem:v1+s7+$0x0] =	vst.idx.msk $0xffff, v5  }
0x192: {  	v17 =	vadd.s32 $0x6, v1;
	v8 =	vmul.f32 $6.666667010e-02, v8;
	[tilespmem:v61+s7+$0x0] =	vst.idx.msk $0xffff, v3;
	v3 =	vcvt.s32.f32 v62  }
0x193: {  	v18 =	vadd.s32 $0x7, v1;
	v9 =	vmul.f32 $6.666667010e-02, v9;
	v5 =	vcvt.s32.f32 v16;
	[tilespmem:v10+s7+$0x0] =	vst.idx.msk $0xffff, v7  }
0x194: {  	v19 =	vor.u32 $0x1, v2;
	v4 =	vcvt.s32.f32 v4;
	[tilespmem:v11+s7+$0x0] =	vst.idx.msk $0xffff, v8;
	v3 =	vmul.f32 $6.666667010e-02, v3  }
0x195: {  	v5 =	vmul.f32 $6.666667010e-02, v5;
	[tilespmem:v12+s7+$0x0] =	vst.idx.msk $0xffff, v9  }
0x196: {  	[tilespmem:v63+s7+$0x0] =	vst.idx.msk $0xffff, v3;
	v3 =	vmul.f32 $6.666667010e-02, v4  }
0x197: {  	[tilespmem:v17+s7+$0x0] =	vst.idx.msk $0xffff, v5  }
0x198: {  	[tilespmem:v18+s7+$0x0] =	vst.idx.msk $0xffff, v3  }
0x199: {  	v20 =	vld.idx.msk [tilespmem:v19+s31+$0x0], $0xffff;
	_ =	sdelay $0x2  }
0x19a: {  	v24 =	vadd.s32 $0x9, v1;
	v28 =	vadd.s32 $0xA, v1  }
0x19b: {  	v29 =	vadd.s32 $0xB, v1;
	v30 =	vadd.s32 $0xC, v1;
	v32 =	vadd.s32 $0xD, v1  }
0x19c: {  	v35 =	vadd.s32 $0xE, v1;
	v36 =	vadd.s32 $0xF, v1;
	v3 =	vand.u32 $0xF, v20  }
0x19d: {  	v22 =	vshrl.u32 v20, $0x4;
	v21 =	vcvt.s32.f32 v3;
	v3 =	vand.u32 $0x7FFC, v1  }
0x19e: {  	v25 =	vshrl.u32 v20, $0x8;
	v26 =	vshrl.u32 v20, $0xC;
	v23 =	vadd.s32 $0x8, v3  }
0x19f: {  	v27 =	vshrl.u32 v20, $0x10;
	v15 =	vshrl.u32 v20, $0x14;
	v6 =	vand.u32 $0xF, v22  }
0x1a0: {  	v33 =	vshrl.u32 v20, $0x18;
	v9 =	vand.u32 $0xF, v25;
	v6 =	vcvt.s32.f32 v6  }
0x1a1: {  	v10 =	vand.u32 $0xF, v26;
	v9 =	vcvt.s32.f32 v9;
	v5 =	vmul.f32 $6.666667010e-02, v21  }
0x1a2: {  	v11 =	vand.u32 $0xF, v27;
	v10 =	vcvt.s32.f32 v10;
	v6 =	vmul.f32 $6.666667010e-02, v6  }
0x1a3: {  	v31 =	vand.u32 $0xF, v15;
	v11 =	vcvt.s32.f32 v11;
	v9 =	vmul.f32 $6.666667010e-02, v9;
	[tilespmem:v23+s7+$0x0] =	vst.idx.msk $0xffff, v5  }
0x1a4: {  	v34 =	vand.u32 $0xF, v33;
	v10 =	vmul.f32 $6.666667010e-02, v10;
	v5 =	vcvt.s32.f32 v31;
	[tilespmem:v24+s7+$0x0] =	vst.idx.msk $0xffff, v6  }
0x1a5: {  	v4 =	vshrl.u32 v20, $0x1C;
	v11 =	vmul.f32 $6.666667010e-02, v11;
	v6 =	vcvt.s32.f32 v34;
	[tilespmem:v28+s7+$0x0] =	vst.idx.msk $0xffff, v9  }
0x1a6: {  	v37 =	vor.u32 $0x2, v2;
	v4 =	vcvt.s32.f32 v4;
	v5 =	vmul.f32 $6.666667010e-02, v5;
	[tilespmem:v29+s7+$0x0] =	vst.idx.msk $0xffff, v10  }
0x1a7: {  	v6 =	vmul.f32 $6.666667010e-02, v6;
	[tilespmem:v30+s7+$0x0] =	vst.idx.msk $0xffff, v11  }
0x1a8: {  	v4 =	vmul.f32 $6.666667010e-02, v4;
	[tilespmem:v32+s7+$0x0] =	vst.idx.msk $0xffff, v5  }
0x1a9: {  	[tilespmem:v35+s7+$0x0] =	vst.idx.msk $0xffff, v6  }
0x1aa: {  	[tilespmem:v36+s7+$0x0] =	vst.idx.msk $0xffff, v4  }
0x1ab: {  	v4 =	vld.idx.msk [tilespmem:v37+s31+$0x0], $0xffff;
	_ =	sdelay $0x1  }
0x1ac: {  	v41 =	vadd.s32 $0x11, v1  }
0x1ad: {  	v44 =	vadd.s32 $0x12, v1;
	v45 =	vadd.s32 $0x13, v1;
	v46 =	vadd.s32 $0x14, v1  }
0x1ae: {  	v49 =	vadd.s32 $0x15, v1;
	v52 =	vadd.s32 $0x16, v1;
	v53 =	vadd.s32 $0x17, v1  }
0x1af: {  	v40 =	vadd.s32 $0x10, v3;
	v38 =	vand.u32 $0xF, v4;
	v39 =	vshrl.u32 v4, $0x4  }
0x1b0: {  	v42 =	vshrl.u32 v4, $0x8;
	v10 =	vshrl.u32 v4, $0xC;
	v43 =	vshrl.u32 v4, $0x10  }
0x1b1: {  	v47 =	vshrl.u32 v4, $0x14;
	v5 =	vcvt.s32.f32 v38;
	v6 =	vand.u32 $0xF, v39  }
0x1b2: {  	v50 =	vshrl.u32 v4, $0x18;
	v9 =	vand.u32 $0xF, v42;
	v6 =	vcvt.s32.f32 v6  }
0x1b3: {  	v10 =	vand.u32 $0xF, v10;
	v9 =	vcvt.s32.f32 v9;
	v5 =	vmul.f32 $6.666667010e-02, v5  }
0x1b4: {  	v11 =	vand.u32 $0xF, v43;
	v10 =	vcvt.s32.f32 v10;
	v6 =	vmul.f32 $6.666667010e-02, v6  }
0x1b5: {  	v48 =	vand.u32 $0xF, v47;
	v11 =	vcvt.s32.f32 v11;
	v9 =	vmul.f32 $6.666667010e-02, v9;
	[tilespmem:v40+s7+$0x0] =	vst.idx.msk $0xffff, v5  }
0x1b6: {  	v51 =	vand.u32 $0xF, v50;
	v10 =	vmul.f32 $6.666667010e-02, v10;
	v5 =	vcvt.s32.f32 v48;
	[tilespmem:v41+s7+$0x0] =	vst.idx.msk $0xffff, v6  }
0x1b7: {  	v4 =	vshrl.u32 v4, $0x1C;
	v11 =	vmul.f32 $6.666667010e-02, v11;
	v6 =	vcvt.s32.f32 v51;
	[tilespmem:v44+s7+$0x0] =	vst.idx.msk $0xffff, v9  }
0x1b8: {  	v54 =	vor.u32 $0x3, v2;
	v4 =	vcvt.s32.f32 v4;
	v5 =	vmul.f32 $6.666667010e-02, v5;
	[tilespmem:v45+s7+$0x0] =	vst.idx.msk $0xffff, v10  }
0x1b9: {  	v6 =	vmul.f32 $6.666667010e-02, v6;
	[tilespmem:v46+s7+$0x0] =	vst.idx.msk $0xffff, v11  }
0x1ba: {  	v4 =	vmul.f32 $6.666667010e-02, v4;
	[tilespmem:v49+s7+$0x0] =	vst.idx.msk $0xffff, v5  }
0x1bb: {  	[tilespmem:v52+s7+$0x0] =	vst.idx.msk $0xffff, v6  }
0x1bc: {  	[tilespmem:v53+s7+$0x0] =	vst.idx.msk $0xffff, v4  }
0x1bd: {  	v4 =	vld.idx.msk [tilespmem:v54+s31+$0x0], $0xffff;
	_ =	sdelay $0x1  }
0x1be: {  	v58 =	vadd.s32 $0x19, v1  }
0x1bf: {  	v61 =	vadd.s32 $0x1A, v1;
	v62 =	vadd.s32 $0x1B, v1;
	v63 =	vadd.s32 $0x1C, v1  }
0x1c0: {  	v20 =	vadd.s32 $0x1D, v1;
	v57 =	vadd.s32 $0x18, v3;
	v23 =	vadd.s32 $0x1E, v1  }
0x1c1: {  	v24 =	vadd.s32 $0x1F, v1;
	v55 =	vand.u32 $0xF, v4;
	v56 =	vshrl.u32 v4, $0x4  }
0x1c2: {  	v59 =	vshrl.u32 v4, $0x8;
	v10 =	vshrl.u32 v4, $0xC;
	v60 =	vshrl.u32 v4, $0x10  }
0x1c3: {  	v18 =	vshrl.u32 v4, $0x14;
	v5 =	vcvt.s32.f32 v55;
	v6 =	vand.u32 $0xF, v56  }
0x1c4: {  	v21 =	vshrl.u32 v4, $0x18;
	v9 =	vand.u32 $0xF, v59;
	v6 =	vcvt.s32.f32 v6  }
0x1c5: {  	v10 =	vand.u32 $0xF, v10;
	v9 =	vcvt.s32.f32 v9;
	v5 =	vmul.f32 $6.666667010e-02, v5  }
0x1c6: {  	v11 =	vand.u32 $0xF, v60;
	v10 =	vcvt.s32.f32 v10;
	v6 =	vmul.f32 $6.666667010e-02, v6  }
0x1c7: {  	v19 =	vand.u32 $0xF, v18;
	v11 =	vcvt.s32.f32 v11;
	v9 =	vmul.f32 $6.666667010e-02, v9;
	[tilespmem:v57+s7+$0x0] =	vst.idx.msk $0xffff, v5  }
0x1c8: {  	v22 =	vand.u32 $0xF, v21;
	v10 =	vmul.f32 $6.666667010e-02, v10;
	v5 =	vcvt.s32.f32 v19;
	[tilespmem:v58+s7+$0x0] =	vst.idx.msk $0xffff, v6  }
0x1c9: {  	v4 =	vshrl.u32 v4, $0x1C;
	v11 =	vmul.f32 $6.666667010e-02, v11;
	v6 =	vcvt.s32.f32 v22;
	[tilespmem:v61+s7+$0x0] =	vst.idx.msk $0xffff, v9  }
0x1ca: {  	v25 =	vor.u32 $0x4, v2;
	v4 =	vcvt.s32.f32 v4;
	v5 =	vmul.f32 $6.666667010e-02, v5;
	[tilespmem:v62+s7+$0x0] =	vst.idx.msk $0xffff, v10  }
0x1cb: {  	v6 =	vmul.f32 $6.666667010e-02, v6;
	[tilespmem:v63+s7+$0x0] =	vst.idx.msk $0xffff, v11  }
0x1cc: {  	v4 =	vmul.f32 $6.666667010e-02, v4;
	[tilespmem:v20+s7+$0x0] =	vst.idx.msk $0xffff, v5  }
0x1cd: {  	[tilespmem:v23+s7+$0x0] =	vst.idx.msk $0xffff, v6  }
0x1ce: {  	[tilespmem:v24+s7+$0x0] =	vst.idx.msk $0xffff, v4  }
0x1cf: {  	v4 =	vld.idx.msk [tilespmem:v25+s31+$0x0], $0xffff;
	_ =	sdelay $0x1  }
0x1d0: {  	v33 =	vadd.s32 $0x23, v1  }
0x1d1: {  	v34 =	vadd.s32 $0x24, v1;
	v28 =	vadd.s32 $0x20, v3;
	v29 =	vadd.s32 $0x21, v1  }
0x1d2: {  	v32 =	vadd.s32 $0x22, v1;
	v37 =	vadd.s32 $0x25, v1;
	v40 =	vadd.s32 $0x26, v1  }
0x1d3: {  	v41 =	vadd.s32 $0x27, v1;
	v26 =	vand.u32 $0xF, v4;
	v27 =	vshrl.u32 v4, $0x4  }
0x1d4: {  	v30 =	vshrl.u32 v4, $0x8;
	v10 =	vshrl.u32 v4, $0xC;
	v31 =	vshrl.u32 v4, $0x10  }
0x1d5: {  	v35 =	vshrl.u32 v4, $0x14;
	v5 =	vcvt.s32.f32 v26;
	v6 =	vand.u32 $0xF, v27  }
0x1d6: {  	v38 =	vshrl.u32 v4, $0x18;
	v9 =	vand.u32 $0xF, v30;
	v6 =	vcvt.s32.f32 v6  }
0x1d7: {  	v10 =	vand.u32 $0xF, v10;
	v9 =	vcvt.s32.f32 v9;
	v5 =	vmul.f32 $6.666667010e-02, v5  }
0x1d8: {  	v11 =	vand.u32 $0xF, v31;
	v10 =	vcvt.s32.f32 v10;
	v6 =	vmul.f32 $6.666667010e-02, v6  }
0x1d9: {  	v36 =	vand.u32 $0xF, v35;
	v11 =	vcvt.s32.f32 v11;
	v9 =	vmul.f32 $6.666667010e-02, v9;
	[tilespmem:v28+s7+$0x0] =	vst.idx.msk $0xffff, v5  }
0x1da: {  	v39 =	vand.u32 $0xF, v38;
	v10 =	vmul.f32 $6.666667010e-02, v10;
	v5 =	vcvt.s32.f32 v36;
	[tilespmem:v29+s7+$0x0] =	vst.idx.msk $0xffff, v6  }
0x1db: {  	v4 =	vshrl.u32 v4, $0x1C;
	v11 =	vmul.f32 $6.666667010e-02, v11;
	v6 =	vcvt.s32.f32 v39;
	[tilespmem:v32+s7+$0x0] =	vst.idx.msk $0xffff, v9  }
0x1dc: {  	v42 =	vor.u32 $0x5, v2;
	v4 =	vcvt.s32.f32 v4;
	v5 =	vmul.f32 $6.666667010e-02, v5;
	[tilespmem:v33+s7+$0x0] =	vst.idx.msk $0xffff, v10  }
0x1dd: {  	v6 =	vmul.f32 $6.666667010e-02, v6;
	[tilespmem:v34+s7+$0x0] =	vst.idx.msk $0xffff, v11  }
0x1de: {  	v4 =	vmul.f32 $6.666667010e-02, v4;
	[tilespmem:v37+s7+$0x0] =	vst.idx.msk $0xffff, v5  }
0x1df: {  	[tilespmem:v40+s7+$0x0] =	vst.idx.msk $0xffff, v6  }
0x1e0: {  	[tilespmem:v41+s7+$0x0] =	vst.idx.msk $0xffff, v4  }
0x1e1: {  	v4 =	vld.idx.msk [tilespmem:v42+s31+$0x0], $0xffff;
	_ =	sdelay $0x1  }
0x1e2: {  	v50 =	vadd.s32 $0x2B, v1  }
0x1e3: {  	v51 =	vadd.s32 $0x2C, v1;
	v45 =	vadd.s32 $0x28, v3;
	v46 =	vadd.s32 $0x29, v1  }
0x1e4: {  	v49 =	vadd.s32 $0x2A, v1;
	v54 =	vadd.s32 $0x2D, v1;
	v57 =	vadd.s32 $0x2E, v1  }
0x1e5: {  	v58 =	vadd.s32 $0x2F, v1;
	v43 =	vand.u32 $0xF, v4;
	v44 =	vshrl.u32 v4, $0x4  }
0x1e6: {  	v47 =	vshrl.u32 v4, $0x8;
	v10 =	vshrl.u32 v4, $0xC;
	v48 =	vshrl.u32 v4, $0x10  }
0x1e7: {  	v52 =	vshrl.u32 v4, $0x14;
	v5 =	vcvt.s32.f32 v43;
	v6 =	vand.u32 $0xF, v44  }
0x1e8: {  	v55 =	vshrl.u32 v4, $0x18;
	v9 =	vand.u32 $0xF, v47;
	v6 =	vcvt.s32.f32 v6  }
0x1e9: {  	v10 =	vand.u32 $0xF, v10;
	v9 =	vcvt.s32.f32 v9;
	v5 =	vmul.f32 $6.666667010e-02, v5  }
0x1ea: {  	v11 =	vand.u32 $0xF, v48;
	v10 =	vcvt.s32.f32 v10;
	v6 =	vmul.f32 $6.666667010e-02, v6  }
0x1eb: {  	v53 =	vand.u32 $0xF, v52;
	v11 =	vcvt.s32.f32 v11;
	v9 =	vmul.f32 $6.666667010e-02, v9;
	[tilespmem:v45+s7+$0x0] =	vst.idx.msk $0xffff, v5  }
0x1ec: {  	v56 =	vand.u32 $0xF, v55;
	v10 =	vmul.f32 $6.666667010e-02, v10;
	v5 =	vcvt.s32.f32 v53;
	[tilespmem:v46+s7+$0x0] =	vst.idx.msk $0xffff, v6  }
0x1ed: {  	v4 =	vshrl.u32 v4, $0x1C;
	v11 =	vmul.f32 $6.666667010e-02, v11;
	v6 =	vcvt.s32.f32 v56;
	[tilespmem:v49+s7+$0x0] =	vst.idx.msk $0xffff, v9  }
0x1ee: {  	v2 =	vor.u32 $0x6, v2;
	v4 =	vcvt.s32.f32 v4;
	v5 =	vmul.f32 $6.666667010e-02, v5;
	[tilespmem:v50+s7+$0x0] =	vst.idx.msk $0xffff, v10  }
0x1ef: {  	v6 =	vmul.f32 $6.666667010e-02, v6;
	[tilespmem:v51+s7+$0x0] =	vst.idx.msk $0xffff, v11  }
0x1f0: {  	v4 =	vmul.f32 $6.666667010e-02, v4;
	[tilespmem:v54+s7+$0x0] =	vst.idx.msk $0xffff, v5  }
0x1f1: {  	[tilespmem:v57+s7+$0x0] =	vst.idx.msk $0xffff, v6  }
0x1f2: {  	[tilespmem:v58+s7+$0x0] =	vst.idx.msk $0xffff, v4  }
0x1f3: {  	v2 =	vld.idx.msk [tilespmem:v2+s31+$0x0], $0xffff;
	_ =	sdelay $0x3  }
0x1f4: {  	v3 =	vadd.s32 $0x30, v3;
	v61 =	vadd.s32 $0x31, v1;
	v63 =	vadd.s32 $0x32, v1  }
0x1f5: {  	v1 =	vadd.s32 $0x33, v1;
	v59 =	vand.u32 $0xF, v2;
	v60 =	vshrl.u32 v2, $0x4  }
0x1f6: {  	v62 =	vshrl.u32 v2, $0x8;
	v4 =	vcvt.s32.f32 v59;
	v5 =	vand.u32 $0xF, v60  }
0x1f7: {  	v2 =	vshrl.u32 v2, $0xC;
	v7 =	vand.u32 $0xF, v62;
	v5 =	vcvt.s32.f32 v5  }
0x1f8: {  	p0 =	sne.s32 s21, $0x1F0;
	v2 =	vand.u32 $0xF, v2;
	v7 =	vcvt.s32.f32 v7;
	v4 =	vmul.f32 $6.666667010e-02, v4  }
.Ltmp3:
0x1f9: {  	v2 =	vcvt.s32.f32 v2;
	v5 =	vmul.f32 $6.666667010e-02, v5;
	(pc) =	sbr.rel @p0 .LBB2_9-.Ltmp3, $4  }
0x1fa: {  	[tilespmem:v3+s7+$0x0] =	vst.idx.msk $0xffff, v4;
	v3 =	vmul.f32 $6.666667010e-02, v7  }
0x1fb: {  	v2 =	vmul.f32 $6.666667010e-02, v2;
	[tilespmem:v61+s7+$0x0] =	vst.idx.msk $0xffff, v5  }
0x1fc: {  	[tilespmem:v63+s7+$0x0] =	vst.idx.msk $0xffff, v3  }
0x1fd: {  	s22 =	sadd.s32 $0x10, s22;
	s21 =	sadd.s32 $0x10, s21;
	[tilespmem:v1+s7+$0x0] =	vst.idx.msk $0xffff, v2  }
0x1fe: {  	s9 =	sadd.s32 $0x1, s9  }
0x1ff: {  	p0 =	sne.s32 s9, $0x19  }
.Ltmp4:
0x200: {  	_ = 	snop;
	(pc) =	sbr.rel @p0 .LBB2_2-.Ltmp4, $3  }
0x201: {  	s20 =	smul.u32 $0xD00, s20;
	_ =	sdelay $0x1  }
0x202: {  	s20 =	sadd.s32 s2, s20  }
0x203: {  	[hbm4b:s20+s3] =	stream.linear.scatter [tilespmem:s7], [sflag:$0x3], $0x6800, $0x38;
	[tilespmem:$0x19800] =	vst v63  }
0x204: {  	_ =	swait.ge [sflag:s30], $0x1000  }
0x205: {  	[sflag:s30] =	ssyncset.done $0x0  }
0x206: {  	[sflag:s30] =	ssyncadd.s32 $0xFFFFF000  }
0x207: {  	_ =	swait.ge [sflag:s30], $0x1000  }
0x208: {  	[sflag:s30] =	ssyncset.done $0x0  }
0x209: {  	[sflag:s30] =	ssyncadd.s32 $0xFFFFF000  }
0x20a: {  	_ =	swait.ge [sflag:s30], $0x1000  }
0x20b: {  	[sflag:s30] =	ssyncset.done $0x0  }
0x20c: {  	[sflag:s30] =	ssyncadd.s32 $0xFFFFF000  }
0x20d: {  	_ =	swait.ge [sflag:s30], $0x1000  }
0x20e: {  	[sflag:s30] =	ssyncset.done $0x0  }
0x20f: {  	s20 =	simm.s32 $0x3;
	[sflag:s30] =	ssyncadd.s32 $0xFFFFF000  }
0x210: {  	_ =	swait.ge [sflag:s20], $0x6800  }
0x211: {  	[sflag:s20] =	ssyncset.done $0x0  }
0x212: {  	[sflag:s20] =	ssyncadd.s32 $0xFFFF9800  }
0x213: {  	_ =	swait.ge [sflag:s20], $0x6800  }
0x214: {  	s21 =	rddreg [dreg:$0x5]  }
0x215: {  	s9 =	rddreg [dreg:$0x4];
	s21 =	sadd.s32 $0x1, s21  }
0x216: {  	p0 =	sne.s32 s21, s9  }
.Ltmp5:
0x217: {  	_ = 	snop;
	(pc) =	sbr.rel @p0 .LBB2_1-.Ltmp5, $3  }
0x218: {  	_ =	sdelay $0x1  }
0x219: {  	[sflag:s20] =	ssyncset.done $0x0  }
0x21a: {  	[sflag:s20] =	ssyncadd.s32 $0xFFFF9800  }
0x21b: {  	_ =	sfence.sel $0x180000  }
0x21c: {  	[bflag:$0x0] =	sbarrier.arrive $0xFFFF  }
0x21d: {  	_ =	strace $0x90000047  }
0x21e: {  	s0 =	stileid.u32;
	[bflag:$0x2] =	sbarrier.arrive $0xFFFF  }
0x21f: {  	p0 =	sne.s32 s0, $0x0;
	s0 =	rddreg [dreg:$0x2]  }
0x220: {  	s0 =	sadd.s32 @!p0 $0x100000, s0  }
0x221: {  	[sflag:s0] =	ssyncadd.tile.s32 @!p0 $0x1;
	_ =	shalt  }
.Lfunc_end2:
_tile_overlayer_lowered:
.L_overlay_start_2:
0x222: {  	(tag) =	ssettag $0x2  }
0x223: {  	s0 =	rddreg [dreg:$0x0];
	s2 =	stileid.u32  }
0x224: {  	s1 =	rddreg [dreg:$0x1];
	p0 =	sne.s32 s2, $0x0  }
0x225: {  	s3 =	rddreg [dreg:$0x2];
	[bflag:$0x3] =	sbarrier.arrive $0xFFFF;
	s2 =	simm.s32 @!p0 $0x1C04  }
0x226: {  	[timem:s3], [sflag:s2] =	dma.local @!p0 [hbm:s0], s1  }
0x227: {  	s0 =	simm.s32 @!p0 $0x4  }
0x228: {  	_ =	swait.ge @!p0 [sflag:s0], s1  }
0x229: {  	s1 =	ssub.s32 @!p0 $0x0, s1;
	[sflag:s0] =	ssyncset.done @!p0 $0x0  }
0x22a: {  	[sflag:s0] =	ssyncadd.s32 @!p0 s1  }
0x22b: {  	[bflag:$0x3] =	sbarrier.arrive $0xFFFF  }
0x22c: {  	_ =	shalt  }

// kernel: sparse-core-data-format-call.cloned.1.call-start
scs
called_computation_lowered:
.L_overlay_start_0:
0x0: {  	s2 =	sld [smem:$0x3FD9]  }
0x1: {  	s3 =	sld [smem:$0x3FFE];
	_ =	sdelay $0x1  }
0x2: {  	s1 =	srdreg.scid  }
0x3: {  	s0 =	sand.u32 $0x1, s1  }
0x4: {  	s18 =	sshll.u32 s0, $0xA;
	s2 =	sadd.s32 s3, s2  }
0x5: {  	s2 =	sadd.s32 s2, s18  }
0x6: {  	[smem:$0x3FC6] =	sst s2  }
0x7: {  	_ = 	snop  }
0x8: {  	s2 =	sld [smem:$0x3FD0];
	(tm) =	ssettm $0x1  }
0x9: {  	s19 =	sld [smem:$0x3FFB];
	_ =	sdelay $0x3  }
0xa: {  	_ =	strace s19  }
0xb: {  	s3 =	sld [smem:$0x3FFC];
	_ =	sdelay $0x3  }
0xc: {  	_ =	strace s3  }
0xd: {  	s3 =	sld [smem:$0x3FFD];
	_ =	sdelay $0x3  }
0xe: {  	_ =	strace s3  }
0xf: {  	_ =	strace $0x8FFFFFFF  }
0x10: {  	s20 =	sld [smem:$0x3FDB];
	_ =	sdelay $0x1  }
0x11: {  	s4 =	simm.s32 $_scs_section_size  }
0x12: {  	s5 =	simm.s32 $_size__tile_overlayer_lowered;
	s6 =	simm.s32 $_tile_overlayer_lowered  }
0x13: {  	s23 =	simm.s32 $0x1BFF;
	s22 =	sshll.u32 s6, $0x1;
	s3 =	sadd.s32 s4, s20  }
0x14: {  	s7 =	simm.s32 $0x0;
	s21 =	sshll.u32 s5, $0x1;
	s5 =	sadd.s32 s22, s3  }
0x15: {  	[timem:s7], [sflag:s23] =	dma.local [hbm:s5], s21  }
0x16: {  	_ =	swait.ge [sflag:s23], s21  }
0x17: {  	s4 =	ssub.s32 $0x0, s21;
	[sflag:s23] =	ssyncset.done $0x0  }
0x18: {  	[sflag:s23] =	ssyncadd.s32 s4;
	_ =	sdelay $0x1  }
0x19: {  	s24 =	simm.s32 $0x1B8B  }
0x1a: {  	_ =	swait.ge [sflag:s24], $0x1  }
0x1b: {  	[sflag:s24] =	ssyncset.done $0x0  }
0x1c: {  	s26 =	simm.s32 $0x1B8E;
	s25 =	sld [smem:$0x3FFE];
	[sflag:s24] =	ssyncadd.s32 $0xFFFFFFFF  }
0x1d: {  	s27 =	simm.s32 $execute0_lowered;
	[smem:$0x3FD2] =	sst s26  }
0x1e: {  	s5 =	sshll.u32 s27, $0x1;
	_ =	strace $0x80000049;
	[dreg:$0x1] =	wrdreg $0xFFFFFFFF  }
0x1f: {  	s28 =	simm.s32 $_size_execute0_lowered;
	s3 =	sadd.s32 s3, s5;
	[dreg:$0x0] =	wrdreg $0x0  }
0x20: {  	s5 =	sshll.u32 s28, $0x1;
	[dreg:$0x2] =	wrdreg s3  }
0x21: {  	[dreg:$0x3] =	wrdreg s5  }
0x22: {  	[dreg:$0x4] =	wrdreg $0xC0  }
0x23: {  	_ =	task [dreg:s7], $0x5FFFF  }
0x24: {  	[dreg:$0x1] =	wrdreg $0xFFFFFFFF  }
0x25: {  	[dreg:$0x0] =	wrdreg $0x60  }
0x26: {  	[dreg:$0x2] =	wrdreg s25  }
0x27: {  	[dreg:$0x3] =	wrdreg s2  }
0x28: {  	[dreg:$0x4] =	wrdreg $0x9  }
0x29: {  	_ =	task.clear_ibuf [dreg:s7], $0x5FFFF;
	_ =	strace $0x90000049  }
0x2a: {  	s29 =	simm.s32 $0x9;
	_ =	strace $0x8000004B  }
0x2b: {  	_ =	swait.ge [sflag:s29], $0x1  }
0x2c: {  	[sflag:s29] =	ssyncadd.s32 $0xFFFFFFFF  }
0x2d: {  	_ =	strace $0x9000004B  }
0x2e: {  	_ =	sfence  }
0x2f: {  	s30 =	sld [smem:$0x0];
	_ =	sdelay $0x2  }
0x30: {  	s31 =	sshll.u32 s1, $0xD;
	s1 =	sshrl.u32 s1, $0x2  }
0x31: {  	s3 =	sand.u32 $0x4000, s31;
	s1 =	sadd.s32 s1, s30  }
0x32: {  	s0 =	sor.u32 s3, s0;
	s1 =	sshll.u32 s1, $0x11  }
0x33: {  	s0 =	sor.u32 s1, s0  }
0x34: {  	s0 =	sadd.s32 $0x8F2B, s0  }
0x35: {  	[sflag:s0] =	ssyncadd.remote.s32 $0x1  }
0x36: {  	_ =	sfence.sel $0xFFFF  }
0x37: {  	[dreg:$0x0] =	wrdreg $0xFFFFFFFF;
	(pc) =	sbr.abs _section_cstart, $3  }
0x38: {  	[dreg:$0x1] =	wrdreg $0xFFFFFFFF  }
0x39: {  	_ =	task.clear_ibuf [dreg:s7], $0x2FFFF;
	_ =	strace $0x9FFFFFFF  }
0x3a: {  	(tm) =	ssettm $0x7FFFFFFF  }
0x3b: {  	_ =	shalt  }
tec
execute0_lowered:
.L_overlay_start_1:
0x0: {  	(tag) =	ssettag $0x1  }
0x1: {  	s0 =	srdreg.scid  }
0x2: {  	s1 =	sshll.u32 s0, $0x4  }
0x3: {  	s6 =	rddreg [dreg:$0x0];
	s0 =	stileid.u32;
	s1 =	sand.u32 $0x10, s1  }
0x4: {  	s3 =	rddreg [dreg:$0x1];
	s1 =	sor.u32 s0, s1  }
0x5: {  	s5 =	simm.s32 $0x1;
	s31 =	simm.s32 $0x2;
	s2 =	sshll.u32 s1, $0x7  }
0x6: {  	s15 =	simm.s32 $0x0;
	s8 =	simm.s32 $0xC8000;
	s4 =	ssub.s32 $0x1000, s2  }
0x7: {  	s14 =	simm.s32 $0x0;
	s9 =	simm.s32 $0x0;
	s30 =	sand.u32 $0xF80, s4  }
0x8: {  	s10 =	simm.s32 $0x0;
	s11 =	simm.s32 $0x0;
	p0 =	sne.s32 s30, $0x0  }
.Ltmp0:
0x9: {  	s7 =	sshrl.u32 s4, $0xC;
	s5 =	simm.s32 @!p0 $0x0;
	(pc) =	sbr.rel .LBB1_1-.Ltmp0, $4  }
0xa: {  	s13 =	simm.s32 $0x0;
	s1 =	rddreg [dreg:$0x2];
	s5 =	sadd.s32 s5, s7  }
0xb: {  	_ =	strace $0x8000004A;
	s4 =	simm.s32 $0x1;
	s5 =	smul.u32 $0xC8, s5  }
0xc: {  	s6 =	sadd.s32 $0x800, s6;
	s12 =	smov.u32 s2;
	[sflag:s4] =	ssyncpa.u1 $0x0  }
0xd: {  	[sflag:s31] =	ssyncpa.u1 $0x0;
	p0 =	por $0x0, $0x0;
	s7 =	sor.u32 $0x1, s5  }
.LBB1_4:
0xe: {  	s18 =	sshll.u32 s9, $0xC;
	s19 =	sand.u32 $0x78, s10;
	s20 =	sshll.u32 s10, $0x3  }
0xf: {  	s22 =	sshll.u32 s9, $0x7;
	p1 =	sgt.s32 s9, $0xC7;
	s25 =	sshra.s32 s9, $0x1F  }
0x10: {  	s23 =	smov.u32 s10;
	s24 =	sshra.s32 s10, $0x1F;
	s29 =	sand.u32 $0x7, s10  }
0x11: {  	s18 =	sand.u32 $0xFFFF8000, s18;
	s21 =	sand.u32 $0xFFFFFC00, s20;
	s20 =	sand.u32 $0xC00, s20  }
0x12: {  	s30 =	sand.u32 $0x380, s22;
	s22 =	sand.u32 s25, s9;
	s18 =	sadd.s32 s21, s18  }
0x13: {  	s19 =	sor.u32 s19, s20;
	s20 =	smov.u32 s9;
	s18 =	sshrl.u32 s18, $0xC  }
0x14: {  	s20 =	simm.s32 @!p1 $0xC7;
	p1 =	sgt.s32 s10, $0xF80;
	s31 =	smulhi.u32 $0x147AE15, s18  }
0x15: {  	s26 =	sand.u32 s24, s10;
	s20 =	ssub.s32 s20, s22;
	s23 =	simm.s32 @!p1 $0xF80  }
0x16: {  	s27 =	ssub.s32 $0xC8, s20;
	s22 =	ssub.s32 s23, s26;
	s21 =	smul.u32 $0xC8, s31  }
0x17: {  	s20 =	sadd.s32 $0xFFFFFF39, s20;
	s23 =	smul.u32 $0x34, s27;
	s28 =	sadd.s32 $0xFFFFF080, s22  }
0x18: {  	p1 =	sgt.s32 s20, $0x0;
	s20 =	ssub.s32 $0x1000, s22;
	p2 =	sgt.s32 s28, $0x7F  }
0x19: {  	s19 =	sor.u32 s30, s19;
	s23 =	simm.s32 @p1 $0x0;
	s20 =	simm.s32 @p2 $0x0  }
0x1a: {  	[tilespmem:s17+$0x810 ss:$0x81] =	vst.msk $0xffff, v2;
	s19 =	sshrl.u32 s19, $0x3;
	s18 =	ssub.s32 s18, s21;
	s20 =	smul.u32 s20, s23  }
0x1b: {  	[tilespmem:s17+$0x1020 ss:$0x81] =	vst.msk $0xffff, v0;
	s19 =	sadd.s32 s3, s19;
	s21 =	sshll.u32 s29, $0x12;
	s18 =	sshll.u32 s18, $0x9  }
0x1c: {  	[tilespmem:s17+$0x0 ss:$0x81] =	vst.msk $0xffff, v1;
	s31 =	sor.u32 $0x80, s21;
	s18 =	sadd.s32 s18, s19;
	s30 =	sand.u32 $0x3FFFFFFC, s20  }
0x1d: {  	[hbm4b:s18+s31] =	stream.strided.scatter [tilespmem:s16], [sflag:$0x2], s30, s8, s31, $0x20;
	[tilespmem:$0x8080] =	vst v63  }
.LBB1_5:
0x1e: {  	p1 =	slt.u32 s13, $0x2  }
0x1f: {  	s17 =	smov.u32 s15;
	p2 =	sgt.s32 @!p1 s15, $0xC7;
	s16 =	sshra.s32 @!p1 s15, $0x1F  }
0x20: {  	p3 =	sgt.s32 @!p1 s14, $0xF80;
	s18 =	sshra.s32 @!p1 s14, $0x1F;
	p2 =	por !p2, p1  }
0x21: {  	s15 =	sand.u32 @!p1 s16, s15;
	p3 =	por !p3, p1;
	s16 =	smov.u32 s14  }
0x22: {  	s14 =	sand.u32 @!p1 s18, s14;
	s17 =	simm.s32 @p2 $0xC7;
	s16 =	simm.s32 @p3 $0xF80  }
0x23: {  	s18 =	smov.u32 s12;
	s15 =	ssub.s32 @!p1 s17, s15;
	s14 =	ssub.s32 @!p1 s16, s14  }
0x24: {  	s16 =	sadd.s32 @!p1 $0xFFFFFF39, s15;
	s15 =	ssub.s32 @!p1 $0xC8, s15;
	s17 =	sadd.s32 @!p1 $0xFFFFF080, s14  }
0x25: {  	p2 =	sgt.s32 @!p1 s16, $0x0;
	s15 =	smul.u32 @!p1 $0x34, s15;
	p3 =	sgt.s32 @!p1 s17, $0x7F  }
0x26: {  	s14 =	ssub.s32 @!p1 $0x1000, s14;
	p2 =	por !p2, p1;
	p3 =	por !p3, p1  }
0x27: {  	s16 =	sadd.s32 $0x1, s11;
	s15 =	simm.s32 @!p2 $0x0;
	s14 =	simm.s32 @!p3 $0x0  }
0x28: {  	p2 =	sgt.s32 s16, $0xC7;
	s14 =	smul.u32 @!p1 s14, s15;
	s15 =	sadd.s32 $0x1000, s12  }
0x29: {  	s18 =	smov.u32 @p2 s15  }
0x2a: {  	s16 =	simm.s32 @p2 $0x0;
	p2 =	sgt.s32 s18, $0xFFF  }
0x2b: {  	s18 =	smov.u32 @p2 s2;
	p2 =	sne.s32 s13, s7  }
.Ltmp1:
0x2c: {  	p0 =	por !p0, !p0;
	s17 =	simm.s32 @!p1 $0x2;
	(pc) =	sbr.rel @!p2 .LBB1_6-.Ltmp1, $4  }
0x2d: {  	s15 =	smov.u32 s9;
	s9 =	smov.u32 s11;
	s14 =	sand.u32 @!p1 $0x3FFFFFFC, s14  }
0x2e: {  	s11 =	smov.u32 s16;
	_ =	swait.ge @!p1 [sflag:s17], s14;
	s19 =	ssub.s32 @!p1 $0x0, s14  }
0x2f: {  	s14 =	smov.u32 s10;
	s13 =	sadd.s32 $0x1, s13;
	[sflag:s17] =	ssyncset.done @!p1 $0x0  }
0x30: {  	s10 =	smov.u32 s12;
	s12 =	smov.u32 s18;
	[sflag:s17] =	ssyncadd.s32 @!p1 s19  }
.LBB1_1:
0x31: {  	p1 =	sge.u32 s13, s5  }
0x32: {  	s16 =	sand.u32 @!p1 $0x1FFFFFF, s11  }
0x33: {  	s17 =	smulhi.u32 @!p1 $0x147AE15, s16;
	_ =	sdelay $0x1  }
0x34: {  	s17 =	smul.u32 @!p1 $0xC8, s17  }
0x35: {  	s18 =	sxor.u32 @!p1 $0xFFFFFFFF, s13;
	s19 =	smul.u32 @!p1 $0xC80, s12  }
0x36: {  	s31 =	sadd.s32 $0xFFFFFFFF, s13;
	s18 =	sshll.u32 @!p1 s18, $0xD;
	s16 =	ssub.s32 @!p1 s16, s17  }
0x37: {  	s17 =	sand.u32 @!p1 $0x2000, s18;
	s18 =	sadd.s32 @!p1 s6, s19;
	s16 =	sshll.u32 @!p1 s16, $0x4  }
0x38: {  	s19 =	simm.s32 @!p1 $0x6400;
	s16 =	sadd.s32 @!p1 s16, s18;
	s18 =	simm.s32 @!p1 $0x40  }
0x39: {  	[tilespmem:s17], [sflag:$0x1] =	stream.strided.gather @!p1 [hbm4b:s16+s18], $0x2000, s19, s18, $0x38;
	[tilespmem:$0x8080] =	vst v63  }
0x3a: {  	p1 =	sge.u32 s31, s5  }
.Ltmp2:
0x3b: {  	_ = 	snop;
	(pc) =	sbr.rel @p1 .LBB1_5-.Ltmp2, $1  }
0x3c: {  	_ =	sdelay $0x3  }
0x3d: {  	s16 =	simm.s32 $0x1  }
0x3e: {  	_ =	swait.ge [sflag:s4], $0x2000;
	s16 =	simm.s32 @!p0 $0x0  }
0x3f: {  	[sflag:s4] =	ssyncset.done $0x0;
	s17 =	sshll.u32 s16, $0xD  }
0x40: {  	[sflag:s4] =	ssyncadd.s32 $0xFFFFE000;
	s20 =	sor.u32 $0x20, s17  }
0x41: {  	s16 =	smul.u32 $0x8100, s16;
	v3 =	vld [tilespmem:s20+$0x10]  }
0x42: {  	s30 =	sand.u32 $0x1, s13;
	v2 =	vld [tilespmem:s20+$0xFFFFFFF0]  }
0x43: {  	s17 =	smul.u32 $0x8100, s30;
	s16 =	sshrl.u32 s16, $0x2;
	v0 =	vld [tilespmem:s20+$0x0]  }
0x44: {  	v1 =	vld [tilespmem:s20+$0xFFFFFFE0];
	s18 =	sor.u32 $0x4000, s16  }
0x45: {  	s31 =	sshrl.u32 s17, $0x2;
	s17 =	sadd.s32 $0x0, s18  }
0x46: {  	s19 =	simm.s32 $0x4;
	s20 =	sadd.s32 $0x40, s20;
	s16 =	sor.u32 $0x4000, s31;
	[tilespmem:s17+$0x1830 ss:$0x81] =	vst.msk $0xffff, v3  }
.LBB1_3:
0x47: {  	v3 =	vld [tilespmem:s20+$0x10];
	p1 =	sne.s32 s19, $0x1FC;
	[tilespmem:s17+$0x810 ss:$0x81] =	vst.msk $0xffff, v2;
	s21 =	smov.u32 s19;
	s19 =	sadd.s32 $0x4, s19  }
.Ltmp3:
0x48: {  	v2 =	vld [tilespmem:s20+$0xFFFFFFF0];
	[tilespmem:s17+$0x1020 ss:$0x81] =	vst.msk $0xffff, v0;
	(pc) =	sbr.rel @p1 .LBB1_3-.Ltmp3, $4  }
0x49: {  	v0 =	vld [tilespmem:s20+$0x0];
	[tilespmem:s17+$0x0 ss:$0x81] =	vst.msk $0xffff, v1  }
0x4a: {  	s17 =	sshra.s32 s21, $0x2;
	v1 =	vld [tilespmem:s20+$0xFFFFFFE0]  }
0x4b: {  	s17 =	sadd.s32 s17, s18  }
0x4c: {  	s20 =	sadd.s32 $0x40, s20;
	[tilespmem:s17+$0x1830 ss:$0x81] =	vst.msk $0xffff, v3  }
.Ltmp4:
0x4d: {  	_ = 	snop;
	(pc) =	sbr.rel .LBB1_4-.Ltmp4, $1  }
0x4e: {  	_ =	sdelay $0x3  }
.LBB1_6:
0x4f: {  	_ =	sfence.sel $0x180000  }
0x50: {  	s2 =	simm.s32 $0x1;
	[bflag:$0x0] =	sbarrier.arrive $0xFFFF  }
0x51: {  	s31 =	simm.s32 $0x2;
	[sflag:s2] =	ssyncpa.u1 $0x1  }
0x52: {  	[sflag:s31] =	ssyncpa.u1 $0x1  }
0x53: {  	p0 =	sne.s32 s0, $0x0;
	_ =	strace $0x9000004A  }
0x54: {  	s0 =	sadd.s32 @!p0 $0x100000, s1;
	[bflag:$0x2] =	sbarrier.arrive $0xFFFF  }
0x55: {  	[sflag:s0] =	ssyncadd.tile.s32 @!p0 $0x1;
	_ =	shalt  }
.Lfunc_end1:
_tile_overlayer_lowered:
.L_overlay_start_2:
0x56: {  	(tag) =	ssettag $0x2  }
0x57: {  	s0 =	rddreg [dreg:$0x0];
	s2 =	stileid.u32  }
0x58: {  	s1 =	rddreg [dreg:$0x1];
	p0 =	sne.s32 s2, $0x0  }
0x59: {  	s3 =	rddreg [dreg:$0x2];
	[bflag:$0x3] =	sbarrier.arrive $0xFFFF;
	s2 =	simm.s32 @!p0 $0x1C01  }
0x5a: {  	[timem:s3], [sflag:s2] =	dma.local @!p0 [hbm:s0], s1  }
0x5b: {  	s0 =	simm.s32 @!p0 $0x1  }
0x5c: {  	_ =	swait.ge @!p0 [sflag:s0], s1  }
0x5d: {  	s1 =	ssub.s32 @!p0 $0x0, s1;
	[sflag:s0] =	ssyncset.done @!p0 $0x0  }
0x5e: {  	[sflag:s0] =	ssyncadd.s32 @!p0 s1  }
0x5f: {  	[bflag:$0x3] =	sbarrier.arrive $0xFFFF  }
0x60: {  	_ =	shalt  }

</sc_bundles>
